<compile_context>
chip_gen: v7x
topology: tpu7x:2x2x1
jax: 0.10.2.dev20260603
libtpu: 0.0.44.dev20260713+nightly
codegen_flags: <defaults>
</compile_context>

<pallas_src>
import functools

import jax
import jax.numpy as jnp
from jax import lax
from jax.experimental import pallas as pl
from jax.experimental.pallas import tpu as pltpu
from jax.experimental.pallas import tpu_sc as plsc

N = 100000
E = 1600000
LANES = 128

NC = 2
NS = 16
NW = NC * NS

CHUNK = 128
KCH = 8
OUTER = 49
PER_TILE = OUTER * KCH
EC_P = PER_TILE * NW
EP = EC_P * CHUNK
GANG = KCH * CHUNK

BE = 8192
BN_BLK = 5000
INIT_ROWS = 6256
INIT_ROWS_LAST = N - 15 * INIT_ROWS


def _bn_body(x_ref, g_ref, b_ref, o_ref):
    xv = x_ref[...]
    n = jnp.float32(N)
    sums = jnp.sum(xv, axis=0, keepdims=True)
    sumsq = jnp.sum(xv * xv, axis=0, keepdims=True)
    r = lax.broadcasted_iota(jnp.int32, (LANES, 4), 0)
    c = lax.broadcasted_iota(jnp.int32, (LANES, 4), 1)
    fold = (r % 4 == c).astype(jnp.float32)
    s4 = jnp.dot(sums, fold, preferred_element_type=jnp.float32)
    q4 = jnp.dot(sumsq, fold, preferred_element_type=jnp.float32)
    mean = s4 / n
    var = q4 / n - mean * mean
    scale = g_ref[...] / jnp.sqrt(var + 1e-5)
    shift = b_ref[...] - mean * scale
    r2 = lax.broadcasted_iota(jnp.int32, (4, LANES), 0)
    c2 = lax.broadcasted_iota(jnp.int32, (4, LANES), 1)
    unfold = (c2 % 4 == r2).astype(jnp.float32)
    s128 = jnp.dot(scale, unfold, preferred_element_type=jnp.float32)
    h128 = jnp.dot(shift, unfold, preferred_element_type=jnp.float32)
    o_ref[...] = xv * s128 + h128


def _bn(x_packed, gamma, beta):
    return pl.pallas_call(
        _bn_body,
        out_shape=jax.ShapeDtypeStruct(x_packed.shape, jnp.float32),
    )(x_packed, gamma, beta)


def _sc_gather_body(table, dst2, src2, hd_out, hs_out,
                    idxd_v, idxs_v, rowd_v, rows_v, sem):
    cid = lax.axis_index("c")
    sid = lax.axis_index("s")
    wid = cid * NS + sid
    start_chunk = wid * PER_TILE

    def gang(chunk0, idx2, idx_v, row_v, out):
        pltpu.sync_copy(idx2.at[pl.ds(chunk0, KCH)], idx_v)
        descs = []
        for j in range(KCH):
            descs.append(
                pltpu.async_copy(table.at[idx_v.at[j]],
                                 row_v.at[pl.ds(j * CHUNK, CHUNK)], sem))
        for d in descs:
            d.wait()
        pltpu.sync_copy(row_v, out.at[pl.ds(chunk0 * CHUNK, GANG)])

    def body(i, carry):
        chunk0 = start_chunk + i * KCH
        gang(chunk0, dst2, idxd_v, rowd_v, hd_out)
        gang(chunk0, src2, idxs_v, rows_v, hs_out)
        return carry

    lax.fori_loop(0, OUTER, body, 0)


def _sc_gather(table, dst2, src2):
    mesh = plsc.VectorSubcoreMesh(core_axis_name="c", subcore_axis_name="s")
    f = pl.kernel(
        _sc_gather_body,
        out_type=(jax.ShapeDtypeStruct((EP, 4), jnp.float32),
                  jax.ShapeDtypeStruct((EP, 4), jnp.float32)),
        mesh=mesh,
        scratch_types=[
            pltpu.VMEM((KCH, CHUNK), jnp.int32),
            pltpu.VMEM((KCH, CHUNK), jnp.int32),
            pltpu.VMEM((GANG, 4), jnp.float32),
            pltpu.VMEM((GANG, 4), jnp.float32),
            pltpu.SemaphoreType.DMA,
        ],
        compiler_params=pltpu.CompilerParams(use_tc_tiling_on_sc=False),
    )
    return f(table, dst2, src2)


def _sc_scatter_body(vals, dst2, zeros_hbm, out, *rest):
    idx_bufs = rest[:KCH]
    val_bufs = rest[KCH:2 * KCH]
    acc, sem, sem2 = rest[2 * KCH:]
    cid = lax.axis_index("c")
    sid = lax.axis_index("s")
    wid = cid * NS + sid
    start_chunk = wid * PER_TILE

    r0 = sid * INIT_ROWS

    @pl.when(sid < NS - 1)
    def _():
        pltpu.sync_copy(zeros_hbm.at[pl.ds(r0, INIT_ROWS)],
                        acc.at[pl.ds(r0, INIT_ROWS)])

    @pl.when(sid == NS - 1)
    def _():
        pltpu.sync_copy(zeros_hbm.at[pl.ds(r0, INIT_ROWS_LAST)],
                        acc.at[pl.ds(r0, INIT_ROWS_LAST)])

    plsc.subcore_barrier()

    def gang(chunk0):
        loads = []
        for j in range(KCH):
            loads.append(pltpu.async_copy(dst2.at[chunk0 + j],
                                          idx_bufs[j], sem2))
            loads.append(pltpu.async_copy(
                vals.at[pl.ds((chunk0 + j) * CHUNK, CHUNK)],
                val_bufs[j], sem2))
        for d in loads:
            d.wait()
        adds = []
        for j in range(KCH):
            adds.append(pltpu.async_copy(val_bufs[j], acc.at[idx_bufs[j]],
                                         sem, add=True))
        for d in adds:
            d.wait()

    def body(i, carry):
        gang(start_chunk + i * KCH)
        return carry

    lax.fori_loop(0, OUTER, body, 0)

    plsc.subcore_barrier()

    @pl.when(sid < NS - 1)
    def _():
        pltpu.sync_copy(acc.at[pl.ds(r0, INIT_ROWS)],
                        out.at[cid, pl.ds(r0, INIT_ROWS)])

    @pl.when(sid == NS - 1)
    def _():
        pltpu.sync_copy(acc.at[pl.ds(r0, INIT_ROWS_LAST)],
                        out.at[cid, pl.ds(r0, INIT_ROWS_LAST)])


def _sc_scatter(vals, dst2, zeros_hbm):
    mesh = plsc.VectorSubcoreMesh(core_axis_name="c", subcore_axis_name="s")
    f = pl.kernel(
        _sc_scatter_body,
        out_type=jax.ShapeDtypeStruct((NC, N, 4), jnp.float32),
        mesh=mesh,
        scratch_types=(
            [pltpu.VMEM((CHUNK,), jnp.int32) for _ in range(KCH)]
            + [pltpu.VMEM((CHUNK, 4), jnp.float32) for _ in range(KCH)]
            + [pltpu.VMEM_SHARED((N, 4), jnp.float32),
               pltpu.SemaphoreType.DMA,
               pltpu.SemaphoreType.DMA]
        ),
        compiler_params=pltpu.CompilerParams(use_tc_tiling_on_sc=False),
    )
    return f(vals, dst2, zeros_hbm)


def _mlp_body(hd_ref, hs_ref, wa_ref, wb_ref, b1_ref, w2_ref, b2_ref,
              w3_ref, b3_ref, o_ref, *, relu3):
    hi = hd_ref[...]
    hj = hs_ref[...]
    z = (jnp.dot(hi, wa_ref[...], preferred_element_type=jnp.float32)
         + jnp.dot(hj, wb_ref[...], preferred_element_type=jnp.float32)
         + b1_ref[...])
    z = jnp.maximum(z, 0.0)
    z = jnp.dot(z, w2_ref[...], preferred_element_type=jnp.float32) + b2_ref[...]
    z = jnp.maximum(z, 0.0)
    z = jnp.dot(z, w3_ref[...], preferred_element_type=jnp.float32) + b3_ref[...]
    if relu3:
        z = jnp.maximum(z, 0.0)
    row = pl.program_id(0) * BE + lax.broadcasted_iota(jnp.int32, (BE, 4), 0)
    o_ref[...] = jnp.where(row < E, z, 0.0)


def _mlp(hd, hs, wa, wb, b1, w2, b2, w3, b3, relu3):
    grid = (EP // BE,)
    edge_spec = pl.BlockSpec((BE, 4), lambda i: (i, 0))

    def wspec(shape):
        return pl.BlockSpec(shape, lambda i: (0, 0))

    return pl.pallas_call(
        functools.partial(_mlp_body, relu3=relu3),
        grid=grid,
        in_specs=[edge_spec, edge_spec,
                  wspec((4, 32)), wspec((4, 32)), wspec((1, 32)),
                  wspec((32, 32)), wspec((1, 32)),
                  wspec((32, 4)), wspec((1, 4))],
        out_specs=edge_spec,
        out_shape=jax.ShapeDtypeStruct((EP, 4), jnp.float32),
    )(hd, hs, wa, wb, b1, w2, b2, w3, b3)


def _fin1_body(p_ref, h_ref, inv_ref):
    s = p_ref[0] + p_ref[1]
    lane = lax.broadcasted_iota(jnp.int32, (BN_BLK, 4), 1)
    cnt = jnp.sum(jnp.where(lane == 2, s, 0.0), axis=1, keepdims=True)
    inv = 1.0 / jnp.maximum(cnt, 1.0)
    h_ref[...] = jnp.where(lane < 2, s * inv, 0.0)
    inv_ref[...] = jnp.broadcast_to(inv, (BN_BLK, 4))


def _fin1(parts):
    grid = (N // BN_BLK,)
    return pl.pallas_call(
        _fin1_body,
        grid=grid,
        in_specs=[pl.BlockSpec((NC, BN_BLK, 4), lambda i: (0, i, 0))],
        out_specs=[pl.BlockSpec((BN_BLK, 4), lambda i: (i, 0))] * 2,
        out_shape=[jax.ShapeDtypeStruct((N, 4), jnp.float32)] * 2,
    )(parts)


def _fin2_body(p_ref, inv_ref, o_ref):
    o_ref[...] = (p_ref[0] + p_ref[1]) * inv_ref[...]


def _fin2(parts, inv4):
    grid = (N // BN_BLK,)
    return pl.pallas_call(
        _fin2_body,
        grid=grid,
        in_specs=[pl.BlockSpec((NC, BN_BLK, 4), lambda i: (0, i, 0)),
                  pl.BlockSpec((BN_BLK, 4), lambda i: (i, 0))],
        out_specs=pl.BlockSpec((BN_BLK, 4), lambda i: (i, 0)),
        out_shape=jax.ShapeDtypeStruct((N, 4), jnp.float32),
    )(parts, inv4)


def kernel(x, edge_index, bn_gamma, bn_beta,
           enc_W1, enc_b1, enc_W2, enc_b2, enc_W3, enc_b3,
           dec_W1, dec_b1, dec_W2, dec_b2, dec_W3, dec_b3):
    f32 = jnp.float32
    pad = jnp.zeros((EP - E,), jnp.int32)
    src2 = jnp.concatenate([edge_index[0], pad]).reshape(EC_P, CHUNK)
    dst2 = jnp.concatenate([edge_index[1], pad]).reshape(EC_P, CHUNK)
    x_packed = x.reshape(N * 4 // LANES, LANES)
    zeros_n4 = jnp.zeros((N, 4), f32)

    e_wa = enc_W1[:4] - enc_W1[4:]
    e_wb = enc_W1[4:]
    e_b1 = enc_b1.reshape(1, 32)
    e_b2 = enc_b2.reshape(1, 32)
    e_w3 = jnp.concatenate([enc_W3, jnp.zeros((32, 2), f32)], axis=1)
    e_b3 = jnp.concatenate([enc_b3, jnp.array([1.0, 0.0], f32)]).reshape(1, 4)

    d_wa = jnp.concatenate([dec_W1[:2] - dec_W1[2:], jnp.zeros((2, 32), f32)])
    d_wb = jnp.concatenate([dec_W1[2:], jnp.zeros((2, 32), f32)])
    d_b1 = dec_b1.reshape(1, 32)
    d_b2 = dec_b2.reshape(1, 32)
    d_b3 = dec_b3.reshape(1, 4)

    xn = _bn(x_packed, bn_gamma.reshape(1, 4), bn_beta.reshape(1, 4))
    xn4 = xn.reshape(N, 4)

    def xla_scatter(m):
        full = jax.ops.segment_sum(m[:E], edge_index[1], num_segments=N)
        return jnp.stack([full, jnp.zeros((N, 4), f32)])

    hd, hs = _sc_gather(xn4, dst2, src2)
    m1 = _mlp(hd, hs, e_wa, e_wb, e_b1, enc_W2, e_b2, e_w3, e_b3, relu3=True)
    parts1 = _sc_scatter(m1, dst2, zeros_n4)
    h4, inv4 = _fin1(parts1)

    hd2, hs2 = _sc_gather(h4, dst2, src2)
    m2 = _mlp(hd2, hs2, d_wa, d_wb, d_b1, dec_W2, d_b2, dec_W3, d_b3,
              relu3=False)
    parts2 = _sc_scatter(m2, dst2, zeros_n4)
    return _fin2(parts2, inv4)

# --- scband reference (transcript-rebuilt; emitter-appended) ---
"""Pipeline reference for scband-edge-net-8177617731794 (READ-ONLY COPY).

The authoritative reference and input builder live on the scoring server;
editing this copy changes nothing except your own understanding.
"""

import jax, jax.numpy as jnp
import numpy as np

N = 100000
E = 1600000
D = 4
BIG = 32
HID = 2


def setup_inputs(seed: int = 0) -> dict:
    key = jax.random.key(seed)
    ks = jax.random.split(key, 12)
    x = jax.random.normal(ks[0], (N, D), dtype=jnp.float32)
    edge_index = jax.random.randint(ks[1], (2, E), 0, N, dtype=jnp.int32)

    def w(k, i, o):
        return jax.random.normal(k, (i, o), dtype=jnp.float32) * (1.0 / np.sqrt(i))

    return {
        "x": x,
        "edge_index": edge_index,
        "bn_gamma": jnp.ones((D,), jnp.float32),
        "bn_beta": jnp.zeros((D,), jnp.float32),
        "enc_W1": w(ks[2], 2 * D, BIG), "enc_b1": jnp.zeros((BIG,), jnp.float32),
        "enc_W2": w(ks[3], BIG, BIG), "enc_b2": jnp.zeros((BIG,), jnp.float32),
        "enc_W3": w(ks[4], BIG, HID), "enc_b3": jnp.zeros((HID,), jnp.float32),
        "dec_W1": w(ks[5], 2 * HID, BIG), "dec_b1": jnp.zeros((BIG,), jnp.float32),
        "dec_W2": w(ks[6], BIG, BIG), "dec_b2": jnp.zeros((BIG,), jnp.float32),
        "dec_W3": w(ks[7], BIG, D), "dec_b3": jnp.zeros((D,), jnp.float32),
    }


def reference(x, edge_index, bn_gamma, bn_beta,
              enc_W1, enc_b1, enc_W2, enc_b2, enc_W3, enc_b3,
              dec_W1, dec_b1, dec_W2, dec_b2, dec_W3, dec_b3):
    eps = 1e-5
    n = x.shape[0]
    # BatchNorm1d in training mode: biased batch statistics
    mean = jnp.mean(x, axis=0)
    var = jnp.var(x, axis=0)
    xn = (x - mean) / jnp.sqrt(var + eps) * bn_gamma + bn_beta

    src = edge_index[0]
    dst = edge_index[1]
    cnt = jax.ops.segment_sum(jnp.ones((src.shape[0],), jnp.float32), dst, num_segments=n)
    cnt = jnp.maximum(cnt, 1.0)[:, None]

    # encoder EdgeConv: message = nn(cat[x_i, x_j - x_i]), mean aggr at target i=dst
    hi = xn[dst]
    hj = xn[src]
    m = jnp.concatenate([hi, hj - hi], axis=-1)
    m = jax.nn.relu(m @ enc_W1 + enc_b1)
    m = jax.nn.relu(m @ enc_W2 + enc_b2)
    m = jax.nn.relu(m @ enc_W3 + enc_b3)
    h = jax.ops.segment_sum(m, dst, num_segments=n) / cnt

    # decoder EdgeConv
    hi = h[dst]
    hj = h[src]
    m = jnp.concatenate([hi, hj - hi], axis=-1)
    m = jax.nn.relu(m @ dec_W1 + dec_b1)
    m = jax.nn.relu(m @ dec_W2 + dec_b2)
    m = m @ dec_W3 + dec_b3
    out = jax.ops.segment_sum(m, dst, num_segments=n) / cnt
    return out

if __name__ == "__main__":
    import jax
    _d = setup_inputs()
    print(jax.jit(kernel)(*tuple(_d.values())))

</pallas_src>

<mosaic_0001>
#map = affine_map<(d0, d1) -> (0, 0)>
module attributes {stable_mosaic.version = 14 : i64} {
  func.func @_sc_gather_body(%arg0: i32, %arg1: i32, %arg2: memref<100000x4xf32, #tpu.memory_space<hbm>>, %arg3: memref<12544x128xi32, #tpu.memory_space<hbm>>, %arg4: memref<12544x128xi32, #tpu.memory_space<hbm>>, %arg5: memref<1605632x4xf32, #tpu.memory_space<hbm>>, %arg6: memref<1605632x4xf32, #tpu.memory_space<hbm>>, %arg7: memref<8x128xi32, #tpu.memory_space<vmem>>, %arg8: memref<8x128xi32, #tpu.memory_space<vmem>>, %arg9: memref<1024x4xf32, #tpu.memory_space<vmem>>, %arg10: memref<1024x4xf32, #tpu.memory_space<vmem>>, %arg11: memref<!tpu.dma_semaphore, #tpu.memory_space<semaphore_mem>>) attributes {dimension_semantics = [#tpu.dimension_semantics<core_parallel>, #tpu.dimension_semantics<subcore_parallel>], iteration_bounds = array<i64: 2, 16>, scalar_prefetch = 0 : i64, scratch_operands = 5 : i64, tpu.core_type = #tpu.core_type<sc_vector_subcore>, window_params = [{transform_indices = #map}, {transform_indices = #map}, {transform_indices = #map}, {transform_indices = #map}, {transform_indices = #map}]} {
    %mul3A = arith.constant 16 : i32
    %mul3A_0 = arith.muli %arg0, %mul3A : i32
    %add3A = arith.addi %mul3A_0, %arg1 : i32
    %mul3A_1 = arith.constant 392 : i32
    %mul3A_2 = arith.muli %add3A, %mul3A_1 : i32
    %scan3A = arith.constant 0 : i32
    %scan3A_3 = arith.constant 0 : i32
    %scan3A_4 = arith.constant 49 : i32
    %scan3A_5 = arith.addi %scan3A_3, %scan3A_4 : i32
    %scan3A_6 = arith.constant 1 : i32
    scf.for %scan3A_8 = %scan3A_3 to %scan3A_5 step %scan3A_6  : i32 {
      %mul3A_9 = arith.constant 8 : i32
      %mul3A_10 = arith.muli %scan3A_8, %mul3A_9 : i32
      %add3A_11 = arith.addi %mul3A_2, %mul3A_10 : i32
      "tpu.region"() ({
        %run_scoped3A = tpu.sem_alloc : memref<!tpu.dma_semaphore, #tpu.memory_space<semaphore_mem>>
        %dma_start3A_334 = arith.constant 0 : i32
        %dma_start3A_335 = tpu.memref_slice %arg3[%add3A_11, %dma_start3A_334] : memref<12544x128xi32, #tpu.memory_space<hbm>> -> memref<8x128xi32, #tpu.memory_space<hbm>>
        %dma_start3A_336 = arith.constant 0 : i32
        %dma_start3A_337 = tpu.memref_slice %arg3[%add3A_11, %dma_start3A_336] : memref<12544x128xi32, #tpu.memory_space<hbm>> -> memref<8x128xi32, #tpu.memory_space<hbm>>
        tpu.enqueue_dma source(%dma_start3A_337 : memref<8x128xi32, #tpu.memory_space<hbm>>) target(%arg7 : memref<8x128xi32, #tpu.memory_space<vmem>>) target_semaphore(%run_scoped3A : memref<!tpu.dma_semaphore, #tpu.memory_space<semaphore_mem>>)
        %dma_wait3A_338 = arith.constant 0 : i32
        %dma_wait3A_339 = tpu.memref_slice %arg3[%add3A_11, %dma_wait3A_338] : memref<12544x128xi32, #tpu.memory_space<hbm>> -> memref<8x128xi32, #tpu.memory_space<hbm>>
        %dma_wait3A_340 = arith.constant 0 : i32
        %dma_wait3A_341 = tpu.memref_slice %arg3[%add3A_11, %dma_wait3A_340] : memref<12544x128xi32, #tpu.memory_space<hbm>> -> memref<8x128xi32, #tpu.memory_space<hbm>>
        tpu.wait_dma2 semaphore(%run_scoped3A : memref<!tpu.dma_semaphore, #tpu.memory_space<semaphore_mem>>) src(%dma_wait3A_341 : memref<8x128xi32, #tpu.memory_space<hbm>>) dst(%arg7 : memref<8x128xi32, #tpu.memory_space<vmem>>)
        tpu.yield
      }) : () -> ()
      %dma_start3A = arith.constant 0 : i32
      %dma_start3A_12 = arith.constant 0 : i32
      %dma_start3A_13 = arith.constant 0 : i32
      %dma_start3A_14 = tpu.memref_slice %arg9[%dma_start3A_12, %dma_start3A_13] : memref<1024x4xf32, #tpu.memory_space<vmem>> -> memref<128x4xf32, #tpu.memory_space<vmem>>
      %dma_start3A_15 = arith.constant 0 : i32
      %dma_start3A_16 = tpu.memref_slice %arg7[%dma_start3A, %dma_start3A_15] : memref<8x128xi32, #tpu.memory_space<vmem>> -> memref<1x128xi32, #tpu.memory_space<vmem>>
      %dma_start3A_17 = tpu.memref_squeeze %dma_start3A_16 : memref<1x128xi32, #tpu.memory_space<vmem>> -> memref<128xi32, #tpu.memory_space<vmem>>
      %dma_start3A_18 = arith.constant 0 : i32
      %dma_start3A_19 = arith.constant 0 : i32
      %dma_start3A_20 = tpu.memref_slice %arg2[%dma_start3A_18, %dma_start3A_19] : memref<100000x4xf32, #tpu.memory_space<hbm>> -> memref<100000x4xf32, #tpu.memory_space<hbm>>
      tpu.enqueue_indirect_dma source(%dma_start3A_20 : memref<100000x4xf32, #tpu.memory_space<hbm>>) target(%dma_start3A_14 : memref<128x4xf32, #tpu.memory_space<vmem>>) offsets(%dma_start3A_17 : memref<128xi32, #tpu.memory_space<vmem>>) semaphore(%arg11 : memref<!tpu.dma_semaphore, #tpu.memory_space<semaphore_mem>>)
      %dma_start3A_21 = arith.constant 1 : i32
      %dma_start3A_22 = arith.constant 128 : i32
      %dma_start3A_23 = arith.constant 0 : i32
      %dma_start3A_24 = tpu.memref_slice %arg9[%dma_start3A_22, %dma_start3A_23] : memref<1024x4xf32, #tpu.memory_space<vmem>> -> memref<128x4xf32, #tpu.memory_space<vmem>>
      %dma_start3A_25 = arith.constant 0 : i32
      %dma_start3A_26 = tpu.memref_slice %arg7[%dma_start3A_21, %dma_start3A_25] : memref<8x128xi32, #tpu.memory_space<vmem>> -> memref<1x128xi32, #tpu.memory_space<vmem>>
      %dma_start3A_27 = tpu.memref_squeeze %dma_start3A_26 : memref<1x128xi32, #tpu.memory_space<vmem>> -> memref<128xi32, #tpu.memory_space<vmem>>
      %dma_start3A_28 = arith.constant 0 : i32
      %dma_start3A_29 = arith.constant 0 : i32
      %dma_start3A_30 = tpu.memref_slice %arg2[%dma_start3A_28, %dma_start3A_29] : memref<100000x4xf32, #tpu.memory_space<hbm>> -> memref<100000x4xf32, #tpu.memory_space<hbm>>
      tpu.enqueue_indirect_dma source(%dma_start3A_30 : memref<100000x4xf32, #tpu.memory_space<hbm>>) target(%dma_start3A_24 : memref<128x4xf32, #tpu.memory_space<vmem>>) offsets(%dma_start3A_27 : memref<128xi32, #tpu.memory_space<vmem>>) semaphore(%arg11 : memref<!tpu.dma_semaphore, #tpu.memory_space<semaphore_mem>>)
      %dma_start3A_31 = arith.constant 2 : i32
      %dma_start3A_32 = arith.constant 256 : i32
      %dma_start3A_33 = arith.constant 0 : i32
      %dma_start3A_34 = tpu.memref_slice %arg9[%dma_start3A_32, %dma_start3A_33] : memref<1024x4xf32, #tpu.memory_space<vmem>> -> memref<128x4xf32, #tpu.memory_space<vmem>>
      %dma_start3A_35 = arith.constant 0 : i32
      %dma_start3A_36 = tpu.memref_slice %arg7[%dma_start3A_31, %dma_start3A_35] : memref<8x128xi32, #tpu.memory_space<vmem>> -> memref<1x128xi32, #tpu.memory_space<vmem>>
      %dma_start3A_37 = tpu.memref_squeeze %dma_start3A_36 : memref<1x128xi32, #tpu.memory_space<vmem>> -> memref<128xi32, #tpu.memory_space<vmem>>
      %dma_start3A_38 = arith.constant 0 : i32
      %dma_start3A_39 = arith.constant 0 : i32
      %dma_start3A_40 = tpu.memref_slice %arg2[%dma_start3A_38, %dma_start3A_39] : memref<100000x4xf32, #tpu.memory_space<hbm>> -> memref<100000x4xf32, #tpu.memory_space<hbm>>
      tpu.enqueue_indirect_dma source(%dma_start3A_40 : memref<100000x4xf32, #tpu.memory_space<hbm>>) target(%dma_start3A_34 : memref<128x4xf32, #tpu.memory_space<vmem>>) offsets(%dma_start3A_37 : memref<128xi32, #tpu.memory_space<vmem>>) semaphore(%arg11 : memref<!tpu.dma_semaphore, #tpu.memory_space<semaphore_mem>>)
      %dma_start3A_41 = arith.constant 3 : i32
      %dma_start3A_42 = arith.constant 384 : i32
      %dma_start3A_43 = arith.constant 0 : i32
      %dma_start3A_44 = tpu.memref_slice %arg9[%dma_start3A_42, %dma_start3A_43] : memref<1024x4xf32, #tpu.memory_space<vmem>> -> memref<128x4xf32, #tpu.memory_space<vmem>>
      %dma_start3A_45 = arith.constant 0 : i32
      %dma_start3A_46 = tpu.memref_slice %arg7[%dma_start3A_41, %dma_start3A_45] : memref<8x128xi32, #tpu.memory_space<vmem>> -> memref<1x128xi32, #tpu.memory_space<vmem>>
      %dma_start3A_47 = tpu.memref_squeeze %dma_start3A_46 : memref<1x128xi32, #tpu.memory_space<vmem>> -> memref<128xi32, #tpu.memory_space<vmem>>
      %dma_start3A_48 = arith.constant 0 : i32
      %dma_start3A_49 = arith.constant 0 : i32
      %dma_start3A_50 = tpu.memref_slice %arg2[%dma_start3A_48, %dma_start3A_49] : memref<100000x4xf32, #tpu.memory_space<hbm>> -> memref<100000x4xf32, #tpu.memory_space<hbm>>
      tpu.enqueue_indirect_dma source(%dma_start3A_50 : memref<100000x4xf32, #tpu.memory_space<hbm>>) target(%dma_start3A_44 : memref<128x4xf32, #tpu.memory_space<vmem>>) offsets(%dma_start3A_47 : memref<128xi32, #tpu.memory_space<vmem>>) semaphore(%arg11 : memref<!tpu.dma_semaphore, #tpu.memory_space<semaphore_mem>>)
      %dma_start3A_51 = arith.constant 4 : i32
      %dma_start3A_52 = arith.constant 512 : i32
      %dma_start3A_53 = arith.constant 0 : i32
      %dma_start3A_54 = tpu.memref_slice %arg9[%dma_start3A_52, %dma_start3A_53] : memref<1024x4xf32, #tpu.memory_space<vmem>> -> memref<128x4xf32, #tpu.memory_space<vmem>>
      %dma_start3A_55 = arith.constant 0 : i32
      %dma_start3A_56 = tpu.memref_slice %arg7[%dma_start3A_51, %dma_start3A_55] : memref<8x128xi32, #tpu.memory_space<vmem>> -> memref<1x128xi32, #tpu.memory_space<vmem>>
      %dma_start3A_57 = tpu.memref_squeeze %dma_start3A_56 : memref<1x128xi32, #tpu.memory_space<vmem>> -> memref<128xi32, #tpu.memory_space<vmem>>
      %dma_start3A_58 = arith.constant 0 : i32
      %dma_start3A_59 = arith.constant 0 : i32
      %dma_start3A_60 = tpu.memref_slice %arg2[%dma_start3A_58, %dma_start3A_59] : memref<100000x4xf32, #tpu.memory_space<hbm>> -> memref<100000x4xf32, #tpu.memory_space<hbm>>
      tpu.enqueue_indirect_dma source(%dma_start3A_60 : memref<100000x4xf32, #tpu.memory_space<hbm>>) target(%dma_start3A_54 : memref<128x4xf32, #tpu.memory_space<vmem>>) offsets(%dma_start3A_57 : memref<128xi32, #tpu.memory_space<vmem>>) semaphore(%arg11 : memref<!tpu.dma_semaphore, #tpu.memory_space<semaphore_mem>>)
      %dma_start3A_61 = arith.constant 5 : i32
      %dma_start3A_62 = arith.constant 640 : i32
      %dma_start3A_63 = arith.constant 0 : i32
      %dma_start3A_64 = tpu.memref_slice %arg9[%dma_start3A_62, %dma_start3A_63] : memref<1024x4xf32, #tpu.memory_space<vmem>> -> memref<128x4xf32, #tpu.memory_space<vmem>>
      %dma_start3A_65 = arith.constant 0 : i32
      %dma_start3A_66 = tpu.memref_slice %arg7[%dma_start3A_61, %dma_start3A_65] : memref<8x128xi32, #tpu.memory_space<vmem>> -> memref<1x128xi32, #tpu.memory_space<vmem>>
      %dma_start3A_67 = tpu.memref_squeeze %dma_start3A_66 : memref<1x128xi32, #tpu.memory_space<vmem>> -> memref<128xi32, #tpu.memory_space<vmem>>
      %dma_start3A_68 = arith.constant 0 : i32
      %dma_start3A_69 = arith.constant 0 : i32
      %dma_start3A_70 = tpu.memref_slice %arg2[%dma_start3A_68, %dma_start3A_69] : memref<100000x4xf32, #tpu.memory_space<hbm>> -> memref<100000x4xf32, #tpu.memory_space<hbm>>
      tpu.enqueue_indirect_dma source(%dma_start3A_70 : memref<100000x4xf32, #tpu.memory_space<hbm>>) target(%dma_start3A_64 : memref<128x4xf32, #tpu.memory_space<vmem>>) offsets(%dma_start3A_67 : memref<128xi32, #tpu.memory_space<vmem>>) semaphore(%arg11 : memref<!tpu.dma_semaphore, #tpu.memory_space<semaphore_mem>>)
      %dma_start3A_71 = arith.constant 6 : i32
      %dma_start3A_72 = arith.constant 768 : i32
      %dma_start3A_73 = arith.constant 0 : i32
      %dma_start3A_74 = tpu.memref_slice %arg9[%dma_start3A_72, %dma_start3A_73] : memref<1024x4xf32, #tpu.memory_space<vmem>> -> memref<128x4xf32, #tpu.memory_space<vmem>>
      %dma_start3A_75 = arith.constant 0 : i32
      %dma_start3A_76 = tpu.memref_slice %arg7[%dma_start3A_71, %dma_start3A_75] : memref<8x128xi32, #tpu.memory_space<vmem>> -> memref<1x128xi32, #tpu.memory_space<vmem>>
      %dma_start3A_77 = tpu.memref_squeeze %dma_start3A_76 : memref<1x128xi32, #tpu.memory_space<vmem>> -> memref<128xi32, #tpu.memory_space<vmem>>
      %dma_start3A_78 = arith.constant 0 : i32
      %dma_start3A_79 = arith.constant 0 : i32
      %dma_start3A_80 = tpu.memref_slice %arg2[%dma_start3A_78, %dma_start3A_79] : memref<100000x4xf32, #tpu.memory_space<hbm>> -> memref<100000x4xf32, #tpu.memory_space<hbm>>
      tpu.enqueue_indirect_dma source(%dma_start3A_80 : memref<100000x4xf32, #tpu.memory_space<hbm>>) target(%dma_start3A_74 : memref<128x4xf32, #tpu.memory_space<vmem>>) offsets(%dma_start3A_77 : memref<128xi32, #tpu.memory_space<vmem>>) semaphore(%arg11 : memref<!tpu.dma_semaphore, #tpu.memory_space<semaphore_mem>>)
      %dma_start3A_81 = arith.constant 7 : i32
      %dma_start3A_82 = arith.constant 896 : i32
      %dma_start3A_83 = arith.constant 0 : i32
      %dma_start3A_84 = tpu.memref_slice %arg9[%dma_start3A_82, %dma_start3A_83] : memref<1024x4xf32, #tpu.memory_space<vmem>> -> memref<128x4xf32, #tpu.memory_space<vmem>>
      %dma_start3A_85 = arith.constant 0 : i32
      %dma_start3A_86 = tpu.memref_slice %arg7[%dma_start3A_81, %dma_start3A_85] : memref<8x128xi32, #tpu.memory_space<vmem>> -> memref<1x128xi32, #tpu.memory_space<vmem>>
      %dma_start3A_87 = tpu.memref_squeeze %dma_start3A_86 : memref<1x128xi32, #tpu.memory_space<vmem>> -> memref<128xi32, #tpu.memory_space<vmem>>
      %dma_start3A_88 = arith.constant 0 : i32
      %dma_start3A_89 = arith.constant 0 : i32
      %dma_start3A_90 = tpu.memref_slice %arg2[%dma_start3A_88, %dma_start3A_89] : memref<100000x4xf32, #tpu.memory_space<hbm>> -> memref<100000x4xf32, #tpu.memory_space<hbm>>
      tpu.enqueue_indirect_dma source(%dma_start3A_90 : memref<100000x4xf32, #tpu.memory_space<hbm>>) target(%dma_start3A_84 : memref<128x4xf32, #tpu.memory_space<vmem>>) offsets(%dma_start3A_87 : memref<128xi32, #tpu.memory_space<vmem>>) semaphore(%arg11 : memref<!tpu.dma_semaphore, #tpu.memory_space<semaphore_mem>>)
      %dma_wait3A = arith.constant 0 : i32
      %dma_wait3A_91 = arith.constant 0 : i32
      %dma_wait3A_92 = arith.constant 0 : i32
      %dma_wait3A_93 = tpu.memref_slice %arg9[%dma_wait3A_91, %dma_wait3A_92] : memref<1024x4xf32, #tpu.memory_space<vmem>> -> memref<128x4xf32, #tpu.memory_space<vmem>>
      %dma_wait3A_94 = arith.constant 0 : i32
      %dma_wait3A_95 = tpu.memref_slice %arg7[%dma_wait3A, %dma_wait3A_94] : memref<8x128xi32, #tpu.memory_space<vmem>> -> memref<1x128xi32, #tpu.memory_space<vmem>>
      %dma_wait3A_96 = tpu.memref_squeeze %dma_wait3A_95 : memref<1x128xi32, #tpu.memory_space<vmem>> -> memref<128xi32, #tpu.memory_space<vmem>>
      %dma_wait3A_97 = arith.constant 0 : i32
      %dma_wait3A_98 = arith.constant 0 : i32
      %dma_wait3A_99 = tpu.memref_slice %arg2[%dma_wait3A_97, %dma_wait3A_98] : memref<100000x4xf32, #tpu.memory_space<hbm>> -> memref<100000x4xf32, #tpu.memory_space<hbm>>
      tpu.wait_indirect_dma semaphore(%arg11 : memref<!tpu.dma_semaphore, #tpu.memory_space<semaphore_mem>>) src(%dma_wait3A_99 : memref<100000x4xf32, #tpu.memory_space<hbm>>) dst(%dma_wait3A_93 : memref<128x4xf32, #tpu.memory_space<vmem>>)
      %dma_wait3A_100 = arith.constant 1 : i32
      %dma_wait3A_101 = arith.constant 128 : i32
      %dma_wait3A_102 = arith.constant 0 : i32
      %dma_wait3A_103 = tpu.memref_slice %arg9[%dma_wait3A_101, %dma_wait3A_102] : memref<1024x4xf32, #tpu.memory_space<vmem>> -> memref<128x4xf32, #tpu.memory_space<vmem>>
      %dma_wait3A_104 = arith.constant 0 : i32
      %dma_wait3A_105 = tpu.memref_slice %arg7[%dma_wait3A_100, %dma_wait3A_104] : memref<8x128xi32, #tpu.memory_space<vmem>> -> memref<1x128xi32, #tpu.memory_space<vmem>>
      %dma_wait3A_106 = tpu.memref_squeeze %dma_wait3A_105 : memref<1x128xi32, #tpu.memory_space<vmem>> -> memref<128xi32, #tpu.memory_space<vmem>>
      %dma_wait3A_107 = arith.constant 0 : i32
      %dma_wait3A_108 = arith.constant 0 : i32
      %dma_wait3A_109 = tpu.memref_slice %arg2[%dma_wait3A_107, %dma_wait3A_108] : memref<100000x4xf32, #tpu.memory_space<hbm>> -> memref<100000x4xf32, #tpu.memory_space<hbm>>
      tpu.wait_indirect_dma semaphore(%arg11 : memref<!tpu.dma_semaphore, #tpu.memory_space<semaphore_mem>>) src(%dma_wait3A_109 : memref<100000x4xf32, #tpu.memory_space<hbm>>) dst(%dma_wait3A_103 : memref<128x4xf32, #tpu.memory_space<vmem>>)
      %dma_wait3A_110 = arith.constant 2 : i32
      %dma_wait3A_111 = arith.constant 256 : i32
      %dma_wait3A_112 = arith.constant 0 : i32
      %dma_wait3A_113 = tpu.memref_slice %arg9[%dma_wait3A_111, %dma_wait3A_112] : memref<1024x4xf32, #tpu.memory_space<vmem>> -> memref<128x4xf32, #tpu.memory_space<vmem>>
      %dma_wait3A_114 = arith.constant 0 : i32
      %dma_wait3A_115 = tpu.memref_slice %arg7[%dma_wait3A_110, %dma_wait3A_114] : memref<8x128xi32, #tpu.memory_space<vmem>> -> memref<1x128xi32, #tpu.memory_space<vmem>>
      %dma_wait3A_116 = tpu.memref_squeeze %dma_wait3A_115 : memref<1x128xi32, #tpu.memory_space<vmem>> -> memref<128xi32, #tpu.memory_space<vmem>>
      %dma_wait3A_117 = arith.constant 0 : i32
      %dma_wait3A_118 = arith.constant 0 : i32
      %dma_wait3A_119 = tpu.memref_slice %arg2[%dma_wait3A_117, %dma_wait3A_118] : memref<100000x4xf32, #tpu.memory_space<hbm>> -> memref<100000x4xf32, #tpu.memory_space<hbm>>
      tpu.wait_indirect_dma semaphore(%arg11 : memref<!tpu.dma_semaphore, #tpu.memory_space<semaphore_mem>>) src(%dma_wait3A_119 : memref<100000x4xf32, #tpu.memory_space<hbm>>) dst(%dma_wait3A_113 : memref<128x4xf32, #tpu.memory_space<vmem>>)
      %dma_wait3A_120 = arith.constant 3 : i32
      %dma_wait3A_121 = arith.constant 384 : i32
      %dma_wait3A_122 = arith.constant 0 : i32
      %dma_wait3A_123 = tpu.memref_slice %arg9[%dma_wait3A_121, %dma_wait3A_122] : memref<1024x4xf32, #tpu.memory_space<vmem>> -> memref<128x4xf32, #tpu.memory_space<vmem>>
      %dma_wait3A_124 = arith.constant 0 : i32
      %dma_wait3A_125 = tpu.memref_slice %arg7[%dma_wait3A_120, %dma_wait3A_124] : memref<8x128xi32, #tpu.memory_space<vmem>> -> memref<1x128xi32, #tpu.memory_space<vmem>>
      %dma_wait3A_126 = tpu.memref_squeeze %dma_wait3A_125 : memref<1x128xi32, #tpu.memory_space<vmem>> -> memref<128xi32, #tpu.memory_space<vmem>>
      %dma_wait3A_127 = arith.constant 0 : i32
      %dma_wait3A_128 = arith.constant 0 : i32
      %dma_wait3A_129 = tpu.memref_slice %arg2[%dma_wait3A_127, %dma_wait3A_128] : memref<100000x4xf32, #tpu.memory_space<hbm>> -> memref<100000x4xf32, #tpu.memory_space<hbm>>
      tpu.wait_indirect_dma semaphore(%arg11 : memref<!tpu.dma_semaphore, #tpu.memory_space<semaphore_mem>>) src(%dma_wait3A_129 : memref<100000x4xf32, #tpu.memory_space<hbm>>) dst(%dma_wait3A_123 : memref<128x4xf32, #tpu.memory_space<vmem>>)
      %dma_wait3A_130 = arith.constant 4 : i32
      %dma_wait3A_131 = arith.constant 512 : i32
      %dma_wait3A_132 = arith.constant 0 : i32
      %dma_wait3A_133 = tpu.memref_slice %arg9[%dma_wait3A_131, %dma_wait3A_132] : memref<1024x4xf32, #tpu.memory_space<vmem>> -> memref<128x4xf32, #tpu.memory_space<vmem>>
      %dma_wait3A_134 = arith.constant 0 : i32
      %dma_wait3A_135 = tpu.memref_slice %arg7[%dma_wait3A_130, %dma_wait3A_134] : memref<8x128xi32, #tpu.memory_space<vmem>> -> memref<1x128xi32, #tpu.memory_space<vmem>>
      %dma_wait3A_136 = tpu.memref_squeeze %dma_wait3A_135 : memref<1x128xi32, #tpu.memory_space<vmem>> -> memref<128xi32, #tpu.memory_space<vmem>>
      %dma_wait3A_137 = arith.constant 0 : i32
      %dma_wait3A_138 = arith.constant 0 : i32
      %dma_wait3A_139 = tpu.memref_slice %arg2[%dma_wait3A_137, %dma_wait3A_138] : memref<100000x4xf32, #tpu.memory_space<hbm>> -> memref<100000x4xf32, #tpu.memory_space<hbm>>
      tpu.wait_indirect_dma semaphore(%arg11 : memref<!tpu.dma_semaphore, #tpu.memory_space<semaphore_mem>>) src(%dma_wait3A_139 : memref<100000x4xf32, #tpu.memory_space<hbm>>) dst(%dma_wait3A_133 : memref<128x4xf32, #tpu.memory_space<vmem>>)
      %dma_wait3A_140 = arith.constant 5 : i32
      %dma_wait3A_141 = arith.constant 640 : i32
      %dma_wait3A_142 = arith.constant 0 : i32
      %dma_wait3A_143 = tpu.memref_slice %arg9[%dma_wait3A_141, %dma_wait3A_142] : memref<1024x4xf32, #tpu.memory_space<vmem>> -> memref<128x4xf32, #tpu.memory_space<vmem>>
      %dma_wait3A_144 = arith.constant 0 : i32
      %dma_wait3A_145 = tpu.memref_slice %arg7[%dma_wait3A_140, %dma_wait3A_144] : memref<8x128xi32, #tpu.memory_space<vmem>> -> memref<1x128xi32, #tpu.memory_space<vmem>>
      %dma_wait3A_146 = tpu.memref_squeeze %dma_wait3A_145 : memref<1x128xi32, #tpu.memory_space<vmem>> -> memref<128xi32, #tpu.memory_space<vmem>>
      %dma_wait3A_147 = arith.constant 0 : i32
      %dma_wait3A_148 = arith.constant 0 : i32
      %dma_wait3A_149 = tpu.memref_slice %arg2[%dma_wait3A_147, %dma_wait3A_148] : memref<100000x4xf32, #tpu.memory_space<hbm>> -> memref<100000x4xf32, #tpu.memory_space<hbm>>
      tpu.wait_indirect_dma semaphore(%arg11 : memref<!tpu.dma_semaphore, #tpu.memory_space<semaphore_mem>>) src(%dma_wait3A_149 : memref<100000x4xf32, #tpu.memory_space<hbm>>) dst(%dma_wait3A_143 : memref<128x4xf32, #tpu.memory_space<vmem>>)
      %dma_wait3A_150 = arith.constant 6 : i32
      %dma_wait3A_151 = arith.constant 768 : i32
      %dma_wait3A_152 = arith.constant 0 : i32
      %dma_wait3A_153 = tpu.memref_slice %arg9[%dma_wait3A_151, %dma_wait3A_152] : memref<1024x4xf32, #tpu.memory_space<vmem>> -> memref<128x4xf32, #tpu.memory_space<vmem>>
      %dma_wait3A_154 = arith.constant 0 : i32
      %dma_wait3A_155 = tpu.memref_slice %arg7[%dma_wait3A_150, %dma_wait3A_154] : memref<8x128xi32, #tpu.memory_space<vmem>> -> memref<1x128xi32, #tpu.memory_space<vmem>>
      %dma_wait3A_156 = tpu.memref_squeeze %dma_wait3A_155 : memref<1x128xi32, #tpu.memory_space<vmem>> -> memref<128xi32, #tpu.memory_space<vmem>>
      %dma_wait3A_157 = arith.constant 0 : i32
      %dma_wait3A_158 = arith.constant 0 : i32
      %dma_wait3A_159 = tpu.memref_slice %arg2[%dma_wait3A_157, %dma_wait3A_158] : memref<100000x4xf32, #tpu.memory_space<hbm>> -> memref<100000x4xf32, #tpu.memory_space<hbm>>
      tpu.wait_indirect_dma semaphore(%arg11 : memref<!tpu.dma_semaphore, #tpu.memory_space<semaphore_mem>>) src(%dma_wait3A_159 : memref<100000x4xf32, #tpu.memory_space<hbm>>) dst(%dma_wait3A_153 : memref<128x4xf32, #tpu.memory_space<vmem>>)
      %dma_wait3A_160 = arith.constant 7 : i32
      %dma_wait3A_161 = arith.constant 896 : i32
      %dma_wait3A_162 = arith.constant 0 : i32
      %dma_wait3A_163 = tpu.memref_slice %arg9[%dma_wait3A_161, %dma_wait3A_162] : memref<1024x4xf32, #tpu.memory_space<vmem>> -> memref<128x4xf32, #tpu.memory_space<vmem>>
      %dma_wait3A_164 = arith.constant 0 : i32
      %dma_wait3A_165 = tpu.memref_slice %arg7[%dma_wait3A_160, %dma_wait3A_164] : memref<8x128xi32, #tpu.memory_space<vmem>> -> memref<1x128xi32, #tpu.memory_space<vmem>>
      %dma_wait3A_166 = tpu.memref_squeeze %dma_wait3A_165 : memref<1x128xi32, #tpu.memory_space<vmem>> -> memref<128xi32, #tpu.memory_space<vmem>>
      %dma_wait3A_167 = arith.constant 0 : i32
      %dma_wait3A_168 = arith.constant 0 : i32
      %dma_wait3A_169 = tpu.memref_slice %arg2[%dma_wait3A_167, %dma_wait3A_168] : memref<100000x4xf32, #tpu.memory_space<hbm>> -> memref<100000x4xf32, #tpu.memory_space<hbm>>
      tpu.wait_indirect_dma semaphore(%arg11 : memref<!tpu.dma_semaphore, #tpu.memory_space<semaphore_mem>>) src(%dma_wait3A_169 : memref<100000x4xf32, #tpu.memory_space<hbm>>) dst(%dma_wait3A_163 : memref<128x4xf32, #tpu.memory_space<vmem>>)
      %mul3A_170 = arith.constant 128 : i32
      %mul3A_171 = arith.muli %add3A_11, %mul3A_170 : i32
      "tpu.region"() ({
        %run_scoped3A = tpu.sem_alloc : memref<!tpu.dma_semaphore, #tpu.memory_space<semaphore_mem>>
        %dma_start3A_334 = arith.constant 0 : i32
        %dma_start3A_335 = tpu.memref_slice %arg5[%mul3A_171, %dma_start3A_334] : memref<1605632x4xf32, #tpu.memory_space<hbm>> -> memref<1024x4xf32, #tpu.memory_space<hbm>>
        %dma_start3A_336 = arith.constant 0 : i32
        %dma_start3A_337 = tpu.memref_slice %arg5[%mul3A_171, %dma_start3A_336] : memref<1605632x4xf32, #tpu.memory_space<hbm>> -> memref<1024x4xf32, #tpu.memory_space<hbm>>
        tpu.enqueue_dma source(%arg9 : memref<1024x4xf32, #tpu.memory_space<vmem>>) target(%dma_start3A_337 : memref<1024x4xf32, #tpu.memory_space<hbm>>) target_semaphore(%run_scoped3A : memref<!tpu.dma_semaphore, #tpu.memory_space<semaphore_mem>>)
        %dma_wait3A_338 = arith.constant 0 : i32
        %dma_wait3A_339 = tpu.memref_slice %arg5[%mul3A_171, %dma_wait3A_338] : memref<1605632x4xf32, #tpu.memory_space<hbm>> -> memref<1024x4xf32, #tpu.memory_space<hbm>>
        %dma_wait3A_340 = arith.constant 0 : i32
        %dma_wait3A_341 = tpu.memref_slice %arg5[%mul3A_171, %dma_wait3A_340] : memref<1605632x4xf32, #tpu.memory_space<hbm>> -> memref<1024x4xf32, #tpu.memory_space<hbm>>
        tpu.wait_dma2 semaphore(%run_scoped3A : memref<!tpu.dma_semaphore, #tpu.memory_space<semaphore_mem>>) src(%arg9 : memref<1024x4xf32, #tpu.memory_space<vmem>>) dst(%dma_wait3A_341 : memref<1024x4xf32, #tpu.memory_space<hbm>>)
        tpu.yield
      }) : () -> ()
      "tpu.region"() ({
        %run_scoped3A = tpu.sem_alloc : memref<!tpu.dma_semaphore, #tpu.memory_space<semaphore_mem>>
        %dma_start3A_334 = arith.constant 0 : i32
        %dma_start3A_335 = tpu.memref_slice %arg4[%add3A_11, %dma_start3A_334] : memref<12544x128xi32, #tpu.memory_space<hbm>> -> memref<8x128xi32, #tpu.memory_space<hbm>>
        %dma_start3A_336 = arith.constant 0 : i32
        %dma_start3A_337 = tpu.memref_slice %arg4[%add3A_11, %dma_start3A_336] : memref<12544x128xi32, #tpu.memory_space<hbm>> -> memref<8x128xi32, #tpu.memory_space<hbm>>
        tpu.enqueue_dma source(%dma_start3A_337 : memref<8x128xi32, #tpu.memory_space<hbm>>) target(%arg8 : memref<8x128xi32, #tpu.memory_space<vmem>>) target_semaphore(%run_scoped3A : memref<!tpu.dma_semaphore, #tpu.memory_space<semaphore_mem>>)
        %dma_wait3A_338 = arith.constant 0 : i32
        %dma_wait3A_339 = tpu.memref_slice %arg4[%add3A_11, %dma_wait3A_338] : memref<12544x128xi32, #tpu.memory_space<hbm>> -> memref<8x128xi32, #tpu.memory_space<hbm>>
        %dma_wait3A_340 = arith.constant 0 : i32
        %dma_wait3A_341 = tpu.memref_slice %arg4[%add3A_11, %dma_wait3A_340] : memref<12544x128xi32, #tpu.memory_space<hbm>> -> memref<8x128xi32, #tpu.memory_space<hbm>>
        tpu.wait_dma2 semaphore(%run_scoped3A : memref<!tpu.dma_semaphore, #tpu.memory_space<semaphore_mem>>) src(%dma_wait3A_341 : memref<8x128xi32, #tpu.memory_space<hbm>>) dst(%arg8 : memref<8x128xi32, #tpu.memory_space<vmem>>)
        tpu.yield
      }) : () -> ()
      %dma_start3A_172 = arith.constant 0 : i32
      %dma_start3A_173 = arith.constant 0 : i32
      %dma_start3A_174 = arith.constant 0 : i32
      %dma_start3A_175 = tpu.memref_slice %arg10[%dma_start3A_173, %dma_start3A_174] : memref<1024x4xf32, #tpu.memory_space<vmem>> -> memref<128x4xf32, #tpu.memory_space<vmem>>
      %dma_start3A_176 = arith.constant 0 : i32
      %dma_start3A_177 = tpu.memref_slice %arg8[%dma_start3A_172, %dma_start3A_176] : memref<8x128xi32, #tpu.memory_space<vmem>> -> memref<1x128xi32, #tpu.memory_space<vmem>>
      %dma_start3A_178 = tpu.memref_squeeze %dma_start3A_177 : memref<1x128xi32, #tpu.memory_space<vmem>> -> memref<128xi32, #tpu.memory_space<vmem>>
      %dma_start3A_179 = arith.constant 0 : i32
      %dma_start3A_180 = arith.constant 0 : i32
      %dma_start3A_181 = tpu.memref_slice %arg2[%dma_start3A_179, %dma_start3A_180] : memref<100000x4xf32, #tpu.memory_space<hbm>> -> memref<100000x4xf32, #tpu.memory_space<hbm>>
      tpu.enqueue_indirect_dma source(%dma_start3A_181 : memref<100000x4xf32, #tpu.memory_space<hbm>>) target(%dma_start3A_175 : memref<128x4xf32, #tpu.memory_space<vmem>>) offsets(%dma_start3A_178 : memref<128xi32, #tpu.memory_space<vmem>>) semaphore(%arg11 : memref<!tpu.dma_semaphore, #tpu.memory_space<semaphore_mem>>)
      %dma_start3A_182 = arith.constant 1 : i32
      %dma_start3A_183 = arith.constant 128 : i32
      %dma_start3A_184 = arith.constant 0 : i32
      %dma_start3A_185 = tpu.memref_slice %arg10[%dma_start3A_183, %dma_start3A_184] : memref<1024x4xf32, #tpu.memory_space<vmem>> -> memref<128x4xf32, #tpu.memory_space<vmem>>
      %dma_start3A_186 = arith.constant 0 : i32
      %dma_start3A_187 = tpu.memref_slice %arg8[%dma_start3A_182, %dma_start3A_186] : memref<8x128xi32, #tpu.memory_space<vmem>> -> memref<1x128xi32, #tpu.memory_space<vmem>>
      %dma_start3A_188 = tpu.memref_squeeze %dma_start3A_187 : memref<1x128xi32, #tpu.memory_space<vmem>> -> memref<128xi32, #tpu.memory_space<vmem>>
      %dma_start3A_189 = arith.constant 0 : i32
      %dma_start3A_190 = arith.constant 0 : i32
      %dma_start3A_191 = tpu.memref_slice %arg2[%dma_start3A_189, %dma_start3A_190] : memref<100000x4xf32, #tpu.memory_space<hbm>> -> memref<100000x4xf32, #tpu.memory_space<hbm>>
      tpu.enqueue_indirect_dma source(%dma_start3A_191 : memref<100000x4xf32, #tpu.memory_space<hbm>>) target(%dma_start3A_185 : memref<128x4xf32, #tpu.memory_space<vmem>>) offsets(%dma_start3A_188 : memref<128xi32, #tpu.memory_space<vmem>>) semaphore(%arg11 : memref<!tpu.dma_semaphore, #tpu.memory_space<semaphore_mem>>)
      %dma_start3A_192 = arith.constant 2 : i32
      %dma_start3A_193 = arith.constant 256 : i32
      %dma_start3A_194 = arith.constant 0 : i32
      %dma_start3A_195 = tpu.memref_slice %arg10[%dma_start3A_193, %dma_start3A_194] : memref<1024x4xf32, #tpu.memory_space<vmem>> -> memref<128x4xf32, #tpu.memory_space<vmem>>
      %dma_start3A_196 = arith.constant 0 : i32
      %dma_start3A_197 = tpu.memref_slice %arg8[%dma_start3A_192, %dma_start3A_196] : memref<8x128xi32, #tpu.memory_space<vmem>> -> memref<1x128xi32, #tpu.memory_space<vmem>>
      %dma_start3A_198 = tpu.memref_squeeze %dma_start3A_197 : memref<1x128xi32, #tpu.memory_space<vmem>> -> memref<128xi32, #tpu.memory_space<vmem>>
      %dma_start3A_199 = arith.constant 0 : i32
      %dma_start3A_200 = arith.constant 0 : i32
      %dma_start3A_201 = tpu.memref_slice %arg2[%dma_start3A_199, %dma_start3A_200] : memref<100000x4xf32, #tpu.memory_space<hbm>> -> memref<100000x4xf32, #tpu.memory_space<hbm>>
      tpu.enqueue_indirect_dma source(%dma_start3A_201 : memref<100000x4xf32, #tpu.memory_space<hbm>>) target(%dma_start3A_195 : memref<128x4xf32, #tpu.memory_space<vmem>>) offsets(%dma_start3A_198 : memref<128xi32, #tpu.memory_space<vmem>>) semaphore(%arg11 : memref<!tpu.dma_semaphore, #tpu.memory_space<semaphore_mem>>)
      %dma_start3A_202 = arith.constant 3 : i32
      %dma_start3A_203 = arith.constant 384 : i32
      %dma_start3A_204 = arith.constant 0 : i32
      %dma_start3A_205 = tpu.memref_slice %arg10[%dma_start3A_203, %dma_start3A_204] : memref<1024x4xf32, #tpu.memory_space<vmem>> -> memref<128x4xf32, #tpu.memory_space<vmem>>
      %dma_start3A_206 = arith.constant 0 : i32
      %dma_start3A_207 = tpu.memref_slice %arg8[%dma_start3A_202, %dma_start3A_206] : memref<8x128xi32, #tpu.memory_space<vmem>> -> memref<1x128xi32, #tpu.memory_space<vmem>>
      %dma_start3A_208 = tpu.memref_squeeze %dma_start3A_207 : memref<1x128xi32, #tpu.memory_space<vmem>> -> memref<128xi32, #tpu.memory_space<vmem>>
      %dma_start3A_209 = arith.constant 0 : i32
      %dma_start3A_210 = arith.constant 0 : i32
      %dma_start3A_211 = tpu.memref_slice %arg2[%dma_start3A_209, %dma_start3A_210] : memref<100000x4xf32, #tpu.memory_space<hbm>> -> memref<100000x4xf32, #tpu.memory_space<hbm>>
      tpu.enqueue_indirect_dma source(%dma_start3A_211 : memref<100000x4xf32, #tpu.memory_space<hbm>>) target(%dma_start3A_205 : memref<128x4xf32, #tpu.memory_space<vmem>>) offsets(%dma_start3A_208 : memref<128xi32, #tpu.memory_space<vmem>>) semaphore(%arg11 : memref<!tpu.dma_semaphore, #tpu.memory_space<semaphore_mem>>)
      %dma_start3A_212 = arith.constant 4 : i32
      %dma_start3A_213 = arith.constant 512 : i32
      %dma_start3A_214 = arith.constant 0 : i32
      %dma_start3A_215 = tpu.memref_slice %arg10[%dma_start3A_213, %dma_start3A_214] : memref<1024x4xf32, #tpu.memory_space<vmem>> -> memref<128x4xf32, #tpu.memory_space<vmem>>
      %dma_start3A_216 = arith.constant 0 : i32
      %dma_start3A_217 = tpu.memref_slice %arg8[%dma_start3A_212, %dma_start3A_216] : memref<8x128xi32, #tpu.memory_space<vmem>> -> memref<1x128xi32, #tpu.memory_space<vmem>>
      %dma_start3A_218 = tpu.memref_squeeze %dma_start3A_217 : memref<1x128xi32, #tpu.memory_space<vmem>> -> memref<128xi32, #tpu.memory_space<vmem>>
      %dma_start3A_219 = arith.constant 0 : i32
      %dma_start3A_220 = arith.constant 0 : i32
      %dma_start3A_221 = tpu.memref_slice %arg2[%dma_start3A_219, %dma_start3A_220] : memref<100000x4xf32, #tpu.memory_space<hbm>> -> memref<100000x4xf32, #tpu.memory_space<hbm>>
      tpu.enqueue_indirect_dma source(%dma_start3A_221 : memref<100000x4xf32, #tpu.memory_space<hbm>>) target(%dma_start3A_215 : memref<128x4xf32, #tpu.memory_space<vmem>>) offsets(%dma_start3A_218 : memref<128xi32, #tpu.memory_space<vmem>>) semaphore(%arg11 : memref<!tpu.dma_semaphore, #tpu.memory_space<semaphore_mem>>)
      %dma_start3A_222 = arith.constant 5 : i32
      %dma_start3A_223 = arith.constant 640 : i32
      %dma_start3A_224 = arith.constant 0 : i32
      %dma_start3A_225 = tpu.memref_slice %arg10[%dma_start3A_223, %dma_start3A_224] : memref<1024x4xf32, #tpu.memory_space<vmem>> -> memref<128x4xf32, #tpu.memory_space<vmem>>
      %dma_start3A_226 = arith.constant 0 : i32
      %dma_start3A_227 = tpu.memref_slice %arg8[%dma_start3A_222, %dma_start3A_226] : memref<8x128xi32, #tpu.memory_space<vmem>> -> memref<1x128xi32, #tpu.memory_space<vmem>>
      %dma_start3A_228 = tpu.memref_squeeze %dma_start3A_227 : memref<1x128xi32, #tpu.memory_space<vmem>> -> memref<128xi32, #tpu.memory_space<vmem>>
      %dma_start3A_229 = arith.constant 0 : i32
      %dma_start3A_230 = arith.constant 0 : i32
      %dma_start3A_231 = tpu.memref_slice %arg2[%dma_start3A_229, %dma_start3A_230] : memref<100000x4xf32, #tpu.memory_space<hbm>> -> memref<100000x4xf32, #tpu.memory_space<hbm>>
      tpu.enqueue_indirect_dma source(%dma_start3A_231 : memref<100000x4xf32, #tpu.memory_space<hbm>>) target(%dma_start3A_225 : memref<128x4xf32, #tpu.memory_space<vmem>>) offsets(%dma_start3A_228 : memref<128xi32, #tpu.memory_space<vmem>>) semaphore(%arg11 : memref<!tpu.dma_semaphore, #tpu.memory_space<semaphore_mem>>)
      %dma_start3A_232 = arith.constant 6 : i32
      %dma_start3A_233 = arith.constant 768 : i32
      %dma_start3A_234 = arith.constant 0 : i32
      %dma_start3A_235 = tpu.memref_slice %arg10[%dma_start3A_233, %dma_start3A_234] : memref<1024x4xf32, #tpu.memory_space<vmem>> -> memref<128x4xf32, #tpu.memory_space<vmem>>
      %dma_start3A_236 = arith.constant 0 : i32
      %dma_start3A_237 = tpu.memref_slice %arg8[%dma_start3A_232, %dma_start3A_236] : memref<8x128xi32, #tpu.memory_space<vmem>> -> memref<1x128xi32, #tpu.memory_space<vmem>>
      %dma_start3A_238 = tpu.memref_squeeze %dma_start3A_237 : memref<1x128xi32, #tpu.memory_space<vmem>> -> memref<128xi32, #tpu.memory_space<vmem>>
      %dma_start3A_239 = arith.constant 0 : i32
      %dma_start3A_240 = arith.constant 0 : i32
      %dma_start3A_241 = tpu.memref_slice %arg2[%dma_start3A_239, %dma_start3A_240] : memref<100000x4xf32, #tpu.memory_space<hbm>> -> memref<100000x4xf32, #tpu.memory_space<hbm>>
      tpu.enqueue_indirect_dma source(%dma_start3A_241 : memref<100000x4xf32, #tpu.memory_space<hbm>>) target(%dma_start3A_235 : memref<128x4xf32, #tpu.memory_space<vmem>>) offsets(%dma_start3A_238 : memref<128xi32, #tpu.memory_space<vmem>>) semaphore(%arg11 : memref<!tpu.dma_semaphore, #tpu.memory_space<semaphore_mem>>)
      %dma_start3A_242 = arith.constant 7 : i32
      %dma_start3A_243 = arith.constant 896 : i32
      %dma_start3A_244 = arith.constant 0 : i32
      %dma_start3A_245 = tpu.memref_slice %arg10[%dma_start3A_243, %dma_start3A_244] : memref<1024x4xf32, #tpu.memory_space<vmem>> -> memref<128x4xf32, #tpu.memory_space<vmem>>
      %dma_start3A_246 = arith.constant 0 : i32
      %dma_start3A_247 = tpu.memref_slice %arg8[%dma_start3A_242, %dma_start3A_246] : memref<8x128xi32, #tpu.memory_space<vmem>> -> memref<1x128xi32, #tpu.memory_space<vmem>>
      %dma_start3A_248 = tpu.memref_squeeze %dma_start3A_247 : memref<1x128xi32, #tpu.memory_space<vmem>> -> memref<128xi32, #tpu.memory_space<vmem>>
      %dma_start3A_249 = arith.constant 0 : i32
      %dma_start3A_250 = arith.constant 0 : i32
      %dma_start3A_251 = tpu.memref_slice %arg2[%dma_start3A_249, %dma_start3A_250] : memref<100000x4xf32, #tpu.memory_space<hbm>> -> memref<100000x4xf32, #tpu.memory_space<hbm>>
      tpu.enqueue_indirect_dma source(%dma_start3A_251 : memref<100000x4xf32, #tpu.memory_space<hbm>>) target(%dma_start3A_245 : memref<128x4xf32, #tpu.memory_space<vmem>>) offsets(%dma_start3A_248 : memref<128xi32, #tpu.memory_space<vmem>>) semaphore(%arg11 : memref<!tpu.dma_semaphore, #tpu.memory_space<semaphore_mem>>)
      %dma_wait3A_252 = arith.constant 0 : i32
      %dma_wait3A_253 = arith.constant 0 : i32
      %dma_wait3A_254 = arith.constant 0 : i32
      %dma_wait3A_255 = tpu.memref_slice %arg10[%dma_wait3A_253, %dma_wait3A_254] : memref<1024x4xf32, #tpu.memory_space<vmem>> -> memref<128x4xf32, #tpu.memory_space<vmem>>
      %dma_wait3A_256 = arith.constant 0 : i32
      %dma_wait3A_257 = tpu.memref_slice %arg8[%dma_wait3A_252, %dma_wait3A_256] : memref<8x128xi32, #tpu.memory_space<vmem>> -> memref<1x128xi32, #tpu.memory_space<vmem>>
      %dma_wait3A_258 = tpu.memref_squeeze %dma_wait3A_257 : memref<1x128xi32, #tpu.memory_space<vmem>> -> memref<128xi32, #tpu.memory_space<vmem>>
      %dma_wait3A_259 = arith.constant 0 : i32
      %dma_wait3A_260 = arith.constant 0 : i32
      %dma_wait3A_261 = tpu.memref_slice %arg2[%dma_wait3A_259, %dma_wait3A_260] : memref<100000x4xf32, #tpu.memory_space<hbm>> -> memref<100000x4xf32, #tpu.memory_space<hbm>>
      tpu.wait_indirect_dma semaphore(%arg11 : memref<!tpu.dma_semaphore, #tpu.memory_space<semaphore_mem>>) src(%dma_wait3A_261 : memref<100000x4xf32, #tpu.memory_space<hbm>>) dst(%dma_wait3A_255 : memref<128x4xf32, #tpu.memory_space<vmem>>)
      %dma_wait3A_262 = arith.constant 1 : i32
      %dma_wait3A_263 = arith.constant 128 : i32
      %dma_wait3A_264 = arith.constant 0 : i32
      %dma_wait3A_265 = tpu.memref_slice %arg10[%dma_wait3A_263, %dma_wait3A_264] : memref<1024x4xf32, #tpu.memory_space<vmem>> -> memref<128x4xf32, #tpu.memory_space<vmem>>
      %dma_wait3A_266 = arith.constant 0 : i32
      %dma_wait3A_267 = tpu.memref_slice %arg8[%dma_wait3A_262, %dma_wait3A_266] : memref<8x128xi32, #tpu.memory_space<vmem>> -> memref<1x128xi32, #tpu.memory_space<vmem>>
      %dma_wait3A_268 = tpu.memref_squeeze %dma_wait3A_267 : memref<1x128xi32, #tpu.memory_space<vmem>> -> memref<128xi32, #tpu.memory_space<vmem>>
      %dma_wait3A_269 = arith.constant 0 : i32
      %dma_wait3A_270 = arith.constant 0 : i32
      %dma_wait3A_271 = tpu.memref_slice %arg2[%dma_wait3A_269, %dma_wait3A_270] : memref<100000x4xf32, #tpu.memory_space<hbm>> -> memref<100000x4xf32, #tpu.memory_space<hbm>>
      tpu.wait_indirect_dma semaphore(%arg11 : memref<!tpu.dma_semaphore, #tpu.memory_space<semaphore_mem>>) src(%dma_wait3A_271 : memref<100000x4xf32, #tpu.memory_space<hbm>>) dst(%dma_wait3A_265 : memref<128x4xf32, #tpu.memory_space<vmem>>)
      %dma_wait3A_272 = arith.constant 2 : i32
      %dma_wait3A_273 = arith.constant 256 : i32
      %dma_wait3A_274 = arith.constant 0 : i32
      %dma_wait3A_275 = tpu.memref_slice %arg10[%dma_wait3A_273, %dma_wait3A_274] : memref<1024x4xf32, #tpu.memory_space<vmem>> -> memref<128x4xf32, #tpu.memory_space<vmem>>
      %dma_wait3A_276 = arith.constant 0 : i32
      %dma_wait3A_277 = tpu.memref_slice %arg8[%dma_wait3A_272, %dma_wait3A_276] : memref<8x128xi32, #tpu.memory_space<vmem>> -> memref<1x128xi32, #tpu.memory_space<vmem>>
      %dma_wait3A_278 = tpu.memref_squeeze %dma_wait3A_277 : memref<1x128xi32, #tpu.memory_space<vmem>> -> memref<128xi32, #tpu.memory_space<vmem>>
      %dma_wait3A_279 = arith.constant 0 : i32
      %dma_wait3A_280 = arith.constant 0 : i32
      %dma_wait3A_281 = tpu.memref_slice %arg2[%dma_wait3A_279, %dma_wait3A_280] : memref<100000x4xf32, #tpu.memory_space<hbm>> -> memref<100000x4xf32, #tpu.memory_space<hbm>>
      tpu.wait_indirect_dma semaphore(%arg11 : memref<!tpu.dma_semaphore, #tpu.memory_space<semaphore_mem>>) src(%dma_wait3A_281 : memref<100000x4xf32, #tpu.memory_space<hbm>>) dst(%dma_wait3A_275 : memref<128x4xf32, #tpu.memory_space<vmem>>)
      %dma_wait3A_282 = arith.constant 3 : i32
      %dma_wait3A_283 = arith.constant 384 : i32
      %dma_wait3A_284 = arith.constant 0 : i32
      %dma_wait3A_285 = tpu.memref_slice %arg10[%dma_wait3A_283, %dma_wait3A_284] : memref<1024x4xf32, #tpu.memory_space<vmem>> -> memref<128x4xf32, #tpu.memory_space<vmem>>
      %dma_wait3A_286 = arith.constant 0 : i32
      %dma_wait3A_287 = tpu.memref_slice %arg8[%dma_wait3A_282, %dma_wait3A_286] : memref<8x128xi32, #tpu.memory_space<vmem>> -> memref<1x128xi32, #tpu.memory_space<vmem>>
      %dma_wait3A_288 = tpu.memref_squeeze %dma_wait3A_287 : memref<1x128xi32, #tpu.memory_space<vmem>> -> memref<128xi32, #tpu.memory_space<vmem>>
      %dma_wait3A_289 = arith.constant 0 : i32
      %dma_wait3A_290 = arith.constant 0 : i32
      %dma_wait3A_291 = tpu.memref_slice %arg2[%dma_wait3A_289, %dma_wait3A_290] : memref<100000x4xf32, #tpu.memory_space<hbm>> -> memref<100000x4xf32, #tpu.memory_space<hbm>>
      tpu.wait_indirect_dma semaphore(%arg11 : memref<!tpu.dma_semaphore, #tpu.memory_space<semaphore_mem>>) src(%dma_wait3A_291 : memref<100000x4xf32, #tpu.memory_space<hbm>>) dst(%dma_wait3A_285 : memref<128x4xf32, #tpu.memory_space<vmem>>)
      %dma_wait3A_292 = arith.constant 4 : i32
      %dma_wait3A_293 = arith.constant 512 : i32
      %dma_wait3A_294 = arith.constant 0 : i32
      %dma_wait3A_295 = tpu.memref_slice %arg10[%dma_wait3A_293, %dma_wait3A_294] : memref<1024x4xf32, #tpu.memory_space<vmem>> -> memref<128x4xf32, #tpu.memory_space<vmem>>
      %dma_wait3A_296 = arith.constant 0 : i32
      %dma_wait3A_297 = tpu.memref_slice %arg8[%dma_wait3A_292, %dma_wait3A_296] : memref<8x128xi32, #tpu.memory_space<vmem>> -> memref<1x128xi32, #tpu.memory_space<vmem>>
      %dma_wait3A_298 = tpu.memref_squeeze %dma_wait3A_297 : memref<1x128xi32, #tpu.memory_space<vmem>> -> memref<128xi32, #tpu.memory_space<vmem>>
      %dma_wait3A_299 = arith.constant 0 : i32
      %dma_wait3A_300 = arith.constant 0 : i32
      %dma_wait3A_301 = tpu.memref_slice %arg2[%dma_wait3A_299, %dma_wait3A_300] : memref<100000x4xf32, #tpu.memory_space<hbm>> -> memref<100000x4xf32, #tpu.memory_space<hbm>>
      tpu.wait_indirect_dma semaphore(%arg11 : memref<!tpu.dma_semaphore, #tpu.memory_space<semaphore_mem>>) src(%dma_wait3A_301 : memref<100000x4xf32, #tpu.memory_space<hbm>>) dst(%dma_wait3A_295 : memref<128x4xf32, #tpu.memory_space<vmem>>)
      %dma_wait3A_302 = arith.constant 5 : i32
      %dma_wait3A_303 = arith.constant 640 : i32
      %dma_wait3A_304 = arith.constant 0 : i32
      %dma_wait3A_305 = tpu.memref_slice %arg10[%dma_wait3A_303, %dma_wait3A_304] : memref<1024x4xf32, #tpu.memory_space<vmem>> -> memref<128x4xf32, #tpu.memory_space<vmem>>
      %dma_wait3A_306 = arith.constant 0 : i32
      %dma_wait3A_307 = tpu.memref_slice %arg8[%dma_wait3A_302, %dma_wait3A_306] : memref<8x128xi32, #tpu.memory_space<vmem>> -> memref<1x128xi32, #tpu.memory_space<vmem>>
      %dma_wait3A_308 = tpu.memref_squeeze %dma_wait3A_307 : memref<1x128xi32, #tpu.memory_space<vmem>> -> memref<128xi32, #tpu.memory_space<vmem>>
      %dma_wait3A_309 = arith.constant 0 : i32
      %dma_wait3A_310 = arith.constant 0 : i32
      %dma_wait3A_311 = tpu.memref_slice %arg2[%dma_wait3A_309, %dma_wait3A_310] : memref<100000x4xf32, #tpu.memory_space<hbm>> -> memref<100000x4xf32, #tpu.memory_space<hbm>>
      tpu.wait_indirect_dma semaphore(%arg11 : memref<!tpu.dma_semaphore, #tpu.memory_space<semaphore_mem>>) src(%dma_wait3A_311 : memref<100000x4xf32, #tpu.memory_space<hbm>>) dst(%dma_wait3A_305 : memref<128x4xf32, #tpu.memory_space<vmem>>)
      %dma_wait3A_312 = arith.constant 6 : i32
      %dma_wait3A_313 = arith.constant 768 : i32
      %dma_wait3A_314 = arith.constant 0 : i32
      %dma_wait3A_315 = tpu.memref_slice %arg10[%dma_wait3A_313, %dma_wait3A_314] : memref<1024x4xf32, #tpu.memory_space<vmem>> -> memref<128x4xf32, #tpu.memory_space<vmem>>
      %dma_wait3A_316 = arith.constant 0 : i32
      %dma_wait3A_317 = tpu.memref_slice %arg8[%dma_wait3A_312, %dma_wait3A_316] : memref<8x128xi32, #tpu.memory_space<vmem>> -> memref<1x128xi32, #tpu.memory_space<vmem>>
      %dma_wait3A_318 = tpu.memref_squeeze %dma_wait3A_317 : memref<1x128xi32, #tpu.memory_space<vmem>> -> memref<128xi32, #tpu.memory_space<vmem>>
      %dma_wait3A_319 = arith.constant 0 : i32
      %dma_wait3A_320 = arith.constant 0 : i32
      %dma_wait3A_321 = tpu.memref_slice %arg2[%dma_wait3A_319, %dma_wait3A_320] : memref<100000x4xf32, #tpu.memory_space<hbm>> -> memref<100000x4xf32, #tpu.memory_space<hbm>>
      tpu.wait_indirect_dma semaphore(%arg11 : memref<!tpu.dma_semaphore, #tpu.memory_space<semaphore_mem>>) src(%dma_wait3A_321 : memref<100000x4xf32, #tpu.memory_space<hbm>>) dst(%dma_wait3A_315 : memref<128x4xf32, #tpu.memory_space<vmem>>)
      %dma_wait3A_322 = arith.constant 7 : i32
      %dma_wait3A_323 = arith.constant 896 : i32
      %dma_wait3A_324 = arith.constant 0 : i32
      %dma_wait3A_325 = tpu.memref_slice %arg10[%dma_wait3A_323, %dma_wait3A_324] : memref<1024x4xf32, #tpu.memory_space<vmem>> -> memref<128x4xf32, #tpu.memory_space<vmem>>
      %dma_wait3A_326 = arith.constant 0 : i32
      %dma_wait3A_327 = tpu.memref_slice %arg8[%dma_wait3A_322, %dma_wait3A_326] : memref<8x128xi32, #tpu.memory_space<vmem>> -> memref<1x128xi32, #tpu.memory_space<vmem>>
      %dma_wait3A_328 = tpu.memref_squeeze %dma_wait3A_327 : memref<1x128xi32, #tpu.memory_space<vmem>> -> memref<128xi32, #tpu.memory_space<vmem>>
      %dma_wait3A_329 = arith.constant 0 : i32
      %dma_wait3A_330 = arith.constant 0 : i32
      %dma_wait3A_331 = tpu.memref_slice %arg2[%dma_wait3A_329, %dma_wait3A_330] : memref<100000x4xf32, #tpu.memory_space<hbm>> -> memref<100000x4xf32, #tpu.memory_space<hbm>>
      tpu.wait_indirect_dma semaphore(%arg11 : memref<!tpu.dma_semaphore, #tpu.memory_space<semaphore_mem>>) src(%dma_wait3A_331 : memref<100000x4xf32, #tpu.memory_space<hbm>>) dst(%dma_wait3A_325 : memref<128x4xf32, #tpu.memory_space<vmem>>)
      %mul3A_332 = arith.constant 128 : i32
      %mul3A_333 = arith.muli %add3A_11, %mul3A_332 : i32
      "tpu.region"() ({
        %run_scoped3A = tpu.sem_alloc : memref<!tpu.dma_semaphore, #tpu.memory_space<semaphore_mem>>
        %dma_start3A_334 = arith.constant 0 : i32
        %dma_start3A_335 = tpu.memref_slice %arg6[%mul3A_333, %dma_start3A_334] : memref<1605632x4xf32, #tpu.memory_space<hbm>> -> memref<1024x4xf32, #tpu.memory_space<hbm>>
        %dma_start3A_336 = arith.constant 0 : i32
        %dma_start3A_337 = tpu.memref_slice %arg6[%mul3A_333, %dma_start3A_336] : memref<1605632x4xf32, #tpu.memory_space<hbm>> -> memref<1024x4xf32, #tpu.memory_space<hbm>>
        tpu.enqueue_dma source(%arg10 : memref<1024x4xf32, #tpu.memory_space<vmem>>) target(%dma_start3A_337 : memref<1024x4xf32, #tpu.memory_space<hbm>>) target_semaphore(%run_scoped3A : memref<!tpu.dma_semaphore, #tpu.memory_space<semaphore_mem>>)
        %dma_wait3A_338 = arith.constant 0 : i32
        %dma_wait3A_339 = tpu.memref_slice %arg6[%mul3A_333, %dma_wait3A_338] : memref<1605632x4xf32, #tpu.memory_space<hbm>> -> memref<1024x4xf32, #tpu.memory_space<hbm>>
        %dma_wait3A_340 = arith.constant 0 : i32
        %dma_wait3A_341 = tpu.memref_slice %arg6[%mul3A_333, %dma_wait3A_340] : memref<1605632x4xf32, #tpu.memory_space<hbm>> -> memref<1024x4xf32, #tpu.memory_space<hbm>>
        tpu.wait_dma2 semaphore(%run_scoped3A : memref<!tpu.dma_semaphore, #tpu.memory_space<semaphore_mem>>) src(%arg10 : memref<1024x4xf32, #tpu.memory_space<vmem>>) dst(%dma_wait3A_341 : memref<1024x4xf32, #tpu.memory_space<hbm>>)
        tpu.yield
      }) : () -> ()
    }
    %scan3A_7 = arith.constant 49 : i32
    return
  }
}

#map = affine_map<(d0, d1) -> (0, 0)>
#map1 = affine_map<(d0, d1) -> (0, 0, 0)>
module attributes {stable_mosaic.version = 14 : i64} {
  func.func @_sc_scatter_body(%arg0: i32, %arg1: i32, %arg2: memref<1605632x4xf32, #tpu.memory_space<hbm>>, %arg3: memref<12544x128xi32, #tpu.memory_space<hbm>>, %arg4: memref<100000x4xf32, #tpu.memory_space<hbm>>, %arg5: memref<2x100000x4xf32, #tpu.memory_space<hbm>>, %arg6: memref<128xi32, #tpu.memory_space<vmem>>, %arg7: memref<128xi32, #tpu.memory_space<vmem>>, %arg8: memref<128xi32, #tpu.memory_space<vmem>>, %arg9: memref<128xi32, #tpu.memory_space<vmem>>, %arg10: memref<128xi32, #tpu.memory_space<vmem>>, %arg11: memref<128xi32, #tpu.memory_space<vmem>>, %arg12: memref<128xi32, #tpu.memory_space<vmem>>, %arg13: memref<128xi32, #tpu.memory_space<vmem>>, %arg14: memref<128x4xf32, #tpu.memory_space<vmem>>, %arg15: memref<128x4xf32, #tpu.memory_space<vmem>>, %arg16: memref<128x4xf32, #tpu.memory_space<vmem>>, %arg17: memref<128x4xf32, #tpu.memory_space<vmem>>, %arg18: memref<128x4xf32, #tpu.memory_space<vmem>>, %arg19: memref<128x4xf32, #tpu.memory_space<vmem>>, %arg20: memref<128x4xf32, #tpu.memory_space<vmem>>, %arg21: memref<128x4xf32, #tpu.memory_space<vmem>>, %arg22: memref<100000x4xf32, #tpu.memory_space<vmem_shared>>, %arg23: memref<!tpu.dma_semaphore, #tpu.memory_space<semaphore_mem>>, %arg24: memref<!tpu.dma_semaphore, #tpu.memory_space<semaphore_mem>>) attributes {dimension_semantics = [#tpu.dimension_semantics<core_parallel>, #tpu.dimension_semantics<subcore_parallel>], iteration_bounds = array<i64: 2, 16>, scalar_prefetch = 0 : i64, scratch_operands = 19 : i64, tpu.core_type = #tpu.core_type<sc_vector_subcore>, window_params = [{transform_indices = #map}, {transform_indices = #map}, {transform_indices = #map}, {transform_indices = #map1}]} {
    %mul3A = arith.constant 16 : i32
    %mul3A_0 = arith.muli %arg0, %mul3A : i32
    %add3A = arith.addi %mul3A_0, %arg1 : i32
    %mul3A_1 = arith.constant 392 : i32
    %mul3A_2 = arith.muli %add3A, %mul3A_1 : i32
    %mul3A_3 = arith.constant 6256 : i32
    %mul3A_4 = arith.muli %arg1, %mul3A_3 : i32
    %lt3A = arith.constant 15 : i32
    %lt3A_5 = arith.cmpi slt, %arg1, %lt3A : i32
    %convert_element_type3A = arith.extui %lt3A_5 : i1 to i32
    %cond3A = arith.constant 0 : i32
    %cond3A_6 = arith.cmpi ne, %convert_element_type3A, %cond3A : i32
    scf.if %cond3A_6 {
      "tpu.region"() ({
        %run_scoped3A = tpu.sem_alloc : memref<!tpu.dma_semaphore, #tpu.memory_space<semaphore_mem>>
        %dma_start3A = arith.constant 0 : i32
        %dma_start3A_27 = tpu.memref_slice %arg22[%mul3A_4, %dma_start3A] : memref<100000x4xf32, #tpu.memory_space<vmem_shared>> -> memref<6256x4xf32, #tpu.memory_space<vmem_shared>>
        %dma_start3A_28 = arith.constant 0 : i32
        %dma_start3A_29 = tpu.memref_slice %arg4[%mul3A_4, %dma_start3A_28] : memref<100000x4xf32, #tpu.memory_space<hbm>> -> memref<6256x4xf32, #tpu.memory_space<hbm>>
        tpu.enqueue_dma source(%dma_start3A_29 : memref<6256x4xf32, #tpu.memory_space<hbm>>) target(%dma_start3A_27 : memref<6256x4xf32, #tpu.memory_space<vmem_shared>>) target_semaphore(%run_scoped3A : memref<!tpu.dma_semaphore, #tpu.memory_space<semaphore_mem>>)
        %dma_wait3A = arith.constant 0 : i32
        %dma_wait3A_30 = tpu.memref_slice %arg22[%mul3A_4, %dma_wait3A] : memref<100000x4xf32, #tpu.memory_space<vmem_shared>> -> memref<6256x4xf32, #tpu.memory_space<vmem_shared>>
        %dma_wait3A_31 = arith.constant 0 : i32
        %dma_wait3A_32 = tpu.memref_slice %arg4[%mul3A_4, %dma_wait3A_31] : memref<100000x4xf32, #tpu.memory_space<hbm>> -> memref<6256x4xf32, #tpu.memory_space<hbm>>
        tpu.wait_dma2 semaphore(%run_scoped3A : memref<!tpu.dma_semaphore, #tpu.memory_space<semaphore_mem>>) src(%dma_wait3A_32 : memref<6256x4xf32, #tpu.memory_space<hbm>>) dst(%dma_wait3A_30 : memref<6256x4xf32, #tpu.memory_space<vmem_shared>>)
        tpu.yield
      }) : () -> ()
    } else {
    }
    %eq3A = arith.constant 15 : i32
    %eq3A_7 = arith.cmpi eq, %arg1, %eq3A : i32
    %convert_element_type3A_8 = arith.extui %eq3A_7 : i1 to i32
    %cond3A_9 = arith.constant 0 : i32
    %cond3A_10 = arith.cmpi ne, %convert_element_type3A_8, %cond3A_9 : i32
    scf.if %cond3A_10 {
      "tpu.region"() ({
        %run_scoped3A = tpu.sem_alloc : memref<!tpu.dma_semaphore, #tpu.memory_space<semaphore_mem>>
        %dma_start3A = arith.constant 0 : i32
        %dma_start3A_27 = tpu.memref_slice %arg22[%mul3A_4, %dma_start3A] : memref<100000x4xf32, #tpu.memory_space<vmem_shared>> -> memref<6160x4xf32, #tpu.memory_space<vmem_shared>>
        %dma_start3A_28 = arith.constant 0 : i32
        %dma_start3A_29 = tpu.memref_slice %arg4[%mul3A_4, %dma_start3A_28] : memref<100000x4xf32, #tpu.memory_space<hbm>> -> memref<6160x4xf32, #tpu.memory_space<hbm>>
        tpu.enqueue_dma source(%dma_start3A_29 : memref<6160x4xf32, #tpu.memory_space<hbm>>) target(%dma_start3A_27 : memref<6160x4xf32, #tpu.memory_space<vmem_shared>>) target_semaphore(%run_scoped3A : memref<!tpu.dma_semaphore, #tpu.memory_space<semaphore_mem>>)
        %dma_wait3A = arith.constant 0 : i32
        %dma_wait3A_30 = tpu.memref_slice %arg22[%mul3A_4, %dma_wait3A] : memref<100000x4xf32, #tpu.memory_space<vmem_shared>> -> memref<6160x4xf32, #tpu.memory_space<vmem_shared>>
        %dma_wait3A_31 = arith.constant 0 : i32
        %dma_wait3A_32 = tpu.memref_slice %arg4[%mul3A_4, %dma_wait3A_31] : memref<100000x4xf32, #tpu.memory_space<hbm>> -> memref<6160x4xf32, #tpu.memory_space<hbm>>
        tpu.wait_dma2 semaphore(%run_scoped3A : memref<!tpu.dma_semaphore, #tpu.memory_space<semaphore_mem>>) src(%dma_wait3A_32 : memref<6160x4xf32, #tpu.memory_space<hbm>>) dst(%dma_wait3A_30 : memref<6160x4xf32, #tpu.memory_space<vmem_shared>>)
        tpu.yield
      }) : () -> ()
    } else {
    }
    %barrier3A = arith.constant 0 : index
    tpu.barrier barrier_id(%barrier3A)
    %scan3A = arith.constant 0 : i32
    %scan3A_11 = arith.constant 0 : i32
    %scan3A_12 = arith.constant 49 : i32
    %scan3A_13 = arith.addi %scan3A_11, %scan3A_12 : i32
    %scan3A_14 = arith.constant 1 : i32
    scf.for %scan3A_27 = %scan3A_11 to %scan3A_13 step %scan3A_14  : i32 {
      %mul3A_28 = arith.constant 8 : i32
      %mul3A_29 = arith.muli %scan3A_27, %mul3A_28 : i32
      %add3A_30 = arith.addi %mul3A_2, %mul3A_29 : i32
      %add3A_31 = arith.constant 0 : i32
      %add3A_32 = arith.addi %add3A_30, %add3A_31 : i32
      %dma_start3A = arith.constant 0 : i32
      %dma_start3A_33 = tpu.memref_slice %arg3[%add3A_32, %dma_start3A] : memref<12544x128xi32, #tpu.memory_space<hbm>> -> memref<1x128xi32, #tpu.memory_space<hbm>>
      %dma_start3A_34 = tpu.memref_squeeze %dma_start3A_33 : memref<1x128xi32, #tpu.memory_space<hbm>> -> memref<128xi32, #tpu.memory_space<hbm>>
      %dma_start3A_35 = arith.constant 0 : i32
      %dma_start3A_36 = tpu.memref_slice %arg3[%add3A_32, %dma_start3A_35] : memref<12544x128xi32, #tpu.memory_space<hbm>> -> memref<1x128xi32, #tpu.memory_space<hbm>>
      %dma_start3A_37 = tpu.memref_squeeze %dma_start3A_36 : memref<1x128xi32, #tpu.memory_space<hbm>> -> memref<128xi32, #tpu.memory_space<hbm>>
      tpu.enqueue_dma source(%dma_start3A_37 : memref<128xi32, #tpu.memory_space<hbm>>) target(%arg6 : memref<128xi32, #tpu.memory_space<vmem>>) target_semaphore(%arg24 : memref<!tpu.dma_semaphore, #tpu.memory_space<semaphore_mem>>)
      %add3A_38 = arith.constant 0 : i32
      %add3A_39 = arith.addi %add3A_30, %add3A_38 : i32
      %mul3A_40 = arith.constant 128 : i32
      %mul3A_41 = arith.muli %add3A_39, %mul3A_40 : i32
      %dma_start3A_42 = arith.constant 0 : i32
      %dma_start3A_43 = tpu.memref_slice %arg2[%mul3A_41, %dma_start3A_42] : memref<1605632x4xf32, #tpu.memory_space<hbm>> -> memref<128x4xf32, #tpu.memory_space<hbm>>
      %dma_start3A_44 = arith.constant 0 : i32
      %dma_start3A_45 = tpu.memref_slice %arg2[%mul3A_41, %dma_start3A_44] : memref<1605632x4xf32, #tpu.memory_space<hbm>> -> memref<128x4xf32, #tpu.memory_space<hbm>>
      tpu.enqueue_dma source(%dma_start3A_45 : memref<128x4xf32, #tpu.memory_space<hbm>>) target(%arg14 : memref<128x4xf32, #tpu.memory_space<vmem>>) target_semaphore(%arg24 : memref<!tpu.dma_semaphore, #tpu.memory_space<semaphore_mem>>)
      %add3A_46 = arith.constant 1 : i32
      %add3A_47 = arith.addi %add3A_30, %add3A_46 : i32
      %dma_start3A_48 = arith.constant 0 : i32
      %dma_start3A_49 = tpu.memref_slice %arg3[%add3A_47, %dma_start3A_48] : memref<12544x128xi32, #tpu.memory_space<hbm>> -> memref<1x128xi32, #tpu.memory_space<hbm>>
      %dma_start3A_50 = tpu.memref_squeeze %dma_start3A_49 : memref<1x128xi32, #tpu.memory_space<hbm>> -> memref<128xi32, #tpu.memory_space<hbm>>
      %dma_start3A_51 = arith.constant 0 : i32
      %dma_start3A_52 = tpu.memref_slice %arg3[%add3A_47, %dma_start3A_51] : memref<12544x128xi32, #tpu.memory_space<hbm>> -> memref<1x128xi32, #tpu.memory_space<hbm>>
      %dma_start3A_53 = tpu.memref_squeeze %dma_start3A_52 : memref<1x128xi32, #tpu.memory_space<hbm>> -> memref<128xi32, #tpu.memory_space<hbm>>
      tpu.enqueue_dma source(%dma_start3A_53 : memref<128xi32, #tpu.memory_space<hbm>>) target(%arg7 : memref<128xi32, #tpu.memory_space<vmem>>) target_semaphore(%arg24 : memref<!tpu.dma_semaphore, #tpu.memory_space<semaphore_mem>>)
      %add3A_54 = arith.constant 1 : i32
      %add3A_55 = arith.addi %add3A_30, %add3A_54 : i32
      %mul3A_56 = arith.constant 128 : i32
      %mul3A_57 = arith.muli %add3A_55, %mul3A_56 : i32
      %dma_start3A_58 = arith.constant 0 : i32
      %dma_start3A_59 = tpu.memref_slice %arg2[%mul3A_57, %dma_start3A_58] : memref<1605632x4xf32, #tpu.memory_space<hbm>> -> memref<128x4xf32, #tpu.memory_space<hbm>>
      %dma_start3A_60 = arith.constant 0 : i32
      %dma_start3A_61 = tpu.memref_slice %arg2[%mul3A_57, %dma_start3A_60] : memref<1605632x4xf32, #tpu.memory_space<hbm>> -> memref<128x4xf32, #tpu.memory_space<hbm>>
      tpu.enqueue_dma source(%dma_start3A_61 : memref<128x4xf32, #tpu.memory_space<hbm>>) target(%arg15 : memref<128x4xf32, #tpu.memory_space<vmem>>) target_semaphore(%arg24 : memref<!tpu.dma_semaphore, #tpu.memory_space<semaphore_mem>>)
      %add3A_62 = arith.constant 2 : i32
      %add3A_63 = arith.addi %add3A_30, %add3A_62 : i32
      %dma_start3A_64 = arith.constant 0 : i32
      %dma_start3A_65 = tpu.memref_slice %arg3[%add3A_63, %dma_start3A_64] : memref<12544x128xi32, #tpu.memory_space<hbm>> -> memref<1x128xi32, #tpu.memory_space<hbm>>
      %dma_start3A_66 = tpu.memref_squeeze %dma_start3A_65 : memref<1x128xi32, #tpu.memory_space<hbm>> -> memref<128xi32, #tpu.memory_space<hbm>>
      %dma_start3A_67 = arith.constant 0 : i32
      %dma_start3A_68 = tpu.memref_slice %arg3[%add3A_63, %dma_start3A_67] : memref<12544x128xi32, #tpu.memory_space<hbm>> -> memref<1x128xi32, #tpu.memory_space<hbm>>
      %dma_start3A_69 = tpu.memref_squeeze %dma_start3A_68 : memref<1x128xi32, #tpu.memory_space<hbm>> -> memref<128xi32, #tpu.memory_space<hbm>>
      tpu.enqueue_dma source(%dma_start3A_69 : memref<128xi32, #tpu.memory_space<hbm>>) target(%arg8 : memref<128xi32, #tpu.memory_space<vmem>>) target_semaphore(%arg24 : memref<!tpu.dma_semaphore, #tpu.memory_space<semaphore_mem>>)
      %add3A_70 = arith.constant 2 : i32
      %add3A_71 = arith.addi %add3A_30, %add3A_70 : i32
      %mul3A_72 = arith.constant 128 : i32
      %mul3A_73 = arith.muli %add3A_71, %mul3A_72 : i32
      %dma_start3A_74 = arith.constant 0 : i32
      %dma_start3A_75 = tpu.memref_slice %arg2[%mul3A_73, %dma_start3A_74] : memref<1605632x4xf32, #tpu.memory_space<hbm>> -> memref<128x4xf32, #tpu.memory_space<hbm>>
      %dma_start3A_76 = arith.constant 0 : i32
      %dma_start3A_77 = tpu.memref_slice %arg2[%mul3A_73, %dma_start3A_76] : memref<1605632x4xf32, #tpu.memory_space<hbm>> -> memref<128x4xf32, #tpu.memory_space<hbm>>
      tpu.enqueue_dma source(%dma_start3A_77 : memref<128x4xf32, #tpu.memory_space<hbm>>) target(%arg16 : memref<128x4xf32, #tpu.memory_space<vmem>>) target_semaphore(%arg24 : memref<!tpu.dma_semaphore, #tpu.memory_space<semaphore_mem>>)
      %add3A_78 = arith.constant 3 : i32
      %add3A_79 = arith.addi %add3A_30, %add3A_78 : i32
      %dma_start3A_80 = arith.constant 0 : i32
      %dma_start3A_81 = tpu.memref_slice %arg3[%add3A_79, %dma_start3A_80] : memref<12544x128xi32, #tpu.memory_space<hbm>> -> memref<1x128xi32, #tpu.memory_space<hbm>>
      %dma_start3A_82 = tpu.memref_squeeze %dma_start3A_81 : memref<1x128xi32, #tpu.memory_space<hbm>> -> memref<128xi32, #tpu.memory_space<hbm>>
      %dma_start3A_83 = arith.constant 0 : i32
      %dma_start3A_84 = tpu.memref_slice %arg3[%add3A_79, %dma_start3A_83] : memref<12544x128xi32, #tpu.memory_space<hbm>> -> memref<1x128xi32, #tpu.memory_space<hbm>>
      %dma_start3A_85 = tpu.memref_squeeze %dma_start3A_84 : memref<1x128xi32, #tpu.memory_space<hbm>> -> memref<128xi32, #tpu.memory_space<hbm>>
      tpu.enqueue_dma source(%dma_start3A_85 : memref<128xi32, #tpu.memory_space<hbm>>) target(%arg9 : memref<128xi32, #tpu.memory_space<vmem>>) target_semaphore(%arg24 : memref<!tpu.dma_semaphore, #tpu.memory_space<semaphore_mem>>)
      %add3A_86 = arith.constant 3 : i32
      %add3A_87 = arith.addi %add3A_30, %add3A_86 : i32
      %mul3A_88 = arith.constant 128 : i32
      %mul3A_89 = arith.muli %add3A_87, %mul3A_88 : i32
      %dma_start3A_90 = arith.constant 0 : i32
      %dma_start3A_91 = tpu.memref_slice %arg2[%mul3A_89, %dma_start3A_90] : memref<1605632x4xf32, #tpu.memory_space<hbm>> -> memref<128x4xf32, #tpu.memory_space<hbm>>
      %dma_start3A_92 = arith.constant 0 : i32
      %dma_start3A_93 = tpu.memref_slice %arg2[%mul3A_89, %dma_start3A_92] : memref<1605632x4xf32, #tpu.memory_space<hbm>> -> memref<128x4xf32, #tpu.memory_space<hbm>>
      tpu.enqueue_dma source(%dma_start3A_93 : memref<128x4xf32, #tpu.memory_space<hbm>>) target(%arg17 : memref<128x4xf32, #tpu.memory_space<vmem>>) target_semaphore(%arg24 : memref<!tpu.dma_semaphore, #tpu.memory_space<semaphore_mem>>)
      %add3A_94 = arith.constant 4 : i32
      %add3A_95 = arith.addi %add3A_30, %add3A_94 : i32
      %dma_start3A_96 = arith.constant 0 : i32
      %dma_start3A_97 = tpu.memref_slice %arg3[%add3A_95, %dma_start3A_96] : memref<12544x128xi32, #tpu.memory_space<hbm>> -> memref<1x128xi32, #tpu.memory_space<hbm>>
      %dma_start3A_98 = tpu.memref_squeeze %dma_start3A_97 : memref<1x128xi32, #tpu.memory_space<hbm>> -> memref<128xi32, #tpu.memory_space<hbm>>
      %dma_start3A_99 = arith.constant 0 : i32
      %dma_start3A_100 = tpu.memref_slice %arg3[%add3A_95, %dma_start3A_99] : memref<12544x128xi32, #tpu.memory_space<hbm>> -> memref<1x128xi32, #tpu.memory_space<hbm>>
      %dma_start3A_101 = tpu.memref_squeeze %dma_start3A_100 : memref<1x128xi32, #tpu.memory_space<hbm>> -> memref<128xi32, #tpu.memory_space<hbm>>
      tpu.enqueue_dma source(%dma_start3A_101 : memref<128xi32, #tpu.memory_space<hbm>>) target(%arg10 : memref<128xi32, #tpu.memory_space<vmem>>) target_semaphore(%arg24 : memref<!tpu.dma_semaphore, #tpu.memory_space<semaphore_mem>>)
      %add3A_102 = arith.constant 4 : i32
      %add3A_103 = arith.addi %add3A_30, %add3A_102 : i32
      %mul3A_104 = arith.constant 128 : i32
      %mul3A_105 = arith.muli %add3A_103, %mul3A_104 : i32
      %dma_start3A_106 = arith.constant 0 : i32
      %dma_start3A_107 = tpu.memref_slice %arg2[%mul3A_105, %dma_start3A_106] : memref<1605632x4xf32, #tpu.memory_space<hbm>> -> memref<128x4xf32, #tpu.memory_space<hbm>>
      %dma_start3A_108 = arith.constant 0 : i32
      %dma_start3A_109 = tpu.memref_slice %arg2[%mul3A_105, %dma_start3A_108] : memref<1605632x4xf32, #tpu.memory_space<hbm>> -> memref<128x4xf32, #tpu.memory_space<hbm>>
      tpu.enqueue_dma source(%dma_start3A_109 : memref<128x4xf32, #tpu.memory_space<hbm>>) target(%arg18 : memref<128x4xf32, #tpu.memory_space<vmem>>) target_semaphore(%arg24 : memref<!tpu.dma_semaphore, #tpu.memory_space<semaphore_mem>>)
      %add3A_110 = arith.constant 5 : i32
      %add3A_111 = arith.addi %add3A_30, %add3A_110 : i32
      %dma_start3A_112 = arith.constant 0 : i32
      %dma_start3A_113 = tpu.memref_slice %arg3[%add3A_111, %dma_start3A_112] : memref<12544x128xi32, #tpu.memory_space<hbm>> -> memref<1x128xi32, #tpu.memory_space<hbm>>
      %dma_start3A_114 = tpu.memref_squeeze %dma_start3A_113 : memref<1x128xi32, #tpu.memory_space<hbm>> -> memref<128xi32, #tpu.memory_space<hbm>>
      %dma_start3A_115 = arith.constant 0 : i32
      %dma_start3A_116 = tpu.memref_slice %arg3[%add3A_111, %dma_start3A_115] : memref<12544x128xi32, #tpu.memory_space<hbm>> -> memref<1x128xi32, #tpu.memory_space<hbm>>
      %dma_start3A_117 = tpu.memref_squeeze %dma_start3A_116 : memref<1x128xi32, #tpu.memory_space<hbm>> -> memref<128xi32, #tpu.memory_space<hbm>>
      tpu.enqueue_dma source(%dma_start3A_117 : memref<128xi32, #tpu.memory_space<hbm>>) target(%arg11 : memref<128xi32, #tpu.memory_space<vmem>>) target_semaphore(%arg24 : memref<!tpu.dma_semaphore, #tpu.memory_space<semaphore_mem>>)
      %add3A_118 = arith.constant 5 : i32
      %add3A_119 = arith.addi %add3A_30, %add3A_118 : i32
      %mul3A_120 = arith.constant 128 : i32
      %mul3A_121 = arith.muli %add3A_119, %mul3A_120 : i32
      %dma_start3A_122 = arith.constant 0 : i32
      %dma_start3A_123 = tpu.memref_slice %arg2[%mul3A_121, %dma_start3A_122] : memref<1605632x4xf32, #tpu.memory_space<hbm>> -> memref<128x4xf32, #tpu.memory_space<hbm>>
      %dma_start3A_124 = arith.constant 0 : i32
      %dma_start3A_125 = tpu.memref_slice %arg2[%mul3A_121, %dma_start3A_124] : memref<1605632x4xf32, #tpu.memory_space<hbm>> -> memref<128x4xf32, #tpu.memory_space<hbm>>
      tpu.enqueue_dma source(%dma_start3A_125 : memref<128x4xf32, #tpu.memory_space<hbm>>) target(%arg19 : memref<128x4xf32, #tpu.memory_space<vmem>>) target_semaphore(%arg24 : memref<!tpu.dma_semaphore, #tpu.memory_space<semaphore_mem>>)
      %add3A_126 = arith.constant 6 : i32
      %add3A_127 = arith.addi %add3A_30, %add3A_126 : i32
      %dma_start3A_128 = arith.constant 0 : i32
      %dma_start3A_129 = tpu.memref_slice %arg3[%add3A_127, %dma_start3A_128] : memref<12544x128xi32, #tpu.memory_space<hbm>> -> memref<1x128xi32, #tpu.memory_space<hbm>>
      %dma_start3A_130 = tpu.memref_squeeze %dma_start3A_129 : memref<1x128xi32, #tpu.memory_space<hbm>> -> memref<128xi32, #tpu.memory_space<hbm>>
      %dma_start3A_131 = arith.constant 0 : i32
      %dma_start3A_132 = tpu.memref_slice %arg3[%add3A_127, %dma_start3A_131] : memref<12544x128xi32, #tpu.memory_space<hbm>> -> memref<1x128xi32, #tpu.memory_space<hbm>>
      %dma_start3A_133 = tpu.memref_squeeze %dma_start3A_132 : memref<1x128xi32, #tpu.memory_space<hbm>> -> memref<128xi32, #tpu.memory_space<hbm>>
      tpu.enqueue_dma source(%dma_start3A_133 : memref<128xi32, #tpu.memory_space<hbm>>) target(%arg12 : memref<128xi32, #tpu.memory_space<vmem>>) target_semaphore(%arg24 : memref<!tpu.dma_semaphore, #tpu.memory_space<semaphore_mem>>)
      %add3A_134 = arith.constant 6 : i32
      %add3A_135 = arith.addi %add3A_30, %add3A_134 : i32
      %mul3A_136 = arith.constant 128 : i32
      %mul3A_137 = arith.muli %add3A_135, %mul3A_136 : i32
      %dma_start3A_138 = arith.constant 0 : i32
      %dma_start3A_139 = tpu.memref_slice %arg2[%mul3A_137, %dma_start3A_138] : memref<1605632x4xf32, #tpu.memory_space<hbm>> -> memref<128x4xf32, #tpu.memory_space<hbm>>
      %dma_start3A_140 = arith.constant 0 : i32
      %dma_start3A_141 = tpu.memref_slice %arg2[%mul3A_137, %dma_start3A_140] : memref<1605632x4xf32, #tpu.memory_space<hbm>> -> memref<128x4xf32, #tpu.memory_space<hbm>>
      tpu.enqueue_dma source(%dma_start3A_141 : memref<128x4xf32, #tpu.memory_space<hbm>>) target(%arg20 : memref<128x4xf32, #tpu.memory_space<vmem>>) target_semaphore(%arg24 : memref<!tpu.dma_semaphore, #tpu.memory_space<semaphore_mem>>)
      %add3A_142 = arith.constant 7 : i32
      %add3A_143 = arith.addi %add3A_30, %add3A_142 : i32
      %dma_start3A_144 = arith.constant 0 : i32
      %dma_start3A_145 = tpu.memref_slice %arg3[%add3A_143, %dma_start3A_144] : memref<12544x128xi32, #tpu.memory_space<hbm>> -> memref<1x128xi32, #tpu.memory_space<hbm>>
      %dma_start3A_146 = tpu.memref_squeeze %dma_start3A_145 : memref<1x128xi32, #tpu.memory_space<hbm>> -> memref<128xi32, #tpu.memory_space<hbm>>
      %dma_start3A_147 = arith.constant 0 : i32
      %dma_start3A_148 = tpu.memref_slice %arg3[%add3A_143, %dma_start3A_147] : memref<12544x128xi32, #tpu.memory_space<hbm>> -> memref<1x128xi32, #tpu.memory_space<hbm>>
      %dma_start3A_149 = tpu.memref_squeeze %dma_start3A_148 : memref<1x128xi32, #tpu.memory_space<hbm>> -> memref<128xi32, #tpu.memory_space<hbm>>
      tpu.enqueue_dma source(%dma_start3A_149 : memref<128xi32, #tpu.memory_space<hbm>>) target(%arg13 : memref<128xi32, #tpu.memory_space<vmem>>) target_semaphore(%arg24 : memref<!tpu.dma_semaphore, #tpu.memory_space<semaphore_mem>>)
      %add3A_150 = arith.constant 7 : i32
      %add3A_151 = arith.addi %add3A_30, %add3A_150 : i32
      %mul3A_152 = arith.constant 128 : i32
      %mul3A_153 = arith.muli %add3A_151, %mul3A_152 : i32
      %dma_start3A_154 = arith.constant 0 : i32
      %dma_start3A_155 = tpu.memref_slice %arg2[%mul3A_153, %dma_start3A_154] : memref<1605632x4xf32, #tpu.memory_space<hbm>> -> memref<128x4xf32, #tpu.memory_space<hbm>>
      %dma_start3A_156 = arith.constant 0 : i32
      %dma_start3A_157 = tpu.memref_slice %arg2[%mul3A_153, %dma_start3A_156] : memref<1605632x4xf32, #tpu.memory_space<hbm>> -> memref<128x4xf32, #tpu.memory_space<hbm>>
      tpu.enqueue_dma source(%dma_start3A_157 : memref<128x4xf32, #tpu.memory_space<hbm>>) target(%arg21 : memref<128x4xf32, #tpu.memory_space<vmem>>) target_semaphore(%arg24 : memref<!tpu.dma_semaphore, #tpu.memory_space<semaphore_mem>>)
      %dma_wait3A = arith.constant 0 : i32
      %dma_wait3A_158 = tpu.memref_slice %arg3[%add3A_32, %dma_wait3A] : memref<12544x128xi32, #tpu.memory_space<hbm>> -> memref<1x128xi32, #tpu.memory_space<hbm>>
      %dma_wait3A_159 = tpu.memref_squeeze %dma_wait3A_158 : memref<1x128xi32, #tpu.memory_space<hbm>> -> memref<128xi32, #tpu.memory_space<hbm>>
      %dma_wait3A_160 = arith.constant 0 : i32
      %dma_wait3A_161 = tpu.memref_slice %arg3[%add3A_32, %dma_wait3A_160] : memref<12544x128xi32, #tpu.memory_space<hbm>> -> memref<1x128xi32, #tpu.memory_space<hbm>>
      %dma_wait3A_162 = tpu.memref_squeeze %dma_wait3A_161 : memref<1x128xi32, #tpu.memory_space<hbm>> -> memref<128xi32, #tpu.memory_space<hbm>>
      tpu.wait_dma2 semaphore(%arg24 : memref<!tpu.dma_semaphore, #tpu.memory_space<semaphore_mem>>) src(%dma_wait3A_162 : memref<128xi32, #tpu.memory_space<hbm>>) dst(%arg6 : memref<128xi32, #tpu.memory_space<vmem>>)
      %dma_wait3A_163 = arith.constant 0 : i32
      %dma_wait3A_164 = tpu.memref_slice %arg2[%mul3A_41, %dma_wait3A_163] : memref<1605632x4xf32, #tpu.memory_space<hbm>> -> memref<128x4xf32, #tpu.memory_space<hbm>>
      %dma_wait3A_165 = arith.constant 0 : i32
      %dma_wait3A_166 = tpu.memref_slice %arg2[%mul3A_41, %dma_wait3A_165] : memref<1605632x4xf32, #tpu.memory_space<hbm>> -> memref<128x4xf32, #tpu.memory_space<hbm>>
      tpu.wait_dma2 semaphore(%arg24 : memref<!tpu.dma_semaphore, #tpu.memory_space<semaphore_mem>>) src(%dma_wait3A_166 : memref<128x4xf32, #tpu.memory_space<hbm>>) dst(%arg14 : memref<128x4xf32, #tpu.memory_space<vmem>>)
      %dma_wait3A_167 = arith.constant 0 : i32
      %dma_wait3A_168 = tpu.memref_slice %arg3[%add3A_47, %dma_wait3A_167] : memref<12544x128xi32, #tpu.memory_space<hbm>> -> memref<1x128xi32, #tpu.memory_space<hbm>>
      %dma_wait3A_169 = tpu.memref_squeeze %dma_wait3A_168 : memref<1x128xi32, #tpu.memory_space<hbm>> -> memref<128xi32, #tpu.memory_space<hbm>>
      %dma_wait3A_170 = arith.constant 0 : i32
      %dma_wait3A_171 = tpu.memref_slice %arg3[%add3A_47, %dma_wait3A_170] : memref<12544x128xi32, #tpu.memory_space<hbm>> -> memref<1x128xi32, #tpu.memory_space<hbm>>
      %dma_wait3A_172 = tpu.memref_squeeze %dma_wait3A_171 : memref<1x128xi32, #tpu.memory_space<hbm>> -> memref<128xi32, #tpu.memory_space<hbm>>
      tpu.wait_dma2 semaphore(%arg24 : memref<!tpu.dma_semaphore, #tpu.memory_space<semaphore_mem>>) src(%dma_wait3A_172 : memref<128xi32, #tpu.memory_space<hbm>>) dst(%arg7 : memref<128xi32, #tpu.memory_space<vmem>>)
      %dma_wait3A_173 = arith.constant 0 : i32
      %dma_wait3A_174 = tpu.memref_slice %arg2[%mul3A_57, %dma_wait3A_173] : memref<1605632x4xf32, #tpu.memory_space<hbm>> -> memref<128x4xf32, #tpu.memory_space<hbm>>
      %dma_wait3A_175 = arith.constant 0 : i32
      %dma_wait3A_176 = tpu.memref_slice %arg2[%mul3A_57, %dma_wait3A_175] : memref<1605632x4xf32, #tpu.memory_space<hbm>> -> memref<128x4xf32, #tpu.memory_space<hbm>>
      tpu.wait_dma2 semaphore(%arg24 : memref<!tpu.dma_semaphore, #tpu.memory_space<semaphore_mem>>) src(%dma_wait3A_176 : memref<128x4xf32, #tpu.memory_space<hbm>>) dst(%arg15 : memref<128x4xf32, #tpu.memory_space<vmem>>)
      %dma_wait3A_177 = arith.constant 0 : i32
      %dma_wait3A_178 = tpu.memref_slice %arg3[%add3A_63, %dma_wait3A_177] : memref<12544x128xi32, #tpu.memory_space<hbm>> -> memref<1x128xi32, #tpu.memory_space<hbm>>
      %dma_wait3A_179 = tpu.memref_squeeze %dma_wait3A_178 : memref<1x128xi32, #tpu.memory_space<hbm>> -> memref<128xi32, #tpu.memory_space<hbm>>
      %dma_wait3A_180 = arith.constant 0 : i32
      %dma_wait3A_181 = tpu.memref_slice %arg3[%add3A_63, %dma_wait3A_180] : memref<12544x128xi32, #tpu.memory_space<hbm>> -> memref<1x128xi32, #tpu.memory_space<hbm>>
      %dma_wait3A_182 = tpu.memref_squeeze %dma_wait3A_181 : memref<1x128xi32, #tpu.memory_space<hbm>> -> memref<128xi32, #tpu.memory_space<hbm>>
      tpu.wait_dma2 semaphore(%arg24 : memref<!tpu.dma_semaphore, #tpu.memory_space<semaphore_mem>>) src(%dma_wait3A_182 : memref<128xi32, #tpu.memory_space<hbm>>) dst(%arg8 : memref<128xi32, #tpu.memory_space<vmem>>)
      %dma_wait3A_183 = arith.constant 0 : i32
      %dma_wait3A_184 = tpu.memref_slice %arg2[%mul3A_73, %dma_wait3A_183] : memref<1605632x4xf32, #tpu.memory_space<hbm>> -> memref<128x4xf32, #tpu.memory_space<hbm>>
      %dma_wait3A_185 = arith.constant 0 : i32
      %dma_wait3A_186 = tpu.memref_slice %arg2[%mul3A_73, %dma_wait3A_185] : memref<1605632x4xf32, #tpu.memory_space<hbm>> -> memref<128x4xf32, #tpu.memory_space<hbm>>
      tpu.wait_dma2 semaphore(%arg24 : memref<!tpu.dma_semaphore, #tpu.memory_space<semaphore_mem>>) src(%dma_wait3A_186 : memref<128x4xf32, #tpu.memory_space<hbm>>) dst(%arg16 : memref<128x4xf32, #tpu.memory_space<vmem>>)
      %dma_wait3A_187 = arith.constant 0 : i32
      %dma_wait3A_188 = tpu.memref_slice %arg3[%add3A_79, %dma_wait3A_187] : memref<12544x128xi32, #tpu.memory_space<hbm>> -> memref<1x128xi32, #tpu.memory_space<hbm>>
      %dma_wait3A_189 = tpu.memref_squeeze %dma_wait3A_188 : memref<1x128xi32, #tpu.memory_space<hbm>> -> memref<128xi32, #tpu.memory_space<hbm>>
      %dma_wait3A_190 = arith.constant 0 : i32
      %dma_wait3A_191 = tpu.memref_slice %arg3[%add3A_79, %dma_wait3A_190] : memref<12544x128xi32, #tpu.memory_space<hbm>> -> memref<1x128xi32, #tpu.memory_space<hbm>>
      %dma_wait3A_192 = tpu.memref_squeeze %dma_wait3A_191 : memref<1x128xi32, #tpu.memory_space<hbm>> -> memref<128xi32, #tpu.memory_space<hbm>>
      tpu.wait_dma2 semaphore(%arg24 : memref<!tpu.dma_semaphore, #tpu.memory_space<semaphore_mem>>) src(%dma_wait3A_192 : memref<128xi32, #tpu.memory_space<hbm>>) dst(%arg9 : memref<128xi32, #tpu.memory_space<vmem>>)
      %dma_wait3A_193 = arith.constant 0 : i32
      %dma_wait3A_194 = tpu.memref_slice %arg2[%mul3A_89, %dma_wait3A_193] : memref<1605632x4xf32, #tpu.memory_space<hbm>> -> memref<128x4xf32, #tpu.memory_space<hbm>>
      %dma_wait3A_195 = arith.constant 0 : i32
      %dma_wait3A_196 = tpu.memref_slice %arg2[%mul3A_89, %dma_wait3A_195] : memref<1605632x4xf32, #tpu.memory_space<hbm>> -> memref<128x4xf32, #tpu.memory_space<hbm>>
      tpu.wait_dma2 semaphore(%arg24 : memref<!tpu.dma_semaphore, #tpu.memory_space<semaphore_mem>>) src(%dma_wait3A_196 : memref<128x4xf32, #tpu.memory_space<hbm>>) dst(%arg17 : memref<128x4xf32, #tpu.memory_space<vmem>>)
      %dma_wait3A_197 = arith.constant 0 : i32
      %dma_wait3A_198 = tpu.memref_slice %arg3[%add3A_95, %dma_wait3A_197] : memref<12544x128xi32, #tpu.memory_space<hbm>> -> memref<1x128xi32, #tpu.memory_space<hbm>>
      %dma_wait3A_199 = tpu.memref_squeeze %dma_wait3A_198 : memref<1x128xi32, #tpu.memory_space<hbm>> -> memref<128xi32, #tpu.memory_space<hbm>>
      %dma_wait3A_200 = arith.constant 0 : i32
      %dma_wait3A_201 = tpu.memref_slice %arg3[%add3A_95, %dma_wait3A_200] : memref<12544x128xi32, #tpu.memory_space<hbm>> -> memref<1x128xi32, #tpu.memory_space<hbm>>
      %dma_wait3A_202 = tpu.memref_squeeze %dma_wait3A_201 : memref<1x128xi32, #tpu.memory_space<hbm>> -> memref<128xi32, #tpu.memory_space<hbm>>
      tpu.wait_dma2 semaphore(%arg24 : memref<!tpu.dma_semaphore, #tpu.memory_space<semaphore_mem>>) src(%dma_wait3A_202 : memref<128xi32, #tpu.memory_space<hbm>>) dst(%arg10 : memref<128xi32, #tpu.memory_space<vmem>>)
      %dma_wait3A_203 = arith.constant 0 : i32
      %dma_wait3A_204 = tpu.memref_slice %arg2[%mul3A_105, %dma_wait3A_203] : memref<1605632x4xf32, #tpu.memory_space<hbm>> -> memref<128x4xf32, #tpu.memory_space<hbm>>
      %dma_wait3A_205 = arith.constant 0 : i32
      %dma_wait3A_206 = tpu.memref_slice %arg2[%mul3A_105, %dma_wait3A_205] : memref<1605632x4xf32, #tpu.memory_space<hbm>> -> memref<128x4xf32, #tpu.memory_space<hbm>>
      tpu.wait_dma2 semaphore(%arg24 : memref<!tpu.dma_semaphore, #tpu.memory_space<semaphore_mem>>) src(%dma_wait3A_206 : memref<128x4xf32, #tpu.memory_space<hbm>>) dst(%arg18 : memref<128x4xf32, #tpu.memory_space<vmem>>)
      %dma_wait3A_207 = arith.constant 0 : i32
      %dma_wait3A_208 = tpu.memref_slice %arg3[%add3A_111, %dma_wait3A_207] : memref<12544x128xi32, #tpu.memory_space<hbm>> -> memref<1x128xi32, #tpu.memory_space<hbm>>
      %dma_wait3A_209 = tpu.memref_squeeze %dma_wait3A_208 : memref<1x128xi32, #tpu.memory_space<hbm>> -> memref<128xi32, #tpu.memory_space<hbm>>
      %dma_wait3A_210 = arith.constant 0 : i32
      %dma_wait3A_211 = tpu.memref_slice %arg3[%add3A_111, %dma_wait3A_210] : memref<12544x128xi32, #tpu.memory_space<hbm>> -> memref<1x128xi32, #tpu.memory_space<hbm>>
      %dma_wait3A_212 = tpu.memref_squeeze %dma_wait3A_211 : memref<1x128xi32, #tpu.memory_space<hbm>> -> memref<128xi32, #tpu.memory_space<hbm>>
      tpu.wait_dma2 semaphore(%arg24 : memref<!tpu.dma_semaphore, #tpu.memory_space<semaphore_mem>>) src(%dma_wait3A_212 : memref<128xi32, #tpu.memory_space<hbm>>) dst(%arg11 : memref<128xi32, #tpu.memory_space<vmem>>)
      %dma_wait3A_213 = arith.constant 0 : i32
      %dma_wait3A_214 = tpu.memref_slice %arg2[%mul3A_121, %dma_wait3A_213] : memref<1605632x4xf32, #tpu.memory_space<hbm>> -> memref<128x4xf32, #tpu.memory_space<hbm>>
      %dma_wait3A_215 = arith.constant 0 : i32
      %dma_wait3A_216 = tpu.memref_slice %arg2[%mul3A_121, %dma_wait3A_215] : memref<1605632x4xf32, #tpu.memory_space<hbm>> -> memref<128x4xf32, #tpu.memory_space<hbm>>
      tpu.wait_dma2 semaphore(%arg24 : memref<!tpu.dma_semaphore, #tpu.memory_space<semaphore_mem>>) src(%dma_wait3A_216 : memref<128x4xf32, #tpu.memory_space<hbm>>) dst(%arg19 : memref<128x4xf32, #tpu.memory_space<vmem>>)
      %dma_wait3A_217 = arith.constant 0 : i32
      %dma_wait3A_218 = tpu.memref_slice %arg3[%add3A_127, %dma_wait3A_217] : memref<12544x128xi32, #tpu.memory_space<hbm>> -> memref<1x128xi32, #tpu.memory_space<hbm>>
      %dma_wait3A_219 = tpu.memref_squeeze %dma_wait3A_218 : memref<1x128xi32, #tpu.memory_space<hbm>> -> memref<128xi32, #tpu.memory_space<hbm>>
      %dma_wait3A_220 = arith.constant 0 : i32
      %dma_wait3A_221 = tpu.memref_slice %arg3[%add3A_127, %dma_wait3A_220] : memref<12544x128xi32, #tpu.memory_space<hbm>> -> memref<1x128xi32, #tpu.memory_space<hbm>>
      %dma_wait3A_222 = tpu.memref_squeeze %dma_wait3A_221 : memref<1x128xi32, #tpu.memory_space<hbm>> -> memref<128xi32, #tpu.memory_space<hbm>>
      tpu.wait_dma2 semaphore(%arg24 : memref<!tpu.dma_semaphore, #tpu.memory_space<semaphore_mem>>) src(%dma_wait3A_222 : memref<128xi32, #tpu.memory_space<hbm>>) dst(%arg12 : memref<128xi32, #tpu.memory_space<vmem>>)
      %dma_wait3A_223 = arith.constant 0 : i32
      %dma_wait3A_224 = tpu.memref_slice %arg2[%mul3A_137, %dma_wait3A_223] : memref<1605632x4xf32, #tpu.memory_space<hbm>> -> memref<128x4xf32, #tpu.memory_space<hbm>>
      %dma_wait3A_225 = arith.constant 0 : i32
      %dma_wait3A_226 = tpu.memref_slice %arg2[%mul3A_137, %dma_wait3A_225] : memref<1605632x4xf32, #tpu.memory_space<hbm>> -> memref<128x4xf32, #tpu.memory_space<hbm>>
      tpu.wait_dma2 semaphore(%arg24 : memref<!tpu.dma_semaphore, #tpu.memory_space<semaphore_mem>>) src(%dma_wait3A_226 : memref<128x4xf32, #tpu.memory_space<hbm>>) dst(%arg20 : memref<128x4xf32, #tpu.memory_space<vmem>>)
      %dma_wait3A_227 = arith.constant 0 : i32
      %dma_wait3A_228 = tpu.memref_slice %arg3[%add3A_143, %dma_wait3A_227] : memref<12544x128xi32, #tpu.memory_space<hbm>> -> memref<1x128xi32, #tpu.memory_space<hbm>>
      %dma_wait3A_229 = tpu.memref_squeeze %dma_wait3A_228 : memref<1x128xi32, #tpu.memory_space<hbm>> -> memref<128xi32, #tpu.memory_space<hbm>>
      %dma_wait3A_230 = arith.constant 0 : i32
      %dma_wait3A_231 = tpu.memref_slice %arg3[%add3A_143, %dma_wait3A_230] : memref<12544x128xi32, #tpu.memory_space<hbm>> -> memref<1x128xi32, #tpu.memory_space<hbm>>
      %dma_wait3A_232 = tpu.memref_squeeze %dma_wait3A_231 : memref<1x128xi32, #tpu.memory_space<hbm>> -> memref<128xi32, #tpu.memory_space<hbm>>
      tpu.wait_dma2 semaphore(%arg24 : memref<!tpu.dma_semaphore, #tpu.memory_space<semaphore_mem>>) src(%dma_wait3A_232 : memref<128xi32, #tpu.memory_space<hbm>>) dst(%arg13 : memref<128xi32, #tpu.memory_space<vmem>>)
      %dma_wait3A_233 = arith.constant 0 : i32
      %dma_wait3A_234 = tpu.memref_slice %arg2[%mul3A_153, %dma_wait3A_233] : memref<1605632x4xf32, #tpu.memory_space<hbm>> -> memref<128x4xf32, #tpu.memory_space<hbm>>
      %dma_wait3A_235 = arith.constant 0 : i32
      %dma_wait3A_236 = tpu.memref_slice %arg2[%mul3A_153, %dma_wait3A_235] : memref<1605632x4xf32, #tpu.memory_space<hbm>> -> memref<128x4xf32, #tpu.memory_space<hbm>>
      tpu.wait_dma2 semaphore(%arg24 : memref<!tpu.dma_semaphore, #tpu.memory_space<semaphore_mem>>) src(%dma_wait3A_236 : memref<128x4xf32, #tpu.memory_space<hbm>>) dst(%arg21 : memref<128x4xf32, #tpu.memory_space<vmem>>)
      %dma_start3A_237 = arith.constant 0 : i32
      %dma_start3A_238 = arith.constant 0 : i32
      %dma_start3A_239 = tpu.memref_slice %arg22[%dma_start3A_237, %dma_start3A_238] : memref<100000x4xf32, #tpu.memory_space<vmem_shared>> -> memref<100000x4xf32, #tpu.memory_space<vmem_shared>>
      tpu.enqueue_indirect_dma source(%arg14 : memref<128x4xf32, #tpu.memory_space<vmem>>) target(%dma_start3A_239 : memref<100000x4xf32, #tpu.memory_space<vmem_shared>>) offsets(%arg6 : memref<128xi32, #tpu.memory_space<vmem>>) semaphore(%arg23 : memref<!tpu.dma_semaphore, #tpu.memory_space<semaphore_mem>>) {add = true}
      %dma_start3A_240 = arith.constant 0 : i32
      %dma_start3A_241 = arith.constant 0 : i32
      %dma_start3A_242 = tpu.memref_slice %arg22[%dma_start3A_240, %dma_start3A_241] : memref<100000x4xf32, #tpu.memory_space<vmem_shared>> -> memref<100000x4xf32, #tpu.memory_space<vmem_shared>>
      tpu.enqueue_indirect_dma source(%arg15 : memref<128x4xf32, #tpu.memory_space<vmem>>) target(%dma_start3A_242 : memref<100000x4xf32, #tpu.memory_space<vmem_shared>>) offsets(%arg7 : memref<128xi32, #tpu.memory_space<vmem>>) semaphore(%arg23 : memref<!tpu.dma_semaphore, #tpu.memory_space<semaphore_mem>>) {add = true}
      %dma_start3A_243 = arith.constant 0 : i32
      %dma_start3A_244 = arith.constant 0 : i32
      %dma_start3A_245 = tpu.memref_slice %arg22[%dma_start3A_243, %dma_start3A_244] : memref<100000x4xf32, #tpu.memory_space<vmem_shared>> -> memref<100000x4xf32, #tpu.memory_space<vmem_shared>>
      tpu.enqueue_indirect_dma source(%arg16 : memref<128x4xf32, #tpu.memory_space<vmem>>) target(%dma_start3A_245 : memref<100000x4xf32, #tpu.memory_space<vmem_shared>>) offsets(%arg8 : memref<128xi32, #tpu.memory_space<vmem>>) semaphore(%arg23 : memref<!tpu.dma_semaphore, #tpu.memory_space<semaphore_mem>>) {add = true}
      %dma_start3A_246 = arith.constant 0 : i32
      %dma_start3A_247 = arith.constant 0 : i32
      %dma_start3A_248 = tpu.memref_slice %arg22[%dma_start3A_246, %dma_start3A_247] : memref<100000x4xf32, #tpu.memory_space<vmem_shared>> -> memref<100000x4xf32, #tpu.memory_space<vmem_shared>>
      tpu.enqueue_indirect_dma source(%arg17 : memref<128x4xf32, #tpu.memory_space<vmem>>) target(%dma_start3A_248 : memref<100000x4xf32, #tpu.memory_space<vmem_shared>>) offsets(%arg9 : memref<128xi32, #tpu.memory_space<vmem>>) semaphore(%arg23 : memref<!tpu.dma_semaphore, #tpu.memory_space<semaphore_mem>>) {add = true}
      %dma_start3A_249 = arith.constant 0 : i32
      %dma_start3A_250 = arith.constant 0 : i32
      %dma_start3A_251 = tpu.memref_slice %arg22[%dma_start3A_249, %dma_start3A_250] : memref<100000x4xf32, #tpu.memory_space<vmem_shared>> -> memref<100000x4xf32, #tpu.memory_space<vmem_shared>>
      tpu.enqueue_indirect_dma source(%arg18 : memref<128x4xf32, #tpu.memory_space<vmem>>) target(%dma_start3A_251 : memref<100000x4xf32, #tpu.memory_space<vmem_shared>>) offsets(%arg10 : memref<128xi32, #tpu.memory_space<vmem>>) semaphore(%arg23 : memref<!tpu.dma_semaphore, #tpu.memory_space<semaphore_mem>>) {add = true}
      %dma_start3A_252 = arith.constant 0 : i32
      %dma_start3A_253 = arith.constant 0 : i32
      %dma_start3A_254 = tpu.memref_slice %arg22[%dma_start3A_252, %dma_start3A_253] : memref<100000x4xf32, #tpu.memory_space<vmem_shared>> -> memref<100000x4xf32, #tpu.memory_space<vmem_shared>>
      tpu.enqueue_indirect_dma source(%arg19 : memref<128x4xf32, #tpu.memory_space<vmem>>) target(%dma_start3A_254 : memref<100000x4xf32, #tpu.memory_space<vmem_shared>>) offsets(%arg11 : memref<128xi32, #tpu.memory_space<vmem>>) semaphore(%arg23 : memref<!tpu.dma_semaphore, #tpu.memory_space<semaphore_mem>>) {add = true}
      %dma_start3A_255 = arith.constant 0 : i32
      %dma_start3A_256 = arith.constant 0 : i32
      %dma_start3A_257 = tpu.memref_slice %arg22[%dma_start3A_255, %dma_start3A_256] : memref<100000x4xf32, #tpu.memory_space<vmem_shared>> -> memref<100000x4xf32, #tpu.memory_space<vmem_shared>>
      tpu.enqueue_indirect_dma source(%arg20 : memref<128x4xf32, #tpu.memory_space<vmem>>) target(%dma_start3A_257 : memref<100000x4xf32, #tpu.memory_space<vmem_shared>>) offsets(%arg12 : memref<128xi32, #tpu.memory_space<vmem>>) semaphore(%arg23 : memref<!tpu.dma_semaphore, #tpu.memory_space<semaphore_mem>>) {add = true}
      %dma_start3A_258 = arith.constant 0 : i32
      %dma_start3A_259 = arith.constant 0 : i32
      %dma_start3A_260 = tpu.memref_slice %arg22[%dma_start3A_258, %dma_start3A_259] : memref<100000x4xf32, #tpu.memory_space<vmem_shared>> -> memref<100000x4xf32, #tpu.memory_space<vmem_shared>>
      tpu.enqueue_indirect_dma source(%arg21 : memref<128x4xf32, #tpu.memory_space<vmem>>) target(%dma_start3A_260 : memref<100000x4xf32, #tpu.memory_space<vmem_shared>>) offsets(%arg13 : memref<128xi32, #tpu.memory_space<vmem>>) semaphore(%arg23 : memref<!tpu.dma_semaphore, #tpu.memory_space<semaphore_mem>>) {add = true}
      %dma_wait3A_261 = arith.constant 0 : i32
      %dma_wait3A_262 = arith.constant 0 : i32
      %dma_wait3A_263 = tpu.memref_slice %arg22[%dma_wait3A_261, %dma_wait3A_262] : memref<100000x4xf32, #tpu.memory_space<vmem_shared>> -> memref<100000x4xf32, #tpu.memory_space<vmem_shared>>
      tpu.wait_indirect_dma semaphore(%arg23 : memref<!tpu.dma_semaphore, #tpu.memory_space<semaphore_mem>>) src(%arg14 : memref<128x4xf32, #tpu.memory_space<vmem>>) dst(%dma_wait3A_263 : memref<100000x4xf32, #tpu.memory_space<vmem_shared>>)
      %dma_wait3A_264 = arith.constant 0 : i32
      %dma_wait3A_265 = arith.constant 0 : i32
      %dma_wait3A_266 = tpu.memref_slice %arg22[%dma_wait3A_264, %dma_wait3A_265] : memref<100000x4xf32, #tpu.memory_space<vmem_shared>> -> memref<100000x4xf32, #tpu.memory_space<vmem_shared>>
      tpu.wait_indirect_dma semaphore(%arg23 : memref<!tpu.dma_semaphore, #tpu.memory_space<semaphore_mem>>) src(%arg15 : memref<128x4xf32, #tpu.memory_space<vmem>>) dst(%dma_wait3A_266 : memref<100000x4xf32, #tpu.memory_space<vmem_shared>>)
      %dma_wait3A_267 = arith.constant 0 : i32
      %dma_wait3A_268 = arith.constant 0 : i32
      %dma_wait3A_269 = tpu.memref_slice %arg22[%dma_wait3A_267, %dma_wait3A_268] : memref<100000x4xf32, #tpu.memory_space<vmem_shared>> -> memref<100000x4xf32, #tpu.memory_space<vmem_shared>>
      tpu.wait_indirect_dma semaphore(%arg23 : memref<!tpu.dma_semaphore, #tpu.memory_space<semaphore_mem>>) src(%arg16 : memref<128x4xf32, #tpu.memory_space<vmem>>) dst(%dma_wait3A_269 : memref<100000x4xf32, #tpu.memory_space<vmem_shared>>)
      %dma_wait3A_270 = arith.constant 0 : i32
      %dma_wait3A_271 = arith.constant 0 : i32
      %dma_wait3A_272 = tpu.memref_slice %arg22[%dma_wait3A_270, %dma_wait3A_271] : memref<100000x4xf32, #tpu.memory_space<vmem_shared>> -> memref<100000x4xf32, #tpu.memory_space<vmem_shared>>
      tpu.wait_indirect_dma semaphore(%arg23 : memref<!tpu.dma_semaphore, #tpu.memory_space<semaphore_mem>>) src(%arg17 : memref<128x4xf32, #tpu.memory_space<vmem>>) dst(%dma_wait3A_272 : memref<100000x4xf32, #tpu.memory_space<vmem_shared>>)
      %dma_wait3A_273 = arith.constant 0 : i32
      %dma_wait3A_274 = arith.constant 0 : i32
      %dma_wait3A_275 = tpu.memref_slice %arg22[%dma_wait3A_273, %dma_wait3A_274] : memref<100000x4xf32, #tpu.memory_space<vmem_shared>> -> memref<100000x4xf32, #tpu.memory_space<vmem_shared>>
      tpu.wait_indirect_dma semaphore(%arg23 : memref<!tpu.dma_semaphore, #tpu.memory_space<semaphore_mem>>) src(%arg18 : memref<128x4xf32, #tpu.memory_space<vmem>>) dst(%dma_wait3A_275 : memref<100000x4xf32, #tpu.memory_space<vmem_shared>>)
      %dma_wait3A_276 = arith.constant 0 : i32
      %dma_wait3A_277 = arith.constant 0 : i32
      %dma_wait3A_278 = tpu.memref_slice %arg22[%dma_wait3A_276, %dma_wait3A_277] : memref<100000x4xf32, #tpu.memory_space<vmem_shared>> -> memref<100000x4xf32, #tpu.memory_space<vmem_shared>>
      tpu.wait_indirect_dma semaphore(%arg23 : memref<!tpu.dma_semaphore, #tpu.memory_space<semaphore_mem>>) src(%arg19 : memref<128x4xf32, #tpu.memory_space<vmem>>) dst(%dma_wait3A_278 : memref<100000x4xf32, #tpu.memory_space<vmem_shared>>)
      %dma_wait3A_279 = arith.constant 0 : i32
      %dma_wait3A_280 = arith.constant 0 : i32
      %dma_wait3A_281 = tpu.memref_slice %arg22[%dma_wait3A_279, %dma_wait3A_280] : memref<100000x4xf32, #tpu.memory_space<vmem_shared>> -> memref<100000x4xf32, #tpu.memory_space<vmem_shared>>
      tpu.wait_indirect_dma semaphore(%arg23 : memref<!tpu.dma_semaphore, #tpu.memory_space<semaphore_mem>>) src(%arg20 : memref<128x4xf32, #tpu.memory_space<vmem>>) dst(%dma_wait3A_281 : memref<100000x4xf32, #tpu.memory_space<vmem_shared>>)
      %dma_wait3A_282 = arith.constant 0 : i32
      %dma_wait3A_283 = arith.constant 0 : i32
      %dma_wait3A_284 = tpu.memref_slice %arg22[%dma_wait3A_282, %dma_wait3A_283] : memref<100000x4xf32, #tpu.memory_space<vmem_shared>> -> memref<100000x4xf32, #tpu.memory_space<vmem_shared>>
      tpu.wait_indirect_dma semaphore(%arg23 : memref<!tpu.dma_semaphore, #tpu.memory_space<semaphore_mem>>) src(%arg21 : memref<128x4xf32, #tpu.memory_space<vmem>>) dst(%dma_wait3A_284 : memref<100000x4xf32, #tpu.memory_space<vmem_shared>>)
    }
    %scan3A_15 = arith.constant 49 : i32
    %barrier3A_16 = arith.constant 0 : index
    tpu.barrier barrier_id(%barrier3A_16)
    %lt3A_17 = arith.constant 15 : i32
    %lt3A_18 = arith.cmpi slt, %arg1, %lt3A_17 : i32
    %convert_element_type3A_19 = arith.extui %lt3A_18 : i1 to i32
    %cond3A_20 = arith.constant 0 : i32
    %cond3A_21 = arith.cmpi ne, %convert_element_type3A_19, %cond3A_20 : i32
    scf.if %cond3A_21 {
      "tpu.region"() ({
        %run_scoped3A = tpu.sem_alloc : memref<!tpu.dma_semaphore, #tpu.memory_space<semaphore_mem>>
        %dma_start3A = arith.constant 0 : i32
        %dma_start3A_27 = tpu.memref_slice %arg5[%arg0, %mul3A_4, %dma_start3A] : memref<2x100000x4xf32, #tpu.memory_space<hbm>> -> memref<1x6256x4xf32, #tpu.memory_space<hbm>>
        %dma_start3A_28 = tpu.memref_squeeze %dma_start3A_27 : memref<1x6256x4xf32, #tpu.memory_space<hbm>> -> memref<6256x4xf32, #tpu.memory_space<hbm>>
        %dma_start3A_29 = arith.constant 0 : i32
        %dma_start3A_30 = tpu.memref_slice %arg22[%mul3A_4, %dma_start3A_29] : memref<100000x4xf32, #tpu.memory_space<vmem_shared>> -> memref<6256x4xf32, #tpu.memory_space<vmem_shared>>
        tpu.enqueue_dma source(%dma_start3A_30 : memref<6256x4xf32, #tpu.memory_space<vmem_shared>>) target(%dma_start3A_28 : memref<6256x4xf32, #tpu.memory_space<hbm>>) target_semaphore(%run_scoped3A : memref<!tpu.dma_semaphore, #tpu.memory_space<semaphore_mem>>)
        %dma_wait3A = arith.constant 0 : i32
        %dma_wait3A_31 = tpu.memref_slice %arg5[%arg0, %mul3A_4, %dma_wait3A] : memref<2x100000x4xf32, #tpu.memory_space<hbm>> -> memref<1x6256x4xf32, #tpu.memory_space<hbm>>
        %dma_wait3A_32 = tpu.memref_squeeze %dma_wait3A_31 : memref<1x6256x4xf32, #tpu.memory_space<hbm>> -> memref<6256x4xf32, #tpu.memory_space<hbm>>
        %dma_wait3A_33 = arith.constant 0 : i32
        %dma_wait3A_34 = tpu.memref_slice %arg22[%mul3A_4, %dma_wait3A_33] : memref<100000x4xf32, #tpu.memory_space<vmem_shared>> -> memref<6256x4xf32, #tpu.memory_space<vmem_shared>>
        tpu.wait_dma2 semaphore(%run_scoped3A : memref<!tpu.dma_semaphore, #tpu.memory_space<semaphore_mem>>) src(%dma_wait3A_34 : memref<6256x4xf32, #tpu.memory_space<vmem_shared>>) dst(%dma_wait3A_32 : memref<6256x4xf32, #tpu.memory_space<hbm>>)
        tpu.yield
      }) : () -> ()
    } else {
    }
    %eq3A_22 = arith.constant 15 : i32
    %eq3A_23 = arith.cmpi eq, %arg1, %eq3A_22 : i32
    %convert_element_type3A_24 = arith.extui %eq3A_23 : i1 to i32
    %cond3A_25 = arith.constant 0 : i32
    %cond3A_26 = arith.cmpi ne, %convert_element_type3A_24, %cond3A_25 : i32
    scf.if %cond3A_26 {
      "tpu.region"() ({
        %run_scoped3A = tpu.sem_alloc : memref<!tpu.dma_semaphore, #tpu.memory_space<semaphore_mem>>
        %dma_start3A = arith.constant 0 : i32
        %dma_start3A_27 = tpu.memref_slice %arg5[%arg0, %mul3A_4, %dma_start3A] : memref<2x100000x4xf32, #tpu.memory_space<hbm>> -> memref<1x6160x4xf32, #tpu.memory_space<hbm>>
        %dma_start3A_28 = tpu.memref_squeeze %dma_start3A_27 : memref<1x6160x4xf32, #tpu.memory_space<hbm>> -> memref<6160x4xf32, #tpu.memory_space<hbm>>
        %dma_start3A_29 = arith.constant 0 : i32
        %dma_start3A_30 = tpu.memref_slice %arg22[%mul3A_4, %dma_start3A_29] : memref<100000x4xf32, #tpu.memory_space<vmem_shared>> -> memref<6160x4xf32, #tpu.memory_space<vmem_shared>>
        tpu.enqueue_dma source(%dma_start3A_30 : memref<6160x4xf32, #tpu.memory_space<vmem_shared>>) target(%dma_start3A_28 : memref<6160x4xf32, #tpu.memory_space<hbm>>) target_semaphore(%run_scoped3A : memref<!tpu.dma_semaphore, #tpu.memory_space<semaphore_mem>>)
        %dma_wait3A = arith.constant 0 : i32
        %dma_wait3A_31 = tpu.memref_slice %arg5[%arg0, %mul3A_4, %dma_wait3A] : memref<2x100000x4xf32, #tpu.memory_space<hbm>> -> memref<1x6160x4xf32, #tpu.memory_space<hbm>>
        %dma_wait3A_32 = tpu.memref_squeeze %dma_wait3A_31 : memref<1x6160x4xf32, #tpu.memory_space<hbm>> -> memref<6160x4xf32, #tpu.memory_space<hbm>>
        %dma_wait3A_33 = arith.constant 0 : i32
        %dma_wait3A_34 = tpu.memref_slice %arg22[%mul3A_4, %dma_wait3A_33] : memref<100000x4xf32, #tpu.memory_space<vmem_shared>> -> memref<6160x4xf32, #tpu.memory_space<vmem_shared>>
        tpu.wait_dma2 semaphore(%run_scoped3A : memref<!tpu.dma_semaphore, #tpu.memory_space<semaphore_mem>>) src(%dma_wait3A_34 : memref<6160x4xf32, #tpu.memory_space<vmem_shared>>) dst(%dma_wait3A_32 : memref<6160x4xf32, #tpu.memory_space<hbm>>)
        tpu.yield
      }) : () -> ()
    } else {
    }
    return
  }
}

#map = affine_map<(d0, d1) -> (0, 0)>
module attributes {stable_mosaic.version = 14 : i64} {
  func.func @_sc_gather_body(%arg0: i32, %arg1: i32, %arg2: memref<100000x4xf32, #tpu.memory_space<hbm>>, %arg3: memref<12544x128xi32, #tpu.memory_space<hbm>>, %arg4: memref<12544x128xi32, #tpu.memory_space<hbm>>, %arg5: memref<1605632x4xf32, #tpu.memory_space<hbm>>, %arg6: memref<1605632x4xf32, #tpu.memory_space<hbm>>, %arg7: memref<8x128xi32, #tpu.memory_space<vmem>>, %arg8: memref<8x128xi32, #tpu.memory_space<vmem>>, %arg9: memref<1024x4xf32, #tpu.memory_space<vmem>>, %arg10: memref<1024x4xf32, #tpu.memory_space<vmem>>, %arg11: memref<!tpu.dma_semaphore, #tpu.memory_space<semaphore_mem>>) attributes {dimension_semantics = [#tpu.dimension_semantics<core_parallel>, #tpu.dimension_semantics<subcore_parallel>], iteration_bounds = array<i64: 2, 16>, scalar_prefetch = 0 : i64, scratch_operands = 5 : i64, tpu.core_type = #tpu.core_type<sc_vector_subcore>, window_params = [{transform_indices = #map}, {transform_indices = #map}, {transform_indices = #map}, {transform_indices = #map}, {transform_indices = #map}]} {
    %mul3A = arith.constant 16 : i32
    %mul3A_0 = arith.muli %arg0, %mul3A : i32
    %add3A = arith.addi %mul3A_0, %arg1 : i32
    %mul3A_1 = arith.constant 392 : i32
    %mul3A_2 = arith.muli %add3A, %mul3A_1 : i32
    %scan3A = arith.constant 0 : i32
    %scan3A_3 = arith.constant 0 : i32
    %scan3A_4 = arith.constant 49 : i32
    %scan3A_5 = arith.addi %scan3A_3, %scan3A_4 : i32
    %scan3A_6 = arith.constant 1 : i32
    scf.for %scan3A_8 = %scan3A_3 to %scan3A_5 step %scan3A_6  : i32 {
      %mul3A_9 = arith.constant 8 : i32
      %mul3A_10 = arith.muli %scan3A_8, %mul3A_9 : i32
      %add3A_11 = arith.addi %mul3A_2, %mul3A_10 : i32
      "tpu.region"() ({
        %run_scoped3A = tpu.sem_alloc : memref<!tpu.dma_semaphore, #tpu.memory_space<semaphore_mem>>
        %dma_start3A_334 = arith.constant 0 : i32
        %dma_start3A_335 = tpu.memref_slice %arg3[%add3A_11, %dma_start3A_334] : memref<12544x128xi32, #tpu.memory_space<hbm>> -> memref<8x128xi32, #tpu.memory_space<hbm>>
        %dma_start3A_336 = arith.constant 0 : i32
        %dma_start3A_337 = tpu.memref_slice %arg3[%add3A_11, %dma_start3A_336] : memref<12544x128xi32, #tpu.memory_space<hbm>> -> memref<8x128xi32, #tpu.memory_space<hbm>>
        tpu.enqueue_dma source(%dma_start3A_337 : memref<8x128xi32, #tpu.memory_space<hbm>>) target(%arg7 : memref<8x128xi32, #tpu.memory_space<vmem>>) target_semaphore(%run_scoped3A : memref<!tpu.dma_semaphore, #tpu.memory_space<semaphore_mem>>)
        %dma_wait3A_338 = arith.constant 0 : i32
        %dma_wait3A_339 = tpu.memref_slice %arg3[%add3A_11, %dma_wait3A_338] : memref<12544x128xi32, #tpu.memory_space<hbm>> -> memref<8x128xi32, #tpu.memory_space<hbm>>
        %dma_wait3A_340 = arith.constant 0 : i32
        %dma_wait3A_341 = tpu.memref_slice %arg3[%add3A_11, %dma_wait3A_340] : memref<12544x128xi32, #tpu.memory_space<hbm>> -> memref<8x128xi32, #tpu.memory_space<hbm>>
        tpu.wait_dma2 semaphore(%run_scoped3A : memref<!tpu.dma_semaphore, #tpu.memory_space<semaphore_mem>>) src(%dma_wait3A_341 : memref<8x128xi32, #tpu.memory_space<hbm>>) dst(%arg7 : memref<8x128xi32, #tpu.memory_space<vmem>>)
        tpu.yield
      }) : () -> ()
      %dma_start3A = arith.constant 0 : i32
      %dma_start3A_12 = arith.constant 0 : i32
      %dma_start3A_13 = arith.constant 0 : i32
      %dma_start3A_14 = tpu.memref_slice %arg9[%dma_start3A_12, %dma_start3A_13] : memref<1024x4xf32, #tpu.memory_space<vmem>> -> memref<128x4xf32, #tpu.memory_space<vmem>>
      %dma_start3A_15 = arith.constant 0 : i32
      %dma_start3A_16 = tpu.memref_slice %arg7[%dma_start3A, %dma_start3A_15] : memref<8x128xi32, #tpu.memory_space<vmem>> -> memref<1x128xi32, #tpu.memory_space<vmem>>
      %dma_start3A_17 = tpu.memref_squeeze %dma_start3A_16 : memref<1x128xi32, #tpu.memory_space<vmem>> -> memref<128xi32, #tpu.memory_space<vmem>>
      %dma_start3A_18 = arith.constant 0 : i32
      %dma_start3A_19 = arith.constant 0 : i32
      %dma_start3A_20 = tpu.memref_slice %arg2[%dma_start3A_18, %dma_start3A_19] : memref<100000x4xf32, #tpu.memory_space<hbm>> -> memref<100000x4xf32, #tpu.memory_space<hbm>>
      tpu.enqueue_indirect_dma source(%dma_start3A_20 : memref<100000x4xf32, #tpu.memory_space<hbm>>) target(%dma_start3A_14 : memref<128x4xf32, #tpu.memory_space<vmem>>) offsets(%dma_start3A_17 : memref<128xi32, #tpu.memory_space<vmem>>) semaphore(%arg11 : memref<!tpu.dma_semaphore, #tpu.memory_space<semaphore_mem>>)
      %dma_start3A_21 = arith.constant 1 : i32
      %dma_start3A_22 = arith.constant 128 : i32
      %dma_start3A_23 = arith.constant 0 : i32
      %dma_start3A_24 = tpu.memref_slice %arg9[%dma_start3A_22, %dma_start3A_23] : memref<1024x4xf32, #tpu.memory_space<vmem>> -> memref<128x4xf32, #tpu.memory_space<vmem>>
      %dma_start3A_25 = arith.constant 0 : i32
      %dma_start3A_26 = tpu.memref_slice %arg7[%dma_start3A_21, %dma_start3A_25] : memref<8x128xi32, #tpu.memory_space<vmem>> -> memref<1x128xi32, #tpu.memory_space<vmem>>
      %dma_start3A_27 = tpu.memref_squeeze %dma_start3A_26 : memref<1x128xi32, #tpu.memory_space<vmem>> -> memref<128xi32, #tpu.memory_space<vmem>>
      %dma_start3A_28 = arith.constant 0 : i32
      %dma_start3A_29 = arith.constant 0 : i32
      %dma_start3A_30 = tpu.memref_slice %arg2[%dma_start3A_28, %dma_start3A_29] : memref<100000x4xf32, #tpu.memory_space<hbm>> -> memref<100000x4xf32, #tpu.memory_space<hbm>>
      tpu.enqueue_indirect_dma source(%dma_start3A_30 : memref<100000x4xf32, #tpu.memory_space<hbm>>) target(%dma_start3A_24 : memref<128x4xf32, #tpu.memory_space<vmem>>) offsets(%dma_start3A_27 : memref<128xi32, #tpu.memory_space<vmem>>) semaphore(%arg11 : memref<!tpu.dma_semaphore, #tpu.memory_space<semaphore_mem>>)
      %dma_start3A_31 = arith.constant 2 : i32
      %dma_start3A_32 = arith.constant 256 : i32
      %dma_start3A_33 = arith.constant 0 : i32
      %dma_start3A_34 = tpu.memref_slice %arg9[%dma_start3A_32, %dma_start3A_33] : memref<1024x4xf32, #tpu.memory_space<vmem>> -> memref<128x4xf32, #tpu.memory_space<vmem>>
      %dma_start3A_35 = arith.constant 0 : i32
      %dma_start3A_36 = tpu.memref_slice %arg7[%dma_start3A_31, %dma_start3A_35] : memref<8x128xi32, #tpu.memory_space<vmem>> -> memref<1x128xi32, #tpu.memory_space<vmem>>
      %dma_start3A_37 = tpu.memref_squeeze %dma_start3A_36 : memref<1x128xi32, #tpu.memory_space<vmem>> -> memref<128xi32, #tpu.memory_space<vmem>>
      %dma_start3A_38 = arith.constant 0 : i32
      %dma_start3A_39 = arith.constant 0 : i32
      %dma_start3A_40 = tpu.memref_slice %arg2[%dma_start3A_38, %dma_start3A_39] : memref<100000x4xf32, #tpu.memory_space<hbm>> -> memref<100000x4xf32, #tpu.memory_space<hbm>>
      tpu.enqueue_indirect_dma source(%dma_start3A_40 : memref<100000x4xf32, #tpu.memory_space<hbm>>) target(%dma_start3A_34 : memref<128x4xf32, #tpu.memory_space<vmem>>) offsets(%dma_start3A_37 : memref<128xi32, #tpu.memory_space<vmem>>) semaphore(%arg11 : memref<!tpu.dma_semaphore, #tpu.memory_space<semaphore_mem>>)
      %dma_start3A_41 = arith.constant 3 : i32
      %dma_start3A_42 = arith.constant 384 : i32
      %dma_start3A_43 = arith.constant 0 : i32
      %dma_start3A_44 = tpu.memref_slice %arg9[%dma_start3A_42, %dma_start3A_43] : memref<1024x4xf32, #tpu.memory_space<vmem>> -> memref<128x4xf32, #tpu.memory_space<vmem>>
      %dma_start3A_45 = arith.constant 0 : i32
      %dma_start3A_46 = tpu.memref_slice %arg7[%dma_start3A_41, %dma_start3A_45] : memref<8x128xi32, #tpu.memory_space<vmem>> -> memref<1x128xi32, #tpu.memory_space<vmem>>
      %dma_start3A_47 = tpu.memref_squeeze %dma_start3A_46 : memref<1x128xi32, #tpu.memory_space<vmem>> -> memref<128xi32, #tpu.memory_space<vmem>>
      %dma_start3A_48 = arith.constant 0 : i32
      %dma_start3A_49 = arith.constant 0 : i32
      %dma_start3A_50 = tpu.memref_slice %arg2[%dma_start3A_48, %dma_start3A_49] : memref<100000x4xf32, #tpu.memory_space<hbm>> -> memref<100000x4xf32, #tpu.memory_space<hbm>>
      tpu.enqueue_indirect_dma source(%dma_start3A_50 : memref<100000x4xf32, #tpu.memory_space<hbm>>) target(%dma_start3A_44 : memref<128x4xf32, #tpu.memory_space<vmem>>) offsets(%dma_start3A_47 : memref<128xi32, #tpu.memory_space<vmem>>) semaphore(%arg11 : memref<!tpu.dma_semaphore, #tpu.memory_space<semaphore_mem>>)
      %dma_start3A_51 = arith.constant 4 : i32
      %dma_start3A_52 = arith.constant 512 : i32
      %dma_start3A_53 = arith.constant 0 : i32
      %dma_start3A_54 = tpu.memref_slice %arg9[%dma_start3A_52, %dma_start3A_53] : memref<1024x4xf32, #tpu.memory_space<vmem>> -> memref<128x4xf32, #tpu.memory_space<vmem>>
      %dma_start3A_55 = arith.constant 0 : i32
      %dma_start3A_56 = tpu.memref_slice %arg7[%dma_start3A_51, %dma_start3A_55] : memref<8x128xi32, #tpu.memory_space<vmem>> -> memref<1x128xi32, #tpu.memory_space<vmem>>
      %dma_start3A_57 = tpu.memref_squeeze %dma_start3A_56 : memref<1x128xi32, #tpu.memory_space<vmem>> -> memref<128xi32, #tpu.memory_space<vmem>>
      %dma_start3A_58 = arith.constant 0 : i32
      %dma_start3A_59 = arith.constant 0 : i32
      %dma_start3A_60 = tpu.memref_slice %arg2[%dma_start3A_58, %dma_start3A_59] : memref<100000x4xf32, #tpu.memory_space<hbm>> -> memref<100000x4xf32, #tpu.memory_space<hbm>>
      tpu.enqueue_indirect_dma source(%dma_start3A_60 : memref<100000x4xf32, #tpu.memory_space<hbm>>) target(%dma_start3A_54 : memref<128x4xf32, #tpu.memory_space<vmem>>) offsets(%dma_start3A_57 : memref<128xi32, #tpu.memory_space<vmem>>) semaphore(%arg11 : memref<!tpu.dma_semaphore, #tpu.memory_space<semaphore_mem>>)
      %dma_start3A_61 = arith.constant 5 : i32
      %dma_start3A_62 = arith.constant 640 : i32
      %dma_start3A_63 = arith.constant 0 : i32
      %dma_start3A_64 = tpu.memref_slice %arg9[%dma_start3A_62, %dma_start3A_63] : memref<1024x4xf32, #tpu.memory_space<vmem>> -> memref<128x4xf32, #tpu.memory_space<vmem>>
      %dma_start3A_65 = arith.constant 0 : i32
      %dma_start3A_66 = tpu.memref_slice %arg7[%dma_start3A_61, %dma_start3A_65] : memref<8x128xi32, #tpu.memory_space<vmem>> -> memref<1x128xi32, #tpu.memory_space<vmem>>
      %dma_start3A_67 = tpu.memref_squeeze %dma_start3A_66 : memref<1x128xi32, #tpu.memory_space<vmem>> -> memref<128xi32, #tpu.memory_space<vmem>>
      %dma_start3A_68 = arith.constant 0 : i32
      %dma_start3A_69 = arith.constant 0 : i32
      %dma_start3A_70 = tpu.memref_slice %arg2[%dma_start3A_68, %dma_start3A_69] : memref<100000x4xf32, #tpu.memory_space<hbm>> -> memref<100000x4xf32, #tpu.memory_space<hbm>>
      tpu.enqueue_indirect_dma source(%dma_start3A_70 : memref<100000x4xf32, #tpu.memory_space<hbm>>) target(%dma_start3A_64 : memref<128x4xf32, #tpu.memory_space<vmem>>) offsets(%dma_start3A_67 : memref<128xi32, #tpu.memory_space<vmem>>) semaphore(%arg11 : memref<!tpu.dma_semaphore, #tpu.memory_space<semaphore_mem>>)
      %dma_start3A_71 = arith.constant 6 : i32
      %dma_start3A_72 = arith.constant 768 : i32
      %dma_start3A_73 = arith.constant 0 : i32
      %dma_start3A_74 = tpu.memref_slice %arg9[%dma_start3A_72, %dma_start3A_73] : memref<1024x4xf32, #tpu.memory_space<vmem>> -> memref<128x4xf32, #tpu.memory_space<vmem>>
      %dma_start3A_75 = arith.constant 0 : i32
      %dma_start3A_76 = tpu.memref_slice %arg7[%dma_start3A_71, %dma_start3A_75] : memref<8x128xi32, #tpu.memory_space<vmem>> -> memref<1x128xi32, #tpu.memory_space<vmem>>
      %dma_start3A_77 = tpu.memref_squeeze %dma_start3A_76 : memref<1x128xi32, #tpu.memory_space<vmem>> -> memref<128xi32, #tpu.memory_space<vmem>>
      %dma_start3A_78 = arith.constant 0 : i32
      %dma_start3A_79 = arith.constant 0 : i32
      %dma_start3A_80 = tpu.memref_slice %arg2[%dma_start3A_78, %dma_start3A_79] : memref<100000x4xf32, #tpu.memory_space<hbm>> -> memref<100000x4xf32, #tpu.memory_space<hbm>>
      tpu.enqueue_indirect_dma source(%dma_start3A_80 : memref<100000x4xf32, #tpu.memory_space<hbm>>) target(%dma_start3A_74 : memref<128x4xf32, #tpu.memory_space<vmem>>) offsets(%dma_start3A_77 : memref<128xi32, #tpu.memory_space<vmem>>) semaphore(%arg11 : memref<!tpu.dma_semaphore, #tpu.memory_space<semaphore_mem>>)
      %dma_start3A_81 = arith.constant 7 : i32
      %dma_start3A_82 = arith.constant 896 : i32
      %dma_start3A_83 = arith.constant 0 : i32
      %dma_start3A_84 = tpu.memref_slice %arg9[%dma_start3A_82, %dma_start3A_83] : memref<1024x4xf32, #tpu.memory_space<vmem>> -> memref<128x4xf32, #tpu.memory_space<vmem>>
      %dma_start3A_85 = arith.constant 0 : i32
      %dma_start3A_86 = tpu.memref_slice %arg7[%dma_start3A_81, %dma_start3A_85] : memref<8x128xi32, #tpu.memory_space<vmem>> -> memref<1x128xi32, #tpu.memory_space<vmem>>
      %dma_start3A_87 = tpu.memref_squeeze %dma_start3A_86 : memref<1x128xi32, #tpu.memory_space<vmem>> -> memref<128xi32, #tpu.memory_space<vmem>>
      %dma_start3A_88 = arith.constant 0 : i32
      %dma_start3A_89 = arith.constant 0 : i32
      %dma_start3A_90 = tpu.memref_slice %arg2[%dma_start3A_88, %dma_start3A_89] : memref<100000x4xf32, #tpu.memory_space<hbm>> -> memref<100000x4xf32, #tpu.memory_space<hbm>>
      tpu.enqueue_indirect_dma source(%dma_start3A_90 : memref<100000x4xf32, #tpu.memory_space<hbm>>) target(%dma_start3A_84 : memref<128x4xf32, #tpu.memory_space<vmem>>) offsets(%dma_start3A_87 : memref<128xi32, #tpu.memory_space<vmem>>) semaphore(%arg11 : memref<!tpu.dma_semaphore, #tpu.memory_space<semaphore_mem>>)
      %dma_wait3A = arith.constant 0 : i32
      %dma_wait3A_91 = arith.constant 0 : i32
      %dma_wait3A_92 = arith.constant 0 : i32
      %dma_wait3A_93 = tpu.memref_slice %arg9[%dma_wait3A_91, %dma_wait3A_92] : memref<1024x4xf32, #tpu.memory_space<vmem>> -> memref<128x4xf32, #tpu.memory_space<vmem>>
      %dma_wait3A_94 = arith.constant 0 : i32
      %dma_wait3A_95 = tpu.memref_slice %arg7[%dma_wait3A, %dma_wait3A_94] : memref<8x128xi32, #tpu.memory_space<vmem>> -> memref<1x128xi32, #tpu.memory_space<vmem>>
      %dma_wait3A_96 = tpu.memref_squeeze %dma_wait3A_95 : memref<1x128xi32, #tpu.memory_space<vmem>> -> memref<128xi32, #tpu.memory_space<vmem>>
      %dma_wait3A_97 = arith.constant 0 : i32
      %dma_wait3A_98 = arith.constant 0 : i32
      %dma_wait3A_99 = tpu.memref_slice %arg2[%dma_wait3A_97, %dma_wait3A_98] : memref<100000x4xf32, #tpu.memory_space<hbm>> -> memref<100000x4xf32, #tpu.memory_space<hbm>>
      tpu.wait_indirect_dma semaphore(%arg11 : memref<!tpu.dma_semaphore, #tpu.memory_space<semaphore_mem>>) src(%dma_wait3A_99 : memref<100000x4xf32, #tpu.memory_space<hbm>>) dst(%dma_wait3A_93 : memref<128x4xf32, #tpu.memory_space<vmem>>)
      %dma_wait3A_100 = arith.constant 1 : i32
      %dma_wait3A_101 = arith.constant 128 : i32
      %dma_wait3A_102 = arith.constant 0 : i32
      %dma_wait3A_103 = tpu.memref_slice %arg9[%dma_wait3A_101, %dma_wait3A_102] : memref<1024x4xf32, #tpu.memory_space<vmem>> -> memref<128x4xf32, #tpu.memory_space<vmem>>
      %dma_wait3A_104 = arith.constant 0 : i32
      %dma_wait3A_105 = tpu.memref_slice %arg7[%dma_wait3A_100, %dma_wait3A_104] : memref<8x128xi32, #tpu.memory_space<vmem>> -> memref<1x128xi32, #tpu.memory_space<vmem>>
      %dma_wait3A_106 = tpu.memref_squeeze %dma_wait3A_105 : memref<1x128xi32, #tpu.memory_space<vmem>> -> memref<128xi32, #tpu.memory_space<vmem>>
      %dma_wait3A_107 = arith.constant 0 : i32
      %dma_wait3A_108 = arith.constant 0 : i32
      %dma_wait3A_109 = tpu.memref_slice %arg2[%dma_wait3A_107, %dma_wait3A_108] : memref<100000x4xf32, #tpu.memory_space<hbm>> -> memref<100000x4xf32, #tpu.memory_space<hbm>>
      tpu.wait_indirect_dma semaphore(%arg11 : memref<!tpu.dma_semaphore, #tpu.memory_space<semaphore_mem>>) src(%dma_wait3A_109 : memref<100000x4xf32, #tpu.memory_space<hbm>>) dst(%dma_wait3A_103 : memref<128x4xf32, #tpu.memory_space<vmem>>)
      %dma_wait3A_110 = arith.constant 2 : i32
      %dma_wait3A_111 = arith.constant 256 : i32
      %dma_wait3A_112 = arith.constant 0 : i32
      %dma_wait3A_113 = tpu.memref_slice %arg9[%dma_wait3A_111, %dma_wait3A_112] : memref<1024x4xf32, #tpu.memory_space<vmem>> -> memref<128x4xf32, #tpu.memory_space<vmem>>
      %dma_wait3A_114 = arith.constant 0 : i32
      %dma_wait3A_115 = tpu.memref_slice %arg7[%dma_wait3A_110, %dma_wait3A_114] : memref<8x128xi32, #tpu.memory_space<vmem>> -> memref<1x128xi32, #tpu.memory_space<vmem>>
      %dma_wait3A_116 = tpu.memref_squeeze %dma_wait3A_115 : memref<1x128xi32, #tpu.memory_space<vmem>> -> memref<128xi32, #tpu.memory_space<vmem>>
      %dma_wait3A_117 = arith.constant 0 : i32
      %dma_wait3A_118 = arith.constant 0 : i32
      %dma_wait3A_119 = tpu.memref_slice %arg2[%dma_wait3A_117, %dma_wait3A_118] : memref<100000x4xf32, #tpu.memory_space<hbm>> -> memref<100000x4xf32, #tpu.memory_space<hbm>>
      tpu.wait_indirect_dma semaphore(%arg11 : memref<!tpu.dma_semaphore, #tpu.memory_space<semaphore_mem>>) src(%dma_wait3A_119 : memref<100000x4xf32, #tpu.memory_space<hbm>>) dst(%dma_wait3A_113 : memref<128x4xf32, #tpu.memory_space<vmem>>)
      %dma_wait3A_120 = arith.constant 3 : i32
      %dma_wait3A_121 = arith.constant 384 : i32
      %dma_wait3A_122 = arith.constant 0 : i32
      %dma_wait3A_123 = tpu.memref_slice %arg9[%dma_wait3A_121, %dma_wait3A_122] : memref<1024x4xf32, #tpu.memory_space<vmem>> -> memref<128x4xf32, #tpu.memory_space<vmem>>
      %dma_wait3A_124 = arith.constant 0 : i32
      %dma_wait3A_125 = tpu.memref_slice %arg7[%dma_wait3A_120, %dma_wait3A_124] : memref<8x128xi32, #tpu.memory_space<vmem>> -> memref<1x128xi32, #tpu.memory_space<vmem>>
      %dma_wait3A_126 = tpu.memref_squeeze %dma_wait3A_125 : memref<1x128xi32, #tpu.memory_space<vmem>> -> memref<128xi32, #tpu.memory_space<vmem>>
      %dma_wait3A_127 = arith.constant 0 : i32
      %dma_wait3A_128 = arith.constant 0 : i32
      %dma_wait3A_129 = tpu.memref_slice %arg2[%dma_wait3A_127, %dma_wait3A_128] : memref<100000x4xf32, #tpu.memory_space<hbm>> -> memref<100000x4xf32, #tpu.memory_space<hbm>>
      tpu.wait_indirect_dma semaphore(%arg11 : memref<!tpu.dma_semaphore, #tpu.memory_space<semaphore_mem>>) src(%dma_wait3A_129 : memref<100000x4xf32, #tpu.memory_space<hbm>>) dst(%dma_wait3A_123 : memref<128x4xf32, #tpu.memory_space<vmem>>)
      %dma_wait3A_130 = arith.constant 4 : i32
      %dma_wait3A_131 = arith.constant 512 : i32
      %dma_wait3A_132 = arith.constant 0 : i32
      %dma_wait3A_133 = tpu.memref_slice %arg9[%dma_wait3A_131, %dma_wait3A_132] : memref<1024x4xf32, #tpu.memory_space<vmem>> -> memref<128x4xf32, #tpu.memory_space<vmem>>
      %dma_wait3A_134 = arith.constant 0 : i32
      %dma_wait3A_135 = tpu.memref_slice %arg7[%dma_wait3A_130, %dma_wait3A_134] : memref<8x128xi32, #tpu.memory_space<vmem>> -> memref<1x128xi32, #tpu.memory_space<vmem>>
      %dma_wait3A_136 = tpu.memref_squeeze %dma_wait3A_135 : memref<1x128xi32, #tpu.memory_space<vmem>> -> memref<128xi32, #tpu.memory_space<vmem>>
      %dma_wait3A_137 = arith.constant 0 : i32
      %dma_wait3A_138 = arith.constant 0 : i32
      %dma_wait3A_139 = tpu.memref_slice %arg2[%dma_wait3A_137, %dma_wait3A_138] : memref<100000x4xf32, #tpu.memory_space<hbm>> -> memref<100000x4xf32, #tpu.memory_space<hbm>>
      tpu.wait_indirect_dma semaphore(%arg11 : memref<!tpu.dma_semaphore, #tpu.memory_space<semaphore_mem>>) src(%dma_wait3A_139 : memref<100000x4xf32, #tpu.memory_space<hbm>>) dst(%dma_wait3A_133 : memref<128x4xf32, #tpu.memory_space<vmem>>)
      %dma_wait3A_140 = arith.constant 5 : i32
      %dma_wait3A_141 = arith.constant 640 : i32
      %dma_wait3A_142 = arith.constant 0 : i32
      %dma_wait3A_143 = tpu.memref_slice %arg9[%dma_wait3A_141, %dma_wait3A_142] : memref<1024x4xf32, #tpu.memory_space<vmem>> -> memref<128x4xf32, #tpu.memory_space<vmem>>
      %dma_wait3A_144 = arith.constant 0 : i32
      %dma_wait3A_145 = tpu.memref_slice %arg7[%dma_wait3A_140, %dma_wait3A_144] : memref<8x128xi32, #tpu.memory_space<vmem>> -> memref<1x128xi32, #tpu.memory_space<vmem>>
      %dma_wait3A_146 = tpu.memref_squeeze %dma_wait3A_145 : memref<1x128xi32, #tpu.memory_space<vmem>> -> memref<128xi32, #tpu.memory_space<vmem>>
      %dma_wait3A_147 = arith.constant 0 : i32
      %dma_wait3A_148 = arith.constant 0 : i32
      %dma_wait3A_149 = tpu.memref_slice %arg2[%dma_wait3A_147, %dma_wait3A_148] : memref<100000x4xf32, #tpu.memory_space<hbm>> -> memref<100000x4xf32, #tpu.memory_space<hbm>>
      tpu.wait_indirect_dma semaphore(%arg11 : memref<!tpu.dma_semaphore, #tpu.memory_space<semaphore_mem>>) src(%dma_wait3A_149 : memref<100000x4xf32, #tpu.memory_space<hbm>>) dst(%dma_wait3A_143 : memref<128x4xf32, #tpu.memory_space<vmem>>)
      %dma_wait3A_150 = arith.constant 6 : i32
      %dma_wait3A_151 = arith.constant 768 : i32
      %dma_wait3A_152 = arith.constant 0 : i32
      %dma_wait3A_153 = tpu.memref_slice %arg9[%dma_wait3A_151, %dma_wait3A_152] : memref<1024x4xf32, #tpu.memory_space<vmem>> -> memref<128x4xf32, #tpu.memory_space<vmem>>
      %dma_wait3A_154 = arith.constant 0 : i32
      %dma_wait3A_155 = tpu.memref_slice %arg7[%dma_wait3A_150, %dma_wait3A_154] : memref<8x128xi32, #tpu.memory_space<vmem>> -> memref<1x128xi32, #tpu.memory_space<vmem>>
      %dma_wait3A_156 = tpu.memref_squeeze %dma_wait3A_155 : memref<1x128xi32, #tpu.memory_space<vmem>> -> memref<128xi32, #tpu.memory_space<vmem>>
      %dma_wait3A_157 = arith.constant 0 : i32
      %dma_wait3A_158 = arith.constant 0 : i32
      %dma_wait3A_159 = tpu.memref_slice %arg2[%dma_wait3A_157, %dma_wait3A_158] : memref<100000x4xf32, #tpu.memory_space<hbm>> -> memref<100000x4xf32, #tpu.memory_space<hbm>>
      tpu.wait_indirect_dma semaphore(%arg11 : memref<!tpu.dma_semaphore, #tpu.memory_space<semaphore_mem>>) src(%dma_wait3A_159 : memref<100000x4xf32, #tpu.memory_space<hbm>>) dst(%dma_wait3A_153 : memref<128x4xf32, #tpu.memory_space<vmem>>)
      %dma_wait3A_160 = arith.constant 7 : i32
      %dma_wait3A_161 = arith.constant 896 : i32
      %dma_wait3A_162 = arith.constant 0 : i32
      %dma_wait3A_163 = tpu.memref_slice %arg9[%dma_wait3A_161, %dma_wait3A_162] : memref<1024x4xf32, #tpu.memory_space<vmem>> -> memref<128x4xf32, #tpu.memory_space<vmem>>
      %dma_wait3A_164 = arith.constant 0 : i32
      %dma_wait3A_165 = tpu.memref_slice %arg7[%dma_wait3A_160, %dma_wait3A_164] : memref<8x128xi32, #tpu.memory_space<vmem>> -> memref<1x128xi32, #tpu.memory_space<vmem>>
      %dma_wait3A_166 = tpu.memref_squeeze %dma_wait3A_165 : memref<1x128xi32, #tpu.memory_space<vmem>> -> memref<128xi32, #tpu.memory_space<vmem>>
      %dma_wait3A_167 = arith.constant 0 : i32
      %dma_wait3A_168 = arith.constant 0 : i32
      %dma_wait3A_169 = tpu.memref_slice %arg2[%dma_wait3A_167, %dma_wait3A_168] : memref<100000x4xf32, #tpu.memory_space<hbm>> -> memref<100000x4xf32, #tpu.memory_space<hbm>>
      tpu.wait_indirect_dma semaphore(%arg11 : memref<!tpu.dma_semaphore, #tpu.memory_space<semaphore_mem>>) src(%dma_wait3A_169 : memref<100000x4xf32, #tpu.memory_space<hbm>>) dst(%dma_wait3A_163 : memref<128x4xf32, #tpu.memory_space<vmem>>)
      %mul3A_170 = arith.constant 128 : i32
      %mul3A_171 = arith.muli %add3A_11, %mul3A_170 : i32
      "tpu.region"() ({
        %run_scoped3A = tpu.sem_alloc : memref<!tpu.dma_semaphore, #tpu.memory_space<semaphore_mem>>
        %dma_start3A_334 = arith.constant 0 : i32
        %dma_start3A_335 = tpu.memref_slice %arg5[%mul3A_171, %dma_start3A_334] : memref<1605632x4xf32, #tpu.memory_space<hbm>> -> memref<1024x4xf32, #tpu.memory_space<hbm>>
        %dma_start3A_336 = arith.constant 0 : i32
        %dma_start3A_337 = tpu.memref_slice %arg5[%mul3A_171, %dma_start3A_336] : memref<1605632x4xf32, #tpu.memory_space<hbm>> -> memref<1024x4xf32, #tpu.memory_space<hbm>>
        tpu.enqueue_dma source(%arg9 : memref<1024x4xf32, #tpu.memory_space<vmem>>) target(%dma_start3A_337 : memref<1024x4xf32, #tpu.memory_space<hbm>>) target_semaphore(%run_scoped3A : memref<!tpu.dma_semaphore, #tpu.memory_space<semaphore_mem>>)
        %dma_wait3A_338 = arith.constant 0 : i32
        %dma_wait3A_339 = tpu.memref_slice %arg5[%mul3A_171, %dma_wait3A_338] : memref<1605632x4xf32, #tpu.memory_space<hbm>> -> memref<1024x4xf32, #tpu.memory_space<hbm>>
        %dma_wait3A_340 = arith.constant 0 : i32
        %dma_wait3A_341 = tpu.memref_slice %arg5[%mul3A_171, %dma_wait3A_340] : memref<1605632x4xf32, #tpu.memory_space<hbm>> -> memref<1024x4xf32, #tpu.memory_space<hbm>>
        tpu.wait_dma2 semaphore(%run_scoped3A : memref<!tpu.dma_semaphore, #tpu.memory_space<semaphore_mem>>) src(%arg9 : memref<1024x4xf32, #tpu.memory_space<vmem>>) dst(%dma_wait3A_341 : memref<1024x4xf32, #tpu.memory_space<hbm>>)
        tpu.yield
      }) : () -> ()
      "tpu.region"() ({
        %run_scoped3A = tpu.sem_alloc : memref<!tpu.dma_semaphore, #tpu.memory_space<semaphore_mem>>
        %dma_start3A_334 = arith.constant 0 : i32
        %dma_start3A_335 = tpu.memref_slice %arg4[%add3A_11, %dma_start3A_334] : memref<12544x128xi32, #tpu.memory_space<hbm>> -> memref<8x128xi32, #tpu.memory_space<hbm>>
        %dma_start3A_336 = arith.constant 0 : i32
        %dma_start3A_337 = tpu.memref_slice %arg4[%add3A_11, %dma_start3A_336] : memref<12544x128xi32, #tpu.memory_space<hbm>> -> memref<8x128xi32, #tpu.memory_space<hbm>>
        tpu.enqueue_dma source(%dma_start3A_337 : memref<8x128xi32, #tpu.memory_space<hbm>>) target(%arg8 : memref<8x128xi32, #tpu.memory_space<vmem>>) target_semaphore(%run_scoped3A : memref<!tpu.dma_semaphore, #tpu.memory_space<semaphore_mem>>)
        %dma_wait3A_338 = arith.constant 0 : i32
        %dma_wait3A_339 = tpu.memref_slice %arg4[%add3A_11, %dma_wait3A_338] : memref<12544x128xi32, #tpu.memory_space<hbm>> -> memref<8x128xi32, #tpu.memory_space<hbm>>
        %dma_wait3A_340 = arith.constant 0 : i32
        %dma_wait3A_341 = tpu.memref_slice %arg4[%add3A_11, %dma_wait3A_340] : memref<12544x128xi32, #tpu.memory_space<hbm>> -> memref<8x128xi32, #tpu.memory_space<hbm>>
        tpu.wait_dma2 semaphore(%run_scoped3A : memref<!tpu.dma_semaphore, #tpu.memory_space<semaphore_mem>>) src(%dma_wait3A_341 : memref<8x128xi32, #tpu.memory_space<hbm>>) dst(%arg8 : memref<8x128xi32, #tpu.memory_space<vmem>>)
        tpu.yield
      }) : () -> ()
      %dma_start3A_172 = arith.constant 0 : i32
      %dma_start3A_173 = arith.constant 0 : i32
      %dma_start3A_174 = arith.constant 0 : i32
      %dma_start3A_175 = tpu.memref_slice %arg10[%dma_start3A_173, %dma_start3A_174] : memref<1024x4xf32, #tpu.memory_space<vmem>> -> memref<128x4xf32, #tpu.memory_space<vmem>>
      %dma_start3A_176 = arith.constant 0 : i32
      %dma_start3A_177 = tpu.memref_slice %arg8[%dma_start3A_172, %dma_start3A_176] : memref<8x128xi32, #tpu.memory_space<vmem>> -> memref<1x128xi32, #tpu.memory_space<vmem>>
      %dma_start3A_178 = tpu.memref_squeeze %dma_start3A_177 : memref<1x128xi32, #tpu.memory_space<vmem>> -> memref<128xi32, #tpu.memory_space<vmem>>
      %dma_start3A_179 = arith.constant 0 : i32
      %dma_start3A_180 = arith.constant 0 : i32
      %dma_start3A_181 = tpu.memref_slice %arg2[%dma_start3A_179, %dma_start3A_180] : memref<100000x4xf32, #tpu.memory_space<hbm>> -> memref<100000x4xf32, #tpu.memory_space<hbm>>
      tpu.enqueue_indirect_dma source(%dma_start3A_181 : memref<100000x4xf32, #tpu.memory_space<hbm>>) target(%dma_start3A_175 : memref<128x4xf32, #tpu.memory_space<vmem>>) offsets(%dma_start3A_178 : memref<128xi32, #tpu.memory_space<vmem>>) semaphore(%arg11 : memref<!tpu.dma_semaphore, #tpu.memory_space<semaphore_mem>>)
      %dma_start3A_182 = arith.constant 1 : i32
      %dma_start3A_183 = arith.constant 128 : i32
      %dma_start3A_184 = arith.constant 0 : i32
      %dma_start3A_185 = tpu.memref_slice %arg10[%dma_start3A_183, %dma_start3A_184] : memref<1024x4xf32, #tpu.memory_space<vmem>> -> memref<128x4xf32, #tpu.memory_space<vmem>>
      %dma_start3A_186 = arith.constant 0 : i32
      %dma_start3A_187 = tpu.memref_slice %arg8[%dma_start3A_182, %dma_start3A_186] : memref<8x128xi32, #tpu.memory_space<vmem>> -> memref<1x128xi32, #tpu.memory_space<vmem>>
      %dma_start3A_188 = tpu.memref_squeeze %dma_start3A_187 : memref<1x128xi32, #tpu.memory_space<vmem>> -> memref<128xi32, #tpu.memory_space<vmem>>
      %dma_start3A_189 = arith.constant 0 : i32
      %dma_start3A_190 = arith.constant 0 : i32
      %dma_start3A_191 = tpu.memref_slice %arg2[%dma_start3A_189, %dma_start3A_190] : memref<100000x4xf32, #tpu.memory_space<hbm>> -> memref<100000x4xf32, #tpu.memory_space<hbm>>
      tpu.enqueue_indirect_dma source(%dma_start3A_191 : memref<100000x4xf32, #tpu.memory_space<hbm>>) target(%dma_start3A_185 : memref<128x4xf32, #tpu.memory_space<vmem>>) offsets(%dma_start3A_188 : memref<128xi32, #tpu.memory_space<vmem>>) semaphore(%arg11 : memref<!tpu.dma_semaphore, #tpu.memory_space<semaphore_mem>>)
      %dma_start3A_192 = arith.constant 2 : i32
      %dma_start3A_193 = arith.constant 256 : i32
      %dma_start3A_194 = arith.constant 0 : i32
      %dma_start3A_195 = tpu.memref_slice %arg10[%dma_start3A_193, %dma_start3A_194] : memref<1024x4xf32, #tpu.memory_space<vmem>> -> memref<128x4xf32, #tpu.memory_space<vmem>>
      %dma_start3A_196 = arith.constant 0 : i32
      %dma_start3A_197 = tpu.memref_slice %arg8[%dma_start3A_192, %dma_start3A_196] : memref<8x128xi32, #tpu.memory_space<vmem>> -> memref<1x128xi32, #tpu.memory_space<vmem>>
      %dma_start3A_198 = tpu.memref_squeeze %dma_start3A_197 : memref<1x128xi32, #tpu.memory_space<vmem>> -> memref<128xi32, #tpu.memory_space<vmem>>
      %dma_start3A_199 = arith.constant 0 : i32
      %dma_start3A_200 = arith.constant 0 : i32
      %dma_start3A_201 = tpu.memref_slice %arg2[%dma_start3A_199, %dma_start3A_200] : memref<100000x4xf32, #tpu.memory_space<hbm>> -> memref<100000x4xf32, #tpu.memory_space<hbm>>
      tpu.enqueue_indirect_dma source(%dma_start3A_201 : memref<100000x4xf32, #tpu.memory_space<hbm>>) target(%dma_start3A_195 : memref<128x4xf32, #tpu.memory_space<vmem>>) offsets(%dma_start3A_198 : memref<128xi32, #tpu.memory_space<vmem>>) semaphore(%arg11 : memref<!tpu.dma_semaphore, #tpu.memory_space<semaphore_mem>>)
      %dma_start3A_202 = arith.constant 3 : i32
      %dma_start3A_203 = arith.constant 384 : i32
      %dma_start3A_204 = arith.constant 0 : i32
      %dma_start3A_205 = tpu.memref_slice %arg10[%dma_start3A_203, %dma_start3A_204] : memref<1024x4xf32, #tpu.memory_space<vmem>> -> memref<128x4xf32, #tpu.memory_space<vmem>>
      %dma_start3A_206 = arith.constant 0 : i32
      %dma_start3A_207 = tpu.memref_slice %arg8[%dma_start3A_202, %dma_start3A_206] : memref<8x128xi32, #tpu.memory_space<vmem>> -> memref<1x128xi32, #tpu.memory_space<vmem>>
      %dma_start3A_208 = tpu.memref_squeeze %dma_start3A_207 : memref<1x128xi32, #tpu.memory_space<vmem>> -> memref<128xi32, #tpu.memory_space<vmem>>
      %dma_start3A_209 = arith.constant 0 : i32
      %dma_start3A_210 = arith.constant 0 : i32
      %dma_start3A_211 = tpu.memref_slice %arg2[%dma_start3A_209, %dma_start3A_210] : memref<100000x4xf32, #tpu.memory_space<hbm>> -> memref<100000x4xf32, #tpu.memory_space<hbm>>
      tpu.enqueue_indirect_dma source(%dma_start3A_211 : memref<100000x4xf32, #tpu.memory_space<hbm>>) target(%dma_start3A_205 : memref<128x4xf32, #tpu.memory_space<vmem>>) offsets(%dma_start3A_208 : memref<128xi32, #tpu.memory_space<vmem>>) semaphore(%arg11 : memref<!tpu.dma_semaphore, #tpu.memory_space<semaphore_mem>>)
      %dma_start3A_212 = arith.constant 4 : i32
      %dma_start3A_213 = arith.constant 512 : i32
      %dma_start3A_214 = arith.constant 0 : i32
      %dma_start3A_215 = tpu.memref_slice %arg10[%dma_start3A_213, %dma_start3A_214] : memref<1024x4xf32, #tpu.memory_space<vmem>> -> memref<128x4xf32, #tpu.memory_space<vmem>>
      %dma_start3A_216 = arith.constant 0 : i32
      %dma_start3A_217 = tpu.memref_slice %arg8[%dma_start3A_212, %dma_start3A_216] : memref<8x128xi32, #tpu.memory_space<vmem>> -> memref<1x128xi32, #tpu.memory_space<vmem>>
      %dma_start3A_218 = tpu.memref_squeeze %dma_start3A_217 : memref<1x128xi32, #tpu.memory_space<vmem>> -> memref<128xi32, #tpu.memory_space<vmem>>
      %dma_start3A_219 = arith.constant 0 : i32
      %dma_start3A_220 = arith.constant 0 : i32
      %dma_start3A_221 = tpu.memref_slice %arg2[%dma_start3A_219, %dma_start3A_220] : memref<100000x4xf32, #tpu.memory_space<hbm>> -> memref<100000x4xf32, #tpu.memory_space<hbm>>
      tpu.enqueue_indirect_dma source(%dma_start3A_221 : memref<100000x4xf32, #tpu.memory_space<hbm>>) target(%dma_start3A_215 : memref<128x4xf32, #tpu.memory_space<vmem>>) offsets(%dma_start3A_218 : memref<128xi32, #tpu.memory_space<vmem>>) semaphore(%arg11 : memref<!tpu.dma_semaphore, #tpu.memory_space<semaphore_mem>>)
      %dma_start3A_222 = arith.constant 5 : i32
      %dma_start3A_223 = arith.constant 640 : i32
      %dma_start3A_224 = arith.constant 0 : i32
      %dma_start3A_225 = tpu.memref_slice %arg10[%dma_start3A_223, %dma_start3A_224] : memref<1024x4xf32, #tpu.memory_space<vmem>> -> memref<128x4xf32, #tpu.memory_space<vmem>>
      %dma_start3A_226 = arith.constant 0 : i32
      %dma_start3A_227 = tpu.memref_slice %arg8[%dma_start3A_222, %dma_start3A_226] : memref<8x128xi32, #tpu.memory_space<vmem>> -> memref<1x128xi32, #tpu.memory_space<vmem>>
      %dma_start3A_228 = tpu.memref_squeeze %dma_start3A_227 : memref<1x128xi32, #tpu.memory_space<vmem>> -> memref<128xi32, #tpu.memory_space<vmem>>
      %dma_start3A_229 = arith.constant 0 : i32
      %dma_start3A_230 = arith.constant 0 : i32
      %dma_start3A_231 = tpu.memref_slice %arg2[%dma_start3A_229, %dma_start3A_230] : memref<100000x4xf32, #tpu.memory_space<hbm>> -> memref<100000x4xf32, #tpu.memory_space<hbm>>
      tpu.enqueue_indirect_dma source(%dma_start3A_231 : memref<100000x4xf32, #tpu.memory_space<hbm>>) target(%dma_start3A_225 : memref<128x4xf32, #tpu.memory_space<vmem>>) offsets(%dma_start3A_228 : memref<128xi32, #tpu.memory_space<vmem>>) semaphore(%arg11 : memref<!tpu.dma_semaphore, #tpu.memory_space<semaphore_mem>>)
      %dma_start3A_232 = arith.constant 6 : i32
      %dma_start3A_233 = arith.constant 768 : i32
      %dma_start3A_234 = arith.constant 0 : i32
      %dma_start3A_235 = tpu.memref_slice %arg10[%dma_start3A_233, %dma_start3A_234] : memref<1024x4xf32, #tpu.memory_space<vmem>> -> memref<128x4xf32, #tpu.memory_space<vmem>>
      %dma_start3A_236 = arith.constant 0 : i32
      %dma_start3A_237 = tpu.memref_slice %arg8[%dma_start3A_232, %dma_start3A_236] : memref<8x128xi32, #tpu.memory_space<vmem>> -> memref<1x128xi32, #tpu.memory_space<vmem>>
      %dma_start3A_238 = tpu.memref_squeeze %dma_start3A_237 : memref<1x128xi32, #tpu.memory_space<vmem>> -> memref<128xi32, #tpu.memory_space<vmem>>
      %dma_start3A_239 = arith.constant 0 : i32
      %dma_start3A_240 = arith.constant 0 : i32
      %dma_start3A_241 = tpu.memref_slice %arg2[%dma_start3A_239, %dma_start3A_240] : memref<100000x4xf32, #tpu.memory_space<hbm>> -> memref<100000x4xf32, #tpu.memory_space<hbm>>
      tpu.enqueue_indirect_dma source(%dma_start3A_241 : memref<100000x4xf32, #tpu.memory_space<hbm>>) target(%dma_start3A_235 : memref<128x4xf32, #tpu.memory_space<vmem>>) offsets(%dma_start3A_238 : memref<128xi32, #tpu.memory_space<vmem>>) semaphore(%arg11 : memref<!tpu.dma_semaphore, #tpu.memory_space<semaphore_mem>>)
      %dma_start3A_242 = arith.constant 7 : i32
      %dma_start3A_243 = arith.constant 896 : i32
      %dma_start3A_244 = arith.constant 0 : i32
      %dma_start3A_245 = tpu.memref_slice %arg10[%dma_start3A_243, %dma_start3A_244] : memref<1024x4xf32, #tpu.memory_space<vmem>> -> memref<128x4xf32, #tpu.memory_space<vmem>>
      %dma_start3A_246 = arith.constant 0 : i32
      %dma_start3A_247 = tpu.memref_slice %arg8[%dma_start3A_242, %dma_start3A_246] : memref<8x128xi32, #tpu.memory_space<vmem>> -> memref<1x128xi32, #tpu.memory_space<vmem>>
      %dma_start3A_248 = tpu.memref_squeeze %dma_start3A_247 : memref<1x128xi32, #tpu.memory_space<vmem>> -> memref<128xi32, #tpu.memory_space<vmem>>
      %dma_start3A_249 = arith.constant 0 : i32
      %dma_start3A_250 = arith.constant 0 : i32
      %dma_start3A_251 = tpu.memref_slice %arg2[%dma_start3A_249, %dma_start3A_250] : memref<100000x4xf32, #tpu.memory_space<hbm>> -> memref<100000x4xf32, #tpu.memory_space<hbm>>
      tpu.enqueue_indirect_dma source(%dma_start3A_251 : memref<100000x4xf32, #tpu.memory_space<hbm>>) target(%dma_start3A_245 : memref<128x4xf32, #tpu.memory_space<vmem>>) offsets(%dma_start3A_248 : memref<128xi32, #tpu.memory_space<vmem>>) semaphore(%arg11 : memref<!tpu.dma_semaphore, #tpu.memory_space<semaphore_mem>>)
      %dma_wait3A_252 = arith.constant 0 : i32
      %dma_wait3A_253 = arith.constant 0 : i32
      %dma_wait3A_254 = arith.constant 0 : i32
      %dma_wait3A_255 = tpu.memref_slice %arg10[%dma_wait3A_253, %dma_wait3A_254] : memref<1024x4xf32, #tpu.memory_space<vmem>> -> memref<128x4xf32, #tpu.memory_space<vmem>>
      %dma_wait3A_256 = arith.constant 0 : i32
      %dma_wait3A_257 = tpu.memref_slice %arg8[%dma_wait3A_252, %dma_wait3A_256] : memref<8x128xi32, #tpu.memory_space<vmem>> -> memref<1x128xi32, #tpu.memory_space<vmem>>
      %dma_wait3A_258 = tpu.memref_squeeze %dma_wait3A_257 : memref<1x128xi32, #tpu.memory_space<vmem>> -> memref<128xi32, #tpu.memory_space<vmem>>
      %dma_wait3A_259 = arith.constant 0 : i32
      %dma_wait3A_260 = arith.constant 0 : i32
      %dma_wait3A_261 = tpu.memref_slice %arg2[%dma_wait3A_259, %dma_wait3A_260] : memref<100000x4xf32, #tpu.memory_space<hbm>> -> memref<100000x4xf32, #tpu.memory_space<hbm>>
      tpu.wait_indirect_dma semaphore(%arg11 : memref<!tpu.dma_semaphore, #tpu.memory_space<semaphore_mem>>) src(%dma_wait3A_261 : memref<100000x4xf32, #tpu.memory_space<hbm>>) dst(%dma_wait3A_255 : memref<128x4xf32, #tpu.memory_space<vmem>>)
      %dma_wait3A_262 = arith.constant 1 : i32
      %dma_wait3A_263 = arith.constant 128 : i32
      %dma_wait3A_264 = arith.constant 0 : i32
      %dma_wait3A_265 = tpu.memref_slice %arg10[%dma_wait3A_263, %dma_wait3A_264] : memref<1024x4xf32, #tpu.memory_space<vmem>> -> memref<128x4xf32, #tpu.memory_space<vmem>>
      %dma_wait3A_266 = arith.constant 0 : i32
      %dma_wait3A_267 = tpu.memref_slice %arg8[%dma_wait3A_262, %dma_wait3A_266] : memref<8x128xi32, #tpu.memory_space<vmem>> -> memref<1x128xi32, #tpu.memory_space<vmem>>
      %dma_wait3A_268 = tpu.memref_squeeze %dma_wait3A_267 : memref<1x128xi32, #tpu.memory_space<vmem>> -> memref<128xi32, #tpu.memory_space<vmem>>
      %dma_wait3A_269 = arith.constant 0 : i32
      %dma_wait3A_270 = arith.constant 0 : i32
      %dma_wait3A_271 = tpu.memref_slice %arg2[%dma_wait3A_269, %dma_wait3A_270] : memref<100000x4xf32, #tpu.memory_space<hbm>> -> memref<100000x4xf32, #tpu.memory_space<hbm>>
      tpu.wait_indirect_dma semaphore(%arg11 : memref<!tpu.dma_semaphore, #tpu.memory_space<semaphore_mem>>) src(%dma_wait3A_271 : memref<100000x4xf32, #tpu.memory_space<hbm>>) dst(%dma_wait3A_265 : memref<128x4xf32, #tpu.memory_space<vmem>>)
      %dma_wait3A_272 = arith.constant 2 : i32
      %dma_wait3A_273 = arith.constant 256 : i32
      %dma_wait3A_274 = arith.constant 0 : i32
      %dma_wait3A_275 = tpu.memref_slice %arg10[%dma_wait3A_273, %dma_wait3A_274] : memref<1024x4xf32, #tpu.memory_space<vmem>> -> memref<128x4xf32, #tpu.memory_space<vmem>>
      %dma_wait3A_276 = arith.constant 0 : i32
      %dma_wait3A_277 = tpu.memref_slice %arg8[%dma_wait3A_272, %dma_wait3A_276] : memref<8x128xi32, #tpu.memory_space<vmem>> -> memref<1x128xi32, #tpu.memory_space<vmem>>
      %dma_wait3A_278 = tpu.memref_squeeze %dma_wait3A_277 : memref<1x128xi32, #tpu.memory_space<vmem>> -> memref<128xi32, #tpu.memory_space<vmem>>
      %dma_wait3A_279 = arith.constant 0 : i32
      %dma_wait3A_280 = arith.constant 0 : i32
      %dma_wait3A_281 = tpu.memref_slice %arg2[%dma_wait3A_279, %dma_wait3A_280] : memref<100000x4xf32, #tpu.memory_space<hbm>> -> memref<100000x4xf32, #tpu.memory_space<hbm>>
      tpu.wait_indirect_dma semaphore(%arg11 : memref<!tpu.dma_semaphore, #tpu.memory_space<semaphore_mem>>) src(%dma_wait3A_281 : memref<100000x4xf32, #tpu.memory_space<hbm>>) dst(%dma_wait3A_275 : memref<128x4xf32, #tpu.memory_space<vmem>>)
      %dma_wait3A_282 = arith.constant 3 : i32
      %dma_wait3A_283 = arith.constant 384 : i32
      %dma_wait3A_284 = arith.constant 0 : i32
      %dma_wait3A_285 = tpu.memref_slice %arg10[%dma_wait3A_283, %dma_wait3A_284] : memref<1024x4xf32, #tpu.memory_space<vmem>> -> memref<128x4xf32, #tpu.memory_space<vmem>>
      %dma_wait3A_286 = arith.constant 0 : i32
      %dma_wait3A_287 = tpu.memref_slice %arg8[%dma_wait3A_282, %dma_wait3A_286] : memref<8x128xi32, #tpu.memory_space<vmem>> -> memref<1x128xi32, #tpu.memory_space<vmem>>
      %dma_wait3A_288 = tpu.memref_squeeze %dma_wait3A_287 : memref<1x128xi32, #tpu.memory_space<vmem>> -> memref<128xi32, #tpu.memory_space<vmem>>
      %dma_wait3A_289 = arith.constant 0 : i32
      %dma_wait3A_290 = arith.constant 0 : i32
      %dma_wait3A_291 = tpu.memref_slice %arg2[%dma_wait3A_289, %dma_wait3A_290] : memref<100000x4xf32, #tpu.memory_space<hbm>> -> memref<100000x4xf32, #tpu.memory_space<hbm>>
      tpu.wait_indirect_dma semaphore(%arg11 : memref<!tpu.dma_semaphore, #tpu.memory_space<semaphore_mem>>) src(%dma_wait3A_291 : memref<100000x4xf32, #tpu.memory_space<hbm>>) dst(%dma_wait3A_285 : memref<128x4xf32, #tpu.memory_space<vmem>>)
      %dma_wait3A_292 = arith.constant 4 : i32
      %dma_wait3A_293 = arith.constant 512 : i32
      %dma_wait3A_294 = arith.constant 0 : i32
      %dma_wait3A_295 = tpu.memref_slice %arg10[%dma_wait3A_293, %dma_wait3A_294] : memref<1024x4xf32, #tpu.memory_space<vmem>> -> memref<128x4xf32, #tpu.memory_space<vmem>>
      %dma_wait3A_296 = arith.constant 0 : i32
      %dma_wait3A_297 = tpu.memref_slice %arg8[%dma_wait3A_292, %dma_wait3A_296] : memref<8x128xi32, #tpu.memory_space<vmem>> -> memref<1x128xi32, #tpu.memory_space<vmem>>
      %dma_wait3A_298 = tpu.memref_squeeze %dma_wait3A_297 : memref<1x128xi32, #tpu.memory_space<vmem>> -> memref<128xi32, #tpu.memory_space<vmem>>
      %dma_wait3A_299 = arith.constant 0 : i32
      %dma_wait3A_300 = arith.constant 0 : i32
      %dma_wait3A_301 = tpu.memref_slice %arg2[%dma_wait3A_299, %dma_wait3A_300] : memref<100000x4xf32, #tpu.memory_space<hbm>> -> memref<100000x4xf32, #tpu.memory_space<hbm>>
      tpu.wait_indirect_dma semaphore(%arg11 : memref<!tpu.dma_semaphore, #tpu.memory_space<semaphore_mem>>) src(%dma_wait3A_301 : memref<100000x4xf32, #tpu.memory_space<hbm>>) dst(%dma_wait3A_295 : memref<128x4xf32, #tpu.memory_space<vmem>>)
      %dma_wait3A_302 = arith.constant 5 : i32
      %dma_wait3A_303 = arith.constant 640 : i32
      %dma_wait3A_304 = arith.constant 0 : i32
      %dma_wait3A_305 = tpu.memref_slice %arg10[%dma_wait3A_303, %dma_wait3A_304] : memref<1024x4xf32, #tpu.memory_space<vmem>> -> memref<128x4xf32, #tpu.memory_space<vmem>>
      %dma_wait3A_306 = arith.constant 0 : i32
      %dma_wait3A_307 = tpu.memref_slice %arg8[%dma_wait3A_302, %dma_wait3A_306] : memref<8x128xi32, #tpu.memory_space<vmem>> -> memref<1x128xi32, #tpu.memory_space<vmem>>
      %dma_wait3A_308 = tpu.memref_squeeze %dma_wait3A_307 : memref<1x128xi32, #tpu.memory_space<vmem>> -> memref<128xi32, #tpu.memory_space<vmem>>
      %dma_wait3A_309 = arith.constant 0 : i32
      %dma_wait3A_310 = arith.constant 0 : i32
      %dma_wait3A_311 = tpu.memref_slice %arg2[%dma_wait3A_309, %dma_wait3A_310] : memref<100000x4xf32, #tpu.memory_space<hbm>> -> memref<100000x4xf32, #tpu.memory_space<hbm>>
      tpu.wait_indirect_dma semaphore(%arg11 : memref<!tpu.dma_semaphore, #tpu.memory_space<semaphore_mem>>) src(%dma_wait3A_311 : memref<100000x4xf32, #tpu.memory_space<hbm>>) dst(%dma_wait3A_305 : memref<128x4xf32, #tpu.memory_space<vmem>>)
      %dma_wait3A_312 = arith.constant 6 : i32
      %dma_wait3A_313 = arith.constant 768 : i32
      %dma_wait3A_314 = arith.constant 0 : i32
      %dma_wait3A_315 = tpu.memref_slice %arg10[%dma_wait3A_313, %dma_wait3A_314] : memref<1024x4xf32, #tpu.memory_space<vmem>> -> memref<128x4xf32, #tpu.memory_space<vmem>>
      %dma_wait3A_316 = arith.constant 0 : i32
      %dma_wait3A_317 = tpu.memref_slice %arg8[%dma_wait3A_312, %dma_wait3A_316] : memref<8x128xi32, #tpu.memory_space<vmem>> -> memref<1x128xi32, #tpu.memory_space<vmem>>
      %dma_wait3A_318 = tpu.memref_squeeze %dma_wait3A_317 : memref<1x128xi32, #tpu.memory_space<vmem>> -> memref<128xi32, #tpu.memory_space<vmem>>
      %dma_wait3A_319 = arith.constant 0 : i32
      %dma_wait3A_320 = arith.constant 0 : i32
      %dma_wait3A_321 = tpu.memref_slice %arg2[%dma_wait3A_319, %dma_wait3A_320] : memref<100000x4xf32, #tpu.memory_space<hbm>> -> memref<100000x4xf32, #tpu.memory_space<hbm>>
      tpu.wait_indirect_dma semaphore(%arg11 : memref<!tpu.dma_semaphore, #tpu.memory_space<semaphore_mem>>) src(%dma_wait3A_321 : memref<100000x4xf32, #tpu.memory_space<hbm>>) dst(%dma_wait3A_315 : memref<128x4xf32, #tpu.memory_space<vmem>>)
      %dma_wait3A_322 = arith.constant 7 : i32
      %dma_wait3A_323 = arith.constant 896 : i32
      %dma_wait3A_324 = arith.constant 0 : i32
      %dma_wait3A_325 = tpu.memref_slice %arg10[%dma_wait3A_323, %dma_wait3A_324] : memref<1024x4xf32, #tpu.memory_space<vmem>> -> memref<128x4xf32, #tpu.memory_space<vmem>>
      %dma_wait3A_326 = arith.constant 0 : i32
      %dma_wait3A_327 = tpu.memref_slice %arg8[%dma_wait3A_322, %dma_wait3A_326] : memref<8x128xi32, #tpu.memory_space<vmem>> -> memref<1x128xi32, #tpu.memory_space<vmem>>
      %dma_wait3A_328 = tpu.memref_squeeze %dma_wait3A_327 : memref<1x128xi32, #tpu.memory_space<vmem>> -> memref<128xi32, #tpu.memory_space<vmem>>
      %dma_wait3A_329 = arith.constant 0 : i32
      %dma_wait3A_330 = arith.constant 0 : i32
      %dma_wait3A_331 = tpu.memref_slice %arg2[%dma_wait3A_329, %dma_wait3A_330] : memref<100000x4xf32, #tpu.memory_space<hbm>> -> memref<100000x4xf32, #tpu.memory_space<hbm>>
      tpu.wait_indirect_dma semaphore(%arg11 : memref<!tpu.dma_semaphore, #tpu.memory_space<semaphore_mem>>) src(%dma_wait3A_331 : memref<100000x4xf32, #tpu.memory_space<hbm>>) dst(%dma_wait3A_325 : memref<128x4xf32, #tpu.memory_space<vmem>>)
      %mul3A_332 = arith.constant 128 : i32
      %mul3A_333 = arith.muli %add3A_11, %mul3A_332 : i32
      "tpu.region"() ({
        %run_scoped3A = tpu.sem_alloc : memref<!tpu.dma_semaphore, #tpu.memory_space<semaphore_mem>>
        %dma_start3A_334 = arith.constant 0 : i32
        %dma_start3A_335 = tpu.memref_slice %arg6[%mul3A_333, %dma_start3A_334] : memref<1605632x4xf32, #tpu.memory_space<hbm>> -> memref<1024x4xf32, #tpu.memory_space<hbm>>
        %dma_start3A_336 = arith.constant 0 : i32
        %dma_start3A_337 = tpu.memref_slice %arg6[%mul3A_333, %dma_start3A_336] : memref<1605632x4xf32, #tpu.memory_space<hbm>> -> memref<1024x4xf32, #tpu.memory_space<hbm>>
        tpu.enqueue_dma source(%arg10 : memref<1024x4xf32, #tpu.memory_space<vmem>>) target(%dma_start3A_337 : memref<1024x4xf32, #tpu.memory_space<hbm>>) target_semaphore(%run_scoped3A : memref<!tpu.dma_semaphore, #tpu.memory_space<semaphore_mem>>)
        %dma_wait3A_338 = arith.constant 0 : i32
        %dma_wait3A_339 = tpu.memref_slice %arg6[%mul3A_333, %dma_wait3A_338] : memref<1605632x4xf32, #tpu.memory_space<hbm>> -> memref<1024x4xf32, #tpu.memory_space<hbm>>
        %dma_wait3A_340 = arith.constant 0 : i32
        %dma_wait3A_341 = tpu.memref_slice %arg6[%mul3A_333, %dma_wait3A_340] : memref<1605632x4xf32, #tpu.memory_space<hbm>> -> memref<1024x4xf32, #tpu.memory_space<hbm>>
        tpu.wait_dma2 semaphore(%run_scoped3A : memref<!tpu.dma_semaphore, #tpu.memory_space<semaphore_mem>>) src(%arg10 : memref<1024x4xf32, #tpu.memory_space<vmem>>) dst(%dma_wait3A_341 : memref<1024x4xf32, #tpu.memory_space<hbm>>)
        tpu.yield
      }) : () -> ()
    }
    %scan3A_7 = arith.constant 49 : i32
    return
  }
}

#map = affine_map<(d0, d1) -> (0, 0)>
#map1 = affine_map<(d0, d1) -> (0, 0, 0)>
module attributes {stable_mosaic.version = 14 : i64} {
  func.func @_sc_scatter_body(%arg0: i32, %arg1: i32, %arg2: memref<1605632x4xf32, #tpu.memory_space<hbm>>, %arg3: memref<12544x128xi32, #tpu.memory_space<hbm>>, %arg4: memref<100000x4xf32, #tpu.memory_space<hbm>>, %arg5: memref<2x100000x4xf32, #tpu.memory_space<hbm>>, %arg6: memref<128xi32, #tpu.memory_space<vmem>>, %arg7: memref<128xi32, #tpu.memory_space<vmem>>, %arg8: memref<128xi32, #tpu.memory_space<vmem>>, %arg9: memref<128xi32, #tpu.memory_space<vmem>>, %arg10: memref<128xi32, #tpu.memory_space<vmem>>, %arg11: memref<128xi32, #tpu.memory_space<vmem>>, %arg12: memref<128xi32, #tpu.memory_space<vmem>>, %arg13: memref<128xi32, #tpu.memory_space<vmem>>, %arg14: memref<128x4xf32, #tpu.memory_space<vmem>>, %arg15: memref<128x4xf32, #tpu.memory_space<vmem>>, %arg16: memref<128x4xf32, #tpu.memory_space<vmem>>, %arg17: memref<128x4xf32, #tpu.memory_space<vmem>>, %arg18: memref<128x4xf32, #tpu.memory_space<vmem>>, %arg19: memref<128x4xf32, #tpu.memory_space<vmem>>, %arg20: memref<128x4xf32, #tpu.memory_space<vmem>>, %arg21: memref<128x4xf32, #tpu.memory_space<vmem>>, %arg22: memref<100000x4xf32, #tpu.memory_space<vmem_shared>>, %arg23: memref<!tpu.dma_semaphore, #tpu.memory_space<semaphore_mem>>, %arg24: memref<!tpu.dma_semaphore, #tpu.memory_space<semaphore_mem>>) attributes {dimension_semantics = [#tpu.dimension_semantics<core_parallel>, #tpu.dimension_semantics<subcore_parallel>], iteration_bounds = array<i64: 2, 16>, scalar_prefetch = 0 : i64, scratch_operands = 19 : i64, tpu.core_type = #tpu.core_type<sc_vector_subcore>, window_params = [{transform_indices = #map}, {transform_indices = #map}, {transform_indices = #map}, {transform_indices = #map1}]} {
    %mul3A = arith.constant 16 : i32
    %mul3A_0 = arith.muli %arg0, %mul3A : i32
    %add3A = arith.addi %mul3A_0, %arg1 : i32
    %mul3A_1 = arith.constant 392 : i32
    %mul3A_2 = arith.muli %add3A, %mul3A_1 : i32
    %mul3A_3 = arith.constant 6256 : i32
    %mul3A_4 = arith.muli %arg1, %mul3A_3 : i32
    %lt3A = arith.constant 15 : i32
    %lt3A_5 = arith.cmpi slt, %arg1, %lt3A : i32
    %convert_element_type3A = arith.extui %lt3A_5 : i1 to i32
    %cond3A = arith.constant 0 : i32
    %cond3A_6 = arith.cmpi ne, %convert_element_type3A, %cond3A : i32
    scf.if %cond3A_6 {
      "tpu.region"() ({
        %run_scoped3A = tpu.sem_alloc : memref<!tpu.dma_semaphore, #tpu.memory_space<semaphore_mem>>
        %dma_start3A = arith.constant 0 : i32
        %dma_start3A_27 = tpu.memref_slice %arg22[%mul3A_4, %dma_start3A] : memref<100000x4xf32, #tpu.memory_space<vmem_shared>> -> memref<6256x4xf32, #tpu.memory_space<vmem_shared>>
        %dma_start3A_28 = arith.constant 0 : i32
        %dma_start3A_29 = tpu.memref_slice %arg4[%mul3A_4, %dma_start3A_28] : memref<100000x4xf32, #tpu.memory_space<hbm>> -> memref<6256x4xf32, #tpu.memory_space<hbm>>
        tpu.enqueue_dma source(%dma_start3A_29 : memref<6256x4xf32, #tpu.memory_space<hbm>>) target(%dma_start3A_27 : memref<6256x4xf32, #tpu.memory_space<vmem_shared>>) target_semaphore(%run_scoped3A : memref<!tpu.dma_semaphore, #tpu.memory_space<semaphore_mem>>)
        %dma_wait3A = arith.constant 0 : i32
        %dma_wait3A_30 = tpu.memref_slice %arg22[%mul3A_4, %dma_wait3A] : memref<100000x4xf32, #tpu.memory_space<vmem_shared>> -> memref<6256x4xf32, #tpu.memory_space<vmem_shared>>
        %dma_wait3A_31 = arith.constant 0 : i32
        %dma_wait3A_32 = tpu.memref_slice %arg4[%mul3A_4, %dma_wait3A_31] : memref<100000x4xf32, #tpu.memory_space<hbm>> -> memref<6256x4xf32, #tpu.memory_space<hbm>>
        tpu.wait_dma2 semaphore(%run_scoped3A : memref<!tpu.dma_semaphore, #tpu.memory_space<semaphore_mem>>) src(%dma_wait3A_32 : memref<6256x4xf32, #tpu.memory_space<hbm>>) dst(%dma_wait3A_30 : memref<6256x4xf32, #tpu.memory_space<vmem_shared>>)
        tpu.yield
      }) : () -> ()
    } else {
    }
    %eq3A = arith.constant 15 : i32
    %eq3A_7 = arith.cmpi eq, %arg1, %eq3A : i32
    %convert_element_type3A_8 = arith.extui %eq3A_7 : i1 to i32
    %cond3A_9 = arith.constant 0 : i32
    %cond3A_10 = arith.cmpi ne, %convert_element_type3A_8, %cond3A_9 : i32
    scf.if %cond3A_10 {
      "tpu.region"() ({
        %run_scoped3A = tpu.sem_alloc : memref<!tpu.dma_semaphore, #tpu.memory_space<semaphore_mem>>
        %dma_start3A = arith.constant 0 : i32
        %dma_start3A_27 = tpu.memref_slice %arg22[%mul3A_4, %dma_start3A] : memref<100000x4xf32, #tpu.memory_space<vmem_shared>> -> memref<6160x4xf32, #tpu.memory_space<vmem_shared>>
        %dma_start3A_28 = arith.constant 0 : i32
        %dma_start3A_29 = tpu.memref_slice %arg4[%mul3A_4, %dma_start3A_28] : memref<100000x4xf32, #tpu.memory_space<hbm>> -> memref<6160x4xf32, #tpu.memory_space<hbm>>
        tpu.enqueue_dma source(%dma_start3A_29 : memref<6160x4xf32, #tpu.memory_space<hbm>>) target(%dma_start3A_27 : memref<6160x4xf32, #tpu.memory_space<vmem_shared>>) target_semaphore(%run_scoped3A : memref<!tpu.dma_semaphore, #tpu.memory_space<semaphore_mem>>)
        %dma_wait3A = arith.constant 0 : i32
        %dma_wait3A_30 = tpu.memref_slice %arg22[%mul3A_4, %dma_wait3A] : memref<100000x4xf32, #tpu.memory_space<vmem_shared>> -> memref<6160x4xf32, #tpu.memory_space<vmem_shared>>
        %dma_wait3A_31 = arith.constant 0 : i32
        %dma_wait3A_32 = tpu.memref_slice %arg4[%mul3A_4, %dma_wait3A_31] : memref<100000x4xf32, #tpu.memory_space<hbm>> -> memref<6160x4xf32, #tpu.memory_space<hbm>>
        tpu.wait_dma2 semaphore(%run_scoped3A : memref<!tpu.dma_semaphore, #tpu.memory_space<semaphore_mem>>) src(%dma_wait3A_32 : memref<6160x4xf32, #tpu.memory_space<hbm>>) dst(%dma_wait3A_30 : memref<6160x4xf32, #tpu.memory_space<vmem_shared>>)
        tpu.yield
      }) : () -> ()
    } else {
    }
    %barrier3A = arith.constant 0 : index
    tpu.barrier barrier_id(%barrier3A)
    %scan3A = arith.constant 0 : i32
    %scan3A_11 = arith.constant 0 : i32
    %scan3A_12 = arith.constant 49 : i32
    %scan3A_13 = arith.addi %scan3A_11, %scan3A_12 : i32
    %scan3A_14 = arith.constant 1 : i32
    scf.for %scan3A_27 = %scan3A_11 to %scan3A_13 step %scan3A_14  : i32 {
      %mul3A_28 = arith.constant 8 : i32
      %mul3A_29 = arith.muli %scan3A_27, %mul3A_28 : i32
      %add3A_30 = arith.addi %mul3A_2, %mul3A_29 : i32
      %add3A_31 = arith.constant 0 : i32
      %add3A_32 = arith.addi %add3A_30, %add3A_31 : i32
      %dma_start3A = arith.constant 0 : i32
      %dma_start3A_33 = tpu.memref_slice %arg3[%add3A_32, %dma_start3A] : memref<12544x128xi32, #tpu.memory_space<hbm>> -> memref<1x128xi32, #tpu.memory_space<hbm>>
      %dma_start3A_34 = tpu.memref_squeeze %dma_start3A_33 : memref<1x128xi32, #tpu.memory_space<hbm>> -> memref<128xi32, #tpu.memory_space<hbm>>
      %dma_start3A_35 = arith.constant 0 : i32
      %dma_start3A_36 = tpu.memref_slice %arg3[%add3A_32, %dma_start3A_35] : memref<12544x128xi32, #tpu.memory_space<hbm>> -> memref<1x128xi32, #tpu.memory_space<hbm>>
      %dma_start3A_37 = tpu.memref_squeeze %dma_start3A_36 : memref<1x128xi32, #tpu.memory_space<hbm>> -> memref<128xi32, #tpu.memory_space<hbm>>
      tpu.enqueue_dma source(%dma_start3A_37 : memref<128xi32, #tpu.memory_space<hbm>>) target(%arg6 : memref<128xi32, #tpu.memory_space<vmem>>) target_semaphore(%arg24 : memref<!tpu.dma_semaphore, #tpu.memory_space<semaphore_mem>>)
      %add3A_38 = arith.constant 0 : i32
      %add3A_39 = arith.addi %add3A_30, %add3A_38 : i32
      %mul3A_40 = arith.constant 128 : i32
      %mul3A_41 = arith.muli %add3A_39, %mul3A_40 : i32
      %dma_start3A_42 = arith.constant 0 : i32
      %dma_start3A_43 = tpu.memref_slice %arg2[%mul3A_41, %dma_start3A_42] : memref<1605632x4xf32, #tpu.memory_space<hbm>> -> memref<128x4xf32, #tpu.memory_space<hbm>>
      %dma_start3A_44 = arith.constant 0 : i32
      %dma_start3A_45 = tpu.memref_slice %arg2[%mul3A_41, %dma_start3A_44] : memref<1605632x4xf32, #tpu.memory_space<hbm>> -> memref<128x4xf32, #tpu.memory_space<hbm>>
      tpu.enqueue_dma source(%dma_start3A_45 : memref<128x4xf32, #tpu.memory_space<hbm>>) target(%arg14 : memref<128x4xf32, #tpu.memory_space<vmem>>) target_semaphore(%arg24 : memref<!tpu.dma_semaphore, #tpu.memory_space<semaphore_mem>>)
      %add3A_46 = arith.constant 1 : i32
      %add3A_47 = arith.addi %add3A_30, %add3A_46 : i32
      %dma_start3A_48 = arith.constant 0 : i32
      %dma_start3A_49 = tpu.memref_slice %arg3[%add3A_47, %dma_start3A_48] : memref<12544x128xi32, #tpu.memory_space<hbm>> -> memref<1x128xi32, #tpu.memory_space<hbm>>
      %dma_start3A_50 = tpu.memref_squeeze %dma_start3A_49 : memref<1x128xi32, #tpu.memory_space<hbm>> -> memref<128xi32, #tpu.memory_space<hbm>>
      %dma_start3A_51 = arith.constant 0 : i32
      %dma_start3A_52 = tpu.memref_slice %arg3[%add3A_47, %dma_start3A_51] : memref<12544x128xi32, #tpu.memory_space<hbm>> -> memref<1x128xi32, #tpu.memory_space<hbm>>
      %dma_start3A_53 = tpu.memref_squeeze %dma_start3A_52 : memref<1x128xi32, #tpu.memory_space<hbm>> -> memref<128xi32, #tpu.memory_space<hbm>>
      tpu.enqueue_dma source(%dma_start3A_53 : memref<128xi32, #tpu.memory_space<hbm>>) target(%arg7 : memref<128xi32, #tpu.memory_space<vmem>>) target_semaphore(%arg24 : memref<!tpu.dma_semaphore, #tpu.memory_space<semaphore_mem>>)
      %add3A_54 = arith.constant 1 : i32
      %add3A_55 = arith.addi %add3A_30, %add3A_54 : i32
      %mul3A_56 = arith.constant 128 : i32
      %mul3A_57 = arith.muli %add3A_55, %mul3A_56 : i32
      %dma_start3A_58 = arith.constant 0 : i32
      %dma_start3A_59 = tpu.memref_slice %arg2[%mul3A_57, %dma_start3A_58] : memref<1605632x4xf32, #tpu.memory_space<hbm>> -> memref<128x4xf32, #tpu.memory_space<hbm>>
      %dma_start3A_60 = arith.constant 0 : i32
      %dma_start3A_61 = tpu.memref_slice %arg2[%mul3A_57, %dma_start3A_60] : memref<1605632x4xf32, #tpu.memory_space<hbm>> -> memref<128x4xf32, #tpu.memory_space<hbm>>
      tpu.enqueue_dma source(%dma_start3A_61 : memref<128x4xf32, #tpu.memory_space<hbm>>) target(%arg15 : memref<128x4xf32, #tpu.memory_space<vmem>>) target_semaphore(%arg24 : memref<!tpu.dma_semaphore, #tpu.memory_space<semaphore_mem>>)
      %add3A_62 = arith.constant 2 : i32
      %add3A_63 = arith.addi %add3A_30, %add3A_62 : i32
      %dma_start3A_64 = arith.constant 0 : i32
      %dma_start3A_65 = tpu.memref_slice %arg3[%add3A_63, %dma_start3A_64] : memref<12544x128xi32, #tpu.memory_space<hbm>> -> memref<1x128xi32, #tpu.memory_space<hbm>>
      %dma_start3A_66 = tpu.memref_squeeze %dma_start3A_65 : memref<1x128xi32, #tpu.memory_space<hbm>> -> memref<128xi32, #tpu.memory_space<hbm>>
      %dma_start3A_67 = arith.constant 0 : i32
      %dma_start3A_68 = tpu.memref_slice %arg3[%add3A_63, %dma_start3A_67] : memref<12544x128xi32, #tpu.memory_space<hbm>> -> memref<1x128xi32, #tpu.memory_space<hbm>>
      %dma_start3A_69 = tpu.memref_squeeze %dma_start3A_68 : memref<1x128xi32, #tpu.memory_space<hbm>> -> memref<128xi32, #tpu.memory_space<hbm>>
      tpu.enqueue_dma source(%dma_start3A_69 : memref<128xi32, #tpu.memory_space<hbm>>) target(%arg8 : memref<128xi32, #tpu.memory_space<vmem>>) target_semaphore(%arg24 : memref<!tpu.dma_semaphore, #tpu.memory_space<semaphore_mem>>)
      %add3A_70 = arith.constant 2 : i32
      %add3A_71 = arith.addi %add3A_30, %add3A_70 : i32
      %mul3A_72 = arith.constant 128 : i32
      %mul3A_73 = arith.muli %add3A_71, %mul3A_72 : i32
      %dma_start3A_74 = arith.constant 0 : i32
      %dma_start3A_75 = tpu.memref_slice %arg2[%mul3A_73, %dma_start3A_74] : memref<1605632x4xf32, #tpu.memory_space<hbm>> -> memref<128x4xf32, #tpu.memory_space<hbm>>
      %dma_start3A_76 = arith.constant 0 : i32
      %dma_start3A_77 = tpu.memref_slice %arg2[%mul3A_73, %dma_start3A_76] : memref<1605632x4xf32, #tpu.memory_space<hbm>> -> memref<128x4xf32, #tpu.memory_space<hbm>>
      tpu.enqueue_dma source(%dma_start3A_77 : memref<128x4xf32, #tpu.memory_space<hbm>>) target(%arg16 : memref<128x4xf32, #tpu.memory_space<vmem>>) target_semaphore(%arg24 : memref<!tpu.dma_semaphore, #tpu.memory_space<semaphore_mem>>)
      %add3A_78 = arith.constant 3 : i32
      %add3A_79 = arith.addi %add3A_30, %add3A_78 : i32
      %dma_start3A_80 = arith.constant 0 : i32
      %dma_start3A_81 = tpu.memref_slice %arg3[%add3A_79, %dma_start3A_80] : memref<12544x128xi32, #tpu.memory_space<hbm>> -> memref<1x128xi32, #tpu.memory_space<hbm>>
      %dma_start3A_82 = tpu.memref_squeeze %dma_start3A_81 : memref<1x128xi32, #tpu.memory_space<hbm>> -> memref<128xi32, #tpu.memory_space<hbm>>
      %dma_start3A_83 = arith.constant 0 : i32
      %dma_start3A_84 = tpu.memref_slice %arg3[%add3A_79, %dma_start3A_83] : memref<12544x128xi32, #tpu.memory_space<hbm>> -> memref<1x128xi32, #tpu.memory_space<hbm>>
      %dma_start3A_85 = tpu.memref_squeeze %dma_start3A_84 : memref<1x128xi32, #tpu.memory_space<hbm>> -> memref<128xi32, #tpu.memory_space<hbm>>
      tpu.enqueue_dma source(%dma_start3A_85 : memref<128xi32, #tpu.memory_space<hbm>>) target(%arg9 : memref<128xi32, #tpu.memory_space<vmem>>) target_semaphore(%arg24 : memref<!tpu.dma_semaphore, #tpu.memory_space<semaphore_mem>>)
      %add3A_86 = arith.constant 3 : i32
      %add3A_87 = arith.addi %add3A_30, %add3A_86 : i32
      %mul3A_88 = arith.constant 128 : i32
      %mul3A_89 = arith.muli %add3A_87, %mul3A_88 : i32
      %dma_start3A_90 = arith.constant 0 : i32
      %dma_start3A_91 = tpu.memref_slice %arg2[%mul3A_89, %dma_start3A_90] : memref<1605632x4xf32, #tpu.memory_space<hbm>> -> memref<128x4xf32, #tpu.memory_space<hbm>>
      %dma_start3A_92 = arith.constant 0 : i32
      %dma_start3A_93 = tpu.memref_slice %arg2[%mul3A_89, %dma_start3A_92] : memref<1605632x4xf32, #tpu.memory_space<hbm>> -> memref<128x4xf32, #tpu.memory_space<hbm>>
      tpu.enqueue_dma source(%dma_start3A_93 : memref<128x4xf32, #tpu.memory_space<hbm>>) target(%arg17 : memref<128x4xf32, #tpu.memory_space<vmem>>) target_semaphore(%arg24 : memref<!tpu.dma_semaphore, #tpu.memory_space<semaphore_mem>>)
      %add3A_94 = arith.constant 4 : i32
      %add3A_95 = arith.addi %add3A_30, %add3A_94 : i32
      %dma_start3A_96 = arith.constant 0 : i32
      %dma_start3A_97 = tpu.memref_slice %arg3[%add3A_95, %dma_start3A_96] : memref<12544x128xi32, #tpu.memory_space<hbm>> -> memref<1x128xi32, #tpu.memory_space<hbm>>
      %dma_start3A_98 = tpu.memref_squeeze %dma_start3A_97 : memref<1x128xi32, #tpu.memory_space<hbm>> -> memref<128xi32, #tpu.memory_space<hbm>>
      %dma_start3A_99 = arith.constant 0 : i32
      %dma_start3A_100 = tpu.memref_slice %arg3[%add3A_95, %dma_start3A_99] : memref<12544x128xi32, #tpu.memory_space<hbm>> -> memref<1x128xi32, #tpu.memory_space<hbm>>
      %dma_start3A_101 = tpu.memref_squeeze %dma_start3A_100 : memref<1x128xi32, #tpu.memory_space<hbm>> -> memref<128xi32, #tpu.memory_space<hbm>>
      tpu.enqueue_dma source(%dma_start3A_101 : memref<128xi32, #tpu.memory_space<hbm>>) target(%arg10 : memref<128xi32, #tpu.memory_space<vmem>>) target_semaphore(%arg24 : memref<!tpu.dma_semaphore, #tpu.memory_space<semaphore_mem>>)
      %add3A_102 = arith.constant 4 : i32
      %add3A_103 = arith.addi %add3A_30, %add3A_102 : i32
      %mul3A_104 = arith.constant 128 : i32
      %mul3A_105 = arith.muli %add3A_103, %mul3A_104 : i32
      %dma_start3A_106 = arith.constant 0 : i32
      %dma_start3A_107 = tpu.memref_slice %arg2[%mul3A_105, %dma_start3A_106] : memref<1605632x4xf32, #tpu.memory_space<hbm>> -> memref<128x4xf32, #tpu.memory_space<hbm>>
      %dma_start3A_108 = arith.constant 0 : i32
      %dma_start3A_109 = tpu.memref_slice %arg2[%mul3A_105, %dma_start3A_108] : memref<1605632x4xf32, #tpu.memory_space<hbm>> -> memref<128x4xf32, #tpu.memory_space<hbm>>
      tpu.enqueue_dma source(%dma_start3A_109 : memref<128x4xf32, #tpu.memory_space<hbm>>) target(%arg18 : memref<128x4xf32, #tpu.memory_space<vmem>>) target_semaphore(%arg24 : memref<!tpu.dma_semaphore, #tpu.memory_space<semaphore_mem>>)
      %add3A_110 = arith.constant 5 : i32
      %add3A_111 = arith.addi %add3A_30, %add3A_110 : i32
      %dma_start3A_112 = arith.constant 0 : i32
      %dma_start3A_113 = tpu.memref_slice %arg3[%add3A_111, %dma_start3A_112] : memref<12544x128xi32, #tpu.memory_space<hbm>> -> memref<1x128xi32, #tpu.memory_space<hbm>>
      %dma_start3A_114 = tpu.memref_squeeze %dma_start3A_113 : memref<1x128xi32, #tpu.memory_space<hbm>> -> memref<128xi32, #tpu.memory_space<hbm>>
      %dma_start3A_115 = arith.constant 0 : i32
      %dma_start3A_116 = tpu.memref_slice %arg3[%add3A_111, %dma_start3A_115] : memref<12544x128xi32, #tpu.memory_space<hbm>> -> memref<1x128xi32, #tpu.memory_space<hbm>>
      %dma_start3A_117 = tpu.memref_squeeze %dma_start3A_116 : memref<1x128xi32, #tpu.memory_space<hbm>> -> memref<128xi32, #tpu.memory_space<hbm>>
      tpu.enqueue_dma source(%dma_start3A_117 : memref<128xi32, #tpu.memory_space<hbm>>) target(%arg11 : memref<128xi32, #tpu.memory_space<vmem>>) target_semaphore(%arg24 : memref<!tpu.dma_semaphore, #tpu.memory_space<semaphore_mem>>)
      %add3A_118 = arith.constant 5 : i32
      %add3A_119 = arith.addi %add3A_30, %add3A_118 : i32
      %mul3A_120 = arith.constant 128 : i32
      %mul3A_121 = arith.muli %add3A_119, %mul3A_120 : i32
      %dma_start3A_122 = arith.constant 0 : i32
      %dma_start3A_123 = tpu.memref_slice %arg2[%mul3A_121, %dma_start3A_122] : memref<1605632x4xf32, #tpu.memory_space<hbm>> -> memref<128x4xf32, #tpu.memory_space<hbm>>
      %dma_start3A_124 = arith.constant 0 : i32
      %dma_start3A_125 = tpu.memref_slice %arg2[%mul3A_121, %dma_start3A_124] : memref<1605632x4xf32, #tpu.memory_space<hbm>> -> memref<128x4xf32, #tpu.memory_space<hbm>>
      tpu.enqueue_dma source(%dma_start3A_125 : memref<128x4xf32, #tpu.memory_space<hbm>>) target(%arg19 : memref<128x4xf32, #tpu.memory_space<vmem>>) target_semaphore(%arg24 : memref<!tpu.dma_semaphore, #tpu.memory_space<semaphore_mem>>)
      %add3A_126 = arith.constant 6 : i32
      %add3A_127 = arith.addi %add3A_30, %add3A_126 : i32
      %dma_start3A_128 = arith.constant 0 : i32
      %dma_start3A_129 = tpu.memref_slice %arg3[%add3A_127, %dma_start3A_128] : memref<12544x128xi32, #tpu.memory_space<hbm>> -> memref<1x128xi32, #tpu.memory_space<hbm>>
      %dma_start3A_130 = tpu.memref_squeeze %dma_start3A_129 : memref<1x128xi32, #tpu.memory_space<hbm>> -> memref<128xi32, #tpu.memory_space<hbm>>
      %dma_start3A_131 = arith.constant 0 : i32
      %dma_start3A_132 = tpu.memref_slice %arg3[%add3A_127, %dma_start3A_131] : memref<12544x128xi32, #tpu.memory_space<hbm>> -> memref<1x128xi32, #tpu.memory_space<hbm>>
      %dma_start3A_133 = tpu.memref_squeeze %dma_start3A_132 : memref<1x128xi32, #tpu.memory_space<hbm>> -> memref<128xi32, #tpu.memory_space<hbm>>
      tpu.enqueue_dma source(%dma_start3A_133 : memref<128xi32, #tpu.memory_space<hbm>>) target(%arg12 : memref<128xi32, #tpu.memory_space<vmem>>) target_semaphore(%arg24 : memref<!tpu.dma_semaphore, #tpu.memory_space<semaphore_mem>>)
      %add3A_134 = arith.constant 6 : i32
      %add3A_135 = arith.addi %add3A_30, %add3A_134 : i32
      %mul3A_136 = arith.constant 128 : i32
      %mul3A_137 = arith.muli %add3A_135, %mul3A_136 : i32
      %dma_start3A_138 = arith.constant 0 : i32
      %dma_start3A_139 = tpu.memref_slice %arg2[%mul3A_137, %dma_start3A_138] : memref<1605632x4xf32, #tpu.memory_space<hbm>> -> memref<128x4xf32, #tpu.memory_space<hbm>>
      %dma_start3A_140 = arith.constant 0 : i32
      %dma_start3A_141 = tpu.memref_slice %arg2[%mul3A_137, %dma_start3A_140] : memref<1605632x4xf32, #tpu.memory_space<hbm>> -> memref<128x4xf32, #tpu.memory_space<hbm>>
      tpu.enqueue_dma source(%dma_start3A_141 : memref<128x4xf32, #tpu.memory_space<hbm>>) target(%arg20 : memref<128x4xf32, #tpu.memory_space<vmem>>) target_semaphore(%arg24 : memref<!tpu.dma_semaphore, #tpu.memory_space<semaphore_mem>>)
      %add3A_142 = arith.constant 7 : i32
      %add3A_143 = arith.addi %add3A_30, %add3A_142 : i32
      %dma_start3A_144 = arith.constant 0 : i32
      %dma_start3A_145 = tpu.memref_slice %arg3[%add3A_143, %dma_start3A_144] : memref<12544x128xi32, #tpu.memory_space<hbm>> -> memref<1x128xi32, #tpu.memory_space<hbm>>
      %dma_start3A_146 = tpu.memref_squeeze %dma_start3A_145 : memref<1x128xi32, #tpu.memory_space<hbm>> -> memref<128xi32, #tpu.memory_space<hbm>>
      %dma_start3A_147 = arith.constant 0 : i32
      %dma_start3A_148 = tpu.memref_slice %arg3[%add3A_143, %dma_start3A_147] : memref<12544x128xi32, #tpu.memory_space<hbm>> -> memref<1x128xi32, #tpu.memory_space<hbm>>
      %dma_start3A_149 = tpu.memref_squeeze %dma_start3A_148 : memref<1x128xi32, #tpu.memory_space<hbm>> -> memref<128xi32, #tpu.memory_space<hbm>>
      tpu.enqueue_dma source(%dma_start3A_149 : memref<128xi32, #tpu.memory_space<hbm>>) target(%arg13 : memref<128xi32, #tpu.memory_space<vmem>>) target_semaphore(%arg24 : memref<!tpu.dma_semaphore, #tpu.memory_space<semaphore_mem>>)
      %add3A_150 = arith.constant 7 : i32
      %add3A_151 = arith.addi %add3A_30, %add3A_150 : i32
      %mul3A_152 = arith.constant 128 : i32
      %mul3A_153 = arith.muli %add3A_151, %mul3A_152 : i32
      %dma_start3A_154 = arith.constant 0 : i32
      %dma_start3A_155 = tpu.memref_slice %arg2[%mul3A_153, %dma_start3A_154] : memref<1605632x4xf32, #tpu.memory_space<hbm>> -> memref<128x4xf32, #tpu.memory_space<hbm>>
      %dma_start3A_156 = arith.constant 0 : i32
      %dma_start3A_157 = tpu.memref_slice %arg2[%mul3A_153, %dma_start3A_156] : memref<1605632x4xf32, #tpu.memory_space<hbm>> -> memref<128x4xf32, #tpu.memory_space<hbm>>
      tpu.enqueue_dma source(%dma_start3A_157 : memref<128x4xf32, #tpu.memory_space<hbm>>) target(%arg21 : memref<128x4xf32, #tpu.memory_space<vmem>>) target_semaphore(%arg24 : memref<!tpu.dma_semaphore, #tpu.memory_space<semaphore_mem>>)
      %dma_wait3A = arith.constant 0 : i32
      %dma_wait3A_158 = tpu.memref_slice %arg3[%add3A_32, %dma_wait3A] : memref<12544x128xi32, #tpu.memory_space<hbm>> -> memref<1x128xi32, #tpu.memory_space<hbm>>
      %dma_wait3A_159 = tpu.memref_squeeze %dma_wait3A_158 : memref<1x128xi32, #tpu.memory_space<hbm>> -> memref<128xi32, #tpu.memory_space<hbm>>
      %dma_wait3A_160 = arith.constant 0 : i32
      %dma_wait3A_161 = tpu.memref_slice %arg3[%add3A_32, %dma_wait3A_160] : memref<12544x128xi32, #tpu.memory_space<hbm>> -> memref<1x128xi32, #tpu.memory_space<hbm>>
      %dma_wait3A_162 = tpu.memref_squeeze %dma_wait3A_161 : memref<1x128xi32, #tpu.memory_space<hbm>> -> memref<128xi32, #tpu.memory_space<hbm>>
      tpu.wait_dma2 semaphore(%arg24 : memref<!tpu.dma_semaphore, #tpu.memory_space<semaphore_mem>>) src(%dma_wait3A_162 : memref<128xi32, #tpu.memory_space<hbm>>) dst(%arg6 : memref<128xi32, #tpu.memory_space<vmem>>)
      %dma_wait3A_163 = arith.constant 0 : i32
      %dma_wait3A_164 = tpu.memref_slice %arg2[%mul3A_41, %dma_wait3A_163] : memref<1605632x4xf32, #tpu.memory_space<hbm>> -> memref<128x4xf32, #tpu.memory_space<hbm>>
      %dma_wait3A_165 = arith.constant 0 : i32
      %dma_wait3A_166 = tpu.memref_slice %arg2[%mul3A_41, %dma_wait3A_165] : memref<1605632x4xf32, #tpu.memory_space<hbm>> -> memref<128x4xf32, #tpu.memory_space<hbm>>
      tpu.wait_dma2 semaphore(%arg24 : memref<!tpu.dma_semaphore, #tpu.memory_space<semaphore_mem>>) src(%dma_wait3A_166 : memref<128x4xf32, #tpu.memory_space<hbm>>) dst(%arg14 : memref<128x4xf32, #tpu.memory_space<vmem>>)
      %dma_wait3A_167 = arith.constant 0 : i32
      %dma_wait3A_168 = tpu.memref_slice %arg3[%add3A_47, %dma_wait3A_167] : memref<12544x128xi32, #tpu.memory_space<hbm>> -> memref<1x128xi32, #tpu.memory_space<hbm>>
      %dma_wait3A_169 = tpu.memref_squeeze %dma_wait3A_168 : memref<1x128xi32, #tpu.memory_space<hbm>> -> memref<128xi32, #tpu.memory_space<hbm>>
      %dma_wait3A_170 = arith.constant 0 : i32
      %dma_wait3A_171 = tpu.memref_slice %arg3[%add3A_47, %dma_wait3A_170] : memref<12544x128xi32, #tpu.memory_space<hbm>> -> memref<1x128xi32, #tpu.memory_space<hbm>>
      %dma_wait3A_172 = tpu.memref_squeeze %dma_wait3A_171 : memref<1x128xi32, #tpu.memory_space<hbm>> -> memref<128xi32, #tpu.memory_space<hbm>>
      tpu.wait_dma2 semaphore(%arg24 : memref<!tpu.dma_semaphore, #tpu.memory_space<semaphore_mem>>) src(%dma_wait3A_172 : memref<128xi32, #tpu.memory_space<hbm>>) dst(%arg7 : memref<128xi32, #tpu.memory_space<vmem>>)
      %dma_wait3A_173 = arith.constant 0 : i32
      %dma_wait3A_174 = tpu.memref_slice %arg2[%mul3A_57, %dma_wait3A_173] : memref<1605632x4xf32, #tpu.memory_space<hbm>> -> memref<128x4xf32, #tpu.memory_space<hbm>>
      %dma_wait3A_175 = arith.constant 0 : i32
      %dma_wait3A_176 = tpu.memref_slice %arg2[%mul3A_57, %dma_wait3A_175] : memref<1605632x4xf32, #tpu.memory_space<hbm>> -> memref<128x4xf32, #tpu.memory_space<hbm>>
      tpu.wait_dma2 semaphore(%arg24 : memref<!tpu.dma_semaphore, #tpu.memory_space<semaphore_mem>>) src(%dma_wait3A_176 : memref<128x4xf32, #tpu.memory_space<hbm>>) dst(%arg15 : memref<128x4xf32, #tpu.memory_space<vmem>>)
      %dma_wait3A_177 = arith.constant 0 : i32
      %dma_wait3A_178 = tpu.memref_slice %arg3[%add3A_63, %dma_wait3A_177] : memref<12544x128xi32, #tpu.memory_space<hbm>> -> memref<1x128xi32, #tpu.memory_space<hbm>>
      %dma_wait3A_179 = tpu.memref_squeeze %dma_wait3A_178 : memref<1x128xi32, #tpu.memory_space<hbm>> -> memref<128xi32, #tpu.memory_space<hbm>>
      %dma_wait3A_180 = arith.constant 0 : i32
      %dma_wait3A_181 = tpu.memref_slice %arg3[%add3A_63, %dma_wait3A_180] : memref<12544x128xi32, #tpu.memory_space<hbm>> -> memref<1x128xi32, #tpu.memory_space<hbm>>
      %dma_wait3A_182 = tpu.memref_squeeze %dma_wait3A_181 : memref<1x128xi32, #tpu.memory_space<hbm>> -> memref<128xi32, #tpu.memory_space<hbm>>
      tpu.wait_dma2 semaphore(%arg24 : memref<!tpu.dma_semaphore, #tpu.memory_space<semaphore_mem>>) src(%dma_wait3A_182 : memref<128xi32, #tpu.memory_space<hbm>>) dst(%arg8 : memref<128xi32, #tpu.memory_space<vmem>>)
      %dma_wait3A_183 = arith.constant 0 : i32
      %dma_wait3A_184 = tpu.memref_slice %arg2[%mul3A_73, %dma_wait3A_183] : memref<1605632x4xf32, #tpu.memory_space<hbm>> -> memref<128x4xf32, #tpu.memory_space<hbm>>
      %dma_wait3A_185 = arith.constant 0 : i32
      %dma_wait3A_186 = tpu.memref_slice %arg2[%mul3A_73, %dma_wait3A_185] : memref<1605632x4xf32, #tpu.memory_space<hbm>> -> memref<128x4xf32, #tpu.memory_space<hbm>>
      tpu.wait_dma2 semaphore(%arg24 : memref<!tpu.dma_semaphore, #tpu.memory_space<semaphore_mem>>) src(%dma_wait3A_186 : memref<128x4xf32, #tpu.memory_space<hbm>>) dst(%arg16 : memref<128x4xf32, #tpu.memory_space<vmem>>)
      %dma_wait3A_187 = arith.constant 0 : i32
      %dma_wait3A_188 = tpu.memref_slice %arg3[%add3A_79, %dma_wait3A_187] : memref<12544x128xi32, #tpu.memory_space<hbm>> -> memref<1x128xi32, #tpu.memory_space<hbm>>
      %dma_wait3A_189 = tpu.memref_squeeze %dma_wait3A_188 : memref<1x128xi32, #tpu.memory_space<hbm>> -> memref<128xi32, #tpu.memory_space<hbm>>
      %dma_wait3A_190 = arith.constant 0 : i32
      %dma_wait3A_191 = tpu.memref_slice %arg3[%add3A_79, %dma_wait3A_190] : memref<12544x128xi32, #tpu.memory_space<hbm>> -> memref<1x128xi32, #tpu.memory_space<hbm>>
      %dma_wait3A_192 = tpu.memref_squeeze %dma_wait3A_191 : memref<1x128xi32, #tpu.memory_space<hbm>> -> memref<128xi32, #tpu.memory_space<hbm>>
      tpu.wait_dma2 semaphore(%arg24 : memref<!tpu.dma_semaphore, #tpu.memory_space<semaphore_mem>>) src(%dma_wait3A_192 : memref<128xi32, #tpu.memory_space<hbm>>) dst(%arg9 : memref<128xi32, #tpu.memory_space<vmem>>)
      %dma_wait3A_193 = arith.constant 0 : i32
      %dma_wait3A_194 = tpu.memref_slice %arg2[%mul3A_89, %dma_wait3A_193] : memref<1605632x4xf32, #tpu.memory_space<hbm>> -> memref<128x4xf32, #tpu.memory_space<hbm>>
      %dma_wait3A_195 = arith.constant 0 : i32
      %dma_wait3A_196 = tpu.memref_slice %arg2[%mul3A_89, %dma_wait3A_195] : memref<1605632x4xf32, #tpu.memory_space<hbm>> -> memref<128x4xf32, #tpu.memory_space<hbm>>
      tpu.wait_dma2 semaphore(%arg24 : memref<!tpu.dma_semaphore, #tpu.memory_space<semaphore_mem>>) src(%dma_wait3A_196 : memref<128x4xf32, #tpu.memory_space<hbm>>) dst(%arg17 : memref<128x4xf32, #tpu.memory_space<vmem>>)
      %dma_wait3A_197 = arith.constant 0 : i32
      %dma_wait3A_198 = tpu.memref_slice %arg3[%add3A_95, %dma_wait3A_197] : memref<12544x128xi32, #tpu.memory_space<hbm>> -> memref<1x128xi32, #tpu.memory_space<hbm>>
      %dma_wait3A_199 = tpu.memref_squeeze %dma_wait3A_198 : memref<1x128xi32, #tpu.memory_space<hbm>> -> memref<128xi32, #tpu.memory_space<hbm>>
      %dma_wait3A_200 = arith.constant 0 : i32
      %dma_wait3A_201 = tpu.memref_slice %arg3[%add3A_95, %dma_wait3A_200] : memref<12544x128xi32, #tpu.memory_space<hbm>> -> memref<1x128xi32, #tpu.memory_space<hbm>>
      %dma_wait3A_202 = tpu.memref_squeeze %dma_wait3A_201 : memref<1x128xi32, #tpu.memory_space<hbm>> -> memref<128xi32, #tpu.memory_space<hbm>>
      tpu.wait_dma2 semaphore(%arg24 : memref<!tpu.dma_semaphore, #tpu.memory_space<semaphore_mem>>) src(%dma_wait3A_202 : memref<128xi32, #tpu.memory_space<hbm>>) dst(%arg10 : memref<128xi32, #tpu.memory_space<vmem>>)
      %dma_wait3A_203 = arith.constant 0 : i32
      %dma_wait3A_204 = tpu.memref_slice %arg2[%mul3A_105, %dma_wait3A_203] : memref<1605632x4xf32, #tpu.memory_space<hbm>> -> memref<128x4xf32, #tpu.memory_space<hbm>>
      %dma_wait3A_205 = arith.constant 0 : i32
      %dma_wait3A_206 = tpu.memref_slice %arg2[%mul3A_105, %dma_wait3A_205] : memref<1605632x4xf32, #tpu.memory_space<hbm>> -> memref<128x4xf32, #tpu.memory_space<hbm>>
      tpu.wait_dma2 semaphore(%arg24 : memref<!tpu.dma_semaphore, #tpu.memory_space<semaphore_mem>>) src(%dma_wait3A_206 : memref<128x4xf32, #tpu.memory_space<hbm>>) dst(%arg18 : memref<128x4xf32, #tpu.memory_space<vmem>>)
      %dma_wait3A_207 = arith.constant 0 : i32
      %dma_wait3A_208 = tpu.memref_slice %arg3[%add3A_111, %dma_wait3A_207] : memref<12544x128xi32, #tpu.memory_space<hbm>> -> memref<1x128xi32, #tpu.memory_space<hbm>>
      %dma_wait3A_209 = tpu.memref_squeeze %dma_wait3A_208 : memref<1x128xi32, #tpu.memory_space<hbm>> -> memref<128xi32, #tpu.memory_space<hbm>>
      %dma_wait3A_210 = arith.constant 0 : i32
      %dma_wait3A_211 = tpu.memref_slice %arg3[%add3A_111, %dma_wait3A_210] : memref<12544x128xi32, #tpu.memory_space<hbm>> -> memref<1x128xi32, #tpu.memory_space<hbm>>
      %dma_wait3A_212 = tpu.memref_squeeze %dma_wait3A_211 : memref<1x128xi32, #tpu.memory_space<hbm>> -> memref<128xi32, #tpu.memory_space<hbm>>
      tpu.wait_dma2 semaphore(%arg24 : memref<!tpu.dma_semaphore, #tpu.memory_space<semaphore_mem>>) src(%dma_wait3A_212 : memref<128xi32, #tpu.memory_space<hbm>>) dst(%arg11 : memref<128xi32, #tpu.memory_space<vmem>>)
      %dma_wait3A_213 = arith.constant 0 : i32
      %dma_wait3A_214 = tpu.memref_slice %arg2[%mul3A_121, %dma_wait3A_213] : memref<1605632x4xf32, #tpu.memory_space<hbm>> -> memref<128x4xf32, #tpu.memory_space<hbm>>
      %dma_wait3A_215 = arith.constant 0 : i32
      %dma_wait3A_216 = tpu.memref_slice %arg2[%mul3A_121, %dma_wait3A_215] : memref<1605632x4xf32, #tpu.memory_space<hbm>> -> memref<128x4xf32, #tpu.memory_space<hbm>>
      tpu.wait_dma2 semaphore(%arg24 : memref<!tpu.dma_semaphore, #tpu.memory_space<semaphore_mem>>) src(%dma_wait3A_216 : memref<128x4xf32, #tpu.memory_space<hbm>>) dst(%arg19 : memref<128x4xf32, #tpu.memory_space<vmem>>)
      %dma_wait3A_217 = arith.constant 0 : i32
      %dma_wait3A_218 = tpu.memref_slice %arg3[%add3A_127, %dma_wait3A_217] : memref<12544x128xi32, #tpu.memory_space<hbm>> -> memref<1x128xi32, #tpu.memory_space<hbm>>
      %dma_wait3A_219 = tpu.memref_squeeze %dma_wait3A_218 : memref<1x128xi32, #tpu.memory_space<hbm>> -> memref<128xi32, #tpu.memory_space<hbm>>
      %dma_wait3A_220 = arith.constant 0 : i32
      %dma_wait3A_221 = tpu.memref_slice %arg3[%add3A_127, %dma_wait3A_220] : memref<12544x128xi32, #tpu.memory_space<hbm>> -> memref<1x128xi32, #tpu.memory_space<hbm>>
      %dma_wait3A_222 = tpu.memref_squeeze %dma_wait3A_221 : memref<1x128xi32, #tpu.memory_space<hbm>> -> memref<128xi32, #tpu.memory_space<hbm>>
      tpu.wait_dma2 semaphore(%arg24 : memref<!tpu.dma_semaphore, #tpu.memory_space<semaphore_mem>>) src(%dma_wait3A_222 : memref<128xi32, #tpu.memory_space<hbm>>) dst(%arg12 : memref<128xi32, #tpu.memory_space<vmem>>)
      %dma_wait3A_223 = arith.constant 0 : i32
      %dma_wait3A_224 = tpu.memref_slice %arg2[%mul3A_137, %dma_wait3A_223] : memref<1605632x4xf32, #tpu.memory_space<hbm>> -> memref<128x4xf32, #tpu.memory_space<hbm>>
      %dma_wait3A_225 = arith.constant 0 : i32
      %dma_wait3A_226 = tpu.memref_slice %arg2[%mul3A_137, %dma_wait3A_225] : memref<1605632x4xf32, #tpu.memory_space<hbm>> -> memref<128x4xf32, #tpu.memory_space<hbm>>
      tpu.wait_dma2 semaphore(%arg24 : memref<!tpu.dma_semaphore, #tpu.memory_space<semaphore_mem>>) src(%dma_wait3A_226 : memref<128x4xf32, #tpu.memory_space<hbm>>) dst(%arg20 : memref<128x4xf32, #tpu.memory_space<vmem>>)
      %dma_wait3A_227 = arith.constant 0 : i32
      %dma_wait3A_228 = tpu.memref_slice %arg3[%add3A_143, %dma_wait3A_227] : memref<12544x128xi32, #tpu.memory_space<hbm>> -> memref<1x128xi32, #tpu.memory_space<hbm>>
      %dma_wait3A_229 = tpu.memref_squeeze %dma_wait3A_228 : memref<1x128xi32, #tpu.memory_space<hbm>> -> memref<128xi32, #tpu.memory_space<hbm>>
      %dma_wait3A_230 = arith.constant 0 : i32
      %dma_wait3A_231 = tpu.memref_slice %arg3[%add3A_143, %dma_wait3A_230] : memref<12544x128xi32, #tpu.memory_space<hbm>> -> memref<1x128xi32, #tpu.memory_space<hbm>>
      %dma_wait3A_232 = tpu.memref_squeeze %dma_wait3A_231 : memref<1x128xi32, #tpu.memory_space<hbm>> -> memref<128xi32, #tpu.memory_space<hbm>>
      tpu.wait_dma2 semaphore(%arg24 : memref<!tpu.dma_semaphore, #tpu.memory_space<semaphore_mem>>) src(%dma_wait3A_232 : memref<128xi32, #tpu.memory_space<hbm>>) dst(%arg13 : memref<128xi32, #tpu.memory_space<vmem>>)
      %dma_wait3A_233 = arith.constant 0 : i32
      %dma_wait3A_234 = tpu.memref_slice %arg2[%mul3A_153, %dma_wait3A_233] : memref<1605632x4xf32, #tpu.memory_space<hbm>> -> memref<128x4xf32, #tpu.memory_space<hbm>>
      %dma_wait3A_235 = arith.constant 0 : i32
      %dma_wait3A_236 = tpu.memref_slice %arg2[%mul3A_153, %dma_wait3A_235] : memref<1605632x4xf32, #tpu.memory_space<hbm>> -> memref<128x4xf32, #tpu.memory_space<hbm>>
      tpu.wait_dma2 semaphore(%arg24 : memref<!tpu.dma_semaphore, #tpu.memory_space<semaphore_mem>>) src(%dma_wait3A_236 : memref<128x4xf32, #tpu.memory_space<hbm>>) dst(%arg21 : memref<128x4xf32, #tpu.memory_space<vmem>>)
      %dma_start3A_237 = arith.constant 0 : i32
      %dma_start3A_238 = arith.constant 0 : i32
      %dma_start3A_239 = tpu.memref_slice %arg22[%dma_start3A_237, %dma_start3A_238] : memref<100000x4xf32, #tpu.memory_space<vmem_shared>> -> memref<100000x4xf32, #tpu.memory_space<vmem_shared>>
      tpu.enqueue_indirect_dma source(%arg14 : memref<128x4xf32, #tpu.memory_space<vmem>>) target(%dma_start3A_239 : memref<100000x4xf32, #tpu.memory_space<vmem_shared>>) offsets(%arg6 : memref<128xi32, #tpu.memory_space<vmem>>) semaphore(%arg23 : memref<!tpu.dma_semaphore, #tpu.memory_space<semaphore_mem>>) {add = true}
      %dma_start3A_240 = arith.constant 0 : i32
      %dma_start3A_241 = arith.constant 0 : i32
      %dma_start3A_242 = tpu.memref_slice %arg22[%dma_start3A_240, %dma_start3A_241] : memref<100000x4xf32, #tpu.memory_space<vmem_shared>> -> memref<100000x4xf32, #tpu.memory_space<vmem_shared>>
      tpu.enqueue_indirect_dma source(%arg15 : memref<128x4xf32, #tpu.memory_space<vmem>>) target(%dma_start3A_242 : memref<100000x4xf32, #tpu.memory_space<vmem_shared>>) offsets(%arg7 : memref<128xi32, #tpu.memory_space<vmem>>) semaphore(%arg23 : memref<!tpu.dma_semaphore, #tpu.memory_space<semaphore_mem>>) {add = true}
      %dma_start3A_243 = arith.constant 0 : i32
      %dma_start3A_244 = arith.constant 0 : i32
      %dma_start3A_245 = tpu.memref_slice %arg22[%dma_start3A_243, %dma_start3A_244] : memref<100000x4xf32, #tpu.memory_space<vmem_shared>> -> memref<100000x4xf32, #tpu.memory_space<vmem_shared>>
      tpu.enqueue_indirect_dma source(%arg16 : memref<128x4xf32, #tpu.memory_space<vmem>>) target(%dma_start3A_245 : memref<100000x4xf32, #tpu.memory_space<vmem_shared>>) offsets(%arg8 : memref<128xi32, #tpu.memory_space<vmem>>) semaphore(%arg23 : memref<!tpu.dma_semaphore, #tpu.memory_space<semaphore_mem>>) {add = true}
      %dma_start3A_246 = arith.constant 0 : i32
      %dma_start3A_247 = arith.constant 0 : i32
      %dma_start3A_248 = tpu.memref_slice %arg22[%dma_start3A_246, %dma_start3A_247] : memref<100000x4xf32, #tpu.memory_space<vmem_shared>> -> memref<100000x4xf32, #tpu.memory_space<vmem_shared>>
      tpu.enqueue_indirect_dma source(%arg17 : memref<128x4xf32, #tpu.memory_space<vmem>>) target(%dma_start3A_248 : memref<100000x4xf32, #tpu.memory_space<vmem_shared>>) offsets(%arg9 : memref<128xi32, #tpu.memory_space<vmem>>) semaphore(%arg23 : memref<!tpu.dma_semaphore, #tpu.memory_space<semaphore_mem>>) {add = true}
      %dma_start3A_249 = arith.constant 0 : i32
      %dma_start3A_250 = arith.constant 0 : i32
      %dma_start3A_251 = tpu.memref_slice %arg22[%dma_start3A_249, %dma_start3A_250] : memref<100000x4xf32, #tpu.memory_space<vmem_shared>> -> memref<100000x4xf32, #tpu.memory_space<vmem_shared>>
      tpu.enqueue_indirect_dma source(%arg18 : memref<128x4xf32, #tpu.memory_space<vmem>>) target(%dma_start3A_251 : memref<100000x4xf32, #tpu.memory_space<vmem_shared>>) offsets(%arg10 : memref<128xi32, #tpu.memory_space<vmem>>) semaphore(%arg23 : memref<!tpu.dma_semaphore, #tpu.memory_space<semaphore_mem>>) {add = true}
      %dma_start3A_252 = arith.constant 0 : i32
      %dma_start3A_253 = arith.constant 0 : i32
      %dma_start3A_254 = tpu.memref_slice %arg22[%dma_start3A_252, %dma_start3A_253] : memref<100000x4xf32, #tpu.memory_space<vmem_shared>> -> memref<100000x4xf32, #tpu.memory_space<vmem_shared>>
      tpu.enqueue_indirect_dma source(%arg19 : memref<128x4xf32, #tpu.memory_space<vmem>>) target(%dma_start3A_254 : memref<100000x4xf32, #tpu.memory_space<vmem_shared>>) offsets(%arg11 : memref<128xi32, #tpu.memory_space<vmem>>) semaphore(%arg23 : memref<!tpu.dma_semaphore, #tpu.memory_space<semaphore_mem>>) {add = true}
      %dma_start3A_255 = arith.constant 0 : i32
      %dma_start3A_256 = arith.constant 0 : i32
      %dma_start3A_257 = tpu.memref_slice %arg22[%dma_start3A_255, %dma_start3A_256] : memref<100000x4xf32, #tpu.memory_space<vmem_shared>> -> memref<100000x4xf32, #tpu.memory_space<vmem_shared>>
      tpu.enqueue_indirect_dma source(%arg20 : memref<128x4xf32, #tpu.memory_space<vmem>>) target(%dma_start3A_257 : memref<100000x4xf32, #tpu.memory_space<vmem_shared>>) offsets(%arg12 : memref<128xi32, #tpu.memory_space<vmem>>) semaphore(%arg23 : memref<!tpu.dma_semaphore, #tpu.memory_space<semaphore_mem>>) {add = true}
      %dma_start3A_258 = arith.constant 0 : i32
      %dma_start3A_259 = arith.constant 0 : i32
      %dma_start3A_260 = tpu.memref_slice %arg22[%dma_start3A_258, %dma_start3A_259] : memref<100000x4xf32, #tpu.memory_space<vmem_shared>> -> memref<100000x4xf32, #tpu.memory_space<vmem_shared>>
      tpu.enqueue_indirect_dma source(%arg21 : memref<128x4xf32, #tpu.memory_space<vmem>>) target(%dma_start3A_260 : memref<100000x4xf32, #tpu.memory_space<vmem_shared>>) offsets(%arg13 : memref<128xi32, #tpu.memory_space<vmem>>) semaphore(%arg23 : memref<!tpu.dma_semaphore, #tpu.memory_space<semaphore_mem>>) {add = true}
      %dma_wait3A_261 = arith.constant 0 : i32
      %dma_wait3A_262 = arith.constant 0 : i32
      %dma_wait3A_263 = tpu.memref_slice %arg22[%dma_wait3A_261, %dma_wait3A_262] : memref<100000x4xf32, #tpu.memory_space<vmem_shared>> -> memref<100000x4xf32, #tpu.memory_space<vmem_shared>>
      tpu.wait_indirect_dma semaphore(%arg23 : memref<!tpu.dma_semaphore, #tpu.memory_space<semaphore_mem>>) src(%arg14 : memref<128x4xf32, #tpu.memory_space<vmem>>) dst(%dma_wait3A_263 : memref<100000x4xf32, #tpu.memory_space<vmem_shared>>)
      %dma_wait3A_264 = arith.constant 0 : i32
      %dma_wait3A_265 = arith.constant 0 : i32
      %dma_wait3A_266 = tpu.memref_slice %arg22[%dma_wait3A_264, %dma_wait3A_265] : memref<100000x4xf32, #tpu.memory_space<vmem_shared>> -> memref<100000x4xf32, #tpu.memory_space<vmem_shared>>
      tpu.wait_indirect_dma semaphore(%arg23 : memref<!tpu.dma_semaphore, #tpu.memory_space<semaphore_mem>>) src(%arg15 : memref<128x4xf32, #tpu.memory_space<vmem>>) dst(%dma_wait3A_266 : memref<100000x4xf32, #tpu.memory_space<vmem_shared>>)
      %dma_wait3A_267 = arith.constant 0 : i32
      %dma_wait3A_268 = arith.constant 0 : i32
      %dma_wait3A_269 = tpu.memref_slice %arg22[%dma_wait3A_267, %dma_wait3A_268] : memref<100000x4xf32, #tpu.memory_space<vmem_shared>> -> memref<100000x4xf32, #tpu.memory_space<vmem_shared>>
      tpu.wait_indirect_dma semaphore(%arg23 : memref<!tpu.dma_semaphore, #tpu.memory_space<semaphore_mem>>) src(%arg16 : memref<128x4xf32, #tpu.memory_space<vmem>>) dst(%dma_wait3A_269 : memref<100000x4xf32, #tpu.memory_space<vmem_shared>>)
      %dma_wait3A_270 = arith.constant 0 : i32
      %dma_wait3A_271 = arith.constant 0 : i32
      %dma_wait3A_272 = tpu.memref_slice %arg22[%dma_wait3A_270, %dma_wait3A_271] : memref<100000x4xf32, #tpu.memory_space<vmem_shared>> -> memref<100000x4xf32, #tpu.memory_space<vmem_shared>>
      tpu.wait_indirect_dma semaphore(%arg23 : memref<!tpu.dma_semaphore, #tpu.memory_space<semaphore_mem>>) src(%arg17 : memref<128x4xf32, #tpu.memory_space<vmem>>) dst(%dma_wait3A_272 : memref<100000x4xf32, #tpu.memory_space<vmem_shared>>)
      %dma_wait3A_273 = arith.constant 0 : i32
      %dma_wait3A_274 = arith.constant 0 : i32
      %dma_wait3A_275 = tpu.memref_slice %arg22[%dma_wait3A_273, %dma_wait3A_274] : memref<100000x4xf32, #tpu.memory_space<vmem_shared>> -> memref<100000x4xf32, #tpu.memory_space<vmem_shared>>
      tpu.wait_indirect_dma semaphore(%arg23 : memref<!tpu.dma_semaphore, #tpu.memory_space<semaphore_mem>>) src(%arg18 : memref<128x4xf32, #tpu.memory_space<vmem>>) dst(%dma_wait3A_275 : memref<100000x4xf32, #tpu.memory_space<vmem_shared>>)
      %dma_wait3A_276 = arith.constant 0 : i32
      %dma_wait3A_277 = arith.constant 0 : i32
      %dma_wait3A_278 = tpu.memref_slice %arg22[%dma_wait3A_276, %dma_wait3A_277] : memref<100000x4xf32, #tpu.memory_space<vmem_shared>> -> memref<100000x4xf32, #tpu.memory_space<vmem_shared>>
      tpu.wait_indirect_dma semaphore(%arg23 : memref<!tpu.dma_semaphore, #tpu.memory_space<semaphore_mem>>) src(%arg19 : memref<128x4xf32, #tpu.memory_space<vmem>>) dst(%dma_wait3A_278 : memref<100000x4xf32, #tpu.memory_space<vmem_shared>>)
      %dma_wait3A_279 = arith.constant 0 : i32
      %dma_wait3A_280 = arith.constant 0 : i32
      %dma_wait3A_281 = tpu.memref_slice %arg22[%dma_wait3A_279, %dma_wait3A_280] : memref<100000x4xf32, #tpu.memory_space<vmem_shared>> -> memref<100000x4xf32, #tpu.memory_space<vmem_shared>>
      tpu.wait_indirect_dma semaphore(%arg23 : memref<!tpu.dma_semaphore, #tpu.memory_space<semaphore_mem>>) src(%arg20 : memref<128x4xf32, #tpu.memory_space<vmem>>) dst(%dma_wait3A_281 : memref<100000x4xf32, #tpu.memory_space<vmem_shared>>)
      %dma_wait3A_282 = arith.constant 0 : i32
      %dma_wait3A_283 = arith.constant 0 : i32
      %dma_wait3A_284 = tpu.memref_slice %arg22[%dma_wait3A_282, %dma_wait3A_283] : memref<100000x4xf32, #tpu.memory_space<vmem_shared>> -> memref<100000x4xf32, #tpu.memory_space<vmem_shared>>
      tpu.wait_indirect_dma semaphore(%arg23 : memref<!tpu.dma_semaphore, #tpu.memory_space<semaphore_mem>>) src(%arg21 : memref<128x4xf32, #tpu.memory_space<vmem>>) dst(%dma_wait3A_284 : memref<100000x4xf32, #tpu.memory_space<vmem_shared>>)
    }
    %scan3A_15 = arith.constant 49 : i32
    %barrier3A_16 = arith.constant 0 : index
    tpu.barrier barrier_id(%barrier3A_16)
    %lt3A_17 = arith.constant 15 : i32
    %lt3A_18 = arith.cmpi slt, %arg1, %lt3A_17 : i32
    %convert_element_type3A_19 = arith.extui %lt3A_18 : i1 to i32
    %cond3A_20 = arith.constant 0 : i32
    %cond3A_21 = arith.cmpi ne, %convert_element_type3A_19, %cond3A_20 : i32
    scf.if %cond3A_21 {
      "tpu.region"() ({
        %run_scoped3A = tpu.sem_alloc : memref<!tpu.dma_semaphore, #tpu.memory_space<semaphore_mem>>
        %dma_start3A = arith.constant 0 : i32
        %dma_start3A_27 = tpu.memref_slice %arg5[%arg0, %mul3A_4, %dma_start3A] : memref<2x100000x4xf32, #tpu.memory_space<hbm>> -> memref<1x6256x4xf32, #tpu.memory_space<hbm>>
        %dma_start3A_28 = tpu.memref_squeeze %dma_start3A_27 : memref<1x6256x4xf32, #tpu.memory_space<hbm>> -> memref<6256x4xf32, #tpu.memory_space<hbm>>
        %dma_start3A_29 = arith.constant 0 : i32
        %dma_start3A_30 = tpu.memref_slice %arg22[%mul3A_4, %dma_start3A_29] : memref<100000x4xf32, #tpu.memory_space<vmem_shared>> -> memref<6256x4xf32, #tpu.memory_space<vmem_shared>>
        tpu.enqueue_dma source(%dma_start3A_30 : memref<6256x4xf32, #tpu.memory_space<vmem_shared>>) target(%dma_start3A_28 : memref<6256x4xf32, #tpu.memory_space<hbm>>) target_semaphore(%run_scoped3A : memref<!tpu.dma_semaphore, #tpu.memory_space<semaphore_mem>>)
        %dma_wait3A = arith.constant 0 : i32
        %dma_wait3A_31 = tpu.memref_slice %arg5[%arg0, %mul3A_4, %dma_wait3A] : memref<2x100000x4xf32, #tpu.memory_space<hbm>> -> memref<1x6256x4xf32, #tpu.memory_space<hbm>>
        %dma_wait3A_32 = tpu.memref_squeeze %dma_wait3A_31 : memref<1x6256x4xf32, #tpu.memory_space<hbm>> -> memref<6256x4xf32, #tpu.memory_space<hbm>>
        %dma_wait3A_33 = arith.constant 0 : i32
        %dma_wait3A_34 = tpu.memref_slice %arg22[%mul3A_4, %dma_wait3A_33] : memref<100000x4xf32, #tpu.memory_space<vmem_shared>> -> memref<6256x4xf32, #tpu.memory_space<vmem_shared>>
        tpu.wait_dma2 semaphore(%run_scoped3A : memref<!tpu.dma_semaphore, #tpu.memory_space<semaphore_mem>>) src(%dma_wait3A_34 : memref<6256x4xf32, #tpu.memory_space<vmem_shared>>) dst(%dma_wait3A_32 : memref<6256x4xf32, #tpu.memory_space<hbm>>)
        tpu.yield
      }) : () -> ()
    } else {
    }
    %eq3A_22 = arith.constant 15 : i32
    %eq3A_23 = arith.cmpi eq, %arg1, %eq3A_22 : i32
    %convert_element_type3A_24 = arith.extui %eq3A_23 : i1 to i32
    %cond3A_25 = arith.constant 0 : i32
    %cond3A_26 = arith.cmpi ne, %convert_element_type3A_24, %cond3A_25 : i32
    scf.if %cond3A_26 {
      "tpu.region"() ({
        %run_scoped3A = tpu.sem_alloc : memref<!tpu.dma_semaphore, #tpu.memory_space<semaphore_mem>>
        %dma_start3A = arith.constant 0 : i32
        %dma_start3A_27 = tpu.memref_slice %arg5[%arg0, %mul3A_4, %dma_start3A] : memref<2x100000x4xf32, #tpu.memory_space<hbm>> -> memref<1x6160x4xf32, #tpu.memory_space<hbm>>
        %dma_start3A_28 = tpu.memref_squeeze %dma_start3A_27 : memref<1x6160x4xf32, #tpu.memory_space<hbm>> -> memref<6160x4xf32, #tpu.memory_space<hbm>>
        %dma_start3A_29 = arith.constant 0 : i32
        %dma_start3A_30 = tpu.memref_slice %arg22[%mul3A_4, %dma_start3A_29] : memref<100000x4xf32, #tpu.memory_space<vmem_shared>> -> memref<6160x4xf32, #tpu.memory_space<vmem_shared>>
        tpu.enqueue_dma source(%dma_start3A_30 : memref<6160x4xf32, #tpu.memory_space<vmem_shared>>) target(%dma_start3A_28 : memref<6160x4xf32, #tpu.memory_space<hbm>>) target_semaphore(%run_scoped3A : memref<!tpu.dma_semaphore, #tpu.memory_space<semaphore_mem>>)
        %dma_wait3A = arith.constant 0 : i32
        %dma_wait3A_31 = tpu.memref_slice %arg5[%arg0, %mul3A_4, %dma_wait3A] : memref<2x100000x4xf32, #tpu.memory_space<hbm>> -> memref<1x6160x4xf32, #tpu.memory_space<hbm>>
        %dma_wait3A_32 = tpu.memref_squeeze %dma_wait3A_31 : memref<1x6160x4xf32, #tpu.memory_space<hbm>> -> memref<6160x4xf32, #tpu.memory_space<hbm>>
        %dma_wait3A_33 = arith.constant 0 : i32
        %dma_wait3A_34 = tpu.memref_slice %arg22[%mul3A_4, %dma_wait3A_33] : memref<100000x4xf32, #tpu.memory_space<vmem_shared>> -> memref<6160x4xf32, #tpu.memory_space<vmem_shared>>
        tpu.wait_dma2 semaphore(%run_scoped3A : memref<!tpu.dma_semaphore, #tpu.memory_space<semaphore_mem>>) src(%dma_wait3A_34 : memref<6160x4xf32, #tpu.memory_space<vmem_shared>>) dst(%dma_wait3A_32 : memref<6160x4xf32, #tpu.memory_space<hbm>>)
        tpu.yield
      }) : () -> ()
    } else {
    }
    return
  }
}

module attributes {stable_mosaic.version = 14 : i64} {
  func.func @_bn_body(%arg0: memref<3125x128xf32, #tpu.memory_space<vmem>>, %arg1: memref<1x4xf32, #tpu.memory_space<vmem>>, %arg2: memref<1x4xf32, #tpu.memory_space<vmem>>, %arg3: memref<3125x128xf32, #tpu.memory_space<vmem>>) attributes {dimension_semantics = [], scalar_prefetch = 0 : i64, scratch_operands = 0 : i64, tpu.core_type = #tpu.core_type<tc>} {
    %get3A = arith.constant 0 : index
    %get3A_0 = arith.constant 0 : index
    %get3A_1 = vector.load %arg0[%get3A, %get3A_0] : memref<3125x128xf32, #tpu.memory_space<vmem>>, vector<3125x128xf32>
    %reduce_sum3A = arith.constant dense<0.000000e+00> : vector<128xf32>
    %reduce_sum3A_2 = vector.multi_reduction <add>, %get3A_1, %reduce_sum3A [0] : vector<3125x128xf32> to vector<128xf32>
    %broadcast_in_dim3A = vector.shape_cast %reduce_sum3A_2 : vector<128xf32> to vector<1x128xf32>
    %mul3A = arith.mulf %get3A_1, %get3A_1 : vector<3125x128xf32>
    %reduce_sum3A_3 = arith.constant dense<0.000000e+00> : vector<128xf32>
    %reduce_sum3A_4 = vector.multi_reduction <add>, %mul3A, %reduce_sum3A_3 [0] : vector<3125x128xf32> to vector<128xf32>
    %broadcast_in_dim3A_5 = vector.shape_cast %reduce_sum3A_4 : vector<128xf32> to vector<1x128xf32>
    %iota3A = tpu.iota {dimensions = array<i32: 0>} : vector<128x4xi32>
    %iota3A_6 = tpu.iota {dimensions = array<i32: 1>} : vector<128x4xi32>
    %jit3A = arith.constant 4 : i32
    %eq3A = arith.constant 0 : i32
    %eq3A_7 = arith.cmpi eq, %jit3A, %eq3A : i32
    %jit3A_8 = arith.constant 1 : i32
    %select_n3A = arith.select %eq3A_7, %jit3A_8, %jit3A : i32
    %rem3A = vector.broadcast %select_n3A : i32 to vector<128x4xi32>
    %rem3A_9 = arith.remsi %iota3A, %rem3A : vector<128x4xi32>
    %ne3A = arith.constant 0 : i32
    %ne3A_10 = vector.broadcast %ne3A : i32 to vector<128x4xi32>
    %ne3A_11 = arith.cmpi ne, %rem3A_9, %ne3A_10 : vector<128x4xi32>
    %lt3A = arith.constant 0 : i32
    %lt3A_12 = vector.broadcast %lt3A : i32 to vector<128x4xi32>
    %lt3A_13 = arith.cmpi slt, %rem3A_9, %lt3A_12 : vector<128x4xi32>
    %lt3A_14 = arith.constant 0 : i32
    %lt3A_15 = arith.cmpi slt, %select_n3A, %lt3A_14 : i32
    %ne3A_16 = vector.broadcast %lt3A_15 : i1 to vector<128x4xi1>
    %ne3A_17 = vector.broadcast %ne3A_16 : vector<128x4xi1> to vector<128x4xi1>
    %ne3A_18 = arith.xori %lt3A_13, %ne3A_17 : vector<128x4xi1>
    %and3A = arith.andi %ne3A_18, %ne3A_11 : vector<128x4xi1>
    %add3A = vector.broadcast %select_n3A : i32 to vector<128x4xi32>
    %add3A_19 = arith.addi %rem3A_9, %add3A : vector<128x4xi32>
    %select_n3A_20 = arith.select %and3A, %add3A_19, %rem3A_9 : vector<128x4xi1>, vector<128x4xi32>
    %eq3A_21 = arith.cmpi eq, %select_n3A_20, %iota3A_6 : vector<128x4xi32>
    %convert_element_type3A = arith.extui %eq3A_21 : vector<128x4xi1> to vector<128x4xi32>
    %convert_element_type3A_22 = arith.sitofp %convert_element_type3A : vector<128x4xi32> to vector<128x4xf32>
    %dot_general3A = arith.constant dense<0.000000e+00> : vector<1x4xf32>
    %dot_general3A_23 = tpu.matmul %broadcast_in_dim3A, %convert_element_type3A_22, %dot_general3A {dimension_numbers = #tpu.dot_dimension_numbers<[1], [0], [0], [1], [0, 0, 1, 1], [], []>, transpose_lhs_hint = false} : vector<1x128xf32>, vector<128x4xf32>, vector<1x4xf32> -> vector<1x4xf32>
    %dot_general3A_24 = arith.constant dense<0.000000e+00> : vector<1x4xf32>
    %dot_general3A_25 = tpu.matmul %broadcast_in_dim3A_5, %convert_element_type3A_22, %dot_general3A_24 {dimension_numbers = #tpu.dot_dimension_numbers<[1], [0], [0], [1], [0, 0, 1, 1], [], []>, transpose_lhs_hint = false} : vector<1x128xf32>, vector<128x4xf32>, vector<1x4xf32> -> vector<1x4xf32>
    %div3A = arith.constant 1.000000e+05 : f32
    %div3A_26 = vector.broadcast %div3A : f32 to vector<1x4xf32>
    %div3A_27 = arith.divf %dot_general3A_23, %div3A_26 : vector<1x4xf32>
    %div3A_28 = arith.constant 1.000000e+05 : f32
    %div3A_29 = vector.broadcast %div3A_28 : f32 to vector<1x4xf32>
    %div3A_30 = arith.divf %dot_general3A_25, %div3A_29 : vector<1x4xf32>
    %mul3A_31 = arith.mulf %div3A_27, %div3A_27 : vector<1x4xf32>
    %sub3A = arith.subf %div3A_30, %mul3A_31 : vector<1x4xf32>
    %get3A_32 = arith.constant 0 : index
    %get3A_33 = arith.constant 0 : index
    %get3A_34 = vector.load %arg1[%get3A_32, %get3A_33] : memref<1x4xf32, #tpu.memory_space<vmem>>, vector<1x4xf32>
    %add3A_35 = arith.constant 9.99999974E-6 : f32
    %add3A_36 = vector.broadcast %add3A_35 : f32 to vector<1x4xf32>
    %add3A_37 = arith.addf %sub3A, %add3A_36 : vector<1x4xf32>
    %sqrt3A = math.sqrt %add3A_37 : vector<1x4xf32>
    %div3A_38 = arith.divf %get3A_34, %sqrt3A : vector<1x4xf32>
    %get3A_39 = arith.constant 0 : index
    %get3A_40 = arith.constant 0 : index
    %get3A_41 = vector.load %arg2[%get3A_39, %get3A_40] : memref<1x4xf32, #tpu.memory_space<vmem>>, vector<1x4xf32>
    %mul3A_42 = arith.mulf %div3A_27, %div3A_38 : vector<1x4xf32>
    %sub3A_43 = arith.subf %get3A_41, %mul3A_42 : vector<1x4xf32>
    %iota3A_44 = tpu.iota {dimensions = array<i32: 0>} : vector<4x128xi32>
    %iota3A_45 = tpu.iota {dimensions = array<i32: 1>} : vector<4x128xi32>
    %jit3A_46 = arith.constant 4 : i32
    %eq3A_47 = arith.constant 0 : i32
    %eq3A_48 = arith.cmpi eq, %jit3A_46, %eq3A_47 : i32
    %jit3A_49 = arith.constant 1 : i32
    %select_n3A_50 = arith.select %eq3A_48, %jit3A_49, %jit3A_46 : i32
    %rem3A_51 = vector.broadcast %select_n3A_50 : i32 to vector<4x128xi32>
    %rem3A_52 = arith.remsi %iota3A_45, %rem3A_51 : vector<4x128xi32>
    %ne3A_53 = arith.constant 0 : i32
    %ne3A_54 = vector.broadcast %ne3A_53 : i32 to vector<4x128xi32>
    %ne3A_55 = arith.cmpi ne, %rem3A_52, %ne3A_54 : vector<4x128xi32>
    %lt3A_56 = arith.constant 0 : i32
    %lt3A_57 = vector.broadcast %lt3A_56 : i32 to vector<4x128xi32>
    %lt3A_58 = arith.cmpi slt, %rem3A_52, %lt3A_57 : vector<4x128xi32>
    %lt3A_59 = arith.constant 0 : i32
    %lt3A_60 = arith.cmpi slt, %select_n3A_50, %lt3A_59 : i32
    %ne3A_61 = vector.broadcast %lt3A_60 : i1 to vector<4x128xi1>
    %ne3A_62 = vector.broadcast %ne3A_61 : vector<4x128xi1> to vector<4x128xi1>
    %ne3A_63 = arith.xori %lt3A_58, %ne3A_62 : vector<4x128xi1>
    %and3A_64 = arith.andi %ne3A_63, %ne3A_55 : vector<4x128xi1>
    %add3A_65 = vector.broadcast %select_n3A_50 : i32 to vector<4x128xi32>
    %add3A_66 = arith.addi %rem3A_52, %add3A_65 : vector<4x128xi32>
    %select_n3A_67 = arith.select %and3A_64, %add3A_66, %rem3A_52 : vector<4x128xi1>, vector<4x128xi32>
    %eq3A_68 = arith.cmpi eq, %select_n3A_67, %iota3A_44 : vector<4x128xi32>
    %convert_element_type3A_69 = arith.extui %eq3A_68 : vector<4x128xi1> to vector<4x128xi32>
    %convert_element_type3A_70 = arith.sitofp %convert_element_type3A_69 : vector<4x128xi32> to vector<4x128xf32>
    %dot_general3A_71 = arith.constant dense<0.000000e+00> : vector<1x128xf32>
    %dot_general3A_72 = tpu.matmul %div3A_38, %convert_element_type3A_70, %dot_general3A_71 {dimension_numbers = #tpu.dot_dimension_numbers<[1], [0], [0], [1], [0, 0, 1, 1], [], []>, transpose_lhs_hint = false} : vector<1x4xf32>, vector<4x128xf32>, vector<1x128xf32> -> vector<1x128xf32>
    %dot_general3A_73 = arith.constant dense<0.000000e+00> : vector<1x128xf32>
    %dot_general3A_74 = tpu.matmul %sub3A_43, %convert_element_type3A_70, %dot_general3A_73 {dimension_numbers = #tpu.dot_dimension_numbers<[1], [0], [0], [1], [0, 0, 1, 1], [], []>, transpose_lhs_hint = false} : vector<1x4xf32>, vector<4x128xf32>, vector<1x128xf32> -> vector<1x128xf32>
    %mul3A_75 = vector.broadcast %dot_general3A_72 : vector<1x128xf32> to vector<3125x128xf32>
    %mul3A_76 = arith.mulf %get3A_1, %mul3A_75 : vector<3125x128xf32>
    %add3A_77 = vector.broadcast %dot_general3A_74 : vector<1x128xf32> to vector<3125x128xf32>
    %add3A_78 = arith.addf %mul3A_76, %add3A_77 : vector<3125x128xf32>
    %swap3A = arith.constant 0 : index
    %swap3A_79 = arith.constant 0 : index
    %swap3A_80 = vector.load %arg3[%swap3A, %swap3A_79] : memref<3125x128xf32, #tpu.memory_space<vmem>>, vector<3125x128xf32>
    tpu.vector_store %arg3[%swap3A, %swap3A_79], %add3A_78 {strides = array<i32>} : memref<3125x128xf32, #tpu.memory_space<vmem>>, vector<3125x128xf32>,
    return
  }
}

module attributes {stable_mosaic.version = 14 : i64} {
  func.func @_mlp_body(%arg0: i32, %arg1: memref<8192x4xf32, #tpu.memory_space<vmem>>, %arg2: memref<8192x4xf32, #tpu.memory_space<vmem>>, %arg3: memref<4x32xf32, #tpu.memory_space<vmem>>, %arg4: memref<4x32xf32, #tpu.memory_space<vmem>>, %arg5: memref<1x32xf32, #tpu.memory_space<vmem>>, %arg6: memref<32x32xf32, #tpu.memory_space<vmem>>, %arg7: memref<1x32xf32, #tpu.memory_space<vmem>>, %arg8: memref<32x4xf32, #tpu.memory_space<vmem>>, %arg9: memref<1x4xf32, #tpu.memory_space<vmem>>, %arg10: memref<8192x4xf32, #tpu.memory_space<vmem>>) attributes {dimension_semantics = [#tpu.dimension_semantics<arbitrary>], iteration_bounds = array<i64: 196>, scalar_prefetch = 0 : i64, scratch_operands = 0 : i64, tpu.core_type = #tpu.core_type<tc>, window_params = [{transform_indices = @transform_0, window_bounds = array<i64: 8192, 4>}, {transform_indices = @transform_1, window_bounds = array<i64: 8192, 4>}, {pipeline_mode = #tpu.pipeline_mode<synchronous>, transform_indices = @transform_2, window_bounds = array<i64: 4, 32>}, {pipeline_mode = #tpu.pipeline_mode<synchronous>, transform_indices = @transform_3, window_bounds = array<i64: 4, 32>}, {pipeline_mode = #tpu.pipeline_mode<synchronous>, transform_indices = @transform_4, window_bounds = array<i64: 1, 32>}, {pipeline_mode = #tpu.pipeline_mode<synchronous>, transform_indices = @transform_5, window_bounds = array<i64: 32, 32>}, {pipeline_mode = #tpu.pipeline_mode<synchronous>, transform_indices = @transform_6, window_bounds = array<i64: 1, 32>}, {pipeline_mode = #tpu.pipeline_mode<synchronous>, transform_indices = @transform_7, window_bounds = array<i64: 32, 4>}, {pipeline_mode = #tpu.pipeline_mode<synchronous>, transform_indices = @transform_8, window_bounds = array<i64: 1, 4>}, {transform_indices = @transform_9, window_bounds = array<i64: 8192, 4>}]} {
    %get3A = arith.constant 0 : index
    %get3A_0 = arith.constant 0 : index
    %get3A_1 = vector.load %arg1[%get3A, %get3A_0] : memref<8192x4xf32, #tpu.memory_space<vmem>>, vector<8192x4xf32>
    %get3A_2 = arith.constant 0 : index
    %get3A_3 = arith.constant 0 : index
    %get3A_4 = vector.load %arg2[%get3A_2, %get3A_3] : memref<8192x4xf32, #tpu.memory_space<vmem>>, vector<8192x4xf32>
    %get3A_5 = arith.constant 0 : index
    %get3A_6 = arith.constant 0 : index
    %get3A_7 = vector.load %arg3[%get3A_5, %get3A_6] : memref<4x32xf32, #tpu.memory_space<vmem>>, vector<4x32xf32>
    %dot_general3A = arith.constant dense<0.000000e+00> : vector<8192x32xf32>
    %dot_general3A_8 = tpu.matmul %get3A_1, %get3A_7, %dot_general3A {dimension_numbers = #tpu.dot_dimension_numbers<[1], [0], [0], [1], [0, 0, 1, 1], [], []>, transpose_lhs_hint = false} : vector<8192x4xf32>, vector<4x32xf32>, vector<8192x32xf32> -> vector<8192x32xf32>
    %get3A_9 = arith.constant 0 : index
    %get3A_10 = arith.constant 0 : index
    %get3A_11 = vector.load %arg4[%get3A_9, %get3A_10] : memref<4x32xf32, #tpu.memory_space<vmem>>, vector<4x32xf32>
    %dot_general3A_12 = arith.constant dense<0.000000e+00> : vector<8192x32xf32>
    %dot_general3A_13 = tpu.matmul %get3A_4, %get3A_11, %dot_general3A_12 {dimension_numbers = #tpu.dot_dimension_numbers<[1], [0], [0], [1], [0, 0, 1, 1], [], []>, transpose_lhs_hint = false} : vector<8192x4xf32>, vector<4x32xf32>, vector<8192x32xf32> -> vector<8192x32xf32>
    %add3A = arith.addf %dot_general3A_8, %dot_general3A_13 : vector<8192x32xf32>
    %get3A_14 = arith.constant 0 : index
    %get3A_15 = arith.constant 0 : index
    %get3A_16 = vector.load %arg5[%get3A_14, %get3A_15] : memref<1x32xf32, #tpu.memory_space<vmem>>, vector<1x32xf32>
    %add3A_17 = vector.broadcast %get3A_16 : vector<1x32xf32> to vector<8192x32xf32>
    %add3A_18 = arith.addf %add3A, %add3A_17 : vector<8192x32xf32>
    %max3A = arith.constant 0.000000e+00 : f32
    %max3A_19 = vector.broadcast %max3A : f32 to vector<8192x32xf32>
    %max3A_20 = arith.maximumf %add3A_18, %max3A_19 : vector<8192x32xf32>
    %get3A_21 = arith.constant 0 : index
    %get3A_22 = arith.constant 0 : index
    %get3A_23 = vector.load %arg6[%get3A_21, %get3A_22] : memref<32x32xf32, #tpu.memory_space<vmem>>, vector<32x32xf32>
    %dot_general3A_24 = arith.constant dense<0.000000e+00> : vector<8192x32xf32>
    %dot_general3A_25 = tpu.matmul %max3A_20, %get3A_23, %dot_general3A_24 {dimension_numbers = #tpu.dot_dimension_numbers<[1], [0], [0], [1], [0, 0, 1, 1], [], []>, transpose_lhs_hint = false} : vector<8192x32xf32>, vector<32x32xf32>, vector<8192x32xf32> -> vector<8192x32xf32>
    %get3A_26 = arith.constant 0 : index
    %get3A_27 = arith.constant 0 : index
    %get3A_28 = vector.load %arg7[%get3A_26, %get3A_27] : memref<1x32xf32, #tpu.memory_space<vmem>>, vector<1x32xf32>
    %add3A_29 = vector.broadcast %get3A_28 : vector<1x32xf32> to vector<8192x32xf32>
    %add3A_30 = arith.addf %dot_general3A_25, %add3A_29 : vector<8192x32xf32>
    %max3A_31 = arith.constant 0.000000e+00 : f32
    %max3A_32 = vector.broadcast %max3A_31 : f32 to vector<8192x32xf32>
    %max3A_33 = arith.maximumf %add3A_30, %max3A_32 : vector<8192x32xf32>
    %get3A_34 = arith.constant 0 : index
    %get3A_35 = arith.constant 0 : index
    %get3A_36 = vector.load %arg8[%get3A_34, %get3A_35] : memref<32x4xf32, #tpu.memory_space<vmem>>, vector<32x4xf32>
    %dot_general3A_37 = arith.constant dense<0.000000e+00> : vector<8192x4xf32>
    %dot_general3A_38 = tpu.matmul %max3A_33, %get3A_36, %dot_general3A_37 {dimension_numbers = #tpu.dot_dimension_numbers<[1], [0], [0], [1], [0, 0, 1, 1], [], []>, transpose_lhs_hint = false} : vector<8192x32xf32>, vector<32x4xf32>, vector<8192x4xf32> -> vector<8192x4xf32>
    %get3A_39 = arith.constant 0 : index
    %get3A_40 = arith.constant 0 : index
    %get3A_41 = vector.load %arg9[%get3A_39, %get3A_40] : memref<1x4xf32, #tpu.memory_space<vmem>>, vector<1x4xf32>
    %add3A_42 = vector.broadcast %get3A_41 : vector<1x4xf32> to vector<8192x4xf32>
    %add3A_43 = arith.addf %dot_general3A_38, %add3A_42 : vector<8192x4xf32>
    %max3A_44 = arith.constant 0.000000e+00 : f32
    %max3A_45 = vector.broadcast %max3A_44 : f32 to vector<8192x4xf32>
    %max3A_46 = arith.maximumf %add3A_43, %max3A_45 : vector<8192x4xf32>
    %mul3A = arith.constant 8192 : i32
    %mul3A_47 = arith.muli %arg0, %mul3A : i32
    %iota3A = tpu.iota {dimensions = array<i32: 0>} : vector<8192x4xi32>
    %add3A_48 = vector.broadcast %mul3A_47 : i32 to vector<8192x4xi32>
    %add3A_49 = arith.addi %add3A_48, %iota3A : vector<8192x4xi32>
    %lt3A = arith.constant 1600000 : i32
    %lt3A_50 = vector.broadcast %lt3A : i32 to vector<8192x4xi32>
    %lt3A_51 = arith.cmpi slt, %add3A_49, %lt3A_50 : vector<8192x4xi32>
    %jit3A = arith.constant 0.000000e+00 : f32
    %broadcast_in_dim3A = vector.broadcast %jit3A : f32 to vector<8192x4xf32>
    %select_n3A = arith.select %lt3A_51, %max3A_46, %broadcast_in_dim3A : vector<8192x4xi1>, vector<8192x4xf32>
    %swap3A = arith.constant 0 : index
    %swap3A_52 = arith.constant 0 : index
    %swap3A_53 = vector.load %arg10[%swap3A, %swap3A_52] : memref<8192x4xf32, #tpu.memory_space<vmem>>, vector<8192x4xf32>
    tpu.vector_store %arg10[%swap3A, %swap3A_52], %select_n3A {strides = array<i32>} : memref<8192x4xf32, #tpu.memory_space<vmem>>, vector<8192x4xf32>,
    return
  }
  func.func @transform_0(%arg0: i32) -> (i32, i32) {
    %c0_i32 = arith.constant 0 : i32
    %c0_i32_0 = arith.constant 0 : i32
    return %arg0, %c0_i32 : i32, i32
  }
  func.func @transform_1(%arg0: i32) -> (i32, i32) {
    %c0_i32 = arith.constant 0 : i32
    %c0_i32_0 = arith.constant 0 : i32
    return %arg0, %c0_i32 : i32, i32
  }
  func.func @transform_2(%arg0: i32) -> (i32, i32) {
    %c0_i32 = arith.constant 0 : i32
    %c0_i32_0 = arith.constant 0 : i32
    %c0_i32_1 = arith.constant 0 : i32
    return %c0_i32, %c0_i32_0 : i32, i32
  }
  func.func @transform_3(%arg0: i32) -> (i32, i32) {
    %c0_i32 = arith.constant 0 : i32
    %c0_i32_0 = arith.constant 0 : i32
    %c0_i32_1 = arith.constant 0 : i32
    return %c0_i32, %c0_i32_0 : i32, i32
  }
  func.func @transform_4(%arg0: i32) -> (i32, i32) {
    %c0_i32 = arith.constant 0 : i32
    %c0_i32_0 = arith.constant 0 : i32
    %c0_i32_1 = arith.constant 0 : i32
    return %c0_i32, %c0_i32_0 : i32, i32
  }
  func.func @transform_5(%arg0: i32) -> (i32, i32) {
    %c0_i32 = arith.constant 0 : i32
    %c0_i32_0 = arith.constant 0 : i32
    %c0_i32_1 = arith.constant 0 : i32
    return %c0_i32, %c0_i32_0 : i32, i32
  }
  func.func @transform_6(%arg0: i32) -> (i32, i32) {
    %c0_i32 = arith.constant 0 : i32
    %c0_i32_0 = arith.constant 0 : i32
    %c0_i32_1 = arith.constant 0 : i32
    return %c0_i32, %c0_i32_0 : i32, i32
  }
  func.func @transform_7(%arg0: i32) -> (i32, i32) {
    %c0_i32 = arith.constant 0 : i32
    %c0_i32_0 = arith.constant 0 : i32
    %c0_i32_1 = arith.constant 0 : i32
    return %c0_i32, %c0_i32_0 : i32, i32
  }
  func.func @transform_8(%arg0: i32) -> (i32, i32) {
    %c0_i32 = arith.constant 0 : i32
    %c0_i32_0 = arith.constant 0 : i32
    %c0_i32_1 = arith.constant 0 : i32
    return %c0_i32, %c0_i32_0 : i32, i32
  }
  func.func @transform_9(%arg0: i32) -> (i32, i32) {
    %c0_i32 = arith.constant 0 : i32
    %c0_i32_0 = arith.constant 0 : i32
    return %arg0, %c0_i32 : i32, i32
  }
}

module attributes {stable_mosaic.version = 14 : i64} {
  func.func @_fin1_body(%arg0: i32, %arg1: memref<2x5000x4xf32, #tpu.memory_space<vmem>>, %arg2: memref<5000x4xf32, #tpu.memory_space<vmem>>, %arg3: memref<5000x4xf32, #tpu.memory_space<vmem>>) attributes {dimension_semantics = [#tpu.dimension_semantics<arbitrary>], iteration_bounds = array<i64: 20>, scalar_prefetch = 0 : i64, scratch_operands = 0 : i64, tpu.core_type = #tpu.core_type<tc>, window_params = [{transform_indices = @transform_0, window_bounds = array<i64: 2, 5000, 4>}, {transform_indices = @transform_1, window_bounds = array<i64: 5000, 4>}, {transform_indices = @transform_2, window_bounds = array<i64: 5000, 4>}]} {
    %get3A = arith.constant 0 : index
    %get3A_0 = arith.constant 0 : index
    %get3A_1 = arith.constant 0 : index
    %get3A_2 = vector.load %arg1[%get3A, %get3A_0, %get3A_1] : memref<2x5000x4xf32, #tpu.memory_space<vmem>>, vector<1x5000x4xf32>
    %get3A_3 = vector.shape_cast %get3A_2 : vector<1x5000x4xf32> to vector<5000x4xf32>
    %get3A_4 = arith.constant 1 : index
    %get3A_5 = arith.constant 0 : index
    %get3A_6 = arith.constant 0 : index
    %get3A_7 = vector.load %arg1[%get3A_4, %get3A_5, %get3A_6] : memref<2x5000x4xf32, #tpu.memory_space<vmem>>, vector<1x5000x4xf32>
    %get3A_8 = vector.shape_cast %get3A_7 : vector<1x5000x4xf32> to vector<5000x4xf32>
    %add3A = arith.addf %get3A_3, %get3A_8 : vector<5000x4xf32>
    %iota3A = tpu.iota {dimensions = array<i32: 1>} : vector<5000x4xi32>
    %eq3A = arith.constant 2 : i32
    %eq3A_9 = vector.broadcast %eq3A : i32 to vector<5000x4xi32>
    %eq3A_10 = arith.cmpi eq, %iota3A, %eq3A_9 : vector<5000x4xi32>
    %jit3A = arith.constant 0.000000e+00 : f32
    %broadcast_in_dim3A = vector.broadcast %jit3A : f32 to vector<5000x4xf32>
    %select_n3A = arith.select %eq3A_10, %add3A, %broadcast_in_dim3A : vector<5000x4xi1>, vector<5000x4xf32>
    %reduce_sum3A = arith.constant dense<0.000000e+00> : vector<5000xf32>
    %reduce_sum3A_11 = vector.multi_reduction <add>, %select_n3A, %reduce_sum3A [1] : vector<5000x4xf32> to vector<5000xf32>
    %broadcast_in_dim3A_12 = vector.shape_cast %reduce_sum3A_11 : vector<5000xf32> to vector<5000x1xf32>
    %max3A = arith.constant 1.000000e+00 : f32
    %max3A_13 = vector.broadcast %max3A : f32 to vector<5000x1xf32>
    %max3A_14 = arith.maximumf %broadcast_in_dim3A_12, %max3A_13 : vector<5000x1xf32>
    %div3A = arith.constant 1.000000e+00 : f32
    %div3A_15 = vector.broadcast %div3A : f32 to vector<5000x1xf32>
    %div3A_16 = arith.divf %div3A_15, %max3A_14 : vector<5000x1xf32>
    %lt3A = arith.constant 2 : i32
    %lt3A_17 = vector.broadcast %lt3A : i32 to vector<5000x4xi32>
    %lt3A_18 = arith.cmpi slt, %iota3A, %lt3A_17 : vector<5000x4xi32>
    %mul3A = vector.broadcast %div3A_16 : vector<5000x1xf32> to vector<5000x4xf32>
    %mul3A_19 = arith.mulf %add3A, %mul3A : vector<5000x4xf32>
    %jit3A_20 = arith.constant 0.000000e+00 : f32
    %broadcast_in_dim3A_21 = vector.broadcast %jit3A_20 : f32 to vector<5000x4xf32>
    %select_n3A_22 = arith.select %lt3A_18, %mul3A_19, %broadcast_in_dim3A_21 : vector<5000x4xi1>, vector<5000x4xf32>
    %swap3A = arith.constant 0 : index
    %swap3A_23 = arith.constant 0 : index
    %swap3A_24 = vector.load %arg2[%swap3A, %swap3A_23] : memref<5000x4xf32, #tpu.memory_space<vmem>>, vector<5000x4xf32>
    tpu.vector_store %arg2[%swap3A, %swap3A_23], %select_n3A_22 {strides = array<i32>} : memref<5000x4xf32, #tpu.memory_space<vmem>>, vector<5000x4xf32>,
    %broadcast_in_dim3A_25 = vector.shape_cast %div3A_16 : vector<5000x1xf32> to vector<5000x1xf32>
    %broadcast_in_dim3A_26 = vector.broadcast %broadcast_in_dim3A_25 : vector<5000x1xf32> to vector<5000x4xf32>
    %swap3A_27 = arith.constant 0 : index
    %swap3A_28 = arith.constant 0 : index
    %swap3A_29 = vector.load %arg3[%swap3A_27, %swap3A_28] : memref<5000x4xf32, #tpu.memory_space<vmem>>, vector<5000x4xf32>
    tpu.vector_store %arg3[%swap3A_27, %swap3A_28], %broadcast_in_dim3A_26 {strides = array<i32>} : memref<5000x4xf32, #tpu.memory_space<vmem>>, vector<5000x4xf32>,
    return
  }
  func.func @transform_0(%arg0: i32) -> (i32, i32, i32) {
    %c0_i32 = arith.constant 0 : i32
    %c0_i32_0 = arith.constant 0 : i32
    %c0_i32_1 = arith.constant 0 : i32
    return %c0_i32, %arg0, %c0_i32_0 : i32, i32, i32
  }
  func.func @transform_1(%arg0: i32) -> (i32, i32) {
    %c0_i32 = arith.constant 0 : i32
    %c0_i32_0 = arith.constant 0 : i32
    return %arg0, %c0_i32 : i32, i32
  }
  func.func @transform_2(%arg0: i32) -> (i32, i32) {
    %c0_i32 = arith.constant 0 : i32
    %c0_i32_0 = arith.constant 0 : i32
    return %arg0, %c0_i32 : i32, i32
  }
}

module attributes {stable_mosaic.version = 14 : i64} {
  func.func @_mlp_body(%arg0: i32, %arg1: memref<8192x4xf32, #tpu.memory_space<vmem>>, %arg2: memref<8192x4xf32, #tpu.memory_space<vmem>>, %arg3: memref<4x32xf32, #tpu.memory_space<vmem>>, %arg4: memref<4x32xf32, #tpu.memory_space<vmem>>, %arg5: memref<1x32xf32, #tpu.memory_space<vmem>>, %arg6: memref<32x32xf32, #tpu.memory_space<vmem>>, %arg7: memref<1x32xf32, #tpu.memory_space<vmem>>, %arg8: memref<32x4xf32, #tpu.memory_space<vmem>>, %arg9: memref<1x4xf32, #tpu.memory_space<vmem>>, %arg10: memref<8192x4xf32, #tpu.memory_space<vmem>>) attributes {dimension_semantics = [#tpu.dimension_semantics<arbitrary>], iteration_bounds = array<i64: 196>, scalar_prefetch = 0 : i64, scratch_operands = 0 : i64, tpu.core_type = #tpu.core_type<tc>, window_params = [{transform_indices = @transform_0, window_bounds = array<i64: 8192, 4>}, {transform_indices = @transform_1, window_bounds = array<i64: 8192, 4>}, {pipeline_mode = #tpu.pipeline_mode<synchronous>, transform_indices = @transform_2, window_bounds = array<i64: 4, 32>}, {pipeline_mode = #tpu.pipeline_mode<synchronous>, transform_indices = @transform_3, window_bounds = array<i64: 4, 32>}, {pipeline_mode = #tpu.pipeline_mode<synchronous>, transform_indices = @transform_4, window_bounds = array<i64: 1, 32>}, {pipeline_mode = #tpu.pipeline_mode<synchronous>, transform_indices = @transform_5, window_bounds = array<i64: 32, 32>}, {pipeline_mode = #tpu.pipeline_mode<synchronous>, transform_indices = @transform_6, window_bounds = array<i64: 1, 32>}, {pipeline_mode = #tpu.pipeline_mode<synchronous>, transform_indices = @transform_7, window_bounds = array<i64: 32, 4>}, {pipeline_mode = #tpu.pipeline_mode<synchronous>, transform_indices = @transform_8, window_bounds = array<i64: 1, 4>}, {transform_indices = @transform_9, window_bounds = array<i64: 8192, 4>}]} {
    %get3A = arith.constant 0 : index
    %get3A_0 = arith.constant 0 : index
    %get3A_1 = vector.load %arg1[%get3A, %get3A_0] : memref<8192x4xf32, #tpu.memory_space<vmem>>, vector<8192x4xf32>
    %get3A_2 = arith.constant 0 : index
    %get3A_3 = arith.constant 0 : index
    %get3A_4 = vector.load %arg2[%get3A_2, %get3A_3] : memref<8192x4xf32, #tpu.memory_space<vmem>>, vector<8192x4xf32>
    %get3A_5 = arith.constant 0 : index
    %get3A_6 = arith.constant 0 : index
    %get3A_7 = vector.load %arg3[%get3A_5, %get3A_6] : memref<4x32xf32, #tpu.memory_space<vmem>>, vector<4x32xf32>
    %dot_general3A = arith.constant dense<0.000000e+00> : vector<8192x32xf32>
    %dot_general3A_8 = tpu.matmul %get3A_1, %get3A_7, %dot_general3A {dimension_numbers = #tpu.dot_dimension_numbers<[1], [0], [0], [1], [0, 0, 1, 1], [], []>, transpose_lhs_hint = false} : vector<8192x4xf32>, vector<4x32xf32>, vector<8192x32xf32> -> vector<8192x32xf32>
    %get3A_9 = arith.constant 0 : index
    %get3A_10 = arith.constant 0 : index
    %get3A_11 = vector.load %arg4[%get3A_9, %get3A_10] : memref<4x32xf32, #tpu.memory_space<vmem>>, vector<4x32xf32>
    %dot_general3A_12 = arith.constant dense<0.000000e+00> : vector<8192x32xf32>
    %dot_general3A_13 = tpu.matmul %get3A_4, %get3A_11, %dot_general3A_12 {dimension_numbers = #tpu.dot_dimension_numbers<[1], [0], [0], [1], [0, 0, 1, 1], [], []>, transpose_lhs_hint = false} : vector<8192x4xf32>, vector<4x32xf32>, vector<8192x32xf32> -> vector<8192x32xf32>
    %add3A = arith.addf %dot_general3A_8, %dot_general3A_13 : vector<8192x32xf32>
    %get3A_14 = arith.constant 0 : index
    %get3A_15 = arith.constant 0 : index
    %get3A_16 = vector.load %arg5[%get3A_14, %get3A_15] : memref<1x32xf32, #tpu.memory_space<vmem>>, vector<1x32xf32>
    %add3A_17 = vector.broadcast %get3A_16 : vector<1x32xf32> to vector<8192x32xf32>
    %add3A_18 = arith.addf %add3A, %add3A_17 : vector<8192x32xf32>
    %max3A = arith.constant 0.000000e+00 : f32
    %max3A_19 = vector.broadcast %max3A : f32 to vector<8192x32xf32>
    %max3A_20 = arith.maximumf %add3A_18, %max3A_19 : vector<8192x32xf32>
    %get3A_21 = arith.constant 0 : index
    %get3A_22 = arith.constant 0 : index
    %get3A_23 = vector.load %arg6[%get3A_21, %get3A_22] : memref<32x32xf32, #tpu.memory_space<vmem>>, vector<32x32xf32>
    %dot_general3A_24 = arith.constant dense<0.000000e+00> : vector<8192x32xf32>
    %dot_general3A_25 = tpu.matmul %max3A_20, %get3A_23, %dot_general3A_24 {dimension_numbers = #tpu.dot_dimension_numbers<[1], [0], [0], [1], [0, 0, 1, 1], [], []>, transpose_lhs_hint = false} : vector<8192x32xf32>, vector<32x32xf32>, vector<8192x32xf32> -> vector<8192x32xf32>
    %get3A_26 = arith.constant 0 : index
    %get3A_27 = arith.constant 0 : index
    %get3A_28 = vector.load %arg7[%get3A_26, %get3A_27] : memref<1x32xf32, #tpu.memory_space<vmem>>, vector<1x32xf32>
    %add3A_29 = vector.broadcast %get3A_28 : vector<1x32xf32> to vector<8192x32xf32>
    %add3A_30 = arith.addf %dot_general3A_25, %add3A_29 : vector<8192x32xf32>
    %max3A_31 = arith.constant 0.000000e+00 : f32
    %max3A_32 = vector.broadcast %max3A_31 : f32 to vector<8192x32xf32>
    %max3A_33 = arith.maximumf %add3A_30, %max3A_32 : vector<8192x32xf32>
    %get3A_34 = arith.constant 0 : index
    %get3A_35 = arith.constant 0 : index
    %get3A_36 = vector.load %arg8[%get3A_34, %get3A_35] : memref<32x4xf32, #tpu.memory_space<vmem>>, vector<32x4xf32>
    %dot_general3A_37 = arith.constant dense<0.000000e+00> : vector<8192x4xf32>
    %dot_general3A_38 = tpu.matmul %max3A_33, %get3A_36, %dot_general3A_37 {dimension_numbers = #tpu.dot_dimension_numbers<[1], [0], [0], [1], [0, 0, 1, 1], [], []>, transpose_lhs_hint = false} : vector<8192x32xf32>, vector<32x4xf32>, vector<8192x4xf32> -> vector<8192x4xf32>
    %get3A_39 = arith.constant 0 : index
    %get3A_40 = arith.constant 0 : index
    %get3A_41 = vector.load %arg9[%get3A_39, %get3A_40] : memref<1x4xf32, #tpu.memory_space<vmem>>, vector<1x4xf32>
    %add3A_42 = vector.broadcast %get3A_41 : vector<1x4xf32> to vector<8192x4xf32>
    %add3A_43 = arith.addf %dot_general3A_38, %add3A_42 : vector<8192x4xf32>
    %mul3A = arith.constant 8192 : i32
    %mul3A_44 = arith.muli %arg0, %mul3A : i32
    %iota3A = tpu.iota {dimensions = array<i32: 0>} : vector<8192x4xi32>
    %add3A_45 = vector.broadcast %mul3A_44 : i32 to vector<8192x4xi32>
    %add3A_46 = arith.addi %add3A_45, %iota3A : vector<8192x4xi32>
    %lt3A = arith.constant 1600000 : i32
    %lt3A_47 = vector.broadcast %lt3A : i32 to vector<8192x4xi32>
    %lt3A_48 = arith.cmpi slt, %add3A_46, %lt3A_47 : vector<8192x4xi32>
    %jit3A = arith.constant 0.000000e+00 : f32
    %broadcast_in_dim3A = vector.broadcast %jit3A : f32 to vector<8192x4xf32>
    %select_n3A = arith.select %lt3A_48, %add3A_43, %broadcast_in_dim3A : vector<8192x4xi1>, vector<8192x4xf32>
    %swap3A = arith.constant 0 : index
    %swap3A_49 = arith.constant 0 : index
    %swap3A_50 = vector.load %arg10[%swap3A, %swap3A_49] : memref<8192x4xf32, #tpu.memory_space<vmem>>, vector<8192x4xf32>
    tpu.vector_store %arg10[%swap3A, %swap3A_49], %select_n3A {strides = array<i32>} : memref<8192x4xf32, #tpu.memory_space<vmem>>, vector<8192x4xf32>,
    return
  }
  func.func @transform_0(%arg0: i32) -> (i32, i32) {
    %c0_i32 = arith.constant 0 : i32
    %c0_i32_0 = arith.constant 0 : i32
    return %arg0, %c0_i32 : i32, i32
  }
  func.func @transform_1(%arg0: i32) -> (i32, i32) {
    %c0_i32 = arith.constant 0 : i32
    %c0_i32_0 = arith.constant 0 : i32
    return %arg0, %c0_i32 : i32, i32
  }
  func.func @transform_2(%arg0: i32) -> (i32, i32) {
    %c0_i32 = arith.constant 0 : i32
    %c0_i32_0 = arith.constant 0 : i32
    %c0_i32_1 = arith.constant 0 : i32
    return %c0_i32, %c0_i32_0 : i32, i32
  }
  func.func @transform_3(%arg0: i32) -> (i32, i32) {
    %c0_i32 = arith.constant 0 : i32
    %c0_i32_0 = arith.constant 0 : i32
    %c0_i32_1 = arith.constant 0 : i32
    return %c0_i32, %c0_i32_0 : i32, i32
  }
  func.func @transform_4(%arg0: i32) -> (i32, i32) {
    %c0_i32 = arith.constant 0 : i32
    %c0_i32_0 = arith.constant 0 : i32
    %c0_i32_1 = arith.constant 0 : i32
    return %c0_i32, %c0_i32_0 : i32, i32
  }
  func.func @transform_5(%arg0: i32) -> (i32, i32) {
    %c0_i32 = arith.constant 0 : i32
    %c0_i32_0 = arith.constant 0 : i32
    %c0_i32_1 = arith.constant 0 : i32
    return %c0_i32, %c0_i32_0 : i32, i32
  }
  func.func @transform_6(%arg0: i32) -> (i32, i32) {
    %c0_i32 = arith.constant 0 : i32
    %c0_i32_0 = arith.constant 0 : i32
    %c0_i32_1 = arith.constant 0 : i32
    return %c0_i32, %c0_i32_0 : i32, i32
  }
  func.func @transform_7(%arg0: i32) -> (i32, i32) {
    %c0_i32 = arith.constant 0 : i32
    %c0_i32_0 = arith.constant 0 : i32
    %c0_i32_1 = arith.constant 0 : i32
    return %c0_i32, %c0_i32_0 : i32, i32
  }
  func.func @transform_8(%arg0: i32) -> (i32, i32) {
    %c0_i32 = arith.constant 0 : i32
    %c0_i32_0 = arith.constant 0 : i32
    %c0_i32_1 = arith.constant 0 : i32
    return %c0_i32, %c0_i32_0 : i32, i32
  }
  func.func @transform_9(%arg0: i32) -> (i32, i32) {
    %c0_i32 = arith.constant 0 : i32
    %c0_i32_0 = arith.constant 0 : i32
    return %arg0, %c0_i32 : i32, i32
  }
}

module attributes {stable_mosaic.version = 14 : i64} {
  func.func @_fin2_body(%arg0: i32, %arg1: memref<2x5000x4xf32, #tpu.memory_space<vmem>>, %arg2: memref<5000x4xf32, #tpu.memory_space<vmem>>, %arg3: memref<5000x4xf32, #tpu.memory_space<vmem>>) attributes {dimension_semantics = [#tpu.dimension_semantics<arbitrary>], iteration_bounds = array<i64: 20>, scalar_prefetch = 0 : i64, scratch_operands = 0 : i64, tpu.core_type = #tpu.core_type<tc>, window_params = [{transform_indices = @transform_0, window_bounds = array<i64: 2, 5000, 4>}, {transform_indices = @transform_1, window_bounds = array<i64: 5000, 4>}, {transform_indices = @transform_2, window_bounds = array<i64: 5000, 4>}]} {
    %get3A = arith.constant 0 : index
    %get3A_0 = arith.constant 0 : index
    %get3A_1 = arith.constant 0 : index
    %get3A_2 = vector.load %arg1[%get3A, %get3A_0, %get3A_1] : memref<2x5000x4xf32, #tpu.memory_space<vmem>>, vector<1x5000x4xf32>
    %get3A_3 = vector.shape_cast %get3A_2 : vector<1x5000x4xf32> to vector<5000x4xf32>
    %get3A_4 = arith.constant 1 : index
    %get3A_5 = arith.constant 0 : index
    %get3A_6 = arith.constant 0 : index
    %get3A_7 = vector.load %arg1[%get3A_4, %get3A_5, %get3A_6] : memref<2x5000x4xf32, #tpu.memory_space<vmem>>, vector<1x5000x4xf32>
    %get3A_8 = vector.shape_cast %get3A_7 : vector<1x5000x4xf32> to vector<5000x4xf32>
    %add3A = arith.addf %get3A_3, %get3A_8 : vector<5000x4xf32>
    %get3A_9 = arith.constant 0 : index
    %get3A_10 = arith.constant 0 : index
    %get3A_11 = vector.load %arg2[%get3A_9, %get3A_10] : memref<5000x4xf32, #tpu.memory_space<vmem>>, vector<5000x4xf32>
    %mul3A = arith.mulf %add3A, %get3A_11 : vector<5000x4xf32>
    %swap3A = arith.constant 0 : index
    %swap3A_12 = arith.constant 0 : index
    %swap3A_13 = vector.load %arg3[%swap3A, %swap3A_12] : memref<5000x4xf32, #tpu.memory_space<vmem>>, vector<5000x4xf32>
    tpu.vector_store %arg3[%swap3A, %swap3A_12], %mul3A {strides = array<i32>} : memref<5000x4xf32, #tpu.memory_space<vmem>>, vector<5000x4xf32>,
    return
  }
  func.func @transform_0(%arg0: i32) -> (i32, i32, i32) {
    %c0_i32 = arith.constant 0 : i32
    %c0_i32_0 = arith.constant 0 : i32
    %c0_i32_1 = arith.constant 0 : i32
    return %c0_i32, %arg0, %c0_i32_0 : i32, i32, i32
  }
  func.func @transform_1(%arg0: i32) -> (i32, i32) {
    %c0_i32 = arith.constant 0 : i32
    %c0_i32_0 = arith.constant 0 : i32
    return %arg0, %c0_i32 : i32, i32
  }
  func.func @transform_2(%arg0: i32) -> (i32, i32) {
    %c0_i32 = arith.constant 0 : i32
    %c0_i32_0 = arith.constant 0 : i32
    return %arg0, %c0_i32 : i32, i32
  }
}

</mosaic_0001>

<sc_bundles>
// kernel: kernel.11.cloned.1.call-start
scs
__scs_entry_jumppad:
0x0: {  	(pc) =	sbr.rel $0x88, $3  }
0x1: {  	(tag) =	ssettag $0x0;
	lr =	simm.s32 $0x1  }
0x2: {  	[smem:$0x3F91] =	sst lr;
	_ =	strace $0xD0000000  }
0x3: {  	_ = 	snop  }
0x4: {  	_ = 	snop  }
0x5: {  	_ = 	snop  }
0x6: {  	_ = 	snop  }
0x7: {  	_ = 	snop  }
__scs_overlays_trampoline_lowered:
0x8: {  	[smem:$0x3FA0] =	sst s0  }
0x9: {  	[smem:$0x3FA1] =	sst s1  }
0xa: {  	[smem:$0x3FA2] =	sst s2  }
0xb: {  	[smem:$0x3FA3] =	sst s3  }
0xc: {  	[smem:$0x3FA4] =	sst s4  }
0xd: {  	[smem:$0x3FA5] =	sst s5  }
0xe: {  	[smem:$0x3FA6] =	sst s6  }
0xf: {  	[smem:$0x3FA7] =	sst s7  }
0x10: {  	[smem:$0x3FA8] =	sst s8  }
0x11: {  	[smem:$0x3FA9] =	sst s9;
	s0 =	simm.s32 @!p0 $0x0  }
0x12: {  	s1 =	sld [smem:$0x3F8F];
	s0 =	simm.s32 @p0 $0x1  }
0x13: {  	[smem:$0x3FAA] =	sst s0;
	s0 =	simm.s32 @!p1 $0x0  }
0x14: {  	s2 =	sld [smem:$0x3F8E];
	s0 =	simm.s32 @p1 $0x1  }
0x15: {  	[smem:$0x3FAB] =	sst s0;
	s0 =	simm.s32 @!p2 $0x0  }
0x16: {  	s3 =	sld [smem:$0x3FDB];
	s0 =	simm.s32 @p2 $0x1  }
0x17: {  	s4 =	simm.s32 $0x1BF5;
	[smem:$0x3FAD] =	sst s0  }
0x18: {  	s0 =	sld [smem:$0x3F90];
	_ =	swait.ge [sflag:s4], $0x0  }
0x19: {  	s7 =	sld [smem:$0x3F91]  }
0x1a: {  	s8 =	sadd.s32 $0xFFFFE003, lr  }
0x1b: {  	s9 =	sadd.s32 $0xFFFFFEF7, lr;
	s5 =	simm.s32 $0xFFFFFFFF;
	p2 =	slt.u32 s8, $0xFFFFF086  }
0x1c: {  	p1 =	slt.u32 s9, $0xF7A;
	s5 =	simm.s32 @!p2 $0x0  }
0x1d: {  	s5 =	simm.s32 @p1 $0x1;
	p0 =	seq.s32 s7, s2  }
0x1e: {  	s7 =	smul.u32 @!p0 $0xF7A, s2;
	p2 =	seq.s32 @!p0 s5, $0x0  }
0x1f: {  	s9 =	smul.u32 $0xF7A, s1;
	s8 =	simm.s32 @!p0 $0x1BF5;
	p2 =	por !p2, p0  }
0x20: {  	[sflag:s8] =	ssyncset.s32 @!p0 $0xFFFFF086;
	s6 =	sadd.s32 @!p0 s3, s7;
	s7 =	simm.s32 @!p0 $0x108  }
0x21: {  	s3 =	sadd.s32 s3, s9;
	s6 =	sadd.s32 @!p0 $0x88, s6;
	s7 =	simm.s32 @p2 $0x1082  }
0x22: {  	[simem:s7], [sflag:s8] =	dma.local @!p0 [hbm:s6], $0xF7A  }
0x23: {  	s9 =	sor.u32 $0xD0000000, s2;
	s6 =	simm.s32 $0x108;
	_ =	swait.ge @!p0 [sflag:s8], $0x0  }
0x24: {  	s3 =	sadd.s32 $0x88, s3;
	s6 =	simm.s32 @!p1 $0x1082;
	[sflag:s4] =	ssyncset.s32 $0xFFFFF086  }
0x25: {  	[simem:s6], [sflag:s4] =	dma.local [hbm:s3], $0xF7A  }
0x26: {  	[smem:$0x3F91] =	sst s1;
	(tag) =	ssettag s2;
	_ =	strace s9  }
0x27: {  	s1 =	sld [smem:$0x3FA1]  }
0x28: {  	s2 =	sld [smem:$0x3FA2]  }
0x29: {  	s4 =	sld [smem:$0x3FA4]  }
0x2a: {  	p0 =	seq.s32 s5, $0x0;
	s5 =	sld [smem:$0x3FA5]  }
0x2b: {  	s6 =	sld [smem:$0x3FA6]  }
0x2c: {  	s7 =	sld [smem:$0x3FA7]  }
0x2d: {  	s3 =	simm.s32 $0x108;
	s8 =	sld [smem:$0x3FA8]  }
0x2e: {  	s3 =	simm.s32 @!p0 $0x1082;
	s9 =	sld [smem:$0x3FA9]  }
0x2f: {  	lr =	sadd.s32 s0, s3;
	s0 =	sld [smem:$0x3FA0]  }
0x30: {  	s3 =	sld [smem:$0x3FA3]  }
0x31: {  	[smem:$0x3FAC] =	sst s10  }
0x32: {  	s10 =	sld [smem:$0x3FAA];
	_ =	sdelay $0x3  }
0x33: {  	p0 =	seq.s32 s10, $0x1;
	s10 =	sld [smem:$0x3FAC];
	_ =	sdelay $0x3  }
0x34: {  	[smem:$0x3FAC] =	sst s10  }
0x35: {  	s10 =	sld [smem:$0x3FAB];
	_ =	sdelay $0x3  }
0x36: {  	p1 =	seq.s32 s10, $0x1;
	s10 =	sld [smem:$0x3FAC];
	_ =	sdelay $0x3  }
0x37: {  	[smem:$0x3FAC] =	sst s10  }
0x38: {  	s10 =	sld [smem:$0x3FAD]  }
0x39: {  	_ = 	snop;
	(pc) =	sbr.ind lr, $3  }
0x3a: {  	_ = 	snop  }
0x3b: {  	_ = 	snop  }
0x3c: {  	p2 =	seq.s32 s10, $0x1;
	s10 =	sld [smem:$0x3FAC]  }
0x3d: {  	_ =	shalt  }
0x3e: {  	_ =	shalt  }
0x3f: {  	_ =	shalt  }
0x40: {  	_ =	shalt  }
0x41: {  	_ =	shalt  }
0x42: {  	_ =	shalt  }
0x43: {  	_ =	shalt  }
0x44: {  	_ =	shalt  }
0x45: {  	_ =	shalt  }
0x46: {  	_ =	shalt  }
0x47: {  	_ =	shalt  }
0x48: {  	_ =	shalt  }
0x49: {  	_ =	shalt  }
0x4a: {  	_ =	shalt  }
0x4b: {  	_ =	shalt  }
0x4c: {  	_ =	shalt  }
0x4d: {  	_ =	shalt  }
0x4e: {  	_ =	shalt  }
0x4f: {  	_ =	shalt  }
0x50: {  	_ =	shalt  }
0x51: {  	_ =	shalt  }
0x52: {  	_ =	shalt  }
0x53: {  	_ =	shalt  }
0x54: {  	_ =	shalt  }
0x55: {  	_ =	shalt  }
0x56: {  	_ =	shalt  }
0x57: {  	_ =	shalt  }
0x58: {  	_ =	shalt  }
0x59: {  	_ =	shalt  }
0x5a: {  	_ =	shalt  }
0x5b: {  	_ =	shalt  }
0x5c: {  	_ =	shalt  }
0x5d: {  	_ =	shalt  }
0x5e: {  	_ =	shalt  }
0x5f: {  	_ =	shalt  }
0x60: {  	_ =	shalt  }
0x61: {  	_ =	shalt  }
0x62: {  	_ =	shalt  }
0x63: {  	_ =	shalt  }
0x64: {  	_ =	shalt  }
0x65: {  	_ =	shalt  }
0x66: {  	_ =	shalt  }
0x67: {  	_ =	shalt  }
0x68: {  	_ =	shalt  }
0x69: {  	_ =	shalt  }
0x6a: {  	_ =	shalt  }
0x6b: {  	_ =	shalt  }
0x6c: {  	_ =	shalt  }
0x6d: {  	_ =	shalt  }
0x6e: {  	_ =	shalt  }
0x6f: {  	_ =	shalt  }
0x70: {  	_ =	shalt  }
0x71: {  	_ =	shalt  }
0x72: {  	_ =	shalt  }
0x73: {  	_ =	shalt  }
0x74: {  	_ =	shalt  }
0x75: {  	_ =	shalt  }
0x76: {  	_ =	shalt  }
0x77: {  	_ =	shalt  }
0x78: {  	_ =	shalt  }
0x79: {  	_ =	shalt  }
0x7a: {  	_ =	shalt  }
0x7b: {  	_ =	shalt  }
0x7c: {  	_ =	shalt  }
0x7d: {  	_ =	shalt  }
0x7e: {  	_ =	shalt  }
0x7f: {  	_ =	shalt  }
0x80: {  	_ =	shalt  }
0x81: {  	_ =	shalt  }
0x82: {  	_ =	shalt  }
0x83: {  	_ =	shalt  }
0x84: {  	_ =	shalt  }
0x85: {  	_ =	shalt  }
0x86: {  	_ =	shalt  }
0x87: {  	_ =	shalt  }
.Lfunc_end0:
.L_simem_size_0:
called_computation_lowered:
.L_overlay_start_0:
0x88: {  	s2 =	sld [smem:$0x3FD9]  }
0x89: {  	s3 =	sld [smem:$0x3FFE];
	_ =	sdelay $0x1  }
0x8a: {  	s1 =	srdreg.scid  }
0x8b: {  	s0 =	sand.u32 $0x1, s1  }
0x8c: {  	s16 =	sshll.u32 s0, $0xA;
	s2 =	sadd.s32 s3, s2  }
0x8d: {  	s2 =	sadd.s32 s2, s16  }
0x8e: {  	[smem:$0x3FB8] =	sst s2  }
0x8f: {  	_ = 	snop  }
0x90: {  	(tm) =	ssettm $0x1  }
0x91: {  	s17 =	sld [smem:$0x3FFB];
	_ =	sdelay $0x3  }
0x92: {  	_ =	strace s17  }
0x93: {  	s2 =	sld [smem:$0x3FFC];
	_ =	sdelay $0x3  }
0x94: {  	_ =	strace s2  }
0x95: {  	s2 =	sld [smem:$0x3FFD];
	_ =	sdelay $0x3  }
0x96: {  	_ =	strace s2  }
0x97: {  	_ =	strace $0x8FFFFFFF  }
0x98: {  	s18 =	sld [smem:$0x3FDB];
	_ =	sdelay $0x1  }
0x99: {  	s19 =	simm.s32 $_scs_section_size  }
0x9a: {  	s4 =	simm.s32 $_size__tile_overlayer_lowered;
	s5 =	simm.s32 $_tile_overlayer_lowered  }
0x9b: {  	s22 =	simm.s32 $0x1BFF;
	s21 =	sshll.u32 s5, $0x1;
	s2 =	sadd.s32 s19, s18  }
0x9c: {  	s6 =	simm.s32 $0x0;
	s20 =	sshll.u32 s4, $0x1;
	s4 =	sadd.s32 s21, s2  }
0x9d: {  	[timem:s6], [sflag:s22] =	dma.local [hbm:s4], s20  }
0x9e: {  	_ =	swait.ge [sflag:s22], s20  }
0x9f: {  	s3 =	ssub.s32 $0x0, s20;
	[sflag:s22] =	ssyncset.done $0x0  }
0xa0: {  	[sflag:s22] =	ssyncadd.s32 s3;
	_ =	sdelay $0x1  }
0xa1: {  	s23 =	simm.s32 $0x1B8B  }
0xa2: {  	_ =	swait.ge [sflag:s23], $0x1  }
0xa3: {  	[sflag:s23] =	ssyncset.done $0x0  }
0xa4: {  	s25 =	simm.s32 $0x1B8E;
	s24 =	sld [smem:$0x3FFE];
	[sflag:s23] =	ssyncadd.s32 $0xFFFFFFFF  }
0xa5: {  	s26 =	simm.s32 $execute0_lowered;
	[smem:$0x3FD2] =	sst s25  }
0xa6: {  	s4 =	sshll.u32 s26, $0x1;
	_ =	strace $0x80000046;
	[dreg:$0x1] =	wrdreg $0xFFFFFFFF  }
0xa7: {  	s28 =	simm.s32 $_size_execute0_lowered;
	s2 =	sadd.s32 s2, s4;
	[dreg:$0x0] =	wrdreg $0x0  }
0xa8: {  	s4 =	sshll.u32 s28, $0x1;
	[dreg:$0x2] =	wrdreg s2  }
0xa9: {  	[dreg:$0x3] =	wrdreg s4  }
0xaa: {  	[dreg:$0x4] =	wrdreg $0xC0  }
0xab: {  	_ =	task [dreg:s6], $0x5FFFF  }
0xac: {  	[dreg:$0x1] =	wrdreg $0xFFFFFFFF  }
0xad: {  	[dreg:$0x0] =	wrdreg $0x60  }
0xae: {  	[dreg:$0x2] =	wrdreg s24  }
0xaf: {  	[dreg:$0x3] =	wrdreg $0x9  }
0xb0: {  	_ =	task.clear_ibuf [dreg:s6], $0x4FFFF;
	_ =	strace $0x90000046  }
0xb1: {  	s29 =	simm.s32 $0x9;
	_ =	strace $0x80000048  }
0xb2: {  	_ =	swait.ge [sflag:s29], $0x1  }
0xb3: {  	[sflag:s29] =	ssyncadd.s32 $0xFFFFFFFF  }
0xb4: {  	_ =	strace $0x90000048  }
0xb5: {  	_ =	sfence  }
0xb6: {  	s30 =	sld [smem:$0x0];
	_ =	sdelay $0x2  }
0xb7: {  	s31 =	sshll.u32 s1, $0xD;
	s1 =	sshrl.u32 s1, $0x2  }
0xb8: {  	s3 =	sand.u32 $0x4000, s31;
	s1 =	sadd.s32 s1, s30  }
0xb9: {  	s0 =	sor.u32 s3, s0;
	s1 =	sshll.u32 s1, $0x11  }
0xba: {  	s0 =	sor.u32 s1, s0  }
0xbb: {  	s0 =	sadd.s32 $0x8F2B, s0  }
0xbc: {  	[sflag:s0] =	ssyncadd.remote.s32 $0x1  }
0xbd: {  	_ =	sfence.sel $0xFFFF  }
0xbe: {  	[dreg:$0x0] =	wrdreg $0xFFFFFFFF;
	(pc) =	sbr.abs _section_cstart, $3  }
0xbf: {  	[dreg:$0x1] =	wrdreg $0xFFFFFFFF  }
0xc0: {  	_ =	task.clear_ibuf [dreg:s6], $0x2FFFF;
	_ =	strace $0x9FFFFFFF  }
0xc1: {  	(tm) =	ssettm $0x7FFFFFFF  }
tec
execute0_lowered:
.L_overlay_start_1:
0x0: {  	(tag) =	ssettag $0x1  }
0x1: {  	s0 =	srdreg.scid;
	s2 =	stileid.u32  }
0x2: {  	s4 =	rddreg [dreg:$0x0];
	s0 =	sand.u32 $0x1, s0;
	s2 =	smul.u32 $0xC400, s2  }
0x3: {  	s15 =	simm.s32 $0xC00;
	s16 =	simm.s32 $0x100;
	s1 =	smul.u32 $0xC4000, s0  }
0x4: {  	s17 =	simm.s32 $0x1000;
	s18 =	simm.s32 $0x180;
	s19 =	simm.s32 $0x1400  }
0x5: {  	s21 =	simm.s32 $0x200;
	s1 =	sadd.s32 s2, s1;
	s2 =	simm.s32 $0x0  }
0x6: {  	s22 =	simm.s32 $0x1800;
	s23 =	simm.s32 $0x280;
	[smem:$0x7FF] =	sst s2  }
0x7: {  	s25 =	simm.s32 $0x1C00;
	_ =	strace $0x80000047;
	[dreg:$0x4] =	wrdreg s15  }
0x8: {  	s29 =	simm.s32 $0x300;
	s7 =	simm.s32 $0x2;
	[dreg:$0x5] =	wrdreg s16  }
0x9: {  	s30 =	simm.s32 $0x2000;
	s0 =	ssub.s32 $0x2, s0;
	[dreg:$0x6] =	wrdreg s17  }
0xa: {  	s8 =	simm.s32 $0x80;
	s20 =	sshrl.u32 s0, $0x1;
	[dreg:$0x7] =	wrdreg s18  }
0xb: {  	s31 =	simm.s32 $0x380;
	s0 =	ssub.s32 s0, s20;
	[dreg:$0x8] =	wrdreg s19  }
0xc: {  	s9 =	simm.s32 $0x800;
	s0 =	smax.u32 s0, $0x1;
	[dreg:$0x9] =	wrdreg s21  }
0xd: {  	s11 =	simm.s32 $0x1;
	s12 =	simm.s32 $0x400;
	[dreg:$0x10] =	wrdreg s0  }
0xe: {  	s13 =	simm.s32 $0x2800;
	s10 =	simm.s32 $0x480;
	[dreg:$0xa] =	wrdreg s22  }
0xf: {  	s14 =	simm.s32 $0x2C00;
	s28 =	simm.s32 $0x4400;
	[dreg:$0xb] =	wrdreg s23  }
0x10: {  	s20 =	simm.s32 $0x600;
	s3 =	sshrl.u32 s1, $0x3;
	[dreg:$0xc] =	wrdreg s25  }
0x11: {  	s1 =	sadd.s32 s1, s4;
	s3 =	sadd.s32 s3, s4;
	[dreg:$0xd] =	wrdreg s29  }
0x12: {  	s24 =	sadd.s32 $0x7EC00, s1;
	s26 =	sadd.s32 $0x206C00, s1;
	[dreg:$0xe] =	wrdreg s30  }
0x13: {  	[dreg:$0xf] =	wrdreg s31;
	s1 =	simm.s32 $0x2400;
	s15 =	simm.s32 $0x500  }
0x14: {  	s16 =	simm.s32 $0x3000;
	s18 =	simm.s32 $0x580;
	s19 =	simm.s32 $0x3400  }
0x15: {  	s21 =	simm.s32 $0x3800;
	s22 =	simm.s32 $0x680;
	s23 =	simm.s32 $0x3C00  }
0x16: {  	s25 =	simm.s32 $0x4000;
	s17 =	simm.s32 $0x2400;
	[dreg:$0x11] =	wrdreg s24  }
0x17: {  	s5 =	sadd.s32 $0x4400, s3;
	s3 =	sadd.s32 $0x35400, s3;
	[dreg:$0x12] =	wrdreg s26  }
0x18: {  	s24 =	simm.s32 $0x700;
	s26 =	simm.s32 $0x780;
	[dreg:$0x2] =	wrdreg s5  }
0x19: {  	[dreg:$0x3] =	wrdreg s3;
	s3 =	sadd.s32 $0x66400, s4;
	s4 =	simm.s32 $0x0  }
.LBB2_1:
0x1a: {  	s6 =	rddreg [dreg:$0x3]  }
0x1b: {  	[dreg:$0x13] =	wrdreg s4;
	s4 =	sadd.s32 $0x0, s6  }
0x1c: {  	[tilespmem:s2], [sflag:$0x2] =	stream.linear.gather [hbm4b:s4+s2], $0x400, $0x38;
	[tilespmem:$0x4800] =	vst v63  }
0x1d: {  	_ =	swait.ge [sflag:s7], $0x400  }
0x1e: {  	s29 =	rddreg [dreg:$0x5]  }
0x1f: {  	[sflag:s7] =	ssyncset.done $0x0;
	s5 =	rddreg [dreg:$0x4]  }
0x20: {  	s6 =	rddreg [dreg:$0x6];
	[sflag:s7] =	ssyncadd.s32 $0xFFFFFC00  }
0x21: {  	[tilespmem:s9], [sflag:$0x1] =	stream.indirect.gather [hbm4b:s3+s8], $0x4, s2, s8, $0xb8;
	[tilespmem:$0x4800] =	vst v63  }
0x22: {  	s30 =	rddreg [dreg:$0x8]  }
0x23: {  	[tilespmem:s5], [sflag:$0x1] =	stream.indirect.gather [hbm4b:s3+s8], $0x4, s8, s8, $0xb8;
	[tilespmem:$0x4800] =	vst v63  }
0x24: {  	s0 =	rddreg [dreg:$0x7]  }
0x25: {  	[tilespmem:s6], [sflag:$0x1] =	stream.indirect.gather [hbm4b:s3+s8], $0x4, s29, s8, $0xb8;
	[tilespmem:$0x4800] =	vst v63  }
0x26: {  	s6 =	rddreg [dreg:$0xa]  }
0x27: {  	s29 =	rddreg [dreg:$0x9]  }
0x28: {  	[tilespmem:s30], [sflag:$0x1] =	stream.indirect.gather [hbm4b:s3+s8], $0x4, s0, s8, $0xb8;
	[tilespmem:$0x4800] =	vst v63  }
0x29: {  	s0 =	rddreg [dreg:$0xc]  }
0x2a: {  	s30 =	rddreg [dreg:$0xb]  }
0x2b: {  	[tilespmem:s6], [sflag:$0x1] =	stream.indirect.gather [hbm4b:s3+s8], $0x4, s29, s8, $0xb8;
	[tilespmem:$0x4800] =	vst v63  }
0x2c: {  	s6 =	rddreg [dreg:$0xe]  }
0x2d: {  	[tilespmem:s0], [sflag:$0x1] =	stream.indirect.gather [hbm4b:s3+s8], $0x4, s30, s8, $0xb8;
	[tilespmem:$0x4800] =	vst v63  }
0x2e: {  	s29 =	rddreg [dreg:$0xd]  }
0x2f: {  	[tilespmem:s6], [sflag:$0x1] =	stream.indirect.gather [hbm4b:s3+s8], $0x4, s29, s8, $0xb8;
	[tilespmem:$0x4800] =	vst v63  }
0x30: {  	s0 =	rddreg [dreg:$0xf]  }
0x31: {  	[tilespmem:s1], [sflag:$0x1] =	stream.indirect.gather [hbm4b:s3+s8], $0x4, s0, s8, $0xb8;
	[tilespmem:$0x4800] =	vst v63  }
0x32: {  	_ =	swait.ge [sflag:s11], $0x200  }
0x33: {  	[sflag:s11] =	ssyncset.done $0x0  }
0x34: {  	[sflag:s11] =	ssyncadd.s32 $0xFFFFFE00  }
0x35: {  	_ =	swait.ge [sflag:s11], $0x200  }
0x36: {  	[sflag:s11] =	ssyncset.done $0x0  }
0x37: {  	[sflag:s11] =	ssyncadd.s32 $0xFFFFFE00  }
0x38: {  	_ =	swait.ge [sflag:s11], $0x200  }
0x39: {  	[sflag:s11] =	ssyncset.done $0x0  }
0x3a: {  	[sflag:s11] =	ssyncadd.s32 $0xFFFFFE00  }
0x3b: {  	_ =	swait.ge [sflag:s11], $0x200  }
0x3c: {  	[sflag:s11] =	ssyncset.done $0x0  }
0x3d: {  	[sflag:s11] =	ssyncadd.s32 $0xFFFFFE00  }
0x3e: {  	_ =	swait.ge [sflag:s11], $0x200  }
0x3f: {  	[sflag:s11] =	ssyncset.done $0x0  }
0x40: {  	[sflag:s11] =	ssyncadd.s32 $0xFFFFFE00  }
0x41: {  	_ =	swait.ge [sflag:s11], $0x200  }
0x42: {  	[sflag:s11] =	ssyncset.done $0x0  }
0x43: {  	[sflag:s11] =	ssyncadd.s32 $0xFFFFFE00  }
0x44: {  	_ =	swait.ge [sflag:s11], $0x200  }
0x45: {  	[sflag:s11] =	ssyncset.done $0x0  }
0x46: {  	[sflag:s11] =	ssyncadd.s32 $0xFFFFFE00  }
0x47: {  	_ =	swait.ge [sflag:s11], $0x200  }
0x48: {  	[sflag:s11] =	ssyncset.done $0x0  }
0x49: {  	s6 =	rddreg [dreg:$0x12];
	[sflag:s11] =	ssyncadd.s32 $0xFFFFFE00  }
0x4a: {  	[hbm4b:s6+s2] =	stream.linear.scatter [tilespmem:s9], [sflag:$0x2], $0x2000, $0x38;
	[tilespmem:$0x4800] =	vst v63  }
0x4b: {  	_ =	swait.ge [sflag:s7], $0x2000  }
0x4c: {  	s29 =	rddreg [dreg:$0x2];
	[sflag:s7] =	ssyncset.done $0x0  }
0x4d: {  	[sflag:s7] =	ssyncadd.s32 $0xFFFFE000;
	s4 =	sadd.s32 $0x0, s29  }
0x4e: {  	[tilespmem:s12], [sflag:$0x2] =	stream.linear.gather [hbm4b:s4+s2], $0x400, $0x38;
	[tilespmem:$0x4800] =	vst v63  }
0x4f: {  	_ =	swait.ge [sflag:s7], $0x400  }
0x50: {  	[sflag:s7] =	ssyncset.done $0x0  }
0x51: {  	[sflag:s7] =	ssyncadd.s32 $0xFFFFFC00  }
0x52: {  	[tilespmem:s13], [sflag:$0x1] =	stream.indirect.gather [hbm4b:s3+s8], $0x4, s12, s8, $0xb8;
	[tilespmem:$0x4800] =	vst v63  }
0x53: {  	_ = 	snop  }
0x54: {  	[tilespmem:s14], [sflag:$0x1] =	stream.indirect.gather [hbm4b:s3+s8], $0x4, s10, s8, $0xb8;
	[tilespmem:$0x4800] =	vst v63  }
0x55: {  	_ = 	snop  }
0x56: {  	[tilespmem:s16], [sflag:$0x1] =	stream.indirect.gather [hbm4b:s3+s8], $0x4, s15, s8, $0xb8;
	[tilespmem:$0x4800] =	vst v63  }
0x57: {  	_ = 	snop  }
0x58: {  	[tilespmem:s19], [sflag:$0x1] =	stream.indirect.gather [hbm4b:s3+s8], $0x4, s18, s8, $0xb8;
	[tilespmem:$0x4800] =	vst v63  }
0x59: {  	_ = 	snop  }
0x5a: {  	[tilespmem:s21], [sflag:$0x1] =	stream.indirect.gather [hbm4b:s3+s8], $0x4, s20, s8, $0xb8;
	[tilespmem:$0x4800] =	vst v63  }
0x5b: {  	_ = 	snop  }
0x5c: {  	[tilespmem:s23], [sflag:$0x1] =	stream.indirect.gather [hbm4b:s3+s8], $0x4, s22, s8, $0xb8;
	[tilespmem:$0x4800] =	vst v63  }
0x5d: {  	_ = 	snop  }
0x5e: {  	[tilespmem:s25], [sflag:$0x1] =	stream.indirect.gather [hbm4b:s3+s8], $0x4, s24, s8, $0xb8;
	[tilespmem:$0x4800] =	vst v63  }
0x5f: {  	_ = 	snop  }
0x60: {  	[tilespmem:s28], [sflag:$0x1] =	stream.indirect.gather [hbm4b:s3+s8], $0x4, s26, s8, $0xb8;
	[tilespmem:$0x4800] =	vst v63  }
0x61: {  	_ =	swait.ge [sflag:s11], $0x200  }
0x62: {  	[sflag:s11] =	ssyncset.done $0x0  }
0x63: {  	[sflag:s11] =	ssyncadd.s32 $0xFFFFFE00  }
0x64: {  	_ =	swait.ge [sflag:s11], $0x200  }
0x65: {  	[sflag:s11] =	ssyncset.done $0x0  }
0x66: {  	[sflag:s11] =	ssyncadd.s32 $0xFFFFFE00  }
0x67: {  	_ =	swait.ge [sflag:s11], $0x200  }
0x68: {  	[sflag:s11] =	ssyncset.done $0x0  }
0x69: {  	[sflag:s11] =	ssyncadd.s32 $0xFFFFFE00  }
0x6a: {  	_ =	swait.ge [sflag:s11], $0x200  }
0x6b: {  	[sflag:s11] =	ssyncset.done $0x0  }
0x6c: {  	[sflag:s11] =	ssyncadd.s32 $0xFFFFFE00  }
0x6d: {  	_ =	swait.ge [sflag:s11], $0x200  }
0x6e: {  	[sflag:s11] =	ssyncset.done $0x0  }
0x6f: {  	[sflag:s11] =	ssyncadd.s32 $0xFFFFFE00  }
0x70: {  	_ =	swait.ge [sflag:s11], $0x200  }
0x71: {  	[sflag:s11] =	ssyncset.done $0x0  }
0x72: {  	[sflag:s11] =	ssyncadd.s32 $0xFFFFFE00  }
0x73: {  	_ =	swait.ge [sflag:s11], $0x200  }
0x74: {  	[sflag:s11] =	ssyncset.done $0x0  }
0x75: {  	[sflag:s11] =	ssyncadd.s32 $0xFFFFFE00  }
0x76: {  	_ =	swait.ge [sflag:s11], $0x200  }
0x77: {  	s5 =	rddreg [dreg:$0x11]  }
0x78: {  	s30 =	simm.s32 $0x80;
	s31 =	smov.u32 s5  }
.LBB2_2:
0x79: {  	[sflag:s11] =	ssyncset.done $0x0  }
0x7a: {  	[sflag:s11] =	ssyncadd.s32 $0xFFFFFE00  }
0x7b: {  	[hbm4b:s5+s2] =	stream.linear.scatter [tilespmem:s13], [sflag:$0x2], $0x2000, $0x38;
	[tilespmem:$0x4800] =	vst v63  }
0x7c: {  	_ =	swait.ge [sflag:s7], $0x2000  }
0x7d: {  	s4 =	smov.u32 s30;
	s0 =	rddreg [dreg:$0x3];
	[sflag:s7] =	ssyncset.done $0x0  }
0x7e: {  	[sflag:s7] =	ssyncadd.s32 $0xFFFFE000;
	s0 =	sadd.s32 s4, s0  }
0x7f: {  	[tilespmem:s2], [sflag:$0x2] =	stream.linear.gather [hbm4b:s0+s2], $0x400, $0x38;
	[tilespmem:$0x4800] =	vst v63  }
0x80: {  	_ =	swait.ge [sflag:s7], $0x400  }
0x81: {  	s0 =	rddreg [dreg:$0xe]  }
0x82: {  	s1 =	rddreg [dreg:$0xc]  }
0x83: {  	s29 =	rddreg [dreg:$0xa]  }
0x84: {  	s10 =	rddreg [dreg:$0x5];
	[sflag:s7] =	ssyncset.done $0x0  }
0x85: {  	s14 =	rddreg [dreg:$0x4];
	[sflag:s7] =	ssyncadd.s32 $0xFFFFFC00  }
0x86: {  	[tilespmem:s9], [sflag:$0x1] =	stream.indirect.gather [hbm4b:s3+s8], $0x4, s2, s8, $0xb8;
	[tilespmem:$0x4800] =	vst v63  }
0x87: {  	s15 =	rddreg [dreg:$0x6]  }
0x88: {  	[tilespmem:s14], [sflag:$0x1] =	stream.indirect.gather [hbm4b:s3+s8], $0x4, s8, s8, $0xb8;
	[tilespmem:$0x4800] =	vst v63  }
0x89: {  	s16 =	rddreg [dreg:$0x8]  }
0x8a: {  	[tilespmem:s15], [sflag:$0x1] =	stream.indirect.gather [hbm4b:s3+s8], $0x4, s10, s8, $0xb8;
	[tilespmem:$0x4800] =	vst v63  }
0x8b: {  	s14 =	rddreg [dreg:$0x7]  }
0x8c: {  	[tilespmem:s16], [sflag:$0x1] =	stream.indirect.gather [hbm4b:s3+s8], $0x4, s14, s8, $0xb8;
	[tilespmem:$0x4800] =	vst v63  }
0x8d: {  	s10 =	rddreg [dreg:$0x9]  }
0x8e: {  	[tilespmem:s29], [sflag:$0x1] =	stream.indirect.gather [hbm4b:s3+s8], $0x4, s10, s8, $0xb8;
	[tilespmem:$0x4800] =	vst v63  }
0x8f: {  	s14 =	rddreg [dreg:$0xb]  }
0x90: {  	[tilespmem:s1], [sflag:$0x1] =	stream.indirect.gather [hbm4b:s3+s8], $0x4, s14, s8, $0xb8;
	[tilespmem:$0x4800] =	vst v63  }
0x91: {  	s10 =	rddreg [dreg:$0xd]  }
0x92: {  	[tilespmem:s0], [sflag:$0x1] =	stream.indirect.gather [hbm4b:s3+s8], $0x4, s10, s8, $0xb8;
	[tilespmem:$0x4800] =	vst v63  }
0x93: {  	s29 =	rddreg [dreg:$0xf]  }
0x94: {  	[tilespmem:s17], [sflag:$0x1] =	stream.indirect.gather [hbm4b:s3+s8], $0x4, s29, s8, $0xb8;
	[tilespmem:$0x4800] =	vst v63  }
0x95: {  	_ =	swait.ge [sflag:s11], $0x200  }
0x96: {  	[sflag:s11] =	ssyncset.done $0x0  }
0x97: {  	[sflag:s11] =	ssyncadd.s32 $0xFFFFFE00  }
0x98: {  	_ =	swait.ge [sflag:s11], $0x200  }
0x99: {  	[sflag:s11] =	ssyncset.done $0x0  }
0x9a: {  	[sflag:s11] =	ssyncadd.s32 $0xFFFFFE00  }
0x9b: {  	_ =	swait.ge [sflag:s11], $0x200  }
0x9c: {  	[sflag:s11] =	ssyncset.done $0x0  }
0x9d: {  	[sflag:s11] =	ssyncadd.s32 $0xFFFFFE00  }
0x9e: {  	_ =	swait.ge [sflag:s11], $0x200  }
0x9f: {  	[sflag:s11] =	ssyncset.done $0x0  }
0xa0: {  	[sflag:s11] =	ssyncadd.s32 $0xFFFFFE00  }
0xa1: {  	_ =	swait.ge [sflag:s11], $0x200  }
0xa2: {  	[sflag:s11] =	ssyncset.done $0x0  }
0xa3: {  	[sflag:s11] =	ssyncadd.s32 $0xFFFFFE00  }
0xa4: {  	_ =	swait.ge [sflag:s11], $0x200  }
0xa5: {  	[sflag:s11] =	ssyncset.done $0x0  }
0xa6: {  	[sflag:s11] =	ssyncadd.s32 $0xFFFFFE00  }
0xa7: {  	_ =	swait.ge [sflag:s11], $0x200  }
0xa8: {  	[sflag:s11] =	ssyncset.done $0x0  }
0xa9: {  	[sflag:s11] =	ssyncadd.s32 $0xFFFFFE00  }
0xaa: {  	_ =	swait.ge [sflag:s11], $0x200  }
0xab: {  	[sflag:s11] =	ssyncset.done $0x0  }
0xac: {  	s6 =	sadd.s32 $0x400, s6;
	[sflag:s11] =	ssyncadd.s32 $0xFFFFFE00  }
0xad: {  	[hbm4b:s6+s2] =	stream.linear.scatter [tilespmem:s9], [sflag:$0x2], $0x2000, $0x38;
	[tilespmem:$0x4800] =	vst v63  }
0xae: {  	_ =	swait.ge [sflag:s7], $0x2000  }
0xaf: {  	s29 =	rddreg [dreg:$0x2];
	[sflag:s7] =	ssyncset.done $0x0  }
0xb0: {  	[sflag:s7] =	ssyncadd.s32 $0xFFFFE000;
	s0 =	sadd.s32 s4, s29  }
0xb1: {  	[tilespmem:s12], [sflag:$0x2] =	stream.linear.gather [hbm4b:s0+s2], $0x400, $0x38;
	[tilespmem:$0x4800] =	vst v63  }
0xb2: {  	_ =	swait.ge [sflag:s7], $0x400  }
0xb3: {  	[sflag:s7] =	ssyncset.done $0x0  }
0xb4: {  	[sflag:s7] =	ssyncadd.s32 $0xFFFFFC00  }
0xb5: {  	[tilespmem:s13], [sflag:$0x1] =	stream.indirect.gather [hbm4b:s3+s8], $0x4, s12, s8, $0xb8;
	[tilespmem:$0x4800] =	vst v63  }
0xb6: {  	s14 =	simm.s32 $0x2C00;
	s10 =	simm.s32 $0x480  }
0xb7: {  	[tilespmem:s14], [sflag:$0x1] =	stream.indirect.gather [hbm4b:s3+s8], $0x4, s10, s8, $0xb8;
	[tilespmem:$0x4800] =	vst v63  }
0xb8: {  	s15 =	simm.s32 $0x500;
	s16 =	simm.s32 $0x3000  }
0xb9: {  	[tilespmem:s16], [sflag:$0x1] =	stream.indirect.gather [hbm4b:s3+s8], $0x4, s15, s8, $0xb8;
	[tilespmem:$0x4800] =	vst v63  }
0xba: {  	_ = 	snop  }
0xbb: {  	[tilespmem:s19], [sflag:$0x1] =	stream.indirect.gather [hbm4b:s3+s8], $0x4, s18, s8, $0xb8;
	[tilespmem:$0x4800] =	vst v63  }
0xbc: {  	_ = 	snop  }
0xbd: {  	[tilespmem:s21], [sflag:$0x1] =	stream.indirect.gather [hbm4b:s3+s8], $0x4, s20, s8, $0xb8;
	[tilespmem:$0x4800] =	vst v63  }
0xbe: {  	_ = 	snop  }
0xbf: {  	[tilespmem:s23], [sflag:$0x1] =	stream.indirect.gather [hbm4b:s3+s8], $0x4, s22, s8, $0xb8;
	[tilespmem:$0x4800] =	vst v63  }
0xc0: {  	_ = 	snop  }
0xc1: {  	[tilespmem:s25], [sflag:$0x1] =	stream.indirect.gather [hbm4b:s3+s8], $0x4, s24, s8, $0xb8;
	[tilespmem:$0x4800] =	vst v63  }
0xc2: {  	_ = 	snop  }
0xc3: {  	[tilespmem:s28], [sflag:$0x1] =	stream.indirect.gather [hbm4b:s3+s8], $0x4, s26, s8, $0xb8;
	[tilespmem:$0x4800] =	vst v63  }
0xc4: {  	_ =	swait.ge [sflag:s11], $0x200  }
0xc5: {  	[sflag:s11] =	ssyncset.done $0x0  }
0xc6: {  	[sflag:s11] =	ssyncadd.s32 $0xFFFFFE00  }
0xc7: {  	_ =	swait.ge [sflag:s11], $0x200  }
0xc8: {  	[sflag:s11] =	ssyncset.done $0x0  }
0xc9: {  	[sflag:s11] =	ssyncadd.s32 $0xFFFFFE00  }
0xca: {  	_ =	swait.ge [sflag:s11], $0x200  }
0xcb: {  	[sflag:s11] =	ssyncset.done $0x0  }
0xcc: {  	[sflag:s11] =	ssyncadd.s32 $0xFFFFFE00  }
0xcd: {  	_ =	swait.ge [sflag:s11], $0x200  }
0xce: {  	[sflag:s11] =	ssyncset.done $0x0  }
0xcf: {  	[sflag:s11] =	ssyncadd.s32 $0xFFFFFE00  }
0xd0: {  	_ =	swait.ge [sflag:s11], $0x200  }
0xd1: {  	[sflag:s11] =	ssyncset.done $0x0  }
0xd2: {  	[sflag:s11] =	ssyncadd.s32 $0xFFFFFE00  }
0xd3: {  	_ =	swait.ge [sflag:s11], $0x200  }
0xd4: {  	p0 =	sne.s32 s30, $0x1800;
	[sflag:s11] =	ssyncset.done $0x0  }
.Ltmp0:
0xd5: {  	[sflag:s11] =	ssyncadd.s32 $0xFFFFFE00;
	(pc) =	sbr.rel @p0 .LBB2_2-.Ltmp0, $4  }
0xd6: {  	_ =	swait.ge [sflag:s11], $0x200  }
0xd7: {  	[sflag:s11] =	ssyncset.done $0x0  }
0xd8: {  	s31 =	sadd.s32 $0x400, s31;
	s30 =	sadd.s32 $0x80, s30;
	[sflag:s11] =	ssyncadd.s32 $0xFFFFFE00  }
0xd9: {  	s5 =	smov.u32 s31;
	s1 =	simm.s32 $0x2400;
	_ =	swait.ge [sflag:s11], $0x200  }
0xda: {  	[sflag:s11] =	ssyncset.done $0x0  }
0xdb: {  	[sflag:s11] =	ssyncadd.s32 $0xFFFFFE00  }
0xdc: {  	[hbm4b:s5+s2] =	stream.linear.scatter [tilespmem:s13], [sflag:$0x2], $0x2000, $0x38;
	[tilespmem:$0x4800] =	vst v63  }
0xdd: {  	_ =	swait.ge [sflag:s7], $0x2000  }
0xde: {  	s4 =	rddreg [dreg:$0x13]  }
0xdf: {  	s0 =	rddreg [dreg:$0x10];
	s4 =	sadd.s32 $0x1, s4  }
0xe0: {  	p0 =	sne.s32 s4, s0  }
.Ltmp1:
0xe1: {  	_ = 	snop;
	(pc) =	sbr.rel @p0 .LBB2_1-.Ltmp1, $3  }
0xe2: {  	_ =	sdelay $0x1  }
0xe3: {  	[sflag:s7] =	ssyncset.done $0x0  }
0xe4: {  	[sflag:s7] =	ssyncadd.s32 $0xFFFFE000  }
0xe5: {  	_ =	sfence.sel $0x180000  }
0xe6: {  	[bflag:$0x0] =	sbarrier.arrive $0xFFFF  }
0xe7: {  	_ =	strace $0x90000047  }
0xe8: {  	s0 =	stileid.u32;
	[bflag:$0x2] =	sbarrier.arrive $0xFFFF  }
0xe9: {  	p0 =	sne.s32 s0, $0x0;
	s0 =	rddreg [dreg:$0x1]  }
0xea: {  	s0 =	sadd.s32 @!p0 $0x100000, s0  }
0xeb: {  	[sflag:s0] =	ssyncadd.tile.s32 @!p0 $0x1;
	_ =	shalt  }
.Lfunc_end2:
_tile_overlayer_lowered:
.L_overlay_start_2:
0xec: {  	(tag) =	ssettag $0x2  }
0xed: {  	s0 =	rddreg [dreg:$0x0];
	s2 =	stileid.u32  }
0xee: {  	s1 =	rddreg [dreg:$0x1];
	p0 =	sne.s32 s2, $0x0  }
0xef: {  	s3 =	rddreg [dreg:$0x2];
	[bflag:$0x3] =	sbarrier.arrive $0xFFFF;
	s2 =	simm.s32 @!p0 $0x1C02  }
0xf0: {  	[timem:s3], [sflag:s2] =	dma.local @!p0 [hbm:s0], s1  }
0xf1: {  	s0 =	simm.s32 @!p0 $0x2  }
0xf2: {  	_ =	swait.ge @!p0 [sflag:s0], s1  }
0xf3: {  	s1 =	ssub.s32 @!p0 $0x0, s1;
	[sflag:s0] =	ssyncset.done @!p0 $0x0  }
0xf4: {  	[sflag:s0] =	ssyncadd.s32 @!p0 s1  }
0xf5: {  	[bflag:$0x3] =	sbarrier.arrive $0xFFFF  }
0xf6: {  	_ =	shalt  }

// kernel: kernel.14.cloned.1.call-start
scs
__scs_entry_jumppad:
0x0: {  	(pc) =	sbr.rel $0x88, $3  }
0x1: {  	(tag) =	ssettag $0x0;
	lr =	simm.s32 $0x1  }
0x2: {  	[smem:$0x3F91] =	sst lr;
	_ =	strace $0xD0000000  }
0x3: {  	_ = 	snop  }
0x4: {  	_ = 	snop  }
0x5: {  	_ = 	snop  }
0x6: {  	_ = 	snop  }
0x7: {  	_ = 	snop  }
__scs_overlays_trampoline_lowered:
0x8: {  	[smem:$0x3FA0] =	sst s0  }
0x9: {  	[smem:$0x3FA1] =	sst s1  }
0xa: {  	[smem:$0x3FA2] =	sst s2  }
0xb: {  	[smem:$0x3FA3] =	sst s3  }
0xc: {  	[smem:$0x3FA4] =	sst s4  }
0xd: {  	[smem:$0x3FA5] =	sst s5  }
0xe: {  	[smem:$0x3FA6] =	sst s6  }
0xf: {  	[smem:$0x3FA7] =	sst s7  }
0x10: {  	[smem:$0x3FA8] =	sst s8  }
0x11: {  	[smem:$0x3FA9] =	sst s9;
	s0 =	simm.s32 @!p0 $0x0  }
0x12: {  	s1 =	sld [smem:$0x3F8F];
	s0 =	simm.s32 @p0 $0x1  }
0x13: {  	[smem:$0x3FAA] =	sst s0;
	s0 =	simm.s32 @!p1 $0x0  }
0x14: {  	s2 =	sld [smem:$0x3F8E];
	s0 =	simm.s32 @p1 $0x1  }
0x15: {  	[smem:$0x3FAB] =	sst s0;
	s0 =	simm.s32 @!p2 $0x0  }
0x16: {  	s3 =	sld [smem:$0x3FDB];
	s0 =	simm.s32 @p2 $0x1  }
0x17: {  	s4 =	simm.s32 $0x1BF5;
	[smem:$0x3FAD] =	sst s0  }
0x18: {  	s0 =	sld [smem:$0x3F90];
	_ =	swait.ge [sflag:s4], $0x0  }
0x19: {  	s7 =	sld [smem:$0x3F91]  }
0x1a: {  	s8 =	sadd.s32 $0xFFFFE003, lr  }
0x1b: {  	s9 =	sadd.s32 $0xFFFFFEF7, lr;
	s5 =	simm.s32 $0xFFFFFFFF;
	p2 =	slt.u32 s8, $0xFFFFF086  }
0x1c: {  	p1 =	slt.u32 s9, $0xF7A;
	s5 =	simm.s32 @!p2 $0x0  }
0x1d: {  	s5 =	simm.s32 @p1 $0x1;
	p0 =	seq.s32 s7, s2  }
0x1e: {  	s7 =	smul.u32 @!p0 $0xF7A, s2;
	p2 =	seq.s32 @!p0 s5, $0x0  }
0x1f: {  	s9 =	smul.u32 $0xF7A, s1;
	s8 =	simm.s32 @!p0 $0x1BF5;
	p2 =	por !p2, p0  }
0x20: {  	[sflag:s8] =	ssyncset.s32 @!p0 $0xFFFFF086;
	s6 =	sadd.s32 @!p0 s3, s7;
	s7 =	simm.s32 @!p0 $0x108  }
0x21: {  	s3 =	sadd.s32 s3, s9;
	s6 =	sadd.s32 @!p0 $0x88, s6;
	s7 =	simm.s32 @p2 $0x1082  }
0x22: {  	[simem:s7], [sflag:s8] =	dma.local @!p0 [hbm:s6], $0xF7A  }
0x23: {  	s9 =	sor.u32 $0xD0000000, s2;
	s6 =	simm.s32 $0x108;
	_ =	swait.ge @!p0 [sflag:s8], $0x0  }
0x24: {  	s3 =	sadd.s32 $0x88, s3;
	s6 =	simm.s32 @!p1 $0x1082;
	[sflag:s4] =	ssyncset.s32 $0xFFFFF086  }
0x25: {  	[simem:s6], [sflag:s4] =	dma.local [hbm:s3], $0xF7A  }
0x26: {  	[smem:$0x3F91] =	sst s1;
	(tag) =	ssettag s2;
	_ =	strace s9  }
0x27: {  	s1 =	sld [smem:$0x3FA1]  }
0x28: {  	s2 =	sld [smem:$0x3FA2]  }
0x29: {  	s4 =	sld [smem:$0x3FA4]  }
0x2a: {  	p0 =	seq.s32 s5, $0x0;
	s5 =	sld [smem:$0x3FA5]  }
0x2b: {  	s6 =	sld [smem:$0x3FA6]  }
0x2c: {  	s7 =	sld [smem:$0x3FA7]  }
0x2d: {  	s3 =	simm.s32 $0x108;
	s8 =	sld [smem:$0x3FA8]  }
0x2e: {  	s3 =	simm.s32 @!p0 $0x1082;
	s9 =	sld [smem:$0x3FA9]  }
0x2f: {  	lr =	sadd.s32 s0, s3;
	s0 =	sld [smem:$0x3FA0]  }
0x30: {  	s3 =	sld [smem:$0x3FA3]  }
0x31: {  	[smem:$0x3FAC] =	sst s10  }
0x32: {  	s10 =	sld [smem:$0x3FAA];
	_ =	sdelay $0x3  }
0x33: {  	p0 =	seq.s32 s10, $0x1;
	s10 =	sld [smem:$0x3FAC];
	_ =	sdelay $0x3  }
0x34: {  	[smem:$0x3FAC] =	sst s10  }
0x35: {  	s10 =	sld [smem:$0x3FAB];
	_ =	sdelay $0x3  }
0x36: {  	p1 =	seq.s32 s10, $0x1;
	s10 =	sld [smem:$0x3FAC];
	_ =	sdelay $0x3  }
0x37: {  	[smem:$0x3FAC] =	sst s10  }
0x38: {  	s10 =	sld [smem:$0x3FAD]  }
0x39: {  	_ = 	snop;
	(pc) =	sbr.ind lr, $3  }
0x3a: {  	_ = 	snop  }
0x3b: {  	_ = 	snop  }
0x3c: {  	p2 =	seq.s32 s10, $0x1;
	s10 =	sld [smem:$0x3FAC]  }
0x3d: {  	_ =	shalt  }
0x3e: {  	_ =	shalt  }
0x3f: {  	_ =	shalt  }
0x40: {  	_ =	shalt  }
0x41: {  	_ =	shalt  }
0x42: {  	_ =	shalt  }
0x43: {  	_ =	shalt  }
0x44: {  	_ =	shalt  }
0x45: {  	_ =	shalt  }
0x46: {  	_ =	shalt  }
0x47: {  	_ =	shalt  }
0x48: {  	_ =	shalt  }
0x49: {  	_ =	shalt  }
0x4a: {  	_ =	shalt  }
0x4b: {  	_ =	shalt  }
0x4c: {  	_ =	shalt  }
0x4d: {  	_ =	shalt  }
0x4e: {  	_ =	shalt  }
0x4f: {  	_ =	shalt  }
0x50: {  	_ =	shalt  }
0x51: {  	_ =	shalt  }
0x52: {  	_ =	shalt  }
0x53: {  	_ =	shalt  }
0x54: {  	_ =	shalt  }
0x55: {  	_ =	shalt  }
0x56: {  	_ =	shalt  }
0x57: {  	_ =	shalt  }
0x58: {  	_ =	shalt  }
0x59: {  	_ =	shalt  }
0x5a: {  	_ =	shalt  }
0x5b: {  	_ =	shalt  }
0x5c: {  	_ =	shalt  }
0x5d: {  	_ =	shalt  }
0x5e: {  	_ =	shalt  }
0x5f: {  	_ =	shalt  }
0x60: {  	_ =	shalt  }
0x61: {  	_ =	shalt  }
0x62: {  	_ =	shalt  }
0x63: {  	_ =	shalt  }
0x64: {  	_ =	shalt  }
0x65: {  	_ =	shalt  }
0x66: {  	_ =	shalt  }
0x67: {  	_ =	shalt  }
0x68: {  	_ =	shalt  }
0x69: {  	_ =	shalt  }
0x6a: {  	_ =	shalt  }
0x6b: {  	_ =	shalt  }
0x6c: {  	_ =	shalt  }
0x6d: {  	_ =	shalt  }
0x6e: {  	_ =	shalt  }
0x6f: {  	_ =	shalt  }
0x70: {  	_ =	shalt  }
0x71: {  	_ =	shalt  }
0x72: {  	_ =	shalt  }
0x73: {  	_ =	shalt  }
0x74: {  	_ =	shalt  }
0x75: {  	_ =	shalt  }
0x76: {  	_ =	shalt  }
0x77: {  	_ =	shalt  }
0x78: {  	_ =	shalt  }
0x79: {  	_ =	shalt  }
0x7a: {  	_ =	shalt  }
0x7b: {  	_ =	shalt  }
0x7c: {  	_ =	shalt  }
0x7d: {  	_ =	shalt  }
0x7e: {  	_ =	shalt  }
0x7f: {  	_ =	shalt  }
0x80: {  	_ =	shalt  }
0x81: {  	_ =	shalt  }
0x82: {  	_ =	shalt  }
0x83: {  	_ =	shalt  }
0x84: {  	_ =	shalt  }
0x85: {  	_ =	shalt  }
0x86: {  	_ =	shalt  }
0x87: {  	_ =	shalt  }
.Lfunc_end0:
.L_simem_size_0:
called_computation.1_lowered:
.L_overlay_start_0:
0x88: {  	s2 =	sld [smem:$0x3FD9]  }
0x89: {  	s3 =	sld [smem:$0x3FFE];
	_ =	sdelay $0x1  }
0x8a: {  	s1 =	srdreg.scid  }
0x8b: {  	s0 =	sand.u32 $0x1, s1  }
0x8c: {  	s16 =	sshll.u32 s0, $0xA;
	s2 =	sadd.s32 s3, s2  }
0x8d: {  	s2 =	sadd.s32 s2, s16  }
0x8e: {  	[smem:$0x3FB8] =	sst s2  }
0x8f: {  	_ = 	snop  }
0x90: {  	(tm) =	ssettm $0x1  }
0x91: {  	s17 =	sld [smem:$0x3FFB];
	_ =	sdelay $0x3  }
0x92: {  	_ =	strace s17  }
0x93: {  	s2 =	sld [smem:$0x3FFC];
	_ =	sdelay $0x3  }
0x94: {  	_ =	strace s2  }
0x95: {  	s2 =	sld [smem:$0x3FFD];
	_ =	sdelay $0x3  }
0x96: {  	_ =	strace s2  }
0x97: {  	_ =	strace $0x8FFFFFFF  }
0x98: {  	s18 =	sld [smem:$0x3FDB];
	_ =	sdelay $0x1  }
0x99: {  	s19 =	simm.s32 $_scs_section_size  }
0x9a: {  	s4 =	simm.s32 $_size__tile_overlayer_lowered;
	s5 =	simm.s32 $_tile_overlayer_lowered  }
0x9b: {  	s22 =	simm.s32 $0x1BFF;
	s21 =	sshll.u32 s5, $0x1;
	s2 =	sadd.s32 s19, s18  }
0x9c: {  	s6 =	simm.s32 $0x0;
	s20 =	sshll.u32 s4, $0x1;
	s4 =	sadd.s32 s21, s2  }
0x9d: {  	[timem:s6], [sflag:s22] =	dma.local [hbm:s4], s20  }
0x9e: {  	_ =	swait.ge [sflag:s22], s20  }
0x9f: {  	s3 =	ssub.s32 $0x0, s20;
	[sflag:s22] =	ssyncset.done $0x0  }
0xa0: {  	[sflag:s22] =	ssyncadd.s32 s3;
	_ =	sdelay $0x1  }
0xa1: {  	s23 =	simm.s32 $0x1B8B  }
0xa2: {  	_ =	swait.ge [sflag:s23], $0x1  }
0xa3: {  	[sflag:s23] =	ssyncset.done $0x0  }
0xa4: {  	s25 =	simm.s32 $0x1B8E;
	s24 =	sld [smem:$0x3FFE];
	[sflag:s23] =	ssyncadd.s32 $0xFFFFFFFF  }
0xa5: {  	s26 =	simm.s32 $execute0_lowered;
	[smem:$0x3FD2] =	sst s25  }
0xa6: {  	s4 =	sshll.u32 s26, $0x1;
	_ =	strace $0x80000049;
	[dreg:$0x1] =	wrdreg $0xFFFFFFFF  }
0xa7: {  	s28 =	simm.s32 $_size_execute0_lowered;
	s2 =	sadd.s32 s2, s4;
	[dreg:$0x0] =	wrdreg $0x0  }
0xa8: {  	s4 =	sshll.u32 s28, $0x1;
	[dreg:$0x2] =	wrdreg s2  }
0xa9: {  	[dreg:$0x3] =	wrdreg s4  }
0xaa: {  	[dreg:$0x4] =	wrdreg $0xC0  }
0xab: {  	_ =	task [dreg:s6], $0x5FFFF  }
0xac: {  	[dreg:$0x1] =	wrdreg $0xFFFFFFFF  }
0xad: {  	[dreg:$0x0] =	wrdreg $0x60  }
0xae: {  	[dreg:$0x2] =	wrdreg s24  }
0xaf: {  	[dreg:$0x3] =	wrdreg $0x24000  }
0xb0: {  	[dreg:$0x4] =	wrdreg $0x9  }
0xb1: {  	_ =	task.clear_ibuf [dreg:s6], $0x5FFFF;
	_ =	strace $0x90000049  }
0xb2: {  	s29 =	simm.s32 $0x9;
	_ =	strace $0x8000004B  }
0xb3: {  	_ =	swait.ge [sflag:s29], $0x1  }
0xb4: {  	[sflag:s29] =	ssyncadd.s32 $0xFFFFFFFF  }
0xb5: {  	_ =	strace $0x9000004B  }
0xb6: {  	_ =	sfence  }
0xb7: {  	s30 =	sld [smem:$0x0];
	_ =	sdelay $0x2  }
0xb8: {  	s31 =	sshll.u32 s1, $0xD;
	s1 =	sshrl.u32 s1, $0x2  }
0xb9: {  	s3 =	sand.u32 $0x4000, s31;
	s1 =	sadd.s32 s1, s30  }
0xba: {  	s0 =	sor.u32 s3, s0;
	s1 =	sshll.u32 s1, $0x11  }
0xbb: {  	s0 =	sor.u32 s1, s0  }
0xbc: {  	s0 =	sadd.s32 $0x8F2B, s0  }
0xbd: {  	[sflag:s0] =	ssyncadd.remote.s32 $0x1  }
0xbe: {  	_ =	sfence.sel $0xFFFF  }
0xbf: {  	[dreg:$0x0] =	wrdreg $0xFFFFFFFF;
	(pc) =	sbr.abs _section_cstart, $3  }
0xc0: {  	[dreg:$0x1] =	wrdreg $0xFFFFFFFF  }
0xc1: {  	_ =	task.clear_ibuf [dreg:s6], $0x2FFFF;
	_ =	strace $0x9FFFFFFF  }
0xc2: {  	(tm) =	ssettm $0x7FFFFFFF  }
0xc3: {  	_ =	shalt  }
tec
execute0_lowered:
.L_overlay_start_1:
0x0: {  	(tag) =	ssettag $0x1  }
0x1: {  	s0 =	srdreg.scid  }
0x2: {  	s1 =	rddreg [dreg:$0x0];
	s13 =	stileid.u32  }
0x3: {  	s2 =	rddreg [dreg:$0x1];
	s3 =	simm.s32 $0x0;
	s28 =	simm.s32 $0x2000  }
0x4: {  	s29 =	simm.s32 $0x2;
	s30 =	simm.s32 $0x1;
	s5 =	smul.u32 $0xC400, s13  }
0x5: {  	s31 =	simm.s32 $0x0;
	s0 =	sand.u32 $0x1, s0;
	s6 =	smul.u32 $0xC380, s13  }
0x6: {  	[smem:$0x7FF] =	sst s3;
	s12 =	sadd.s32 $0x1EE400, s1;
	s4 =	smul.u32 $0xC4000, s0  }
0x7: {  	p0 =	seq.s32 s13, $0xF;
	_ =	strace $0x8000004A;
	s10 =	smul.u32 $0xC3500, s0  }
0x8: {  	s9 =	ssub.s32 $0x2, s0;
	s0 =	smul.u32 $0x18800, s0;
	s7 =	sshrl.u32 s6, $0x3  }
0x9: {  	s11 =	sshrl.u32 s9, $0x1;
	s4 =	sadd.s32 s5, s4;
	s5 =	sadd.s32 $0x35400, s1  }
0xa: {  	s7 =	sadd.s32 s7, s1;
	s9 =	ssub.s32 s9, s11;
	s23 =	sadd.s32 s6, s10  }
0xb: {  	s6 =	sadd.s32 s6, s2;
	s11 =	sadd.s32 $0xB7480, s2;
	s26 =	sshrl.u32 s10, $0x3  }
0xc: {  	s8 =	sadd.s32 s4, s1;
	s7 =	sadd.s32 $0x515600, s7;
	s24 =	sshrl.u32 s23, $0x3  }
0xd: {  	s1 =	sadd.s32 $0x52C490, s1;
	s14 =	sor.u32 $0x300, s4;
	s16 =	sor.u32 $0x280, s4  }
0xe: {  	s18 =	sor.u32 $0x200, s4;
	s20 =	sor.u32 $0x180, s4;
	[dreg:$0xc] =	wrdreg s7  }
0xf: {  	s22 =	sor.u32 $0x100, s4;
	[dreg:$0xd] =	wrdreg s1;
	s25 =	sadd.s32 s12, s24  }
0x10: {  	s8 =	sadd.s32 $0x66400, s8;
	s7 =	sor.u32 $0x380, s4;
	s15 =	sshrl.u32 s14, $0x3  }
0x11: {  	s17 =	sshrl.u32 s16, $0x3;
	s19 =	sshrl.u32 s18, $0x3;
	s1 =	sadd.s32 s12, s26  }
0x12: {  	s21 =	sshrl.u32 s20, $0x3;
	s23 =	sshrl.u32 s22, $0x3;
	[dreg:$0xe] =	wrdreg s25  }
0x13: {  	s4 =	sor.u32 $0x80, s4;
	s24 =	smul.u32 $0x1880, s13;
	[dreg:$0x3] =	wrdreg s8  }
0x14: {  	s26 =	smax.u32 s9, $0x1;
	s12 =	sshrl.u32 @!p0 s6, $0x3;
	[dreg:$0x5] =	wrdreg s15  }
0x15: {  	s14 =	simm.s32 $0x80;
	s16 =	simm.s32 $0x100;
	[dreg:$0x6] =	wrdreg s17  }
0x16: {  	s18 =	simm.s32 $0x180;
	s20 =	simm.s32 $0x200;
	[dreg:$0x7] =	wrdreg s19  }
0x17: {  	s22 =	simm.s32 $0x280;
	s10 =	sshrl.u32 s7, $0x3;
	[dreg:$0x8] =	wrdreg s21  }
0x18: {  	s1 =	sadd.s32 $0x16E90, s1;
	[dreg:$0x9] =	wrdreg s23;
	s25 =	sshrl.u32 s4, $0x3  }
0x19: {  	[dreg:$0x10] =	wrdreg s26;
	s15 =	simm.s32 $0x800;
	s17 =	simm.s32 $0xC00  }
0x1a: {  	s19 =	simm.s32 $0x1000;
	s21 =	simm.s32 $0x1400;
	[dreg:$0x4] =	wrdreg s10  }
0x1b: {  	s23 =	simm.s32 $0x1800;
	s26 =	simm.s32 $0x380;
	[dreg:$0xf] =	wrdreg s1  }
0x1c: {  	[dreg:$0xa] =	wrdreg s25;
	s0 =	sadd.s32 s24, s0;
	s10 =	sshrl.u32 @p0 s11, $0x3  }
0x1d: {  	s24 =	simm.s32 $0x300;
	[dreg:$0xb] =	wrdreg s0;
	s0 =	sshll.u32 @!p0 s13, $0x6  }
0x1e: {  	s25 =	simm.s32 $0x1C00;
	s13 =	simm.s32 $0x400;
	s11 =	sor.u32 @!p0 $0x1C03, s0  }
.LBB2_1:
0x1f: {  	s0 =	simm.s32 @p0 $0x1FC3;
	s1 =	rddreg [dreg:$0xd]  }
0x20: {  	[spmem:s10], [sflag:s0] =	dma.local @p0 [hbm:s1], $0x1810  }
0x21: {  	s0 =	simm.s32 @p0 $0x3  }
0x22: {  	_ =	swait.ge @p0 [sflag:s0], $0x1810  }
0x23: {  	[sflag:s0] =	ssyncset.done @p0 $0x0  }
0x24: {  	[sflag:s0] =	ssyncadd.s32 @p0 $0xFFFFE7F0;
	s0 =	rddreg [dreg:$0xc]  }
0x25: {  	[spmem:s12], [sflag:s11] =	dma.local @!p0 [hbm:s0], $0x1870  }
0x26: {  	s0 =	simm.s32 @!p0 $0x3  }
0x27: {  	_ =	swait.ge @!p0 [sflag:s0], $0x1870  }
0x28: {  	[sflag:s0] =	ssyncset.done @!p0 $0x0  }
0x29: {  	[sflag:s0] =	ssyncadd.s32 @!p0 $0xFFFFE790  }
0x2a: {  	[bflag:$0x0] =	sbarrier.arrive $0xFFFF  }
0x2b: {  	s6 =	rddreg [dreg:$0xb]  }
0x2c: {  	s7 =	rddreg [dreg:$0x3];
	s0 =	sadd.s32 s5, s6  }
0x2d: {  	[tilespmem:s3], [sflag:$0x2] =	stream.linear.gather [hbm4b:s0+s3], $0x80, $0x38;
	[tilespmem:$0x85A8] =	vst v63  }
0x2e: {  	s4 =	rddreg [dreg:$0xa];
	s0 =	sadd.s32 $0x0, s7  }
0x2f: {  	[tilespmem:s13], [sflag:$0x2] =	stream.linear.gather [hbm4b:s0+s3], $0x400, $0x38;
	[tilespmem:$0x85A8] =	vst v63  }
0x30: {  	s8 =	sadd.s32 s5, s4  }
0x31: {  	[tilespmem:s14], [sflag:$0x2] =	stream.linear.gather [hbm4b:s8+s3], $0x80, $0x38;
	[tilespmem:$0x85A8] =	vst v63  }
0x32: {  	s9 =	rddreg [dreg:$0x9];
	s6 =	sadd.s32 $0x80, s0  }
0x33: {  	[tilespmem:s15], [sflag:$0x2] =	stream.linear.gather [hbm4b:s6+s3], $0x400, $0x38;
	[tilespmem:$0x85A8] =	vst v63  }
0x34: {  	s7 =	sadd.s32 s5, s9  }
0x35: {  	[tilespmem:s16], [sflag:$0x2] =	stream.linear.gather [hbm4b:s7+s3], $0x80, $0x38;
	[tilespmem:$0x85A8] =	vst v63  }
0x36: {  	s9 =	sadd.s32 $0x100, s0;
	s8 =	rddreg [dreg:$0x8]  }
0x37: {  	[tilespmem:s17], [sflag:$0x2] =	stream.linear.gather [hbm4b:s9+s3], $0x400, $0x38;
	[tilespmem:$0x85A8] =	vst v63  }
0x38: {  	s4 =	sadd.s32 s5, s8  }
0x39: {  	[tilespmem:s18], [sflag:$0x2] =	stream.linear.gather [hbm4b:s4+s3], $0x80, $0x38;
	[tilespmem:$0x85A8] =	vst v63  }
0x3a: {  	s6 =	rddreg [dreg:$0x7];
	s7 =	sadd.s32 $0x180, s0  }
0x3b: {  	[tilespmem:s19], [sflag:$0x2] =	stream.linear.gather [hbm4b:s7+s3], $0x400, $0x38;
	[tilespmem:$0x85A8] =	vst v63  }
0x3c: {  	s8 =	sadd.s32 s5, s6  }
0x3d: {  	[tilespmem:s20], [sflag:$0x2] =	stream.linear.gather [hbm4b:s8+s3], $0x80, $0x38;
	[tilespmem:$0x85A8] =	vst v63  }
0x3e: {  	s6 =	sadd.s32 $0x200, s0;
	s9 =	rddreg [dreg:$0x6]  }
0x3f: {  	[tilespmem:s21], [sflag:$0x2] =	stream.linear.gather [hbm4b:s6+s3], $0x400, $0x38;
	[tilespmem:$0x85A8] =	vst v63  }
0x40: {  	s7 =	sadd.s32 s5, s9  }
0x41: {  	[tilespmem:s22], [sflag:$0x2] =	stream.linear.gather [hbm4b:s7+s3], $0x80, $0x38;
	[tilespmem:$0x85A8] =	vst v63  }
0x42: {  	s9 =	sadd.s32 $0x280, s0;
	s8 =	rddreg [dreg:$0x5]  }
0x43: {  	[tilespmem:s23], [sflag:$0x2] =	stream.linear.gather [hbm4b:s9+s3], $0x400, $0x38;
	[tilespmem:$0x85A8] =	vst v63  }
0x44: {  	s6 =	sadd.s32 s5, s8  }
0x45: {  	[tilespmem:s24], [sflag:$0x2] =	stream.linear.gather [hbm4b:s6+s3], $0x80, $0x38;
	[tilespmem:$0x85A8] =	vst v63  }
0x46: {  	s8 =	sadd.s32 $0x300, s0;
	s7 =	rddreg [dreg:$0x4]  }
0x47: {  	[tilespmem:s25], [sflag:$0x2] =	stream.linear.gather [hbm4b:s8+s3], $0x400, $0x38;
	[tilespmem:$0x85A8] =	vst v63  }
0x48: {  	s9 =	sadd.s32 s5, s7  }
0x49: {  	[tilespmem:s26], [sflag:$0x2] =	stream.linear.gather [hbm4b:s9+s3], $0x80, $0x38;
	[tilespmem:$0x85A8] =	vst v63  }
0x4a: {  	s0 =	sadd.s32 $0x380, s0  }
0x4b: {  	[tilespmem:s28], [sflag:$0x2] =	stream.linear.gather [hbm4b:s0+s3], $0x400, $0x38;
	[tilespmem:$0x85A8] =	vst v63  }
0x4c: {  	_ =	swait.ge [sflag:s29], $0x80  }
0x4d: {  	[sflag:s29] =	ssyncset.done $0x0  }
0x4e: {  	[sflag:s29] =	ssyncadd.s32 $0xFFFFFF80  }
0x4f: {  	_ =	swait.ge [sflag:s29], $0x400  }
0x50: {  	[sflag:s29] =	ssyncset.done $0x0  }
0x51: {  	[sflag:s29] =	ssyncadd.s32 $0xFFFFFC00  }
0x52: {  	_ =	swait.ge [sflag:s29], $0x80  }
0x53: {  	[sflag:s29] =	ssyncset.done $0x0  }
0x54: {  	[sflag:s29] =	ssyncadd.s32 $0xFFFFFF80  }
0x55: {  	_ =	swait.ge [sflag:s29], $0x400  }
0x56: {  	[sflag:s29] =	ssyncset.done $0x0  }
0x57: {  	[sflag:s29] =	ssyncadd.s32 $0xFFFFFC00  }
0x58: {  	_ =	swait.ge [sflag:s29], $0x80  }
0x59: {  	[sflag:s29] =	ssyncset.done $0x0  }
0x5a: {  	[sflag:s29] =	ssyncadd.s32 $0xFFFFFF80  }
0x5b: {  	_ =	swait.ge [sflag:s29], $0x400  }
0x5c: {  	[sflag:s29] =	ssyncset.done $0x0  }
0x5d: {  	[sflag:s29] =	ssyncadd.s32 $0xFFFFFC00  }
0x5e: {  	_ =	swait.ge [sflag:s29], $0x80  }
0x5f: {  	[sflag:s29] =	ssyncset.done $0x0  }
0x60: {  	[sflag:s29] =	ssyncadd.s32 $0xFFFFFF80  }
0x61: {  	_ =	swait.ge [sflag:s29], $0x400  }
0x62: {  	[sflag:s29] =	ssyncset.done $0x0  }
0x63: {  	[sflag:s29] =	ssyncadd.s32 $0xFFFFFC00  }
0x64: {  	_ =	swait.ge [sflag:s29], $0x80  }
0x65: {  	[sflag:s29] =	ssyncset.done $0x0  }
0x66: {  	[sflag:s29] =	ssyncadd.s32 $0xFFFFFF80  }
0x67: {  	_ =	swait.ge [sflag:s29], $0x400  }
0x68: {  	[sflag:s29] =	ssyncset.done $0x0  }
0x69: {  	[sflag:s29] =	ssyncadd.s32 $0xFFFFFC00  }
0x6a: {  	_ =	swait.ge [sflag:s29], $0x80  }
0x6b: {  	[sflag:s29] =	ssyncset.done $0x0  }
0x6c: {  	[sflag:s29] =	ssyncadd.s32 $0xFFFFFF80  }
0x6d: {  	_ =	swait.ge [sflag:s29], $0x400  }
0x6e: {  	[sflag:s29] =	ssyncset.done $0x0  }
0x6f: {  	[sflag:s29] =	ssyncadd.s32 $0xFFFFFC00  }
0x70: {  	_ =	swait.ge [sflag:s29], $0x80  }
0x71: {  	[sflag:s29] =	ssyncset.done $0x0  }
0x72: {  	[sflag:s29] =	ssyncadd.s32 $0xFFFFFF80  }
0x73: {  	_ =	swait.ge [sflag:s29], $0x400  }
0x74: {  	[sflag:s29] =	ssyncset.done $0x0  }
0x75: {  	[sflag:s29] =	ssyncadd.s32 $0xFFFFFC00  }
0x76: {  	_ =	swait.ge [sflag:s29], $0x80  }
0x77: {  	[sflag:s29] =	ssyncset.done $0x0  }
0x78: {  	[sflag:s29] =	ssyncadd.s32 $0xFFFFFF80  }
0x79: {  	_ =	swait.ge [sflag:s29], $0x400  }
0x7a: {  	[sflag:s29] =	ssyncset.done $0x0  }
0x7b: {  	[sflag:s29] =	ssyncadd.s32 $0xFFFFFC00  }
0x7c: {  	[spmem:s2] =	stream.indirect.scatter.add.f32 [tilespmem:s13], [sflag:$0x1], $0x4, s3, s14, $0xb8;
	[tilespmem:$0x85A8] =	vst v63  }
0x7d: {  	_ = 	snop  }
0x7e: {  	[spmem:s2] =	stream.indirect.scatter.add.f32 [tilespmem:s15], [sflag:$0x1], $0x4, s14, s14, $0xb8;
	[tilespmem:$0x85A8] =	vst v63  }
0x7f: {  	_ = 	snop  }
0x80: {  	[spmem:s2] =	stream.indirect.scatter.add.f32 [tilespmem:s17], [sflag:$0x1], $0x4, s16, s14, $0xb8;
	[tilespmem:$0x85A8] =	vst v63  }
0x81: {  	_ = 	snop  }
0x82: {  	[spmem:s2] =	stream.indirect.scatter.add.f32 [tilespmem:s19], [sflag:$0x1], $0x4, s18, s14, $0xb8;
	[tilespmem:$0x85A8] =	vst v63  }
0x83: {  	_ = 	snop  }
0x84: {  	[spmem:s2] =	stream.indirect.scatter.add.f32 [tilespmem:s21], [sflag:$0x1], $0x4, s20, s14, $0xb8;
	[tilespmem:$0x85A8] =	vst v63  }
0x85: {  	_ = 	snop  }
0x86: {  	[spmem:s2] =	stream.indirect.scatter.add.f32 [tilespmem:s23], [sflag:$0x1], $0x4, s22, s14, $0xb8;
	[tilespmem:$0x85A8] =	vst v63  }
0x87: {  	_ = 	snop  }
0x88: {  	[spmem:s2] =	stream.indirect.scatter.add.f32 [tilespmem:s25], [sflag:$0x1], $0x4, s24, s14, $0xb8;
	[tilespmem:$0x85A8] =	vst v63  }
0x89: {  	_ = 	snop  }
0x8a: {  	[spmem:s2] =	stream.indirect.scatter.add.f32 [tilespmem:s28], [sflag:$0x1], $0x4, s26, s14, $0xb8;
	[tilespmem:$0x85A8] =	vst v63  }
0x8b: {  	_ =	swait.ge [sflag:s30], $0x200  }
0x8c: {  	[sflag:s30] =	ssyncset.done $0x0  }
0x8d: {  	[sflag:s30] =	ssyncadd.s32 $0xFFFFFE00  }
0x8e: {  	_ =	swait.ge [sflag:s30], $0x200  }
0x8f: {  	[sflag:s30] =	ssyncset.done $0x0  }
0x90: {  	[sflag:s30] =	ssyncadd.s32 $0xFFFFFE00  }
0x91: {  	_ =	swait.ge [sflag:s30], $0x200  }
0x92: {  	[sflag:s30] =	ssyncset.done $0x0  }
0x93: {  	[sflag:s30] =	ssyncadd.s32 $0xFFFFFE00  }
0x94: {  	_ =	swait.ge [sflag:s30], $0x200  }
0x95: {  	[sflag:s30] =	ssyncset.done $0x0  }
0x96: {  	[sflag:s30] =	ssyncadd.s32 $0xFFFFFE00  }
0x97: {  	_ =	swait.ge [sflag:s30], $0x200  }
0x98: {  	[sflag:s30] =	ssyncset.done $0x0  }
0x99: {  	[sflag:s30] =	ssyncadd.s32 $0xFFFFFE00  }
0x9a: {  	_ =	swait.ge [sflag:s30], $0x200  }
0x9b: {  	[sflag:s30] =	ssyncset.done $0x0  }
0x9c: {  	[sflag:s30] =	ssyncadd.s32 $0xFFFFFE00  }
0x9d: {  	_ =	swait.ge [sflag:s30], $0x200  }
0x9e: {  	[sflag:s30] =	ssyncset.done $0x0  }
0x9f: {  	[sflag:s30] =	ssyncadd.s32 $0xFFFFFE00  }
0xa0: {  	s1 =	simm.s32 $0x400;
	s4 =	smov.u32 s5;
	_ =	swait.ge [sflag:s30], $0x200  }
0xa1: {  	s0 =	simm.s32 $0x800;
	s6 =	rddreg [dreg:$0xb];
	[sflag:s30] =	ssyncset.done $0x0  }
.LBB2_2:
0xa2: {  	s4 =	sadd.s32 $0x80, s4  }
0xa3: {  	[sflag:s30] =	ssyncadd.s32 $0xFFFFFE00;
	s7 =	rddreg [dreg:$0x3];
	s6 =	sadd.s32 s4, s6  }
0xa4: {  	[tilespmem:s3], [sflag:$0x2] =	stream.linear.gather [hbm4b:s6+s3], $0x80, $0x38;
	[tilespmem:$0x85A8] =	vst v63  }
0xa5: {  	s9 =	rddreg [dreg:$0xa];
	s6 =	sadd.s32 s1, s7  }
0xa6: {  	[tilespmem:s13], [sflag:$0x2] =	stream.linear.gather [hbm4b:s6+s3], $0x400, $0x38;
	[tilespmem:$0x85A8] =	vst v63  }
0xa7: {  	s8 =	smov.u32 s0;
	s9 =	sadd.s32 s4, s9  }
0xa8: {  	[tilespmem:s14], [sflag:$0x2] =	stream.linear.gather [hbm4b:s9+s3], $0x80, $0x38;
	[tilespmem:$0x85A8] =	vst v63  }
0xa9: {  	s1 =	smov.u32 s8;
	s8 =	rddreg [dreg:$0x9];
	s9 =	sadd.s32 $0x80, s6  }
0xaa: {  	[tilespmem:s15], [sflag:$0x2] =	stream.linear.gather [hbm4b:s9+s3], $0x400, $0x38;
	[tilespmem:$0x85A8] =	vst v63  }
0xab: {  	s9 =	sadd.s32 s4, s8  }
0xac: {  	[tilespmem:s16], [sflag:$0x2] =	stream.linear.gather [hbm4b:s9+s3], $0x80, $0x38;
	[tilespmem:$0x85A8] =	vst v63  }
0xad: {  	s8 =	rddreg [dreg:$0x8];
	s9 =	sadd.s32 $0x100, s6  }
0xae: {  	[tilespmem:s17], [sflag:$0x2] =	stream.linear.gather [hbm4b:s9+s3], $0x400, $0x38;
	[tilespmem:$0x85A8] =	vst v63  }
0xaf: {  	s9 =	sadd.s32 s4, s8  }
0xb0: {  	[tilespmem:s18], [sflag:$0x2] =	stream.linear.gather [hbm4b:s9+s3], $0x80, $0x38;
	[tilespmem:$0x85A8] =	vst v63  }
0xb1: {  	s8 =	rddreg [dreg:$0x7];
	s9 =	sadd.s32 $0x180, s6  }
0xb2: {  	[tilespmem:s19], [sflag:$0x2] =	stream.linear.gather [hbm4b:s9+s3], $0x400, $0x38;
	[tilespmem:$0x85A8] =	vst v63  }
0xb3: {  	s9 =	sadd.s32 s4, s8  }
0xb4: {  	[tilespmem:s20], [sflag:$0x2] =	stream.linear.gather [hbm4b:s9+s3], $0x80, $0x38;
	[tilespmem:$0x85A8] =	vst v63  }
0xb5: {  	s8 =	rddreg [dreg:$0x6];
	s9 =	sadd.s32 $0x200, s6  }
0xb6: {  	[tilespmem:s21], [sflag:$0x2] =	stream.linear.gather [hbm4b:s9+s3], $0x400, $0x38;
	[tilespmem:$0x85A8] =	vst v63  }
0xb7: {  	s9 =	sadd.s32 s4, s8  }
0xb8: {  	[tilespmem:s22], [sflag:$0x2] =	stream.linear.gather [hbm4b:s9+s3], $0x80, $0x38;
	[tilespmem:$0x85A8] =	vst v63  }
0xb9: {  	s8 =	rddreg [dreg:$0x5];
	s9 =	sadd.s32 $0x280, s6  }
0xba: {  	[tilespmem:s23], [sflag:$0x2] =	stream.linear.gather [hbm4b:s9+s3], $0x400, $0x38;
	[tilespmem:$0x85A8] =	vst v63  }
0xbb: {  	s9 =	sadd.s32 s4, s8  }
0xbc: {  	[tilespmem:s24], [sflag:$0x2] =	stream.linear.gather [hbm4b:s9+s3], $0x80, $0x38;
	[tilespmem:$0x85A8] =	vst v63  }
0xbd: {  	s8 =	rddreg [dreg:$0x4];
	s9 =	sadd.s32 $0x300, s6  }
0xbe: {  	[tilespmem:s25], [sflag:$0x2] =	stream.linear.gather [hbm4b:s9+s3], $0x400, $0x38;
	[tilespmem:$0x85A8] =	vst v63  }
0xbf: {  	s9 =	sadd.s32 s4, s8  }
0xc0: {  	[tilespmem:s26], [sflag:$0x2] =	stream.linear.gather [hbm4b:s9+s3], $0x80, $0x38;
	[tilespmem:$0x85A8] =	vst v63  }
0xc1: {  	s6 =	sadd.s32 $0x380, s6  }
0xc2: {  	[tilespmem:s28], [sflag:$0x2] =	stream.linear.gather [hbm4b:s6+s3], $0x400, $0x38;
	[tilespmem:$0x85A8] =	vst v63  }
0xc3: {  	_ =	swait.ge [sflag:s29], $0x80  }
0xc4: {  	[sflag:s29] =	ssyncset.done $0x0  }
0xc5: {  	[sflag:s29] =	ssyncadd.s32 $0xFFFFFF80  }
0xc6: {  	_ =	swait.ge [sflag:s29], $0x400  }
0xc7: {  	[sflag:s29] =	ssyncset.done $0x0  }
0xc8: {  	[sflag:s29] =	ssyncadd.s32 $0xFFFFFC00  }
0xc9: {  	_ =	swait.ge [sflag:s29], $0x80  }
0xca: {  	[sflag:s29] =	ssyncset.done $0x0  }
0xcb: {  	[sflag:s29] =	ssyncadd.s32 $0xFFFFFF80  }
0xcc: {  	_ =	swait.ge [sflag:s29], $0x400  }
0xcd: {  	[sflag:s29] =	ssyncset.done $0x0  }
0xce: {  	[sflag:s29] =	ssyncadd.s32 $0xFFFFFC00  }
0xcf: {  	_ =	swait.ge [sflag:s29], $0x80  }
0xd0: {  	[sflag:s29] =	ssyncset.done $0x0  }
0xd1: {  	[sflag:s29] =	ssyncadd.s32 $0xFFFFFF80  }
0xd2: {  	_ =	swait.ge [sflag:s29], $0x400  }
0xd3: {  	[sflag:s29] =	ssyncset.done $0x0  }
0xd4: {  	[sflag:s29] =	ssyncadd.s32 $0xFFFFFC00  }
0xd5: {  	_ =	swait.ge [sflag:s29], $0x80  }
0xd6: {  	[sflag:s29] =	ssyncset.done $0x0  }
0xd7: {  	[sflag:s29] =	ssyncadd.s32 $0xFFFFFF80  }
0xd8: {  	_ =	swait.ge [sflag:s29], $0x400  }
0xd9: {  	[sflag:s29] =	ssyncset.done $0x0  }
0xda: {  	[sflag:s29] =	ssyncadd.s32 $0xFFFFFC00  }
0xdb: {  	_ =	swait.ge [sflag:s29], $0x80  }
0xdc: {  	[sflag:s29] =	ssyncset.done $0x0  }
0xdd: {  	[sflag:s29] =	ssyncadd.s32 $0xFFFFFF80  }
0xde: {  	_ =	swait.ge [sflag:s29], $0x400  }
0xdf: {  	[sflag:s29] =	ssyncset.done $0x0  }
0xe0: {  	[sflag:s29] =	ssyncadd.s32 $0xFFFFFC00  }
0xe1: {  	_ =	swait.ge [sflag:s29], $0x80  }
0xe2: {  	[sflag:s29] =	ssyncset.done $0x0  }
0xe3: {  	[sflag:s29] =	ssyncadd.s32 $0xFFFFFF80  }
0xe4: {  	_ =	swait.ge [sflag:s29], $0x400  }
0xe5: {  	[sflag:s29] =	ssyncset.done $0x0  }
0xe6: {  	[sflag:s29] =	ssyncadd.s32 $0xFFFFFC00  }
0xe7: {  	_ =	swait.ge [sflag:s29], $0x80  }
0xe8: {  	[sflag:s29] =	ssyncset.done $0x0  }
0xe9: {  	[sflag:s29] =	ssyncadd.s32 $0xFFFFFF80  }
0xea: {  	_ =	swait.ge [sflag:s29], $0x400  }
0xeb: {  	[sflag:s29] =	ssyncset.done $0x0  }
0xec: {  	[sflag:s29] =	ssyncadd.s32 $0xFFFFFC00  }
0xed: {  	_ =	swait.ge [sflag:s29], $0x80  }
0xee: {  	[sflag:s29] =	ssyncset.done $0x0  }
0xef: {  	[sflag:s29] =	ssyncadd.s32 $0xFFFFFF80  }
0xf0: {  	_ =	swait.ge [sflag:s29], $0x400  }
0xf1: {  	[sflag:s29] =	ssyncset.done $0x0  }
0xf2: {  	[sflag:s29] =	ssyncadd.s32 $0xFFFFFC00  }
0xf3: {  	[spmem:s2] =	stream.indirect.scatter.add.f32 [tilespmem:s13], [sflag:$0x1], $0x4, s3, s14, $0xb8;
	[tilespmem:$0x85A8] =	vst v63  }
0xf4: {  	_ = 	snop  }
0xf5: {  	[spmem:s2] =	stream.indirect.scatter.add.f32 [tilespmem:s15], [sflag:$0x1], $0x4, s14, s14, $0xb8;
	[tilespmem:$0x85A8] =	vst v63  }
0xf6: {  	_ = 	snop  }
0xf7: {  	[spmem:s2] =	stream.indirect.scatter.add.f32 [tilespmem:s17], [sflag:$0x1], $0x4, s16, s14, $0xb8;
	[tilespmem:$0x85A8] =	vst v63  }
0xf8: {  	_ = 	snop  }
0xf9: {  	[spmem:s2] =	stream.indirect.scatter.add.f32 [tilespmem:s19], [sflag:$0x1], $0x4, s18, s14, $0xb8;
	[tilespmem:$0x85A8] =	vst v63  }
0xfa: {  	_ = 	snop  }
0xfb: {  	[spmem:s2] =	stream.indirect.scatter.add.f32 [tilespmem:s21], [sflag:$0x1], $0x4, s20, s14, $0xb8;
	[tilespmem:$0x85A8] =	vst v63  }
0xfc: {  	_ = 	snop  }
0xfd: {  	[spmem:s2] =	stream.indirect.scatter.add.f32 [tilespmem:s23], [sflag:$0x1], $0x4, s22, s14, $0xb8;
	[tilespmem:$0x85A8] =	vst v63  }
0xfe: {  	_ = 	snop  }
0xff: {  	[spmem:s2] =	stream.indirect.scatter.add.f32 [tilespmem:s25], [sflag:$0x1], $0x4, s24, s14, $0xb8;
	[tilespmem:$0x85A8] =	vst v63  }
0x100: {  	_ = 	snop  }
0x101: {  	[spmem:s2] =	stream.indirect.scatter.add.f32 [tilespmem:s28], [sflag:$0x1], $0x4, s26, s14, $0xb8;
	[tilespmem:$0x85A8] =	vst v63  }
0x102: {  	_ =	swait.ge [sflag:s30], $0x200  }
0x103: {  	[sflag:s30] =	ssyncset.done $0x0  }
0x104: {  	[sflag:s30] =	ssyncadd.s32 $0xFFFFFE00  }
0x105: {  	_ =	swait.ge [sflag:s30], $0x200  }
0x106: {  	[sflag:s30] =	ssyncset.done $0x0  }
0x107: {  	[sflag:s30] =	ssyncadd.s32 $0xFFFFFE00  }
0x108: {  	_ =	swait.ge [sflag:s30], $0x200  }
0x109: {  	[sflag:s30] =	ssyncset.done $0x0  }
0x10a: {  	[sflag:s30] =	ssyncadd.s32 $0xFFFFFE00  }
0x10b: {  	_ =	swait.ge [sflag:s30], $0x200  }
0x10c: {  	[sflag:s30] =	ssyncset.done $0x0  }
0x10d: {  	[sflag:s30] =	ssyncadd.s32 $0xFFFFFE00  }
0x10e: {  	_ =	swait.ge [sflag:s30], $0x200  }
0x10f: {  	[sflag:s30] =	ssyncset.done $0x0  }
0x110: {  	[sflag:s30] =	ssyncadd.s32 $0xFFFFFE00  }
0x111: {  	_ =	swait.ge [sflag:s30], $0x200  }
0x112: {  	[sflag:s30] =	ssyncset.done $0x0  }
0x113: {  	p1 =	sne.s32 s0, $0xC000;
	[sflag:s30] =	ssyncadd.s32 $0xFFFFFE00  }
.Ltmp0:
0x114: {  	_ =	swait.ge [sflag:s30], $0x200;
	(pc) =	sbr.rel @p1 .LBB2_2-.Ltmp0, $4  }
0x115: {  	[sflag:s30] =	ssyncset.done $0x0  }
0x116: {  	[sflag:s30] =	ssyncadd.s32 $0xFFFFFE00  }
0x117: {  	_ =	swait.ge [sflag:s30], $0x200  }
0x118: {  	s0 =	sadd.s32 $0x400, s0;
	s6 =	rddreg [dreg:$0xb];
	[sflag:s30] =	ssyncset.done $0x0  }
0x119: {  	s0 =	sadd.s32 $0x80, s4  }
0x11a: {  	[sflag:s30] =	ssyncadd.s32 $0xFFFFFE00;
	s9 =	rddreg [dreg:$0x3];
	s6 =	sadd.s32 s0, s6  }
0x11b: {  	[tilespmem:s3], [sflag:$0x2] =	stream.linear.gather [hbm4b:s6+s3], $0x80, $0x38;
	[tilespmem:$0x85A8] =	vst v63  }
0x11c: {  	s7 =	rddreg [dreg:$0xa];
	s1 =	sadd.s32 s1, s9  }
0x11d: {  	[tilespmem:s13], [sflag:$0x2] =	stream.linear.gather [hbm4b:s1+s3], $0x400, $0x38;
	[tilespmem:$0x85A8] =	vst v63  }
0x11e: {  	s8 =	sadd.s32 s0, s7  }
0x11f: {  	[tilespmem:s14], [sflag:$0x2] =	stream.linear.gather [hbm4b:s8+s3], $0x80, $0x38;
	[tilespmem:$0x85A8] =	vst v63  }
0x120: {  	s9 =	rddreg [dreg:$0x9];
	s7 =	sadd.s32 $0x80, s1  }
0x121: {  	[tilespmem:s15], [sflag:$0x2] =	stream.linear.gather [hbm4b:s7+s3], $0x400, $0x38;
	[tilespmem:$0x85A8] =	vst v63  }
0x122: {  	s8 =	sadd.s32 s0, s9  }
0x123: {  	[tilespmem:s16], [sflag:$0x2] =	stream.linear.gather [hbm4b:s8+s3], $0x80, $0x38;
	[tilespmem:$0x85A8] =	vst v63  }
0x124: {  	s9 =	rddreg [dreg:$0x8];
	s7 =	sadd.s32 $0x100, s1  }
0x125: {  	[tilespmem:s17], [sflag:$0x2] =	stream.linear.gather [hbm4b:s7+s3], $0x400, $0x38;
	[tilespmem:$0x85A8] =	vst v63  }
0x126: {  	s8 =	sadd.s32 s0, s9  }
0x127: {  	[tilespmem:s18], [sflag:$0x2] =	stream.linear.gather [hbm4b:s8+s3], $0x80, $0x38;
	[tilespmem:$0x85A8] =	vst v63  }
0x128: {  	s9 =	rddreg [dreg:$0x7];
	s7 =	sadd.s32 $0x180, s1  }
0x129: {  	[tilespmem:s19], [sflag:$0x2] =	stream.linear.gather [hbm4b:s7+s3], $0x400, $0x38;
	[tilespmem:$0x85A8] =	vst v63  }
0x12a: {  	s8 =	sadd.s32 s0, s9  }
0x12b: {  	[tilespmem:s20], [sflag:$0x2] =	stream.linear.gather [hbm4b:s8+s3], $0x80, $0x38;
	[tilespmem:$0x85A8] =	vst v63  }
0x12c: {  	s9 =	rddreg [dreg:$0x6];
	s7 =	sadd.s32 $0x200, s1  }
0x12d: {  	[tilespmem:s21], [sflag:$0x2] =	stream.linear.gather [hbm4b:s7+s3], $0x400, $0x38;
	[tilespmem:$0x85A8] =	vst v63  }
0x12e: {  	s8 =	sadd.s32 s0, s9  }
0x12f: {  	[tilespmem:s22], [sflag:$0x2] =	stream.linear.gather [hbm4b:s8+s3], $0x80, $0x38;
	[tilespmem:$0x85A8] =	vst v63  }
0x130: {  	s9 =	rddreg [dreg:$0x5];
	s7 =	sadd.s32 $0x280, s1  }
0x131: {  	[tilespmem:s23], [sflag:$0x2] =	stream.linear.gather [hbm4b:s7+s3], $0x400, $0x38;
	[tilespmem:$0x85A8] =	vst v63  }
0x132: {  	s8 =	sadd.s32 s0, s9  }
0x133: {  	[tilespmem:s24], [sflag:$0x2] =	stream.linear.gather [hbm4b:s8+s3], $0x80, $0x38;
	[tilespmem:$0x85A8] =	vst v63  }
0x134: {  	s9 =	rddreg [dreg:$0x4];
	s7 =	sadd.s32 $0x300, s1  }
0x135: {  	[tilespmem:s25], [sflag:$0x2] =	stream.linear.gather [hbm4b:s7+s3], $0x400, $0x38;
	[tilespmem:$0x85A8] =	vst v63  }
0x136: {  	s0 =	sadd.s32 s0, s9  }
0x137: {  	[tilespmem:s26], [sflag:$0x2] =	stream.linear.gather [hbm4b:s0+s3], $0x80, $0x38;
	[tilespmem:$0x85A8] =	vst v63  }
0x138: {  	s8 =	sadd.s32 $0x380, s1  }
0x139: {  	[tilespmem:s28], [sflag:$0x2] =	stream.linear.gather [hbm4b:s8+s3], $0x400, $0x38;
	[tilespmem:$0x85A8] =	vst v63  }
0x13a: {  	_ =	swait.ge [sflag:s29], $0x80  }
0x13b: {  	[sflag:s29] =	ssyncset.done $0x0  }
0x13c: {  	[sflag:s29] =	ssyncadd.s32 $0xFFFFFF80  }
0x13d: {  	_ =	swait.ge [sflag:s29], $0x400  }
0x13e: {  	[sflag:s29] =	ssyncset.done $0x0  }
0x13f: {  	[sflag:s29] =	ssyncadd.s32 $0xFFFFFC00  }
0x140: {  	_ =	swait.ge [sflag:s29], $0x80  }
0x141: {  	[sflag:s29] =	ssyncset.done $0x0  }
0x142: {  	[sflag:s29] =	ssyncadd.s32 $0xFFFFFF80  }
0x143: {  	_ =	swait.ge [sflag:s29], $0x400  }
0x144: {  	[sflag:s29] =	ssyncset.done $0x0  }
0x145: {  	[sflag:s29] =	ssyncadd.s32 $0xFFFFFC00  }
0x146: {  	_ =	swait.ge [sflag:s29], $0x80  }
0x147: {  	[sflag:s29] =	ssyncset.done $0x0  }
0x148: {  	[sflag:s29] =	ssyncadd.s32 $0xFFFFFF80  }
0x149: {  	_ =	swait.ge [sflag:s29], $0x400  }
0x14a: {  	[sflag:s29] =	ssyncset.done $0x0  }
0x14b: {  	[sflag:s29] =	ssyncadd.s32 $0xFFFFFC00  }
0x14c: {  	_ =	swait.ge [sflag:s29], $0x80  }
0x14d: {  	[sflag:s29] =	ssyncset.done $0x0  }
0x14e: {  	[sflag:s29] =	ssyncadd.s32 $0xFFFFFF80  }
0x14f: {  	_ =	swait.ge [sflag:s29], $0x400  }
0x150: {  	[sflag:s29] =	ssyncset.done $0x0  }
0x151: {  	[sflag:s29] =	ssyncadd.s32 $0xFFFFFC00  }
0x152: {  	_ =	swait.ge [sflag:s29], $0x80  }
0x153: {  	[sflag:s29] =	ssyncset.done $0x0  }
0x154: {  	[sflag:s29] =	ssyncadd.s32 $0xFFFFFF80  }
0x155: {  	_ =	swait.ge [sflag:s29], $0x400  }
0x156: {  	[sflag:s29] =	ssyncset.done $0x0  }
0x157: {  	[sflag:s29] =	ssyncadd.s32 $0xFFFFFC00  }
0x158: {  	_ =	swait.ge [sflag:s29], $0x80  }
0x159: {  	[sflag:s29] =	ssyncset.done $0x0  }
0x15a: {  	[sflag:s29] =	ssyncadd.s32 $0xFFFFFF80  }
0x15b: {  	_ =	swait.ge [sflag:s29], $0x400  }
0x15c: {  	[sflag:s29] =	ssyncset.done $0x0  }
0x15d: {  	[sflag:s29] =	ssyncadd.s32 $0xFFFFFC00  }
0x15e: {  	_ =	swait.ge [sflag:s29], $0x80  }
0x15f: {  	[sflag:s29] =	ssyncset.done $0x0  }
0x160: {  	[sflag:s29] =	ssyncadd.s32 $0xFFFFFF80  }
0x161: {  	_ =	swait.ge [sflag:s29], $0x400  }
0x162: {  	[sflag:s29] =	ssyncset.done $0x0  }
0x163: {  	[sflag:s29] =	ssyncadd.s32 $0xFFFFFC00  }
0x164: {  	_ =	swait.ge [sflag:s29], $0x80  }
0x165: {  	[sflag:s29] =	ssyncset.done $0x0  }
0x166: {  	[sflag:s29] =	ssyncadd.s32 $0xFFFFFF80  }
0x167: {  	_ =	swait.ge [sflag:s29], $0x400  }
0x168: {  	[sflag:s29] =	ssyncset.done $0x0  }
0x169: {  	[sflag:s29] =	ssyncadd.s32 $0xFFFFFC00  }
0x16a: {  	[spmem:s2] =	stream.indirect.scatter.add.f32 [tilespmem:s13], [sflag:$0x1], $0x4, s3, s14, $0xb8;
	[tilespmem:$0x85A8] =	vst v63  }
0x16b: {  	_ = 	snop  }
0x16c: {  	[spmem:s2] =	stream.indirect.scatter.add.f32 [tilespmem:s15], [sflag:$0x1], $0x4, s14, s14, $0xb8;
	[tilespmem:$0x85A8] =	vst v63  }
0x16d: {  	_ = 	snop  }
0x16e: {  	[spmem:s2] =	stream.indirect.scatter.add.f32 [tilespmem:s17], [sflag:$0x1], $0x4, s16, s14, $0xb8;
	[tilespmem:$0x85A8] =	vst v63  }
0x16f: {  	_ = 	snop  }
0x170: {  	[spmem:s2] =	stream.indirect.scatter.add.f32 [tilespmem:s19], [sflag:$0x1], $0x4, s18, s14, $0xb8;
	[tilespmem:$0x85A8] =	vst v63  }
0x171: {  	_ = 	snop  }
0x172: {  	[spmem:s2] =	stream.indirect.scatter.add.f32 [tilespmem:s21], [sflag:$0x1], $0x4, s20, s14, $0xb8;
	[tilespmem:$0x85A8] =	vst v63  }
0x173: {  	_ = 	snop  }
0x174: {  	[spmem:s2] =	stream.indirect.scatter.add.f32 [tilespmem:s23], [sflag:$0x1], $0x4, s22, s14, $0xb8;
	[tilespmem:$0x85A8] =	vst v63  }
0x175: {  	_ = 	snop  }
0x176: {  	[spmem:s2] =	stream.indirect.scatter.add.f32 [tilespmem:s25], [sflag:$0x1], $0x4, s24, s14, $0xb8;
	[tilespmem:$0x85A8] =	vst v63  }
0x177: {  	_ = 	snop  }
0x178: {  	[spmem:s2] =	stream.indirect.scatter.add.f32 [tilespmem:s28], [sflag:$0x1], $0x4, s26, s14, $0xb8;
	[tilespmem:$0x85A8] =	vst v63  }
0x179: {  	_ =	swait.ge [sflag:s30], $0x200  }
0x17a: {  	[sflag:s30] =	ssyncset.done $0x0  }
0x17b: {  	[sflag:s30] =	ssyncadd.s32 $0xFFFFFE00  }
0x17c: {  	_ =	swait.ge [sflag:s30], $0x200  }
0x17d: {  	[sflag:s30] =	ssyncset.done $0x0  }
0x17e: {  	[sflag:s30] =	ssyncadd.s32 $0xFFFFFE00  }
0x17f: {  	_ =	swait.ge [sflag:s30], $0x200  }
0x180: {  	[sflag:s30] =	ssyncset.done $0x0  }
0x181: {  	[sflag:s30] =	ssyncadd.s32 $0xFFFFFE00  }
0x182: {  	_ =	swait.ge [sflag:s30], $0x200  }
0x183: {  	[sflag:s30] =	ssyncset.done $0x0  }
0x184: {  	[sflag:s30] =	ssyncadd.s32 $0xFFFFFE00  }
0x185: {  	_ =	swait.ge [sflag:s30], $0x200  }
0x186: {  	[sflag:s30] =	ssyncset.done $0x0  }
0x187: {  	[sflag:s30] =	ssyncadd.s32 $0xFFFFFE00  }
0x188: {  	_ =	swait.ge [sflag:s30], $0x200  }
0x189: {  	[sflag:s30] =	ssyncset.done $0x0  }
0x18a: {  	[sflag:s30] =	ssyncadd.s32 $0xFFFFFE00  }
0x18b: {  	_ =	swait.ge [sflag:s30], $0x200  }
0x18c: {  	[sflag:s30] =	ssyncset.done $0x0  }
0x18d: {  	[sflag:s30] =	ssyncadd.s32 $0xFFFFFE00  }
0x18e: {  	_ =	swait.ge [sflag:s30], $0x200  }
0x18f: {  	[sflag:s30] =	ssyncset.done $0x0  }
0x190: {  	[sflag:s30] =	ssyncadd.s32 $0xFFFFFE00  }
0x191: {  	[bflag:$0x0] =	sbarrier.arrive $0xFFFF  }
0x192: {  	s0 =	simm.s32 @p0 $0x1FC3;
	s1 =	rddreg [dreg:$0xf]  }
0x193: {  	[hbm:s1], [sflag:s0] =	dma.local @p0 [spmem:s10], $0x1810  }
0x194: {  	s0 =	simm.s32 @p0 $0x3  }
0x195: {  	_ =	swait.ge @p0 [sflag:s0], $0x1810  }
0x196: {  	[sflag:s0] =	ssyncset.done @p0 $0x0  }
0x197: {  	[sflag:s0] =	ssyncadd.s32 @p0 $0xFFFFE7F0;
	s0 =	rddreg [dreg:$0xe]  }
0x198: {  	[hbm:s0], [sflag:s11] =	dma.local @!p0 [spmem:s12], $0x1870  }
0x199: {  	s0 =	simm.s32 @!p0 $0x3  }
0x19a: {  	_ =	swait.ge @!p0 [sflag:s0], $0x1870  }
0x19b: {  	s31 =	sadd.s32 $0x1, s31;
	s9 =	rddreg [dreg:$0x10]  }
0x19c: {  	p1 =	sne.s32 s31, s9  }
.Ltmp1:
0x19d: {  	_ = 	snop;
	(pc) =	sbr.rel @p1 .LBB2_1-.Ltmp1, $3  }
0x19e: {  	_ =	sdelay $0x1  }
0x19f: {  	[sflag:s0] =	ssyncset.done @!p0 $0x0  }
0x1a0: {  	[sflag:s0] =	ssyncadd.s32 @!p0 $0xFFFFE790  }
0x1a1: {  	_ =	sfence.sel $0x180000  }
0x1a2: {  	[bflag:$0x0] =	sbarrier.arrive $0xFFFF  }
0x1a3: {  	_ =	strace $0x9000004A  }
0x1a4: {  	s0 =	stileid.u32;
	[bflag:$0x2] =	sbarrier.arrive $0xFFFF  }
0x1a5: {  	p0 =	sne.s32 s0, $0x0;
	s0 =	rddreg [dreg:$0x2]  }
0x1a6: {  	s0 =	sadd.s32 @!p0 $0x100000, s0  }
0x1a7: {  	[sflag:s0] =	ssyncadd.tile.s32 @!p0 $0x1;
	_ =	shalt  }
.Lfunc_end2:
_tile_overlayer_lowered:
.L_overlay_start_2:
0x1a8: {  	(tag) =	ssettag $0x2  }
0x1a9: {  	s0 =	rddreg [dreg:$0x0];
	s2 =	stileid.u32  }
0x1aa: {  	s1 =	rddreg [dreg:$0x1];
	p0 =	sne.s32 s2, $0x0  }
0x1ab: {  	s3 =	rddreg [dreg:$0x2];
	[bflag:$0x3] =	sbarrier.arrive $0xFFFF;
	s2 =	simm.s32 @!p0 $0x1C03  }
0x1ac: {  	[timem:s3], [sflag:s2] =	dma.local @!p0 [hbm:s0], s1  }
0x1ad: {  	s0 =	simm.s32 @!p0 $0x3  }
0x1ae: {  	_ =	swait.ge @!p0 [sflag:s0], s1  }
0x1af: {  	s1 =	ssub.s32 @!p0 $0x0, s1;
	[sflag:s0] =	ssyncset.done @!p0 $0x0  }
0x1b0: {  	[sflag:s0] =	ssyncadd.s32 @!p0 s1  }
0x1b1: {  	[bflag:$0x3] =	sbarrier.arrive $0xFFFF  }
0x1b2: {  	_ =	shalt  }

// kernel: kernel.17.cloned.1.call-start
scs
__scs_entry_jumppad:
0x0: {  	(pc) =	sbr.rel $0x88, $3  }
0x1: {  	(tag) =	ssettag $0x0;
	lr =	simm.s32 $0x1  }
0x2: {  	[smem:$0x3F91] =	sst lr;
	_ =	strace $0xD0000000  }
0x3: {  	_ = 	snop  }
0x4: {  	_ = 	snop  }
0x5: {  	_ = 	snop  }
0x6: {  	_ = 	snop  }
0x7: {  	_ = 	snop  }
__scs_overlays_trampoline_lowered:
0x8: {  	[smem:$0x3FA0] =	sst s0  }
0x9: {  	[smem:$0x3FA1] =	sst s1  }
0xa: {  	[smem:$0x3FA2] =	sst s2  }
0xb: {  	[smem:$0x3FA3] =	sst s3  }
0xc: {  	[smem:$0x3FA4] =	sst s4  }
0xd: {  	[smem:$0x3FA5] =	sst s5  }
0xe: {  	[smem:$0x3FA6] =	sst s6  }
0xf: {  	[smem:$0x3FA7] =	sst s7  }
0x10: {  	[smem:$0x3FA8] =	sst s8  }
0x11: {  	[smem:$0x3FA9] =	sst s9;
	s0 =	simm.s32 @!p0 $0x0  }
0x12: {  	s1 =	sld [smem:$0x3F8F];
	s0 =	simm.s32 @p0 $0x1  }
0x13: {  	[smem:$0x3FAA] =	sst s0;
	s0 =	simm.s32 @!p1 $0x0  }
0x14: {  	s2 =	sld [smem:$0x3F8E];
	s0 =	simm.s32 @p1 $0x1  }
0x15: {  	[smem:$0x3FAB] =	sst s0;
	s0 =	simm.s32 @!p2 $0x0  }
0x16: {  	s3 =	sld [smem:$0x3FDB];
	s0 =	simm.s32 @p2 $0x1  }
0x17: {  	s4 =	simm.s32 $0x1BF5;
	[smem:$0x3FAD] =	sst s0  }
0x18: {  	s0 =	sld [smem:$0x3F90];
	_ =	swait.ge [sflag:s4], $0x0  }
0x19: {  	s7 =	sld [smem:$0x3F91]  }
0x1a: {  	s8 =	sadd.s32 $0xFFFFE003, lr  }
0x1b: {  	s9 =	sadd.s32 $0xFFFFFEF7, lr;
	s5 =	simm.s32 $0xFFFFFFFF;
	p2 =	slt.u32 s8, $0xFFFFF086  }
0x1c: {  	p1 =	slt.u32 s9, $0xF7A;
	s5 =	simm.s32 @!p2 $0x0  }
0x1d: {  	s5 =	simm.s32 @p1 $0x1;
	p0 =	seq.s32 s7, s2  }
0x1e: {  	s7 =	smul.u32 @!p0 $0xF7A, s2;
	p2 =	seq.s32 @!p0 s5, $0x0  }
0x1f: {  	s9 =	smul.u32 $0xF7A, s1;
	s8 =	simm.s32 @!p0 $0x1BF5;
	p2 =	por !p2, p0  }
0x20: {  	[sflag:s8] =	ssyncset.s32 @!p0 $0xFFFFF086;
	s6 =	sadd.s32 @!p0 s3, s7;
	s7 =	simm.s32 @!p0 $0x108  }
0x21: {  	s3 =	sadd.s32 s3, s9;
	s6 =	sadd.s32 @!p0 $0x88, s6;
	s7 =	simm.s32 @p2 $0x1082  }
0x22: {  	[simem:s7], [sflag:s8] =	dma.local @!p0 [hbm:s6], $0xF7A  }
0x23: {  	s9 =	sor.u32 $0xD0000000, s2;
	s6 =	simm.s32 $0x108;
	_ =	swait.ge @!p0 [sflag:s8], $0x0  }
0x24: {  	s3 =	sadd.s32 $0x88, s3;
	s6 =	simm.s32 @!p1 $0x1082;
	[sflag:s4] =	ssyncset.s32 $0xFFFFF086  }
0x25: {  	[simem:s6], [sflag:s4] =	dma.local [hbm:s3], $0xF7A  }
0x26: {  	[smem:$0x3F91] =	sst s1;
	(tag) =	ssettag s2;
	_ =	strace s9  }
0x27: {  	s1 =	sld [smem:$0x3FA1]  }
0x28: {  	s2 =	sld [smem:$0x3FA2]  }
0x29: {  	s4 =	sld [smem:$0x3FA4]  }
0x2a: {  	p0 =	seq.s32 s5, $0x0;
	s5 =	sld [smem:$0x3FA5]  }
0x2b: {  	s6 =	sld [smem:$0x3FA6]  }
0x2c: {  	s7 =	sld [smem:$0x3FA7]  }
0x2d: {  	s3 =	simm.s32 $0x108;
	s8 =	sld [smem:$0x3FA8]  }
0x2e: {  	s3 =	simm.s32 @!p0 $0x1082;
	s9 =	sld [smem:$0x3FA9]  }
0x2f: {  	lr =	sadd.s32 s0, s3;
	s0 =	sld [smem:$0x3FA0]  }
0x30: {  	s3 =	sld [smem:$0x3FA3]  }
0x31: {  	[smem:$0x3FAC] =	sst s10  }
0x32: {  	s10 =	sld [smem:$0x3FAA];
	_ =	sdelay $0x3  }
0x33: {  	p0 =	seq.s32 s10, $0x1;
	s10 =	sld [smem:$0x3FAC];
	_ =	sdelay $0x3  }
0x34: {  	[smem:$0x3FAC] =	sst s10  }
0x35: {  	s10 =	sld [smem:$0x3FAB];
	_ =	sdelay $0x3  }
0x36: {  	p1 =	seq.s32 s10, $0x1;
	s10 =	sld [smem:$0x3FAC];
	_ =	sdelay $0x3  }
0x37: {  	[smem:$0x3FAC] =	sst s10  }
0x38: {  	s10 =	sld [smem:$0x3FAD]  }
0x39: {  	_ = 	snop;
	(pc) =	sbr.ind lr, $3  }
0x3a: {  	_ = 	snop  }
0x3b: {  	_ = 	snop  }
0x3c: {  	p2 =	seq.s32 s10, $0x1;
	s10 =	sld [smem:$0x3FAC]  }
0x3d: {  	_ =	shalt  }
0x3e: {  	_ =	shalt  }
0x3f: {  	_ =	shalt  }
0x40: {  	_ =	shalt  }
0x41: {  	_ =	shalt  }
0x42: {  	_ =	shalt  }
0x43: {  	_ =	shalt  }
0x44: {  	_ =	shalt  }
0x45: {  	_ =	shalt  }
0x46: {  	_ =	shalt  }
0x47: {  	_ =	shalt  }
0x48: {  	_ =	shalt  }
0x49: {  	_ =	shalt  }
0x4a: {  	_ =	shalt  }
0x4b: {  	_ =	shalt  }
0x4c: {  	_ =	shalt  }
0x4d: {  	_ =	shalt  }
0x4e: {  	_ =	shalt  }
0x4f: {  	_ =	shalt  }
0x50: {  	_ =	shalt  }
0x51: {  	_ =	shalt  }
0x52: {  	_ =	shalt  }
0x53: {  	_ =	shalt  }
0x54: {  	_ =	shalt  }
0x55: {  	_ =	shalt  }
0x56: {  	_ =	shalt  }
0x57: {  	_ =	shalt  }
0x58: {  	_ =	shalt  }
0x59: {  	_ =	shalt  }
0x5a: {  	_ =	shalt  }
0x5b: {  	_ =	shalt  }
0x5c: {  	_ =	shalt  }
0x5d: {  	_ =	shalt  }
0x5e: {  	_ =	shalt  }
0x5f: {  	_ =	shalt  }
0x60: {  	_ =	shalt  }
0x61: {  	_ =	shalt  }
0x62: {  	_ =	shalt  }
0x63: {  	_ =	shalt  }
0x64: {  	_ =	shalt  }
0x65: {  	_ =	shalt  }
0x66: {  	_ =	shalt  }
0x67: {  	_ =	shalt  }
0x68: {  	_ =	shalt  }
0x69: {  	_ =	shalt  }
0x6a: {  	_ =	shalt  }
0x6b: {  	_ =	shalt  }
0x6c: {  	_ =	shalt  }
0x6d: {  	_ =	shalt  }
0x6e: {  	_ =	shalt  }
0x6f: {  	_ =	shalt  }
0x70: {  	_ =	shalt  }
0x71: {  	_ =	shalt  }
0x72: {  	_ =	shalt  }
0x73: {  	_ =	shalt  }
0x74: {  	_ =	shalt  }
0x75: {  	_ =	shalt  }
0x76: {  	_ =	shalt  }
0x77: {  	_ =	shalt  }
0x78: {  	_ =	shalt  }
0x79: {  	_ =	shalt  }
0x7a: {  	_ =	shalt  }
0x7b: {  	_ =	shalt  }
0x7c: {  	_ =	shalt  }
0x7d: {  	_ =	shalt  }
0x7e: {  	_ =	shalt  }
0x7f: {  	_ =	shalt  }
0x80: {  	_ =	shalt  }
0x81: {  	_ =	shalt  }
0x82: {  	_ =	shalt  }
0x83: {  	_ =	shalt  }
0x84: {  	_ =	shalt  }
0x85: {  	_ =	shalt  }
0x86: {  	_ =	shalt  }
0x87: {  	_ =	shalt  }
.Lfunc_end0:
.L_simem_size_0:
called_computation.2_lowered:
.L_overlay_start_0:
0x88: {  	s2 =	sld [smem:$0x3FD9]  }
0x89: {  	s3 =	sld [smem:$0x3FFE];
	_ =	sdelay $0x1  }
0x8a: {  	s1 =	srdreg.scid  }
0x8b: {  	s0 =	sand.u32 $0x1, s1  }
0x8c: {  	s16 =	sshll.u32 s0, $0xA;
	s2 =	sadd.s32 s3, s2  }
0x8d: {  	s2 =	sadd.s32 s2, s16  }
0x8e: {  	[smem:$0x3FB8] =	sst s2  }
0x8f: {  	_ = 	snop  }
0x90: {  	(tm) =	ssettm $0x1  }
0x91: {  	s17 =	sld [smem:$0x3FFB];
	_ =	sdelay $0x3  }
0x92: {  	_ =	strace s17  }
0x93: {  	s2 =	sld [smem:$0x3FFC];
	_ =	sdelay $0x3  }
0x94: {  	_ =	strace s2  }
0x95: {  	s2 =	sld [smem:$0x3FFD];
	_ =	sdelay $0x3  }
0x96: {  	_ =	strace s2  }
0x97: {  	_ =	strace $0x8FFFFFFF  }
0x98: {  	s18 =	sld [smem:$0x3FDB];
	_ =	sdelay $0x1  }
0x99: {  	s19 =	simm.s32 $_scs_section_size  }
0x9a: {  	s4 =	simm.s32 $_size__tile_overlayer_lowered;
	s5 =	simm.s32 $_tile_overlayer_lowered  }
0x9b: {  	s22 =	simm.s32 $0x1BFF;
	s21 =	sshll.u32 s5, $0x1;
	s2 =	sadd.s32 s19, s18  }
0x9c: {  	s6 =	simm.s32 $0x0;
	s20 =	sshll.u32 s4, $0x1;
	s4 =	sadd.s32 s21, s2  }
0x9d: {  	[timem:s6], [sflag:s22] =	dma.local [hbm:s4], s20  }
0x9e: {  	_ =	swait.ge [sflag:s22], s20  }
0x9f: {  	s3 =	ssub.s32 $0x0, s20;
	[sflag:s22] =	ssyncset.done $0x0  }
0xa0: {  	[sflag:s22] =	ssyncadd.s32 s3;
	_ =	sdelay $0x1  }
0xa1: {  	s23 =	simm.s32 $0x1B8B  }
0xa2: {  	_ =	swait.ge [sflag:s23], $0x1  }
0xa3: {  	[sflag:s23] =	ssyncset.done $0x0  }
0xa4: {  	s25 =	simm.s32 $0x1B8E;
	s24 =	sld [smem:$0x3FFE];
	[sflag:s23] =	ssyncadd.s32 $0xFFFFFFFF  }
0xa5: {  	s26 =	simm.s32 $execute0_lowered;
	[smem:$0x3FD2] =	sst s25  }
0xa6: {  	s4 =	sshll.u32 s26, $0x1;
	_ =	strace $0x8000004C;
	[dreg:$0x1] =	wrdreg $0xFFFFFFFF  }
0xa7: {  	s28 =	simm.s32 $_size_execute0_lowered;
	s2 =	sadd.s32 s2, s4;
	[dreg:$0x0] =	wrdreg $0x0  }
0xa8: {  	s4 =	sshll.u32 s28, $0x1;
	[dreg:$0x2] =	wrdreg s2  }
0xa9: {  	[dreg:$0x3] =	wrdreg s4  }
0xaa: {  	[dreg:$0x4] =	wrdreg $0xC0  }
0xab: {  	_ =	task [dreg:s6], $0x5FFFF  }
0xac: {  	[dreg:$0x1] =	wrdreg $0xFFFFFFFF  }
0xad: {  	[dreg:$0x0] =	wrdreg $0x60  }
0xae: {  	[dreg:$0x2] =	wrdreg s24  }
0xaf: {  	[dreg:$0x3] =	wrdreg $0x9  }
0xb0: {  	_ =	task.clear_ibuf [dreg:s6], $0x4FFFF;
	_ =	strace $0x9000004C  }
0xb1: {  	s29 =	simm.s32 $0x9;
	_ =	strace $0x8000004E  }
0xb2: {  	_ =	swait.ge [sflag:s29], $0x1  }
0xb3: {  	[sflag:s29] =	ssyncadd.s32 $0xFFFFFFFF  }
0xb4: {  	_ =	strace $0x9000004E  }
0xb5: {  	_ =	sfence  }
0xb6: {  	s30 =	sld [smem:$0x0];
	_ =	sdelay $0x2  }
0xb7: {  	s31 =	sshll.u32 s1, $0xD;
	s1 =	sshrl.u32 s1, $0x2  }
0xb8: {  	s3 =	sand.u32 $0x4000, s31;
	s1 =	sadd.s32 s1, s30  }
0xb9: {  	s0 =	sor.u32 s3, s0;
	s1 =	sshll.u32 s1, $0x11  }
0xba: {  	s0 =	sor.u32 s1, s0  }
0xbb: {  	s0 =	sadd.s32 $0x8F2B, s0  }
0xbc: {  	[sflag:s0] =	ssyncadd.remote.s32 $0x1  }
0xbd: {  	_ =	sfence.sel $0xFFFF  }
0xbe: {  	[dreg:$0x0] =	wrdreg $0xFFFFFFFF;
	(pc) =	sbr.abs _section_cstart, $3  }
0xbf: {  	[dreg:$0x1] =	wrdreg $0xFFFFFFFF  }
0xc0: {  	_ =	task.clear_ibuf [dreg:s6], $0x2FFFF;
	_ =	strace $0x9FFFFFFF  }
0xc1: {  	(tm) =	ssettm $0x7FFFFFFF  }
tec
execute0_lowered:
.L_overlay_start_1:
0x0: {  	(tag) =	ssettag $0x1  }
0x1: {  	s0 =	srdreg.scid;
	s2 =	stileid.u32  }
0x2: {  	s4 =	rddreg [dreg:$0x0];
	s0 =	sand.u32 $0x1, s0;
	s2 =	smul.u32 $0xC400, s2  }
0x3: {  	s15 =	simm.s32 $0xC00;
	s16 =	simm.s32 $0x100;
	s1 =	smul.u32 $0xC4000, s0  }
0x4: {  	s17 =	simm.s32 $0x1000;
	s18 =	simm.s32 $0x180;
	s19 =	simm.s32 $0x1400  }
0x5: {  	s21 =	simm.s32 $0x200;
	s1 =	sadd.s32 s2, s1;
	s2 =	simm.s32 $0x0  }
0x6: {  	s22 =	simm.s32 $0x1800;
	s23 =	simm.s32 $0x280;
	[smem:$0x7FF] =	sst s2  }
0x7: {  	s25 =	simm.s32 $0x1C00;
	_ =	strace $0x8000004D;
	[dreg:$0x4] =	wrdreg s15  }
0x8: {  	s29 =	simm.s32 $0x300;
	s7 =	simm.s32 $0x2;
	[dreg:$0x5] =	wrdreg s16  }
0x9: {  	s30 =	simm.s32 $0x2000;
	s0 =	ssub.s32 $0x2, s0;
	[dreg:$0x6] =	wrdreg s17  }
0xa: {  	s8 =	simm.s32 $0x80;
	s20 =	sshrl.u32 s0, $0x1;
	[dreg:$0x7] =	wrdreg s18  }
0xb: {  	s31 =	simm.s32 $0x380;
	s0 =	ssub.s32 s0, s20;
	[dreg:$0x8] =	wrdreg s19  }
0xc: {  	s9 =	simm.s32 $0x800;
	s0 =	smax.u32 s0, $0x1;
	[dreg:$0x9] =	wrdreg s21  }
0xd: {  	s11 =	simm.s32 $0x1;
	s12 =	simm.s32 $0x400;
	[dreg:$0x10] =	wrdreg s0  }
0xe: {  	s13 =	simm.s32 $0x2800;
	s10 =	simm.s32 $0x480;
	[dreg:$0xa] =	wrdreg s22  }
0xf: {  	s14 =	simm.s32 $0x2C00;
	s28 =	simm.s32 $0x4400;
	[dreg:$0xb] =	wrdreg s23  }
0x10: {  	s20 =	simm.s32 $0x600;
	s3 =	sshrl.u32 s1, $0x3;
	[dreg:$0xc] =	wrdreg s25  }
0x11: {  	s1 =	sadd.s32 s1, s4;
	s3 =	sadd.s32 s3, s4;
	[dreg:$0xd] =	wrdreg s29  }
0x12: {  	s24 =	sadd.s32 $0x52DE00, s1;
	s26 =	sadd.s32 $0x6B5E00, s1;
	[dreg:$0xe] =	wrdreg s30  }
0x13: {  	[dreg:$0xf] =	wrdreg s31;
	s1 =	simm.s32 $0x2400;
	s15 =	simm.s32 $0x500  }
0x14: {  	s16 =	simm.s32 $0x3000;
	s18 =	simm.s32 $0x580;
	s19 =	simm.s32 $0x3400  }
0x15: {  	s21 =	simm.s32 $0x3800;
	s22 =	simm.s32 $0x680;
	s23 =	simm.s32 $0x3C00  }
0x16: {  	s25 =	simm.s32 $0x4000;
	s17 =	simm.s32 $0x2400;
	[dreg:$0x11] =	wrdreg s24  }
0x17: {  	s5 =	sadd.s32 $0x4400, s3;
	s3 =	sadd.s32 $0x35400, s3;
	[dreg:$0x12] =	wrdreg s26  }
0x18: {  	s24 =	simm.s32 $0x700;
	s26 =	simm.s32 $0x780;
	[dreg:$0x2] =	wrdreg s5  }
0x19: {  	[dreg:$0x3] =	wrdreg s3;
	s3 =	sadd.s32 $0x4FA200, s4;
	s4 =	simm.s32 $0x0  }
.LBB2_1:
0x1a: {  	s6 =	rddreg [dreg:$0x3]  }
0x1b: {  	[dreg:$0x13] =	wrdreg s4;
	s4 =	sadd.s32 $0x0, s6  }
0x1c: {  	[tilespmem:s2], [sflag:$0x2] =	stream.linear.gather [hbm4b:s4+s2], $0x400, $0x38;
	[tilespmem:$0x4800] =	vst v63  }
0x1d: {  	_ =	swait.ge [sflag:s7], $0x400  }
0x1e: {  	s29 =	rddreg [dreg:$0x5]  }
0x1f: {  	[sflag:s7] =	ssyncset.done $0x0;
	s5 =	rddreg [dreg:$0x4]  }
0x20: {  	s6 =	rddreg [dreg:$0x6];
	[sflag:s7] =	ssyncadd.s32 $0xFFFFFC00  }
0x21: {  	[tilespmem:s9], [sflag:$0x1] =	stream.indirect.gather [hbm4b:s3+s8], $0x4, s2, s8, $0xb8;
	[tilespmem:$0x4800] =	vst v63  }
0x22: {  	s30 =	rddreg [dreg:$0x8]  }
0x23: {  	[tilespmem:s5], [sflag:$0x1] =	stream.indirect.gather [hbm4b:s3+s8], $0x4, s8, s8, $0xb8;
	[tilespmem:$0x4800] =	vst v63  }
0x24: {  	s0 =	rddreg [dreg:$0x7]  }
0x25: {  	[tilespmem:s6], [sflag:$0x1] =	stream.indirect.gather [hbm4b:s3+s8], $0x4, s29, s8, $0xb8;
	[tilespmem:$0x4800] =	vst v63  }
0x26: {  	s6 =	rddreg [dreg:$0xa]  }
0x27: {  	s29 =	rddreg [dreg:$0x9]  }
0x28: {  	[tilespmem:s30], [sflag:$0x1] =	stream.indirect.gather [hbm4b:s3+s8], $0x4, s0, s8, $0xb8;
	[tilespmem:$0x4800] =	vst v63  }
0x29: {  	s0 =	rddreg [dreg:$0xc]  }
0x2a: {  	s30 =	rddreg [dreg:$0xb]  }
0x2b: {  	[tilespmem:s6], [sflag:$0x1] =	stream.indirect.gather [hbm4b:s3+s8], $0x4, s29, s8, $0xb8;
	[tilespmem:$0x4800] =	vst v63  }
0x2c: {  	s6 =	rddreg [dreg:$0xe]  }
0x2d: {  	[tilespmem:s0], [sflag:$0x1] =	stream.indirect.gather [hbm4b:s3+s8], $0x4, s30, s8, $0xb8;
	[tilespmem:$0x4800] =	vst v63  }
0x2e: {  	s29 =	rddreg [dreg:$0xd]  }
0x2f: {  	[tilespmem:s6], [sflag:$0x1] =	stream.indirect.gather [hbm4b:s3+s8], $0x4, s29, s8, $0xb8;
	[tilespmem:$0x4800] =	vst v63  }
0x30: {  	s0 =	rddreg [dreg:$0xf]  }
0x31: {  	[tilespmem:s1], [sflag:$0x1] =	stream.indirect.gather [hbm4b:s3+s8], $0x4, s0, s8, $0xb8;
	[tilespmem:$0x4800] =	vst v63  }
0x32: {  	_ =	swait.ge [sflag:s11], $0x200  }
0x33: {  	[sflag:s11] =	ssyncset.done $0x0  }
0x34: {  	[sflag:s11] =	ssyncadd.s32 $0xFFFFFE00  }
0x35: {  	_ =	swait.ge [sflag:s11], $0x200  }
0x36: {  	[sflag:s11] =	ssyncset.done $0x0  }
0x37: {  	[sflag:s11] =	ssyncadd.s32 $0xFFFFFE00  }
0x38: {  	_ =	swait.ge [sflag:s11], $0x200  }
0x39: {  	[sflag:s11] =	ssyncset.done $0x0  }
0x3a: {  	[sflag:s11] =	ssyncadd.s32 $0xFFFFFE00  }
0x3b: {  	_ =	swait.ge [sflag:s11], $0x200  }
0x3c: {  	[sflag:s11] =	ssyncset.done $0x0  }
0x3d: {  	[sflag:s11] =	ssyncadd.s32 $0xFFFFFE00  }
0x3e: {  	_ =	swait.ge [sflag:s11], $0x200  }
0x3f: {  	[sflag:s11] =	ssyncset.done $0x0  }
0x40: {  	[sflag:s11] =	ssyncadd.s32 $0xFFFFFE00  }
0x41: {  	_ =	swait.ge [sflag:s11], $0x200  }
0x42: {  	[sflag:s11] =	ssyncset.done $0x0  }
0x43: {  	[sflag:s11] =	ssyncadd.s32 $0xFFFFFE00  }
0x44: {  	_ =	swait.ge [sflag:s11], $0x200  }
0x45: {  	[sflag:s11] =	ssyncset.done $0x0  }
0x46: {  	[sflag:s11] =	ssyncadd.s32 $0xFFFFFE00  }
0x47: {  	_ =	swait.ge [sflag:s11], $0x200  }
0x48: {  	[sflag:s11] =	ssyncset.done $0x0  }
0x49: {  	s6 =	rddreg [dreg:$0x12];
	[sflag:s11] =	ssyncadd.s32 $0xFFFFFE00  }
0x4a: {  	[hbm4b:s6+s2] =	stream.linear.scatter [tilespmem:s9], [sflag:$0x2], $0x2000, $0x38;
	[tilespmem:$0x4800] =	vst v63  }
0x4b: {  	_ =	swait.ge [sflag:s7], $0x2000  }
0x4c: {  	s29 =	rddreg [dreg:$0x2];
	[sflag:s7] =	ssyncset.done $0x0  }
0x4d: {  	[sflag:s7] =	ssyncadd.s32 $0xFFFFE000;
	s4 =	sadd.s32 $0x0, s29  }
0x4e: {  	[tilespmem:s12], [sflag:$0x2] =	stream.linear.gather [hbm4b:s4+s2], $0x400, $0x38;
	[tilespmem:$0x4800] =	vst v63  }
0x4f: {  	_ =	swait.ge [sflag:s7], $0x400  }
0x50: {  	[sflag:s7] =	ssyncset.done $0x0  }
0x51: {  	[sflag:s7] =	ssyncadd.s32 $0xFFFFFC00  }
0x52: {  	[tilespmem:s13], [sflag:$0x1] =	stream.indirect.gather [hbm4b:s3+s8], $0x4, s12, s8, $0xb8;
	[tilespmem:$0x4800] =	vst v63  }
0x53: {  	_ = 	snop  }
0x54: {  	[tilespmem:s14], [sflag:$0x1] =	stream.indirect.gather [hbm4b:s3+s8], $0x4, s10, s8, $0xb8;
	[tilespmem:$0x4800] =	vst v63  }
0x55: {  	_ = 	snop  }
0x56: {  	[tilespmem:s16], [sflag:$0x1] =	stream.indirect.gather [hbm4b:s3+s8], $0x4, s15, s8, $0xb8;
	[tilespmem:$0x4800] =	vst v63  }
0x57: {  	_ = 	snop  }
0x58: {  	[tilespmem:s19], [sflag:$0x1] =	stream.indirect.gather [hbm4b:s3+s8], $0x4, s18, s8, $0xb8;
	[tilespmem:$0x4800] =	vst v63  }
0x59: {  	_ = 	snop  }
0x5a: {  	[tilespmem:s21], [sflag:$0x1] =	stream.indirect.gather [hbm4b:s3+s8], $0x4, s20, s8, $0xb8;
	[tilespmem:$0x4800] =	vst v63  }
0x5b: {  	_ = 	snop  }
0x5c: {  	[tilespmem:s23], [sflag:$0x1] =	stream.indirect.gather [hbm4b:s3+s8], $0x4, s22, s8, $0xb8;
	[tilespmem:$0x4800] =	vst v63  }
0x5d: {  	_ = 	snop  }
0x5e: {  	[tilespmem:s25], [sflag:$0x1] =	stream.indirect.gather [hbm4b:s3+s8], $0x4, s24, s8, $0xb8;
	[tilespmem:$0x4800] =	vst v63  }
0x5f: {  	_ = 	snop  }
0x60: {  	[tilespmem:s28], [sflag:$0x1] =	stream.indirect.gather [hbm4b:s3+s8], $0x4, s26, s8, $0xb8;
	[tilespmem:$0x4800] =	vst v63  }
0x61: {  	_ =	swait.ge [sflag:s11], $0x200  }
0x62: {  	[sflag:s11] =	ssyncset.done $0x0  }
0x63: {  	[sflag:s11] =	ssyncadd.s32 $0xFFFFFE00  }
0x64: {  	_ =	swait.ge [sflag:s11], $0x200  }
0x65: {  	[sflag:s11] =	ssyncset.done $0x0  }
0x66: {  	[sflag:s11] =	ssyncadd.s32 $0xFFFFFE00  }
0x67: {  	_ =	swait.ge [sflag:s11], $0x200  }
0x68: {  	[sflag:s11] =	ssyncset.done $0x0  }
0x69: {  	[sflag:s11] =	ssyncadd.s32 $0xFFFFFE00  }
0x6a: {  	_ =	swait.ge [sflag:s11], $0x200  }
0x6b: {  	[sflag:s11] =	ssyncset.done $0x0  }
0x6c: {  	[sflag:s11] =	ssyncadd.s32 $0xFFFFFE00  }
0x6d: {  	_ =	swait.ge [sflag:s11], $0x200  }
0x6e: {  	[sflag:s11] =	ssyncset.done $0x0  }
0x6f: {  	[sflag:s11] =	ssyncadd.s32 $0xFFFFFE00  }
0x70: {  	_ =	swait.ge [sflag:s11], $0x200  }
0x71: {  	[sflag:s11] =	ssyncset.done $0x0  }
0x72: {  	[sflag:s11] =	ssyncadd.s32 $0xFFFFFE00  }
0x73: {  	_ =	swait.ge [sflag:s11], $0x200  }
0x74: {  	[sflag:s11] =	ssyncset.done $0x0  }
0x75: {  	[sflag:s11] =	ssyncadd.s32 $0xFFFFFE00  }
0x76: {  	_ =	swait.ge [sflag:s11], $0x200  }
0x77: {  	s5 =	rddreg [dreg:$0x11]  }
0x78: {  	s30 =	simm.s32 $0x80;
	s31 =	smov.u32 s5  }
.LBB2_2:
0x79: {  	[sflag:s11] =	ssyncset.done $0x0  }
0x7a: {  	[sflag:s11] =	ssyncadd.s32 $0xFFFFFE00  }
0x7b: {  	[hbm4b:s5+s2] =	stream.linear.scatter [tilespmem:s13], [sflag:$0x2], $0x2000, $0x38;
	[tilespmem:$0x4800] =	vst v63  }
0x7c: {  	_ =	swait.ge [sflag:s7], $0x2000  }
0x7d: {  	s4 =	smov.u32 s30;
	s0 =	rddreg [dreg:$0x3];
	[sflag:s7] =	ssyncset.done $0x0  }
0x7e: {  	[sflag:s7] =	ssyncadd.s32 $0xFFFFE000;
	s0 =	sadd.s32 s4, s0  }
0x7f: {  	[tilespmem:s2], [sflag:$0x2] =	stream.linear.gather [hbm4b:s0+s2], $0x400, $0x38;
	[tilespmem:$0x4800] =	vst v63  }
0x80: {  	_ =	swait.ge [sflag:s7], $0x400  }
0x81: {  	s0 =	rddreg [dreg:$0xe]  }
0x82: {  	s1 =	rddreg [dreg:$0xc]  }
0x83: {  	s29 =	rddreg [dreg:$0xa]  }
0x84: {  	s10 =	rddreg [dreg:$0x5];
	[sflag:s7] =	ssyncset.done $0x0  }
0x85: {  	s14 =	rddreg [dreg:$0x4];
	[sflag:s7] =	ssyncadd.s32 $0xFFFFFC00  }
0x86: {  	[tilespmem:s9], [sflag:$0x1] =	stream.indirect.gather [hbm4b:s3+s8], $0x4, s2, s8, $0xb8;
	[tilespmem:$0x4800] =	vst v63  }
0x87: {  	s15 =	rddreg [dreg:$0x6]  }
0x88: {  	[tilespmem:s14], [sflag:$0x1] =	stream.indirect.gather [hbm4b:s3+s8], $0x4, s8, s8, $0xb8;
	[tilespmem:$0x4800] =	vst v63  }
0x89: {  	s16 =	rddreg [dreg:$0x8]  }
0x8a: {  	[tilespmem:s15], [sflag:$0x1] =	stream.indirect.gather [hbm4b:s3+s8], $0x4, s10, s8, $0xb8;
	[tilespmem:$0x4800] =	vst v63  }
0x8b: {  	s14 =	rddreg [dreg:$0x7]  }
0x8c: {  	[tilespmem:s16], [sflag:$0x1] =	stream.indirect.gather [hbm4b:s3+s8], $0x4, s14, s8, $0xb8;
	[tilespmem:$0x4800] =	vst v63  }
0x8d: {  	s10 =	rddreg [dreg:$0x9]  }
0x8e: {  	[tilespmem:s29], [sflag:$0x1] =	stream.indirect.gather [hbm4b:s3+s8], $0x4, s10, s8, $0xb8;
	[tilespmem:$0x4800] =	vst v63  }
0x8f: {  	s14 =	rddreg [dreg:$0xb]  }
0x90: {  	[tilespmem:s1], [sflag:$0x1] =	stream.indirect.gather [hbm4b:s3+s8], $0x4, s14, s8, $0xb8;
	[tilespmem:$0x4800] =	vst v63  }
0x91: {  	s10 =	rddreg [dreg:$0xd]  }
0x92: {  	[tilespmem:s0], [sflag:$0x1] =	stream.indirect.gather [hbm4b:s3+s8], $0x4, s10, s8, $0xb8;
	[tilespmem:$0x4800] =	vst v63  }
0x93: {  	s29 =	rddreg [dreg:$0xf]  }
0x94: {  	[tilespmem:s17], [sflag:$0x1] =	stream.indirect.gather [hbm4b:s3+s8], $0x4, s29, s8, $0xb8;
	[tilespmem:$0x4800] =	vst v63  }
0x95: {  	_ =	swait.ge [sflag:s11], $0x200  }
0x96: {  	[sflag:s11] =	ssyncset.done $0x0  }
0x97: {  	[sflag:s11] =	ssyncadd.s32 $0xFFFFFE00  }
0x98: {  	_ =	swait.ge [sflag:s11], $0x200  }
0x99: {  	[sflag:s11] =	ssyncset.done $0x0  }
0x9a: {  	[sflag:s11] =	ssyncadd.s32 $0xFFFFFE00  }
0x9b: {  	_ =	swait.ge [sflag:s11], $0x200  }
0x9c: {  	[sflag:s11] =	ssyncset.done $0x0  }
0x9d: {  	[sflag:s11] =	ssyncadd.s32 $0xFFFFFE00  }
0x9e: {  	_ =	swait.ge [sflag:s11], $0x200  }
0x9f: {  	[sflag:s11] =	ssyncset.done $0x0  }
0xa0: {  	[sflag:s11] =	ssyncadd.s32 $0xFFFFFE00  }
0xa1: {  	_ =	swait.ge [sflag:s11], $0x200  }
0xa2: {  	[sflag:s11] =	ssyncset.done $0x0  }
0xa3: {  	[sflag:s11] =	ssyncadd.s32 $0xFFFFFE00  }
0xa4: {  	_ =	swait.ge [sflag:s11], $0x200  }
0xa5: {  	[sflag:s11] =	ssyncset.done $0x0  }
0xa6: {  	[sflag:s11] =	ssyncadd.s32 $0xFFFFFE00  }
0xa7: {  	_ =	swait.ge [sflag:s11], $0x200  }
0xa8: {  	[sflag:s11] =	ssyncset.done $0x0  }
0xa9: {  	[sflag:s11] =	ssyncadd.s32 $0xFFFFFE00  }
0xaa: {  	_ =	swait.ge [sflag:s11], $0x200  }
0xab: {  	[sflag:s11] =	ssyncset.done $0x0  }
0xac: {  	s6 =	sadd.s32 $0x400, s6;
	[sflag:s11] =	ssyncadd.s32 $0xFFFFFE00  }
0xad: {  	[hbm4b:s6+s2] =	stream.linear.scatter [tilespmem:s9], [sflag:$0x2], $0x2000, $0x38;
	[tilespmem:$0x4800] =	vst v63  }
0xae: {  	_ =	swait.ge [sflag:s7], $0x2000  }
0xaf: {  	s29 =	rddreg [dreg:$0x2];
	[sflag:s7] =	ssyncset.done $0x0  }
0xb0: {  	[sflag:s7] =	ssyncadd.s32 $0xFFFFE000;
	s0 =	sadd.s32 s4, s29  }
0xb1: {  	[tilespmem:s12], [sflag:$0x2] =	stream.linear.gather [hbm4b:s0+s2], $0x400, $0x38;
	[tilespmem:$0x4800] =	vst v63  }
0xb2: {  	_ =	swait.ge [sflag:s7], $0x400  }
0xb3: {  	[sflag:s7] =	ssyncset.done $0x0  }
0xb4: {  	[sflag:s7] =	ssyncadd.s32 $0xFFFFFC00  }
0xb5: {  	[tilespmem:s13], [sflag:$0x1] =	stream.indirect.gather [hbm4b:s3+s8], $0x4, s12, s8, $0xb8;
	[tilespmem:$0x4800] =	vst v63  }
0xb6: {  	s14 =	simm.s32 $0x2C00;
	s10 =	simm.s32 $0x480  }
0xb7: {  	[tilespmem:s14], [sflag:$0x1] =	stream.indirect.gather [hbm4b:s3+s8], $0x4, s10, s8, $0xb8;
	[tilespmem:$0x4800] =	vst v63  }
0xb8: {  	s15 =	simm.s32 $0x500;
	s16 =	simm.s32 $0x3000  }
0xb9: {  	[tilespmem:s16], [sflag:$0x1] =	stream.indirect.gather [hbm4b:s3+s8], $0x4, s15, s8, $0xb8;
	[tilespmem:$0x4800] =	vst v63  }
0xba: {  	_ = 	snop  }
0xbb: {  	[tilespmem:s19], [sflag:$0x1] =	stream.indirect.gather [hbm4b:s3+s8], $0x4, s18, s8, $0xb8;
	[tilespmem:$0x4800] =	vst v63  }
0xbc: {  	_ = 	snop  }
0xbd: {  	[tilespmem:s21], [sflag:$0x1] =	stream.indirect.gather [hbm4b:s3+s8], $0x4, s20, s8, $0xb8;
	[tilespmem:$0x4800] =	vst v63  }
0xbe: {  	_ = 	snop  }
0xbf: {  	[tilespmem:s23], [sflag:$0x1] =	stream.indirect.gather [hbm4b:s3+s8], $0x4, s22, s8, $0xb8;
	[tilespmem:$0x4800] =	vst v63  }
0xc0: {  	_ = 	snop  }
0xc1: {  	[tilespmem:s25], [sflag:$0x1] =	stream.indirect.gather [hbm4b:s3+s8], $0x4, s24, s8, $0xb8;
	[tilespmem:$0x4800] =	vst v63  }
0xc2: {  	_ = 	snop  }
0xc3: {  	[tilespmem:s28], [sflag:$0x1] =	stream.indirect.gather [hbm4b:s3+s8], $0x4, s26, s8, $0xb8;
	[tilespmem:$0x4800] =	vst v63  }
0xc4: {  	_ =	swait.ge [sflag:s11], $0x200  }
0xc5: {  	[sflag:s11] =	ssyncset.done $0x0  }
0xc6: {  	[sflag:s11] =	ssyncadd.s32 $0xFFFFFE00  }
0xc7: {  	_ =	swait.ge [sflag:s11], $0x200  }
0xc8: {  	[sflag:s11] =	ssyncset.done $0x0  }
0xc9: {  	[sflag:s11] =	ssyncadd.s32 $0xFFFFFE00  }
0xca: {  	_ =	swait.ge [sflag:s11], $0x200  }
0xcb: {  	[sflag:s11] =	ssyncset.done $0x0  }
0xcc: {  	[sflag:s11] =	ssyncadd.s32 $0xFFFFFE00  }
0xcd: {  	_ =	swait.ge [sflag:s11], $0x200  }
0xce: {  	[sflag:s11] =	ssyncset.done $0x0  }
0xcf: {  	[sflag:s11] =	ssyncadd.s32 $0xFFFFFE00  }
0xd0: {  	_ =	swait.ge [sflag:s11], $0x200  }
0xd1: {  	[sflag:s11] =	ssyncset.done $0x0  }
0xd2: {  	[sflag:s11] =	ssyncadd.s32 $0xFFFFFE00  }
0xd3: {  	_ =	swait.ge [sflag:s11], $0x200  }
0xd4: {  	p0 =	sne.s32 s30, $0x1800;
	[sflag:s11] =	ssyncset.done $0x0  }
.Ltmp0:
0xd5: {  	[sflag:s11] =	ssyncadd.s32 $0xFFFFFE00;
	(pc) =	sbr.rel @p0 .LBB2_2-.Ltmp0, $4  }
0xd6: {  	_ =	swait.ge [sflag:s11], $0x200  }
0xd7: {  	[sflag:s11] =	ssyncset.done $0x0  }
0xd8: {  	s31 =	sadd.s32 $0x400, s31;
	s30 =	sadd.s32 $0x80, s30;
	[sflag:s11] =	ssyncadd.s32 $0xFFFFFE00  }
0xd9: {  	s5 =	smov.u32 s31;
	s1 =	simm.s32 $0x2400;
	_ =	swait.ge [sflag:s11], $0x200  }
0xda: {  	[sflag:s11] =	ssyncset.done $0x0  }
0xdb: {  	[sflag:s11] =	ssyncadd.s32 $0xFFFFFE00  }
0xdc: {  	[hbm4b:s5+s2] =	stream.linear.scatter [tilespmem:s13], [sflag:$0x2], $0x2000, $0x38;
	[tilespmem:$0x4800] =	vst v63  }
0xdd: {  	_ =	swait.ge [sflag:s7], $0x2000  }
0xde: {  	s4 =	rddreg [dreg:$0x13]  }
0xdf: {  	s0 =	rddreg [dreg:$0x10];
	s4 =	sadd.s32 $0x1, s4  }
0xe0: {  	p0 =	sne.s32 s4, s0  }
.Ltmp1:
0xe1: {  	_ = 	snop;
	(pc) =	sbr.rel @p0 .LBB2_1-.Ltmp1, $3  }
0xe2: {  	_ =	sdelay $0x1  }
0xe3: {  	[sflag:s7] =	ssyncset.done $0x0  }
0xe4: {  	[sflag:s7] =	ssyncadd.s32 $0xFFFFE000  }
0xe5: {  	_ =	sfence.sel $0x180000  }
0xe6: {  	[bflag:$0x0] =	sbarrier.arrive $0xFFFF  }
0xe7: {  	_ =	strace $0x9000004D  }
0xe8: {  	s0 =	stileid.u32;
	[bflag:$0x2] =	sbarrier.arrive $0xFFFF  }
0xe9: {  	p0 =	sne.s32 s0, $0x0;
	s0 =	rddreg [dreg:$0x1]  }
0xea: {  	s0 =	sadd.s32 @!p0 $0x100000, s0  }
0xeb: {  	[sflag:s0] =	ssyncadd.tile.s32 @!p0 $0x1;
	_ =	shalt  }
.Lfunc_end2:
_tile_overlayer_lowered:
.L_overlay_start_2:
0xec: {  	(tag) =	ssettag $0x2  }
0xed: {  	s0 =	rddreg [dreg:$0x0];
	s2 =	stileid.u32  }
0xee: {  	s1 =	rddreg [dreg:$0x1];
	p0 =	sne.s32 s2, $0x0  }
0xef: {  	s3 =	rddreg [dreg:$0x2];
	[bflag:$0x3] =	sbarrier.arrive $0xFFFF;
	s2 =	simm.s32 @!p0 $0x1C02  }
0xf0: {  	[timem:s3], [sflag:s2] =	dma.local @!p0 [hbm:s0], s1  }
0xf1: {  	s0 =	simm.s32 @!p0 $0x2  }
0xf2: {  	_ =	swait.ge @!p0 [sflag:s0], s1  }
0xf3: {  	s1 =	ssub.s32 @!p0 $0x0, s1;
	[sflag:s0] =	ssyncset.done @!p0 $0x0  }
0xf4: {  	[sflag:s0] =	ssyncadd.s32 @!p0 s1  }
0xf5: {  	[bflag:$0x3] =	sbarrier.arrive $0xFFFF  }
0xf6: {  	_ =	shalt  }

// kernel: kernel.20.cloned.1.call-start
scs
__scs_entry_jumppad:
0x0: {  	(pc) =	sbr.rel $0x88, $3  }
0x1: {  	(tag) =	ssettag $0x0;
	lr =	simm.s32 $0x1  }
0x2: {  	[smem:$0x3F91] =	sst lr;
	_ =	strace $0xD0000000  }
0x3: {  	_ = 	snop  }
0x4: {  	_ = 	snop  }
0x5: {  	_ = 	snop  }
0x6: {  	_ = 	snop  }
0x7: {  	_ = 	snop  }
__scs_overlays_trampoline_lowered:
0x8: {  	[smem:$0x3FA0] =	sst s0  }
0x9: {  	[smem:$0x3FA1] =	sst s1  }
0xa: {  	[smem:$0x3FA2] =	sst s2  }
0xb: {  	[smem:$0x3FA3] =	sst s3  }
0xc: {  	[smem:$0x3FA4] =	sst s4  }
0xd: {  	[smem:$0x3FA5] =	sst s5  }
0xe: {  	[smem:$0x3FA6] =	sst s6  }
0xf: {  	[smem:$0x3FA7] =	sst s7  }
0x10: {  	[smem:$0x3FA8] =	sst s8  }
0x11: {  	[smem:$0x3FA9] =	sst s9;
	s0 =	simm.s32 @!p0 $0x0  }
0x12: {  	s1 =	sld [smem:$0x3F8F];
	s0 =	simm.s32 @p0 $0x1  }
0x13: {  	[smem:$0x3FAA] =	sst s0;
	s0 =	simm.s32 @!p1 $0x0  }
0x14: {  	s2 =	sld [smem:$0x3F8E];
	s0 =	simm.s32 @p1 $0x1  }
0x15: {  	[smem:$0x3FAB] =	sst s0;
	s0 =	simm.s32 @!p2 $0x0  }
0x16: {  	s3 =	sld [smem:$0x3FDB];
	s0 =	simm.s32 @p2 $0x1  }
0x17: {  	s4 =	simm.s32 $0x1BF5;
	[smem:$0x3FAD] =	sst s0  }
0x18: {  	s0 =	sld [smem:$0x3F90];
	_ =	swait.ge [sflag:s4], $0x0  }
0x19: {  	s7 =	sld [smem:$0x3F91]  }
0x1a: {  	s8 =	sadd.s32 $0xFFFFE003, lr  }
0x1b: {  	s9 =	sadd.s32 $0xFFFFFEF7, lr;
	s5 =	simm.s32 $0xFFFFFFFF;
	p2 =	slt.u32 s8, $0xFFFFF086  }
0x1c: {  	p1 =	slt.u32 s9, $0xF7A;
	s5 =	simm.s32 @!p2 $0x0  }
0x1d: {  	s5 =	simm.s32 @p1 $0x1;
	p0 =	seq.s32 s7, s2  }
0x1e: {  	s7 =	smul.u32 @!p0 $0xF7A, s2;
	p2 =	seq.s32 @!p0 s5, $0x0  }
0x1f: {  	s9 =	smul.u32 $0xF7A, s1;
	s8 =	simm.s32 @!p0 $0x1BF5;
	p2 =	por !p2, p0  }
0x20: {  	[sflag:s8] =	ssyncset.s32 @!p0 $0xFFFFF086;
	s6 =	sadd.s32 @!p0 s3, s7;
	s7 =	simm.s32 @!p0 $0x108  }
0x21: {  	s3 =	sadd.s32 s3, s9;
	s6 =	sadd.s32 @!p0 $0x88, s6;
	s7 =	simm.s32 @p2 $0x1082  }
0x22: {  	[simem:s7], [sflag:s8] =	dma.local @!p0 [hbm:s6], $0xF7A  }
0x23: {  	s9 =	sor.u32 $0xD0000000, s2;
	s6 =	simm.s32 $0x108;
	_ =	swait.ge @!p0 [sflag:s8], $0x0  }
0x24: {  	s3 =	sadd.s32 $0x88, s3;
	s6 =	simm.s32 @!p1 $0x1082;
	[sflag:s4] =	ssyncset.s32 $0xFFFFF086  }
0x25: {  	[simem:s6], [sflag:s4] =	dma.local [hbm:s3], $0xF7A  }
0x26: {  	[smem:$0x3F91] =	sst s1;
	(tag) =	ssettag s2;
	_ =	strace s9  }
0x27: {  	s1 =	sld [smem:$0x3FA1]  }
0x28: {  	s2 =	sld [smem:$0x3FA2]  }
0x29: {  	s4 =	sld [smem:$0x3FA4]  }
0x2a: {  	p0 =	seq.s32 s5, $0x0;
	s5 =	sld [smem:$0x3FA5]  }
0x2b: {  	s6 =	sld [smem:$0x3FA6]  }
0x2c: {  	s7 =	sld [smem:$0x3FA7]  }
0x2d: {  	s3 =	simm.s32 $0x108;
	s8 =	sld [smem:$0x3FA8]  }
0x2e: {  	s3 =	simm.s32 @!p0 $0x1082;
	s9 =	sld [smem:$0x3FA9]  }
0x2f: {  	lr =	sadd.s32 s0, s3;
	s0 =	sld [smem:$0x3FA0]  }
0x30: {  	s3 =	sld [smem:$0x3FA3]  }
0x31: {  	[smem:$0x3FAC] =	sst s10  }
0x32: {  	s10 =	sld [smem:$0x3FAA];
	_ =	sdelay $0x3  }
0x33: {  	p0 =	seq.s32 s10, $0x1;
	s10 =	sld [smem:$0x3FAC];
	_ =	sdelay $0x3  }
0x34: {  	[smem:$0x3FAC] =	sst s10  }
0x35: {  	s10 =	sld [smem:$0x3FAB];
	_ =	sdelay $0x3  }
0x36: {  	p1 =	seq.s32 s10, $0x1;
	s10 =	sld [smem:$0x3FAC];
	_ =	sdelay $0x3  }
0x37: {  	[smem:$0x3FAC] =	sst s10  }
0x38: {  	s10 =	sld [smem:$0x3FAD]  }
0x39: {  	_ = 	snop;
	(pc) =	sbr.ind lr, $3  }
0x3a: {  	_ = 	snop  }
0x3b: {  	_ = 	snop  }
0x3c: {  	p2 =	seq.s32 s10, $0x1;
	s10 =	sld [smem:$0x3FAC]  }
0x3d: {  	_ =	shalt  }
0x3e: {  	_ =	shalt  }
0x3f: {  	_ =	shalt  }
0x40: {  	_ =	shalt  }
0x41: {  	_ =	shalt  }
0x42: {  	_ =	shalt  }
0x43: {  	_ =	shalt  }
0x44: {  	_ =	shalt  }
0x45: {  	_ =	shalt  }
0x46: {  	_ =	shalt  }
0x47: {  	_ =	shalt  }
0x48: {  	_ =	shalt  }
0x49: {  	_ =	shalt  }
0x4a: {  	_ =	shalt  }
0x4b: {  	_ =	shalt  }
0x4c: {  	_ =	shalt  }
0x4d: {  	_ =	shalt  }
0x4e: {  	_ =	shalt  }
0x4f: {  	_ =	shalt  }
0x50: {  	_ =	shalt  }
0x51: {  	_ =	shalt  }
0x52: {  	_ =	shalt  }
0x53: {  	_ =	shalt  }
0x54: {  	_ =	shalt  }
0x55: {  	_ =	shalt  }
0x56: {  	_ =	shalt  }
0x57: {  	_ =	shalt  }
0x58: {  	_ =	shalt  }
0x59: {  	_ =	shalt  }
0x5a: {  	_ =	shalt  }
0x5b: {  	_ =	shalt  }
0x5c: {  	_ =	shalt  }
0x5d: {  	_ =	shalt  }
0x5e: {  	_ =	shalt  }
0x5f: {  	_ =	shalt  }
0x60: {  	_ =	shalt  }
0x61: {  	_ =	shalt  }
0x62: {  	_ =	shalt  }
0x63: {  	_ =	shalt  }
0x64: {  	_ =	shalt  }
0x65: {  	_ =	shalt  }
0x66: {  	_ =	shalt  }
0x67: {  	_ =	shalt  }
0x68: {  	_ =	shalt  }
0x69: {  	_ =	shalt  }
0x6a: {  	_ =	shalt  }
0x6b: {  	_ =	shalt  }
0x6c: {  	_ =	shalt  }
0x6d: {  	_ =	shalt  }
0x6e: {  	_ =	shalt  }
0x6f: {  	_ =	shalt  }
0x70: {  	_ =	shalt  }
0x71: {  	_ =	shalt  }
0x72: {  	_ =	shalt  }
0x73: {  	_ =	shalt  }
0x74: {  	_ =	shalt  }
0x75: {  	_ =	shalt  }
0x76: {  	_ =	shalt  }
0x77: {  	_ =	shalt  }
0x78: {  	_ =	shalt  }
0x79: {  	_ =	shalt  }
0x7a: {  	_ =	shalt  }
0x7b: {  	_ =	shalt  }
0x7c: {  	_ =	shalt  }
0x7d: {  	_ =	shalt  }
0x7e: {  	_ =	shalt  }
0x7f: {  	_ =	shalt  }
0x80: {  	_ =	shalt  }
0x81: {  	_ =	shalt  }
0x82: {  	_ =	shalt  }
0x83: {  	_ =	shalt  }
0x84: {  	_ =	shalt  }
0x85: {  	_ =	shalt  }
0x86: {  	_ =	shalt  }
0x87: {  	_ =	shalt  }
.Lfunc_end0:
.L_simem_size_0:
called_computation.3_lowered:
.L_overlay_start_0:
0x88: {  	s2 =	sld [smem:$0x3FD9]  }
0x89: {  	s3 =	sld [smem:$0x3FFE];
	_ =	sdelay $0x1  }
0x8a: {  	s1 =	srdreg.scid  }
0x8b: {  	s0 =	sand.u32 $0x1, s1  }
0x8c: {  	s16 =	sshll.u32 s0, $0xA;
	s2 =	sadd.s32 s3, s2  }
0x8d: {  	s2 =	sadd.s32 s2, s16  }
0x8e: {  	[smem:$0x3FB8] =	sst s2  }
0x8f: {  	_ = 	snop  }
0x90: {  	(tm) =	ssettm $0x1  }
0x91: {  	s17 =	sld [smem:$0x3FFB];
	_ =	sdelay $0x3  }
0x92: {  	_ =	strace s17  }
0x93: {  	s2 =	sld [smem:$0x3FFC];
	_ =	sdelay $0x3  }
0x94: {  	_ =	strace s2  }
0x95: {  	s2 =	sld [smem:$0x3FFD];
	_ =	sdelay $0x3  }
0x96: {  	_ =	strace s2  }
0x97: {  	_ =	strace $0x8FFFFFFF  }
0x98: {  	s18 =	sld [smem:$0x3FDB];
	_ =	sdelay $0x1  }
0x99: {  	s19 =	simm.s32 $_scs_section_size  }
0x9a: {  	s4 =	simm.s32 $_size__tile_overlayer_lowered;
	s5 =	simm.s32 $_tile_overlayer_lowered  }
0x9b: {  	s22 =	simm.s32 $0x1BFF;
	s21 =	sshll.u32 s5, $0x1;
	s2 =	sadd.s32 s19, s18  }
0x9c: {  	s6 =	simm.s32 $0x0;
	s20 =	sshll.u32 s4, $0x1;
	s4 =	sadd.s32 s21, s2  }
0x9d: {  	[timem:s6], [sflag:s22] =	dma.local [hbm:s4], s20  }
0x9e: {  	_ =	swait.ge [sflag:s22], s20  }
0x9f: {  	s3 =	ssub.s32 $0x0, s20;
	[sflag:s22] =	ssyncset.done $0x0  }
0xa0: {  	[sflag:s22] =	ssyncadd.s32 s3;
	_ =	sdelay $0x1  }
0xa1: {  	s23 =	simm.s32 $0x1B8B  }
0xa2: {  	_ =	swait.ge [sflag:s23], $0x1  }
0xa3: {  	[sflag:s23] =	ssyncset.done $0x0  }
0xa4: {  	s25 =	simm.s32 $0x1B8E;
	s24 =	sld [smem:$0x3FFE];
	[sflag:s23] =	ssyncadd.s32 $0xFFFFFFFF  }
0xa5: {  	s26 =	simm.s32 $execute0_lowered;
	[smem:$0x3FD2] =	sst s25  }
0xa6: {  	s4 =	sshll.u32 s26, $0x1;
	_ =	strace $0x8000004F;
	[dreg:$0x1] =	wrdreg $0xFFFFFFFF  }
0xa7: {  	s28 =	simm.s32 $_size_execute0_lowered;
	s2 =	sadd.s32 s2, s4;
	[dreg:$0x0] =	wrdreg $0x0  }
0xa8: {  	s4 =	sshll.u32 s28, $0x1;
	[dreg:$0x2] =	wrdreg s2  }
0xa9: {  	[dreg:$0x3] =	wrdreg s4  }
0xaa: {  	[dreg:$0x4] =	wrdreg $0xC0  }
0xab: {  	_ =	task [dreg:s6], $0x5FFFF  }
0xac: {  	[dreg:$0x1] =	wrdreg $0xFFFFFFFF  }
0xad: {  	[dreg:$0x0] =	wrdreg $0x60  }
0xae: {  	[dreg:$0x2] =	wrdreg s24  }
0xaf: {  	[dreg:$0x3] =	wrdreg $0x24000  }
0xb0: {  	[dreg:$0x4] =	wrdreg $0x9  }
0xb1: {  	_ =	task.clear_ibuf [dreg:s6], $0x5FFFF;
	_ =	strace $0x9000004F  }
0xb2: {  	s29 =	simm.s32 $0x9;
	_ =	strace $0x80000051  }
0xb3: {  	_ =	swait.ge [sflag:s29], $0x1  }
0xb4: {  	[sflag:s29] =	ssyncadd.s32 $0xFFFFFFFF  }
0xb5: {  	_ =	strace $0x90000051  }
0xb6: {  	_ =	sfence  }
0xb7: {  	s30 =	sld [smem:$0x0];
	_ =	sdelay $0x2  }
0xb8: {  	s31 =	sshll.u32 s1, $0xD;
	s1 =	sshrl.u32 s1, $0x2  }
0xb9: {  	s3 =	sand.u32 $0x4000, s31;
	s1 =	sadd.s32 s1, s30  }
0xba: {  	s0 =	sor.u32 s3, s0;
	s1 =	sshll.u32 s1, $0x11  }
0xbb: {  	s0 =	sor.u32 s1, s0  }
0xbc: {  	s0 =	sadd.s32 $0x8F2B, s0  }
0xbd: {  	[sflag:s0] =	ssyncadd.remote.s32 $0x1  }
0xbe: {  	_ =	sfence.sel $0xFFFF  }
0xbf: {  	[dreg:$0x0] =	wrdreg $0xFFFFFFFF;
	(pc) =	sbr.abs _section_cstart, $3  }
0xc0: {  	[dreg:$0x1] =	wrdreg $0xFFFFFFFF  }
0xc1: {  	_ =	task.clear_ibuf [dreg:s6], $0x2FFFF;
	_ =	strace $0x9FFFFFFF  }
0xc2: {  	(tm) =	ssettm $0x7FFFFFFF  }
0xc3: {  	_ =	shalt  }
tec
execute0_lowered:
.L_overlay_start_1:
0x0: {  	(tag) =	ssettag $0x1  }
0x1: {  	s0 =	srdreg.scid  }
0x2: {  	s1 =	rddreg [dreg:$0x0];
	s13 =	stileid.u32  }
0x3: {  	s2 =	rddreg [dreg:$0x1];
	s3 =	simm.s32 $0x0;
	s28 =	simm.s32 $0x2000  }
0x4: {  	s29 =	simm.s32 $0x2;
	s30 =	simm.s32 $0x1;
	s5 =	smul.u32 $0xC400, s13  }
0x5: {  	s31 =	simm.s32 $0x0;
	s0 =	sand.u32 $0x1, s0;
	s6 =	smul.u32 $0xC380, s13  }
0x6: {  	[smem:$0x7FF] =	sst s3;
	s12 =	sadd.s32 $0x4400, s1;
	s4 =	smul.u32 $0xC4000, s0  }
0x7: {  	p0 =	seq.s32 s13, $0xF;
	_ =	strace $0x80000050;
	s10 =	smul.u32 $0xC3500, s0  }
0x8: {  	s9 =	ssub.s32 $0x2, s0;
	s0 =	smul.u32 $0x18800, s0;
	s7 =	sshrl.u32 s6, $0x3  }
0x9: {  	s11 =	sshrl.u32 s9, $0x1;
	s4 =	sadd.s32 s5, s4;
	s5 =	sadd.s32 $0x35400, s1  }
0xa: {  	s7 =	sadd.s32 s7, s1;
	s9 =	ssub.s32 s9, s11;
	s23 =	sadd.s32 s6, s10  }
0xb: {  	s6 =	sadd.s32 s6, s2;
	s11 =	sadd.s32 $0xB7480, s2;
	s26 =	sshrl.u32 s10, $0x3  }
0xc: {  	s8 =	sadd.s32 s4, s1;
	s7 =	sadd.s32 $0x515600, s7;
	s24 =	sshrl.u32 s23, $0x3  }
0xd: {  	s1 =	sadd.s32 $0x52C490, s1;
	s14 =	sor.u32 $0x300, s4;
	s16 =	sor.u32 $0x280, s4  }
0xe: {  	s18 =	sor.u32 $0x200, s4;
	s20 =	sor.u32 $0x180, s4;
	[dreg:$0xc] =	wrdreg s7  }
0xf: {  	s22 =	sor.u32 $0x100, s4;
	[dreg:$0xd] =	wrdreg s1;
	s25 =	sadd.s32 s12, s24  }
0x10: {  	s8 =	sadd.s32 $0x373800, s8;
	s7 =	sor.u32 $0x380, s4;
	s15 =	sshrl.u32 s14, $0x3  }
0x11: {  	s17 =	sshrl.u32 s16, $0x3;
	s19 =	sshrl.u32 s18, $0x3;
	s1 =	sadd.s32 s12, s26  }
0x12: {  	s21 =	sshrl.u32 s20, $0x3;
	s23 =	sshrl.u32 s22, $0x3;
	[dreg:$0xe] =	wrdreg s25  }
0x13: {  	s4 =	sor.u32 $0x80, s4;
	s24 =	smul.u32 $0x1880, s13;
	[dreg:$0x3] =	wrdreg s8  }
0x14: {  	s26 =	smax.u32 s9, $0x1;
	s12 =	sshrl.u32 @!p0 s6, $0x3;
	[dreg:$0x5] =	wrdreg s15  }
0x15: {  	s14 =	simm.s32 $0x80;
	s16 =	simm.s32 $0x100;
	[dreg:$0x6] =	wrdreg s17  }
0x16: {  	s18 =	simm.s32 $0x180;
	s20 =	simm.s32 $0x200;
	[dreg:$0x7] =	wrdreg s19  }
0x17: {  	s22 =	simm.s32 $0x280;
	s10 =	sshrl.u32 s7, $0x3;
	[dreg:$0x8] =	wrdreg s21  }
0x18: {  	s1 =	sadd.s32 $0x16E90, s1;
	[dreg:$0x9] =	wrdreg s23;
	s25 =	sshrl.u32 s4, $0x3  }
0x19: {  	[dreg:$0x10] =	wrdreg s26;
	s15 =	simm.s32 $0x800;
	s17 =	simm.s32 $0xC00  }
0x1a: {  	s19 =	simm.s32 $0x1000;
	s21 =	simm.s32 $0x1400;
	[dreg:$0x4] =	wrdreg s10  }
0x1b: {  	s23 =	simm.s32 $0x1800;
	s26 =	simm.s32 $0x380;
	[dreg:$0xf] =	wrdreg s1  }
0x1c: {  	[dreg:$0xa] =	wrdreg s25;
	s0 =	sadd.s32 s24, s0;
	s10 =	sshrl.u32 @p0 s11, $0x3  }
0x1d: {  	s24 =	simm.s32 $0x300;
	[dreg:$0xb] =	wrdreg s0;
	s0 =	sshll.u32 @!p0 s13, $0x6  }
0x1e: {  	s25 =	simm.s32 $0x1C00;
	s13 =	simm.s32 $0x400;
	s11 =	sor.u32 @!p0 $0x1C03, s0  }
.LBB2_1:
0x1f: {  	s0 =	simm.s32 @p0 $0x1FC3;
	s1 =	rddreg [dreg:$0xd]  }
0x20: {  	[spmem:s10], [sflag:s0] =	dma.local @p0 [hbm:s1], $0x1810  }
0x21: {  	s0 =	simm.s32 @p0 $0x3  }
0x22: {  	_ =	swait.ge @p0 [sflag:s0], $0x1810  }
0x23: {  	[sflag:s0] =	ssyncset.done @p0 $0x0  }
0x24: {  	[sflag:s0] =	ssyncadd.s32 @p0 $0xFFFFE7F0;
	s0 =	rddreg [dreg:$0xc]  }
0x25: {  	[spmem:s12], [sflag:s11] =	dma.local @!p0 [hbm:s0], $0x1870  }
0x26: {  	s0 =	simm.s32 @!p0 $0x3  }
0x27: {  	_ =	swait.ge @!p0 [sflag:s0], $0x1870  }
0x28: {  	[sflag:s0] =	ssyncset.done @!p0 $0x0  }
0x29: {  	[sflag:s0] =	ssyncadd.s32 @!p0 $0xFFFFE790  }
0x2a: {  	[bflag:$0x0] =	sbarrier.arrive $0xFFFF  }
0x2b: {  	s6 =	rddreg [dreg:$0xb]  }
0x2c: {  	s7 =	rddreg [dreg:$0x3];
	s0 =	sadd.s32 s5, s6  }
0x2d: {  	[tilespmem:s3], [sflag:$0x2] =	stream.linear.gather [hbm4b:s0+s3], $0x80, $0x38;
	[tilespmem:$0x85A8] =	vst v63  }
0x2e: {  	s4 =	rddreg [dreg:$0xa];
	s0 =	sadd.s32 $0x0, s7  }
0x2f: {  	[tilespmem:s13], [sflag:$0x2] =	stream.linear.gather [hbm4b:s0+s3], $0x400, $0x38;
	[tilespmem:$0x85A8] =	vst v63  }
0x30: {  	s8 =	sadd.s32 s5, s4  }
0x31: {  	[tilespmem:s14], [sflag:$0x2] =	stream.linear.gather [hbm4b:s8+s3], $0x80, $0x38;
	[tilespmem:$0x85A8] =	vst v63  }
0x32: {  	s9 =	rddreg [dreg:$0x9];
	s6 =	sadd.s32 $0x80, s0  }
0x33: {  	[tilespmem:s15], [sflag:$0x2] =	stream.linear.gather [hbm4b:s6+s3], $0x400, $0x38;
	[tilespmem:$0x85A8] =	vst v63  }
0x34: {  	s7 =	sadd.s32 s5, s9  }
0x35: {  	[tilespmem:s16], [sflag:$0x2] =	stream.linear.gather [hbm4b:s7+s3], $0x80, $0x38;
	[tilespmem:$0x85A8] =	vst v63  }
0x36: {  	s9 =	sadd.s32 $0x100, s0;
	s8 =	rddreg [dreg:$0x8]  }
0x37: {  	[tilespmem:s17], [sflag:$0x2] =	stream.linear.gather [hbm4b:s9+s3], $0x400, $0x38;
	[tilespmem:$0x85A8] =	vst v63  }
0x38: {  	s4 =	sadd.s32 s5, s8  }
0x39: {  	[tilespmem:s18], [sflag:$0x2] =	stream.linear.gather [hbm4b:s4+s3], $0x80, $0x38;
	[tilespmem:$0x85A8] =	vst v63  }
0x3a: {  	s6 =	rddreg [dreg:$0x7];
	s7 =	sadd.s32 $0x180, s0  }
0x3b: {  	[tilespmem:s19], [sflag:$0x2] =	stream.linear.gather [hbm4b:s7+s3], $0x400, $0x38;
	[tilespmem:$0x85A8] =	vst v63  }
0x3c: {  	s8 =	sadd.s32 s5, s6  }
0x3d: {  	[tilespmem:s20], [sflag:$0x2] =	stream.linear.gather [hbm4b:s8+s3], $0x80, $0x38;
	[tilespmem:$0x85A8] =	vst v63  }
0x3e: {  	s6 =	sadd.s32 $0x200, s0;
	s9 =	rddreg [dreg:$0x6]  }
0x3f: {  	[tilespmem:s21], [sflag:$0x2] =	stream.linear.gather [hbm4b:s6+s3], $0x400, $0x38;
	[tilespmem:$0x85A8] =	vst v63  }
0x40: {  	s7 =	sadd.s32 s5, s9  }
0x41: {  	[tilespmem:s22], [sflag:$0x2] =	stream.linear.gather [hbm4b:s7+s3], $0x80, $0x38;
	[tilespmem:$0x85A8] =	vst v63  }
0x42: {  	s9 =	sadd.s32 $0x280, s0;
	s8 =	rddreg [dreg:$0x5]  }
0x43: {  	[tilespmem:s23], [sflag:$0x2] =	stream.linear.gather [hbm4b:s9+s3], $0x400, $0x38;
	[tilespmem:$0x85A8] =	vst v63  }
0x44: {  	s6 =	sadd.s32 s5, s8  }
0x45: {  	[tilespmem:s24], [sflag:$0x2] =	stream.linear.gather [hbm4b:s6+s3], $0x80, $0x38;
	[tilespmem:$0x85A8] =	vst v63  }
0x46: {  	s8 =	sadd.s32 $0x300, s0;
	s7 =	rddreg [dreg:$0x4]  }
0x47: {  	[tilespmem:s25], [sflag:$0x2] =	stream.linear.gather [hbm4b:s8+s3], $0x400, $0x38;
	[tilespmem:$0x85A8] =	vst v63  }
0x48: {  	s9 =	sadd.s32 s5, s7  }
0x49: {  	[tilespmem:s26], [sflag:$0x2] =	stream.linear.gather [hbm4b:s9+s3], $0x80, $0x38;
	[tilespmem:$0x85A8] =	vst v63  }
0x4a: {  	s0 =	sadd.s32 $0x380, s0  }
0x4b: {  	[tilespmem:s28], [sflag:$0x2] =	stream.linear.gather [hbm4b:s0+s3], $0x400, $0x38;
	[tilespmem:$0x85A8] =	vst v63  }
0x4c: {  	_ =	swait.ge [sflag:s29], $0x80  }
0x4d: {  	[sflag:s29] =	ssyncset.done $0x0  }
0x4e: {  	[sflag:s29] =	ssyncadd.s32 $0xFFFFFF80  }
0x4f: {  	_ =	swait.ge [sflag:s29], $0x400  }
0x50: {  	[sflag:s29] =	ssyncset.done $0x0  }
0x51: {  	[sflag:s29] =	ssyncadd.s32 $0xFFFFFC00  }
0x52: {  	_ =	swait.ge [sflag:s29], $0x80  }
0x53: {  	[sflag:s29] =	ssyncset.done $0x0  }
0x54: {  	[sflag:s29] =	ssyncadd.s32 $0xFFFFFF80  }
0x55: {  	_ =	swait.ge [sflag:s29], $0x400  }
0x56: {  	[sflag:s29] =	ssyncset.done $0x0  }
0x57: {  	[sflag:s29] =	ssyncadd.s32 $0xFFFFFC00  }
0x58: {  	_ =	swait.ge [sflag:s29], $0x80  }
0x59: {  	[sflag:s29] =	ssyncset.done $0x0  }
0x5a: {  	[sflag:s29] =	ssyncadd.s32 $0xFFFFFF80  }
0x5b: {  	_ =	swait.ge [sflag:s29], $0x400  }
0x5c: {  	[sflag:s29] =	ssyncset.done $0x0  }
0x5d: {  	[sflag:s29] =	ssyncadd.s32 $0xFFFFFC00  }
0x5e: {  	_ =	swait.ge [sflag:s29], $0x80  }
0x5f: {  	[sflag:s29] =	ssyncset.done $0x0  }
0x60: {  	[sflag:s29] =	ssyncadd.s32 $0xFFFFFF80  }
0x61: {  	_ =	swait.ge [sflag:s29], $0x400  }
0x62: {  	[sflag:s29] =	ssyncset.done $0x0  }
0x63: {  	[sflag:s29] =	ssyncadd.s32 $0xFFFFFC00  }
0x64: {  	_ =	swait.ge [sflag:s29], $0x80  }
0x65: {  	[sflag:s29] =	ssyncset.done $0x0  }
0x66: {  	[sflag:s29] =	ssyncadd.s32 $0xFFFFFF80  }
0x67: {  	_ =	swait.ge [sflag:s29], $0x400  }
0x68: {  	[sflag:s29] =	ssyncset.done $0x0  }
0x69: {  	[sflag:s29] =	ssyncadd.s32 $0xFFFFFC00  }
0x6a: {  	_ =	swait.ge [sflag:s29], $0x80  }
0x6b: {  	[sflag:s29] =	ssyncset.done $0x0  }
0x6c: {  	[sflag:s29] =	ssyncadd.s32 $0xFFFFFF80  }
0x6d: {  	_ =	swait.ge [sflag:s29], $0x400  }
0x6e: {  	[sflag:s29] =	ssyncset.done $0x0  }
0x6f: {  	[sflag:s29] =	ssyncadd.s32 $0xFFFFFC00  }
0x70: {  	_ =	swait.ge [sflag:s29], $0x80  }
0x71: {  	[sflag:s29] =	ssyncset.done $0x0  }
0x72: {  	[sflag:s29] =	ssyncadd.s32 $0xFFFFFF80  }
0x73: {  	_ =	swait.ge [sflag:s29], $0x400  }
0x74: {  	[sflag:s29] =	ssyncset.done $0x0  }
0x75: {  	[sflag:s29] =	ssyncadd.s32 $0xFFFFFC00  }
0x76: {  	_ =	swait.ge [sflag:s29], $0x80  }
0x77: {  	[sflag:s29] =	ssyncset.done $0x0  }
0x78: {  	[sflag:s29] =	ssyncadd.s32 $0xFFFFFF80  }
0x79: {  	_ =	swait.ge [sflag:s29], $0x400  }
0x7a: {  	[sflag:s29] =	ssyncset.done $0x0  }
0x7b: {  	[sflag:s29] =	ssyncadd.s32 $0xFFFFFC00  }
0x7c: {  	[spmem:s2] =	stream.indirect.scatter.add.f32 [tilespmem:s13], [sflag:$0x1], $0x4, s3, s14, $0xb8;
	[tilespmem:$0x85A8] =	vst v63  }
0x7d: {  	_ = 	snop  }
0x7e: {  	[spmem:s2] =	stream.indirect.scatter.add.f32 [tilespmem:s15], [sflag:$0x1], $0x4, s14, s14, $0xb8;
	[tilespmem:$0x85A8] =	vst v63  }
0x7f: {  	_ = 	snop  }
0x80: {  	[spmem:s2] =	stream.indirect.scatter.add.f32 [tilespmem:s17], [sflag:$0x1], $0x4, s16, s14, $0xb8;
	[tilespmem:$0x85A8] =	vst v63  }
0x81: {  	_ = 	snop  }
0x82: {  	[spmem:s2] =	stream.indirect.scatter.add.f32 [tilespmem:s19], [sflag:$0x1], $0x4, s18, s14, $0xb8;
	[tilespmem:$0x85A8] =	vst v63  }
0x83: {  	_ = 	snop  }
0x84: {  	[spmem:s2] =	stream.indirect.scatter.add.f32 [tilespmem:s21], [sflag:$0x1], $0x4, s20, s14, $0xb8;
	[tilespmem:$0x85A8] =	vst v63  }
0x85: {  	_ = 	snop  }
0x86: {  	[spmem:s2] =	stream.indirect.scatter.add.f32 [tilespmem:s23], [sflag:$0x1], $0x4, s22, s14, $0xb8;
	[tilespmem:$0x85A8] =	vst v63  }
0x87: {  	_ = 	snop  }
0x88: {  	[spmem:s2] =	stream.indirect.scatter.add.f32 [tilespmem:s25], [sflag:$0x1], $0x4, s24, s14, $0xb8;
	[tilespmem:$0x85A8] =	vst v63  }
0x89: {  	_ = 	snop  }
0x8a: {  	[spmem:s2] =	stream.indirect.scatter.add.f32 [tilespmem:s28], [sflag:$0x1], $0x4, s26, s14, $0xb8;
	[tilespmem:$0x85A8] =	vst v63  }
0x8b: {  	_ =	swait.ge [sflag:s30], $0x200  }
0x8c: {  	[sflag:s30] =	ssyncset.done $0x0  }
0x8d: {  	[sflag:s30] =	ssyncadd.s32 $0xFFFFFE00  }
0x8e: {  	_ =	swait.ge [sflag:s30], $0x200  }
0x8f: {  	[sflag:s30] =	ssyncset.done $0x0  }
0x90: {  	[sflag:s30] =	ssyncadd.s32 $0xFFFFFE00  }
0x91: {  	_ =	swait.ge [sflag:s30], $0x200  }
0x92: {  	[sflag:s30] =	ssyncset.done $0x0  }
0x93: {  	[sflag:s30] =	ssyncadd.s32 $0xFFFFFE00  }
0x94: {  	_ =	swait.ge [sflag:s30], $0x200  }
0x95: {  	[sflag:s30] =	ssyncset.done $0x0  }
0x96: {  	[sflag:s30] =	ssyncadd.s32 $0xFFFFFE00  }
0x97: {  	_ =	swait.ge [sflag:s30], $0x200  }
0x98: {  	[sflag:s30] =	ssyncset.done $0x0  }
0x99: {  	[sflag:s30] =	ssyncadd.s32 $0xFFFFFE00  }
0x9a: {  	_ =	swait.ge [sflag:s30], $0x200  }
0x9b: {  	[sflag:s30] =	ssyncset.done $0x0  }
0x9c: {  	[sflag:s30] =	ssyncadd.s32 $0xFFFFFE00  }
0x9d: {  	_ =	swait.ge [sflag:s30], $0x200  }
0x9e: {  	[sflag:s30] =	ssyncset.done $0x0  }
0x9f: {  	[sflag:s30] =	ssyncadd.s32 $0xFFFFFE00  }
0xa0: {  	s1 =	simm.s32 $0x400;
	s4 =	smov.u32 s5;
	_ =	swait.ge [sflag:s30], $0x200  }
0xa1: {  	s0 =	simm.s32 $0x800;
	s6 =	rddreg [dreg:$0xb];
	[sflag:s30] =	ssyncset.done $0x0  }
.LBB2_2:
0xa2: {  	s4 =	sadd.s32 $0x80, s4  }
0xa3: {  	[sflag:s30] =	ssyncadd.s32 $0xFFFFFE00;
	s7 =	rddreg [dreg:$0x3];
	s6 =	sadd.s32 s4, s6  }
0xa4: {  	[tilespmem:s3], [sflag:$0x2] =	stream.linear.gather [hbm4b:s6+s3], $0x80, $0x38;
	[tilespmem:$0x85A8] =	vst v63  }
0xa5: {  	s9 =	rddreg [dreg:$0xa];
	s6 =	sadd.s32 s1, s7  }
0xa6: {  	[tilespmem:s13], [sflag:$0x2] =	stream.linear.gather [hbm4b:s6+s3], $0x400, $0x38;
	[tilespmem:$0x85A8] =	vst v63  }
0xa7: {  	s8 =	smov.u32 s0;
	s9 =	sadd.s32 s4, s9  }
0xa8: {  	[tilespmem:s14], [sflag:$0x2] =	stream.linear.gather [hbm4b:s9+s3], $0x80, $0x38;
	[tilespmem:$0x85A8] =	vst v63  }
0xa9: {  	s1 =	smov.u32 s8;
	s8 =	rddreg [dreg:$0x9];
	s9 =	sadd.s32 $0x80, s6  }
0xaa: {  	[tilespmem:s15], [sflag:$0x2] =	stream.linear.gather [hbm4b:s9+s3], $0x400, $0x38;
	[tilespmem:$0x85A8] =	vst v63  }
0xab: {  	s9 =	sadd.s32 s4, s8  }
0xac: {  	[tilespmem:s16], [sflag:$0x2] =	stream.linear.gather [hbm4b:s9+s3], $0x80, $0x38;
	[tilespmem:$0x85A8] =	vst v63  }
0xad: {  	s8 =	rddreg [dreg:$0x8];
	s9 =	sadd.s32 $0x100, s6  }
0xae: {  	[tilespmem:s17], [sflag:$0x2] =	stream.linear.gather [hbm4b:s9+s3], $0x400, $0x38;
	[tilespmem:$0x85A8] =	vst v63  }
0xaf: {  	s9 =	sadd.s32 s4, s8  }
0xb0: {  	[tilespmem:s18], [sflag:$0x2] =	stream.linear.gather [hbm4b:s9+s3], $0x80, $0x38;
	[tilespmem:$0x85A8] =	vst v63  }
0xb1: {  	s8 =	rddreg [dreg:$0x7];
	s9 =	sadd.s32 $0x180, s6  }
0xb2: {  	[tilespmem:s19], [sflag:$0x2] =	stream.linear.gather [hbm4b:s9+s3], $0x400, $0x38;
	[tilespmem:$0x85A8] =	vst v63  }
0xb3: {  	s9 =	sadd.s32 s4, s8  }
0xb4: {  	[tilespmem:s20], [sflag:$0x2] =	stream.linear.gather [hbm4b:s9+s3], $0x80, $0x38;
	[tilespmem:$0x85A8] =	vst v63  }
0xb5: {  	s8 =	rddreg [dreg:$0x6];
	s9 =	sadd.s32 $0x200, s6  }
0xb6: {  	[tilespmem:s21], [sflag:$0x2] =	stream.linear.gather [hbm4b:s9+s3], $0x400, $0x38;
	[tilespmem:$0x85A8] =	vst v63  }
0xb7: {  	s9 =	sadd.s32 s4, s8  }
0xb8: {  	[tilespmem:s22], [sflag:$0x2] =	stream.linear.gather [hbm4b:s9+s3], $0x80, $0x38;
	[tilespmem:$0x85A8] =	vst v63  }
0xb9: {  	s8 =	rddreg [dreg:$0x5];
	s9 =	sadd.s32 $0x280, s6  }
0xba: {  	[tilespmem:s23], [sflag:$0x2] =	stream.linear.gather [hbm4b:s9+s3], $0x400, $0x38;
	[tilespmem:$0x85A8] =	vst v63  }
0xbb: {  	s9 =	sadd.s32 s4, s8  }
0xbc: {  	[tilespmem:s24], [sflag:$0x2] =	stream.linear.gather [hbm4b:s9+s3], $0x80, $0x38;
	[tilespmem:$0x85A8] =	vst v63  }
0xbd: {  	s8 =	rddreg [dreg:$0x4];
	s9 =	sadd.s32 $0x300, s6  }
0xbe: {  	[tilespmem:s25], [sflag:$0x2] =	stream.linear.gather [hbm4b:s9+s3], $0x400, $0x38;
	[tilespmem:$0x85A8] =	vst v63  }
0xbf: {  	s9 =	sadd.s32 s4, s8  }
0xc0: {  	[tilespmem:s26], [sflag:$0x2] =	stream.linear.gather [hbm4b:s9+s3], $0x80, $0x38;
	[tilespmem:$0x85A8] =	vst v63  }
0xc1: {  	s6 =	sadd.s32 $0x380, s6  }
0xc2: {  	[tilespmem:s28], [sflag:$0x2] =	stream.linear.gather [hbm4b:s6+s3], $0x400, $0x38;
	[tilespmem:$0x85A8] =	vst v63  }
0xc3: {  	_ =	swait.ge [sflag:s29], $0x80  }
0xc4: {  	[sflag:s29] =	ssyncset.done $0x0  }
0xc5: {  	[sflag:s29] =	ssyncadd.s32 $0xFFFFFF80  }
0xc6: {  	_ =	swait.ge [sflag:s29], $0x400  }
0xc7: {  	[sflag:s29] =	ssyncset.done $0x0  }
0xc8: {  	[sflag:s29] =	ssyncadd.s32 $0xFFFFFC00  }
0xc9: {  	_ =	swait.ge [sflag:s29], $0x80  }
0xca: {  	[sflag:s29] =	ssyncset.done $0x0  }
0xcb: {  	[sflag:s29] =	ssyncadd.s32 $0xFFFFFF80  }
0xcc: {  	_ =	swait.ge [sflag:s29], $0x400  }
0xcd: {  	[sflag:s29] =	ssyncset.done $0x0  }
0xce: {  	[sflag:s29] =	ssyncadd.s32 $0xFFFFFC00  }
0xcf: {  	_ =	swait.ge [sflag:s29], $0x80  }
0xd0: {  	[sflag:s29] =	ssyncset.done $0x0  }
0xd1: {  	[sflag:s29] =	ssyncadd.s32 $0xFFFFFF80  }
0xd2: {  	_ =	swait.ge [sflag:s29], $0x400  }
0xd3: {  	[sflag:s29] =	ssyncset.done $0x0  }
0xd4: {  	[sflag:s29] =	ssyncadd.s32 $0xFFFFFC00  }
0xd5: {  	_ =	swait.ge [sflag:s29], $0x80  }
0xd6: {  	[sflag:s29] =	ssyncset.done $0x0  }
0xd7: {  	[sflag:s29] =	ssyncadd.s32 $0xFFFFFF80  }
0xd8: {  	_ =	swait.ge [sflag:s29], $0x400  }
0xd9: {  	[sflag:s29] =	ssyncset.done $0x0  }
0xda: {  	[sflag:s29] =	ssyncadd.s32 $0xFFFFFC00  }
0xdb: {  	_ =	swait.ge [sflag:s29], $0x80  }
0xdc: {  	[sflag:s29] =	ssyncset.done $0x0  }
0xdd: {  	[sflag:s29] =	ssyncadd.s32 $0xFFFFFF80  }
0xde: {  	_ =	swait.ge [sflag:s29], $0x400  }
0xdf: {  	[sflag:s29] =	ssyncset.done $0x0  }
0xe0: {  	[sflag:s29] =	ssyncadd.s32 $0xFFFFFC00  }
0xe1: {  	_ =	swait.ge [sflag:s29], $0x80  }
0xe2: {  	[sflag:s29] =	ssyncset.done $0x0  }
0xe3: {  	[sflag:s29] =	ssyncadd.s32 $0xFFFFFF80  }
0xe4: {  	_ =	swait.ge [sflag:s29], $0x400  }
0xe5: {  	[sflag:s29] =	ssyncset.done $0x0  }
0xe6: {  	[sflag:s29] =	ssyncadd.s32 $0xFFFFFC00  }
0xe7: {  	_ =	swait.ge [sflag:s29], $0x80  }
0xe8: {  	[sflag:s29] =	ssyncset.done $0x0  }
0xe9: {  	[sflag:s29] =	ssyncadd.s32 $0xFFFFFF80  }
0xea: {  	_ =	swait.ge [sflag:s29], $0x400  }
0xeb: {  	[sflag:s29] =	ssyncset.done $0x0  }
0xec: {  	[sflag:s29] =	ssyncadd.s32 $0xFFFFFC00  }
0xed: {  	_ =	swait.ge [sflag:s29], $0x80  }
0xee: {  	[sflag:s29] =	ssyncset.done $0x0  }
0xef: {  	[sflag:s29] =	ssyncadd.s32 $0xFFFFFF80  }
0xf0: {  	_ =	swait.ge [sflag:s29], $0x400  }
0xf1: {  	[sflag:s29] =	ssyncset.done $0x0  }
0xf2: {  	[sflag:s29] =	ssyncadd.s32 $0xFFFFFC00  }
0xf3: {  	[spmem:s2] =	stream.indirect.scatter.add.f32 [tilespmem:s13], [sflag:$0x1], $0x4, s3, s14, $0xb8;
	[tilespmem:$0x85A8] =	vst v63  }
0xf4: {  	_ = 	snop  }
0xf5: {  	[spmem:s2] =	stream.indirect.scatter.add.f32 [tilespmem:s15], [sflag:$0x1], $0x4, s14, s14, $0xb8;
	[tilespmem:$0x85A8] =	vst v63  }
0xf6: {  	_ = 	snop  }
0xf7: {  	[spmem:s2] =	stream.indirect.scatter.add.f32 [tilespmem:s17], [sflag:$0x1], $0x4, s16, s14, $0xb8;
	[tilespmem:$0x85A8] =	vst v63  }
0xf8: {  	_ = 	snop  }
0xf9: {  	[spmem:s2] =	stream.indirect.scatter.add.f32 [tilespmem:s19], [sflag:$0x1], $0x4, s18, s14, $0xb8;
	[tilespmem:$0x85A8] =	vst v63  }
0xfa: {  	_ = 	snop  }
0xfb: {  	[spmem:s2] =	stream.indirect.scatter.add.f32 [tilespmem:s21], [sflag:$0x1], $0x4, s20, s14, $0xb8;
	[tilespmem:$0x85A8] =	vst v63  }
0xfc: {  	_ = 	snop  }
0xfd: {  	[spmem:s2] =	stream.indirect.scatter.add.f32 [tilespmem:s23], [sflag:$0x1], $0x4, s22, s14, $0xb8;
	[tilespmem:$0x85A8] =	vst v63  }
0xfe: {  	_ = 	snop  }
0xff: {  	[spmem:s2] =	stream.indirect.scatter.add.f32 [tilespmem:s25], [sflag:$0x1], $0x4, s24, s14, $0xb8;
	[tilespmem:$0x85A8] =	vst v63  }
0x100: {  	_ = 	snop  }
0x101: {  	[spmem:s2] =	stream.indirect.scatter.add.f32 [tilespmem:s28], [sflag:$0x1], $0x4, s26, s14, $0xb8;
	[tilespmem:$0x85A8] =	vst v63  }
0x102: {  	_ =	swait.ge [sflag:s30], $0x200  }
0x103: {  	[sflag:s30] =	ssyncset.done $0x0  }
0x104: {  	[sflag:s30] =	ssyncadd.s32 $0xFFFFFE00  }
0x105: {  	_ =	swait.ge [sflag:s30], $0x200  }
0x106: {  	[sflag:s30] =	ssyncset.done $0x0  }
0x107: {  	[sflag:s30] =	ssyncadd.s32 $0xFFFFFE00  }
0x108: {  	_ =	swait.ge [sflag:s30], $0x200  }
0x109: {  	[sflag:s30] =	ssyncset.done $0x0  }
0x10a: {  	[sflag:s30] =	ssyncadd.s32 $0xFFFFFE00  }
0x10b: {  	_ =	swait.ge [sflag:s30], $0x200  }
0x10c: {  	[sflag:s30] =	ssyncset.done $0x0  }
0x10d: {  	[sflag:s30] =	ssyncadd.s32 $0xFFFFFE00  }
0x10e: {  	_ =	swait.ge [sflag:s30], $0x200  }
0x10f: {  	[sflag:s30] =	ssyncset.done $0x0  }
0x110: {  	[sflag:s30] =	ssyncadd.s32 $0xFFFFFE00  }
0x111: {  	_ =	swait.ge [sflag:s30], $0x200  }
0x112: {  	[sflag:s30] =	ssyncset.done $0x0  }
0x113: {  	p1 =	sne.s32 s0, $0xC000;
	[sflag:s30] =	ssyncadd.s32 $0xFFFFFE00  }
.Ltmp0:
0x114: {  	_ =	swait.ge [sflag:s30], $0x200;
	(pc) =	sbr.rel @p1 .LBB2_2-.Ltmp0, $4  }
0x115: {  	[sflag:s30] =	ssyncset.done $0x0  }
0x116: {  	[sflag:s30] =	ssyncadd.s32 $0xFFFFFE00  }
0x117: {  	_ =	swait.ge [sflag:s30], $0x200  }
0x118: {  	s0 =	sadd.s32 $0x400, s0;
	s6 =	rddreg [dreg:$0xb];
	[sflag:s30] =	ssyncset.done $0x0  }
0x119: {  	s0 =	sadd.s32 $0x80, s4  }
0x11a: {  	[sflag:s30] =	ssyncadd.s32 $0xFFFFFE00;
	s9 =	rddreg [dreg:$0x3];
	s6 =	sadd.s32 s0, s6  }
0x11b: {  	[tilespmem:s3], [sflag:$0x2] =	stream.linear.gather [hbm4b:s6+s3], $0x80, $0x38;
	[tilespmem:$0x85A8] =	vst v63  }
0x11c: {  	s7 =	rddreg [dreg:$0xa];
	s1 =	sadd.s32 s1, s9  }
0x11d: {  	[tilespmem:s13], [sflag:$0x2] =	stream.linear.gather [hbm4b:s1+s3], $0x400, $0x38;
	[tilespmem:$0x85A8] =	vst v63  }
0x11e: {  	s8 =	sadd.s32 s0, s7  }
0x11f: {  	[tilespmem:s14], [sflag:$0x2] =	stream.linear.gather [hbm4b:s8+s3], $0x80, $0x38;
	[tilespmem:$0x85A8] =	vst v63  }
0x120: {  	s9 =	rddreg [dreg:$0x9];
	s7 =	sadd.s32 $0x80, s1  }
0x121: {  	[tilespmem:s15], [sflag:$0x2] =	stream.linear.gather [hbm4b:s7+s3], $0x400, $0x38;
	[tilespmem:$0x85A8] =	vst v63  }
0x122: {  	s8 =	sadd.s32 s0, s9  }
0x123: {  	[tilespmem:s16], [sflag:$0x2] =	stream.linear.gather [hbm4b:s8+s3], $0x80, $0x38;
	[tilespmem:$0x85A8] =	vst v63  }
0x124: {  	s9 =	rddreg [dreg:$0x8];
	s7 =	sadd.s32 $0x100, s1  }
0x125: {  	[tilespmem:s17], [sflag:$0x2] =	stream.linear.gather [hbm4b:s7+s3], $0x400, $0x38;
	[tilespmem:$0x85A8] =	vst v63  }
0x126: {  	s8 =	sadd.s32 s0, s9  }
0x127: {  	[tilespmem:s18], [sflag:$0x2] =	stream.linear.gather [hbm4b:s8+s3], $0x80, $0x38;
	[tilespmem:$0x85A8] =	vst v63  }
0x128: {  	s9 =	rddreg [dreg:$0x7];
	s7 =	sadd.s32 $0x180, s1  }
0x129: {  	[tilespmem:s19], [sflag:$0x2] =	stream.linear.gather [hbm4b:s7+s3], $0x400, $0x38;
	[tilespmem:$0x85A8] =	vst v63  }
0x12a: {  	s8 =	sadd.s32 s0, s9  }
0x12b: {  	[tilespmem:s20], [sflag:$0x2] =	stream.linear.gather [hbm4b:s8+s3], $0x80, $0x38;
	[tilespmem:$0x85A8] =	vst v63  }
0x12c: {  	s9 =	rddreg [dreg:$0x6];
	s7 =	sadd.s32 $0x200, s1  }
0x12d: {  	[tilespmem:s21], [sflag:$0x2] =	stream.linear.gather [hbm4b:s7+s3], $0x400, $0x38;
	[tilespmem:$0x85A8] =	vst v63  }
0x12e: {  	s8 =	sadd.s32 s0, s9  }
0x12f: {  	[tilespmem:s22], [sflag:$0x2] =	stream.linear.gather [hbm4b:s8+s3], $0x80, $0x38;
	[tilespmem:$0x85A8] =	vst v63  }
0x130: {  	s9 =	rddreg [dreg:$0x5];
	s7 =	sadd.s32 $0x280, s1  }
0x131: {  	[tilespmem:s23], [sflag:$0x2] =	stream.linear.gather [hbm4b:s7+s3], $0x400, $0x38;
	[tilespmem:$0x85A8] =	vst v63  }
0x132: {  	s8 =	sadd.s32 s0, s9  }
0x133: {  	[tilespmem:s24], [sflag:$0x2] =	stream.linear.gather [hbm4b:s8+s3], $0x80, $0x38;
	[tilespmem:$0x85A8] =	vst v63  }
0x134: {  	s9 =	rddreg [dreg:$0x4];
	s7 =	sadd.s32 $0x300, s1  }
0x135: {  	[tilespmem:s25], [sflag:$0x2] =	stream.linear.gather [hbm4b:s7+s3], $0x400, $0x38;
	[tilespmem:$0x85A8] =	vst v63  }
0x136: {  	s0 =	sadd.s32 s0, s9  }
0x137: {  	[tilespmem:s26], [sflag:$0x2] =	stream.linear.gather [hbm4b:s0+s3], $0x80, $0x38;
	[tilespmem:$0x85A8] =	vst v63  }
0x138: {  	s8 =	sadd.s32 $0x380, s1  }
0x139: {  	[tilespmem:s28], [sflag:$0x2] =	stream.linear.gather [hbm4b:s8+s3], $0x400, $0x38;
	[tilespmem:$0x85A8] =	vst v63  }
0x13a: {  	_ =	swait.ge [sflag:s29], $0x80  }
0x13b: {  	[sflag:s29] =	ssyncset.done $0x0  }
0x13c: {  	[sflag:s29] =	ssyncadd.s32 $0xFFFFFF80  }
0x13d: {  	_ =	swait.ge [sflag:s29], $0x400  }
0x13e: {  	[sflag:s29] =	ssyncset.done $0x0  }
0x13f: {  	[sflag:s29] =	ssyncadd.s32 $0xFFFFFC00  }
0x140: {  	_ =	swait.ge [sflag:s29], $0x80  }
0x141: {  	[sflag:s29] =	ssyncset.done $0x0  }
0x142: {  	[sflag:s29] =	ssyncadd.s32 $0xFFFFFF80  }
0x143: {  	_ =	swait.ge [sflag:s29], $0x400  }
0x144: {  	[sflag:s29] =	ssyncset.done $0x0  }
0x145: {  	[sflag:s29] =	ssyncadd.s32 $0xFFFFFC00  }
0x146: {  	_ =	swait.ge [sflag:s29], $0x80  }
0x147: {  	[sflag:s29] =	ssyncset.done $0x0  }
0x148: {  	[sflag:s29] =	ssyncadd.s32 $0xFFFFFF80  }
0x149: {  	_ =	swait.ge [sflag:s29], $0x400  }
0x14a: {  	[sflag:s29] =	ssyncset.done $0x0  }
0x14b: {  	[sflag:s29] =	ssyncadd.s32 $0xFFFFFC00  }
0x14c: {  	_ =	swait.ge [sflag:s29], $0x80  }
0x14d: {  	[sflag:s29] =	ssyncset.done $0x0  }
0x14e: {  	[sflag:s29] =	ssyncadd.s32 $0xFFFFFF80  }
0x14f: {  	_ =	swait.ge [sflag:s29], $0x400  }
0x150: {  	[sflag:s29] =	ssyncset.done $0x0  }
0x151: {  	[sflag:s29] =	ssyncadd.s32 $0xFFFFFC00  }
0x152: {  	_ =	swait.ge [sflag:s29], $0x80  }
0x153: {  	[sflag:s29] =	ssyncset.done $0x0  }
0x154: {  	[sflag:s29] =	ssyncadd.s32 $0xFFFFFF80  }
0x155: {  	_ =	swait.ge [sflag:s29], $0x400  }
0x156: {  	[sflag:s29] =	ssyncset.done $0x0  }
0x157: {  	[sflag:s29] =	ssyncadd.s32 $0xFFFFFC00  }
0x158: {  	_ =	swait.ge [sflag:s29], $0x80  }
0x159: {  	[sflag:s29] =	ssyncset.done $0x0  }
0x15a: {  	[sflag:s29] =	ssyncadd.s32 $0xFFFFFF80  }
0x15b: {  	_ =	swait.ge [sflag:s29], $0x400  }
0x15c: {  	[sflag:s29] =	ssyncset.done $0x0  }
0x15d: {  	[sflag:s29] =	ssyncadd.s32 $0xFFFFFC00  }
0x15e: {  	_ =	swait.ge [sflag:s29], $0x80  }
0x15f: {  	[sflag:s29] =	ssyncset.done $0x0  }
0x160: {  	[sflag:s29] =	ssyncadd.s32 $0xFFFFFF80  }
0x161: {  	_ =	swait.ge [sflag:s29], $0x400  }
0x162: {  	[sflag:s29] =	ssyncset.done $0x0  }
0x163: {  	[sflag:s29] =	ssyncadd.s32 $0xFFFFFC00  }
0x164: {  	_ =	swait.ge [sflag:s29], $0x80  }
0x165: {  	[sflag:s29] =	ssyncset.done $0x0  }
0x166: {  	[sflag:s29] =	ssyncadd.s32 $0xFFFFFF80  }
0x167: {  	_ =	swait.ge [sflag:s29], $0x400  }
0x168: {  	[sflag:s29] =	ssyncset.done $0x0  }
0x169: {  	[sflag:s29] =	ssyncadd.s32 $0xFFFFFC00  }
0x16a: {  	[spmem:s2] =	stream.indirect.scatter.add.f32 [tilespmem:s13], [sflag:$0x1], $0x4, s3, s14, $0xb8;
	[tilespmem:$0x85A8] =	vst v63  }
0x16b: {  	_ = 	snop  }
0x16c: {  	[spmem:s2] =	stream.indirect.scatter.add.f32 [tilespmem:s15], [sflag:$0x1], $0x4, s14, s14, $0xb8;
	[tilespmem:$0x85A8] =	vst v63  }
0x16d: {  	_ = 	snop  }
0x16e: {  	[spmem:s2] =	stream.indirect.scatter.add.f32 [tilespmem:s17], [sflag:$0x1], $0x4, s16, s14, $0xb8;
	[tilespmem:$0x85A8] =	vst v63  }
0x16f: {  	_ = 	snop  }
0x170: {  	[spmem:s2] =	stream.indirect.scatter.add.f32 [tilespmem:s19], [sflag:$0x1], $0x4, s18, s14, $0xb8;
	[tilespmem:$0x85A8] =	vst v63  }
0x171: {  	_ = 	snop  }
0x172: {  	[spmem:s2] =	stream.indirect.scatter.add.f32 [tilespmem:s21], [sflag:$0x1], $0x4, s20, s14, $0xb8;
	[tilespmem:$0x85A8] =	vst v63  }
0x173: {  	_ = 	snop  }
0x174: {  	[spmem:s2] =	stream.indirect.scatter.add.f32 [tilespmem:s23], [sflag:$0x1], $0x4, s22, s14, $0xb8;
	[tilespmem:$0x85A8] =	vst v63  }
0x175: {  	_ = 	snop  }
0x176: {  	[spmem:s2] =	stream.indirect.scatter.add.f32 [tilespmem:s25], [sflag:$0x1], $0x4, s24, s14, $0xb8;
	[tilespmem:$0x85A8] =	vst v63  }
0x177: {  	_ = 	snop  }
0x178: {  	[spmem:s2] =	stream.indirect.scatter.add.f32 [tilespmem:s28], [sflag:$0x1], $0x4, s26, s14, $0xb8;
	[tilespmem:$0x85A8] =	vst v63  }
0x179: {  	_ =	swait.ge [sflag:s30], $0x200  }
0x17a: {  	[sflag:s30] =	ssyncset.done $0x0  }
0x17b: {  	[sflag:s30] =	ssyncadd.s32 $0xFFFFFE00  }
0x17c: {  	_ =	swait.ge [sflag:s30], $0x200  }
0x17d: {  	[sflag:s30] =	ssyncset.done $0x0  }
0x17e: {  	[sflag:s30] =	ssyncadd.s32 $0xFFFFFE00  }
0x17f: {  	_ =	swait.ge [sflag:s30], $0x200  }
0x180: {  	[sflag:s30] =	ssyncset.done $0x0  }
0x181: {  	[sflag:s30] =	ssyncadd.s32 $0xFFFFFE00  }
0x182: {  	_ =	swait.ge [sflag:s30], $0x200  }
0x183: {  	[sflag:s30] =	ssyncset.done $0x0  }
0x184: {  	[sflag:s30] =	ssyncadd.s32 $0xFFFFFE00  }
0x185: {  	_ =	swait.ge [sflag:s30], $0x200  }
0x186: {  	[sflag:s30] =	ssyncset.done $0x0  }
0x187: {  	[sflag:s30] =	ssyncadd.s32 $0xFFFFFE00  }
0x188: {  	_ =	swait.ge [sflag:s30], $0x200  }
0x189: {  	[sflag:s30] =	ssyncset.done $0x0  }
0x18a: {  	[sflag:s30] =	ssyncadd.s32 $0xFFFFFE00  }
0x18b: {  	_ =	swait.ge [sflag:s30], $0x200  }
0x18c: {  	[sflag:s30] =	ssyncset.done $0x0  }
0x18d: {  	[sflag:s30] =	ssyncadd.s32 $0xFFFFFE00  }
0x18e: {  	_ =	swait.ge [sflag:s30], $0x200  }
0x18f: {  	[sflag:s30] =	ssyncset.done $0x0  }
0x190: {  	[sflag:s30] =	ssyncadd.s32 $0xFFFFFE00  }
0x191: {  	[bflag:$0x0] =	sbarrier.arrive $0xFFFF  }
0x192: {  	s0 =	simm.s32 @p0 $0x1FC3;
	s1 =	rddreg [dreg:$0xf]  }
0x193: {  	[hbm:s1], [sflag:s0] =	dma.local @p0 [spmem:s10], $0x1810  }
0x194: {  	s0 =	simm.s32 @p0 $0x3  }
0x195: {  	_ =	swait.ge @p0 [sflag:s0], $0x1810  }
0x196: {  	[sflag:s0] =	ssyncset.done @p0 $0x0  }
0x197: {  	[sflag:s0] =	ssyncadd.s32 @p0 $0xFFFFE7F0;
	s0 =	rddreg [dreg:$0xe]  }
0x198: {  	[hbm:s0], [sflag:s11] =	dma.local @!p0 [spmem:s12], $0x1870  }
0x199: {  	s0 =	simm.s32 @!p0 $0x3  }
0x19a: {  	_ =	swait.ge @!p0 [sflag:s0], $0x1870  }
0x19b: {  	s31 =	sadd.s32 $0x1, s31;
	s9 =	rddreg [dreg:$0x10]  }
0x19c: {  	p1 =	sne.s32 s31, s9  }
.Ltmp1:
0x19d: {  	_ = 	snop;
	(pc) =	sbr.rel @p1 .LBB2_1-.Ltmp1, $3  }
0x19e: {  	_ =	sdelay $0x1  }
0x19f: {  	[sflag:s0] =	ssyncset.done @!p0 $0x0  }
0x1a0: {  	[sflag:s0] =	ssyncadd.s32 @!p0 $0xFFFFE790  }
0x1a1: {  	_ =	sfence.sel $0x180000  }
0x1a2: {  	[bflag:$0x0] =	sbarrier.arrive $0xFFFF  }
0x1a3: {  	_ =	strace $0x90000050  }
0x1a4: {  	s0 =	stileid.u32;
	[bflag:$0x2] =	sbarrier.arrive $0xFFFF  }
0x1a5: {  	p0 =	sne.s32 s0, $0x0;
	s0 =	rddreg [dreg:$0x2]  }
0x1a6: {  	s0 =	sadd.s32 @!p0 $0x100000, s0  }
0x1a7: {  	[sflag:s0] =	ssyncadd.tile.s32 @!p0 $0x1;
	_ =	shalt  }
.Lfunc_end2:
_tile_overlayer_lowered:
.L_overlay_start_2:
0x1a8: {  	(tag) =	ssettag $0x2  }
0x1a9: {  	s0 =	rddreg [dreg:$0x0];
	s2 =	stileid.u32  }
0x1aa: {  	s1 =	rddreg [dreg:$0x1];
	p0 =	sne.s32 s2, $0x0  }
0x1ab: {  	s3 =	rddreg [dreg:$0x2];
	[bflag:$0x3] =	sbarrier.arrive $0xFFFF;
	s2 =	simm.s32 @!p0 $0x1C03  }
0x1ac: {  	[timem:s3], [sflag:s2] =	dma.local @!p0 [hbm:s0], s1  }
0x1ad: {  	s0 =	simm.s32 @!p0 $0x3  }
0x1ae: {  	_ =	swait.ge @!p0 [sflag:s0], s1  }
0x1af: {  	s1 =	ssub.s32 @!p0 $0x0, s1;
	[sflag:s0] =	ssyncset.done @!p0 $0x0  }
0x1b0: {  	[sflag:s0] =	ssyncadd.s32 @!p0 s1  }
0x1b1: {  	[bflag:$0x3] =	sbarrier.arrive $0xFFFF  }
0x1b2: {  	_ =	shalt  }

</sc_bundles>
